<compile_context>
chip_gen: v7x
topology: tpu7x:2x2x1
jax: 0.10.2.dev20260603
libtpu: 0.0.44.dev20260713+nightly
codegen_flags: <defaults>
</compile_context>

<pallas_src>
import functools

import jax
import jax.numpy as jnp
from jax import lax
from jax.experimental import pallas as pl
from jax.experimental.pallas import tpu as pltpu
from jax.experimental.pallas import tpu_sc as plsc

NTOKEN = 1000000
NINP = 64
BATCH = 16384
SEQ = 50
B_TOTAL = BATCH * SEQ

_info = plsc.get_sparse_core_info()
NC = _info.num_cores
NS = _info.num_subcores
NW = NC * NS

_mesh = plsc.VectorSubcoreMesh(core_axis_name="c", subcore_axis_name="s")

NBLK_FULL = NTOKEN // 128
TAIL = NTOKEN - NBLK_FULL * 128
K1_ITERS = NBLK_FULL // NW
_IOTA = None


@functools.partial(
    pl.kernel,
    mesh=_mesh,
    out_type=jax.ShapeDtypeStruct((NTOKEN // 2, 128), jnp.float32),
    scratch_types=[
        pltpu.VMEM((64, 136), jnp.float32),
        pltpu.VMEM((64, 136), jnp.float32),
        pltpu.VMEM((64, 128), jnp.float32),
        pltpu.VMEM((64, 128), jnp.float32),
        pltpu.SemaphoreType.DMA,
        pltpu.SemaphoreType.DMA,
        pltpu.SemaphoreType.DMA,
        pltpu.SemaphoreType.DMA,
    ],
    compiler_params=pltpu.CompilerParams(
        use_tc_tiling_on_sc=True, needs_layout_passes=False),
)
def _detile(tabT_hbm, tail_hbm, r_hbm, in_a, in_b, out_a, out_b,
            si_a, si_b, so_a, so_b):
    w = lax.axis_index("s") * NC + lax.axis_index("c")
    iota = jnp.arange(16, dtype=jnp.int32)

    rows = [iota + 16 * j for j in range(4)]
    ins = (in_a, in_b)
    outs = (out_a, out_b)
    sis = (si_a, si_b)
    sos = (so_a, so_b)

    def in_desc(cb, p):
        return pltpu.make_async_copy(
            tabT_hbm.at[:, pl.ds(cb * 128, 128)],
            ins[p].at[:, pl.ds(0, 128)], sis[p])

    def out_desc(cb, p):
        return pltpu.make_async_copy(
            outs[p], r_hbm.at[pl.ds(cb * 64, 64), :], sos[p])

    def transpose(p):
        in_v, out_v = ins[p], outs[p]

        @plsc.parallel_loop(0, 64, unroll=8)
        def row_body(r):
            for h in range(2):
                col = jnp.full((16,), 2 * r + h, jnp.int32)
                for j in range(4):
                    g = plsc.load_gather(in_v, [rows[j], col])
                    out_v[r, pl.ds(64 * h + 16 * j, 16)] = g

    in_desc(w, 0).start()

    def blk_body(i, carry):
        for p in range(2):
            k = 2 * i + p
            cb = w + k * NW
            in_desc(cb, p).wait()
            @pl.when(k + 1 < K1_ITERS)
            def _():
                in_desc(cb + NW, 1 - p).start()

            @pl.when(k >= 2)
            def _():
                out_desc(cb - 2 * NW, p).wait()

            transpose(p)
            out_desc(cb, p).start()
        return carry

    lax.fori_loop(0, K1_ITERS // 2, blk_body, None)
    out_desc(w + (K1_ITERS - 2) * NW, 0).wait()
    out_desc(w + (K1_ITERS - 1) * NW, 1).wait()
    @pl.when(w < NBLK_FULL - K1_ITERS * NW)
    def _():
        cb = K1_ITERS * NW + w
        in_desc(cb, 0).start()
        in_desc(cb, 0).wait()
        transpose(0)
        out_desc(cb, 0).start()
        out_desc(cb, 0).wait()

    @pl.when(w == 4)
    def _():
        pltpu.sync_copy(tail_hbm, out_b.at[pl.ds(0, 32), :])
        pltpu.sync_copy(out_b.at[pl.ds(0, 32), :],
                        r_hbm.at[pl.ds(NBLK_FULL * 64, 32), :])


NBLOCKS2 = SEQ * (BATCH // 128)
K2_PER_W = NBLOCKS2 // NW


@functools.partial(
    pl.kernel,
    mesh=_mesh,
    out_type=jax.ShapeDtypeStruct((SEQ, 8, BATCH // 128, 8, 128), jnp.float32),
    scratch_types=[
        pltpu.VMEM((128,), jnp.int32),
        pltpu.VMEM((128,), jnp.int32),
        pltpu.VMEM((128, NINP), jnp.float32),
        pltpu.VMEM((128, NINP), jnp.float32),
        pltpu.VMEM((NINP, 129), jnp.float32),
        pltpu.VMEM((NINP, 129), jnp.float32),
        pltpu.SemaphoreType.DMA,
        pltpu.SemaphoreType.DMA,
        pltpu.SemaphoreType.DMA,
        pltpu.SemaphoreType.DMA,
        pltpu.SemaphoreType.DMA,
        pltpu.SemaphoreType.DMA,
    ],
    compiler_params=pltpu.CompilerParams(
        use_tc_tiling_on_sc=False, needs_layout_passes=False),
)
def _gather_retile(idx_hbm, r_hbm, out_hbm, idx_a, idx_b, rows_a, rows_b,
                   tile_a, tile_b, sx_a, sx_b, sg_a, sg_b, so_a, so_b):
    w = lax.axis_index("s") * NC + lax.axis_index("c")
    iota = jnp.arange(16, dtype=jnp.int32)

    rows = [iota + 16 * j for j in range(4)]
    idxs = (idx_a, idx_b)
    rowss = (rows_a, rows_b)
    tiles = (tile_a, tile_b)
    sxs = (sx_a, sx_b)
    sgs = (sg_a, sg_b)
    sos = (so_a, so_b)

    def sbh(t):
        blk = w * K2_PER_W + t
        return blk // (BATCH // 128), blk % (BATCH // 128)

    def idx_desc(t, p):
        s, bh = sbh(t)
        return pltpu.make_async_copy(
            idx_hbm.at[pl.ds(s * BATCH + bh * 128, 128)], idxs[p], sxs[p])

    def out_desc(t, p, dh):
        s, bh = sbh(t)
        return pltpu.make_async_copy(
            tiles[p].at[pl.ds(8 * dh, 8), pl.ds(0, 128)],
            out_hbm.at[s, dh, bh], sos[p])

    def transpose(p):
        rows_v, tile_v = rowss[p], tiles[p]

        @plsc.parallel_loop(0, 128, unroll=8)
        def bl_body(bl):
            col = jnp.full((16,), bl, jnp.int32)
            for j in range(4):
                x = rows_v[bl, pl.ds(16 * j, 16)]
                plsc.store_scatter(tile_v, [rows[j], col], x)

    idx_desc(0, 0).start()

    def blk_body(i, carry):
        for p in range(2):
            t = 2 * i + p
            idx_desc(t, p).wait()
            pltpu.async_copy(r_hbm.at[idxs[p]], rowss[p], sgs[p])
            @pl.when(t + 1 < K2_PER_W)
            def _():
                idx_desc(t + 1, 1 - p).start()

            pltpu.make_async_copy(r_hbm.at[idxs[p]], rowss[p], sgs[p]).wait()

            @pl.when(t >= 2)
            def _():
                for dh in range(8):
                    out_desc(t - 2, p, dh).wait()

            transpose(p)
            for dh in range(8):
                out_desc(t, p, dh).start()
        return carry

    lax.fori_loop(0, K2_PER_W // 2, blk_body, None)
    for p in range(2):
        for dh in range(8):
            out_desc(K2_PER_W - 2 + p, p, dh).wait()


def kernel(input, table):
    tabT = jnp.transpose(table)
    tail = table[NBLK_FULL * 128:, :].reshape(32, 128)
    r2d = _detile(tabT, tail)
    rowmajor = r2d.reshape(NTOKEN, NINP)
    idx_t = jnp.transpose(input).reshape(B_TOTAL).astype(jnp.int32)
    out5 = _gather_retile(idx_t, rowmajor)
    return jnp.transpose(out5, (2, 4, 0, 1, 3)).reshape(BATCH, SEQ, NINP)

# --- scband reference (transcript-rebuilt; emitter-appended) ---
"""Pipeline reference for scband-embedding-table-38379827757619 (READ-ONLY COPY).

The authoritative reference and input builder live on the scoring server;
editing this copy changes nothing except your own understanding.
"""

import jax, jax.numpy as jnp
import numpy as np

NTOKEN = 1000000
NINP = 64

def setup_inputs(seed: int = 0) -> dict:
    key = jax.random.key(seed)
    k_idx, k_tab = jax.random.split(key)
    input_ids = jax.random.randint(k_idx, (16384, 50), 0, NTOKEN, dtype=jnp.int64 if jax.config.jax_enable_x64 else jnp.int32)
    # nn.init.uniform_(weight, -0.1, 0.1)
    table = jax.random.uniform(k_tab, (NTOKEN, NINP), dtype=jnp.float32, minval=-0.1, maxval=0.1)
    return {"input": input_ids, "table": table}

def reference(input, table):
    # EmbeddingTable.forward: dropout(embedding(input))
    # Dropout is treated in eval mode (identity) for deterministic reference.
    emb = jnp.take(table, input, axis=0)
    return emb

if __name__ == "__main__":
    import jax
    _d = setup_inputs()
    print(jax.jit(kernel)(*tuple(_d.values())))

</pallas_src>

<mosaic_0001>
#map = affine_map<(d0, d1) -> (0, 0)>
module attributes {stable_mosaic.version = 14 : i64} {
  func.func @_detile(%arg0: i32, %arg1: i32, %arg2: memref<64x1000000xf32, #tpu.memory_space<hbm>>, %arg3: memref<32x128xf32, #tpu.memory_space<hbm>>, %arg4: memref<500000x128xf32, #tpu.memory_space<hbm>>, %arg5: memref<64x136xf32, #tpu.memory_space<vmem>>, %arg6: memref<64x136xf32, #tpu.memory_space<vmem>>, %arg7: memref<64x128xf32, #tpu.memory_space<vmem>>, %arg8: memref<64x128xf32, #tpu.memory_space<vmem>>, %arg9: memref<!tpu.dma_semaphore, #tpu.memory_space<semaphore_mem>>, %arg10: memref<!tpu.dma_semaphore, #tpu.memory_space<semaphore_mem>>, %arg11: memref<!tpu.dma_semaphore, #tpu.memory_space<semaphore_mem>>, %arg12: memref<!tpu.dma_semaphore, #tpu.memory_space<semaphore_mem>>) attributes {dimension_semantics = [#tpu.dimension_semantics<core_parallel>, #tpu.dimension_semantics<subcore_parallel>], iteration_bounds = array<i64: 2, 16>, scalar_prefetch = 0 : i64, scratch_operands = 8 : i64, tpu.core_type = #tpu.core_type<sc_vector_subcore>, window_params = [{transform_indices = #map}, {transform_indices = #map}, {transform_indices = #map}]} {
    %mul3A = arith.constant 2 : i32
    %mul3A_0 = arith.muli %arg1, %mul3A : i32
    %add3A = arith.addi %mul3A_0, %arg0 : i32
    %iota3A = tpu.iota {dimensions = array<i32: 0>} : vector<16xi32>
    %add3A_1 = arith.constant 0 : i32
    %add3A_2 = vector.broadcast %add3A_1 : i32 to vector<16xi32>
    %add3A_3 = arith.addi %iota3A, %add3A_2 : vector<16xi32>
    %add3A_4 = arith.constant 16 : i32
    %add3A_5 = vector.broadcast %add3A_4 : i32 to vector<16xi32>
    %add3A_6 = arith.addi %iota3A, %add3A_5 : vector<16xi32>
    %add3A_7 = arith.constant 32 : i32
    %add3A_8 = vector.broadcast %add3A_7 : i32 to vector<16xi32>
    %add3A_9 = arith.addi %iota3A, %add3A_8 : vector<16xi32>
    %add3A_10 = arith.constant 48 : i32
    %add3A_11 = vector.broadcast %add3A_10 : i32 to vector<16xi32>
    %add3A_12 = arith.addi %iota3A, %add3A_11 : vector<16xi32>
    %mul3A_13 = arith.constant 128 : i32
    %mul3A_14 = arith.muli %add3A, %mul3A_13 : i32
    %dma_start3A = arith.constant 0 : i32
    %dma_start3A_15 = arith.constant 0 : i32
    %dma_start3A_16 = tpu.memref_slice %arg5[%dma_start3A, %dma_start3A_15] : memref<64x136xf32, #tpu.memory_space<vmem>> -> memref<64x128xf32, #tpu.memory_space<vmem>>
    %dma_start3A_17 = arith.constant 0 : i32
    %dma_start3A_18 = tpu.memref_slice %arg2[%dma_start3A_17, %mul3A_14] : memref<64x1000000xf32, #tpu.memory_space<hbm>> -> memref<64x128xf32, #tpu.memory_space<hbm>>
    %dma_start3A_19 = arith.constant 0 : i32
    %dma_start3A_20 = arith.constant 0 : i32
    %dma_start3A_21 = tpu.memref_slice %arg5[%dma_start3A_19, %dma_start3A_20] : memref<64x136xf32, #tpu.memory_space<vmem>> -> memref<64x128xf32, #tpu.memory_space<vmem>>
    %dma_start3A_22 = arith.constant 0 : i32
    %dma_start3A_23 = tpu.memref_slice %arg2[%dma_start3A_22, %mul3A_14] : memref<64x1000000xf32, #tpu.memory_space<hbm>> -> memref<64x128xf32, #tpu.memory_space<hbm>>
    tpu.enqueue_dma source(%dma_start3A_23 : memref<64x128xf32, #tpu.memory_space<hbm>>) target(%dma_start3A_21 : memref<64x128xf32, #tpu.memory_space<vmem>>) target_semaphore(%arg9 : memref<!tpu.dma_semaphore, #tpu.memory_space<semaphore_mem>>)
    %scan3A = arith.constant 0 : i32
    %scan3A_24 = arith.constant 122 : i32
    %scan3A_25 = arith.addi %scan3A, %scan3A_24 : i32
    %scan3A_26 = arith.constant 1 : i32
    scf.for %scan3A_49 = %scan3A to %scan3A_25 step %scan3A_26  : i32 {
      %mul3A_50 = arith.constant 2 : i32
      %mul3A_51 = arith.muli %mul3A_50, %scan3A_49 : i32
      %add3A_52 = arith.constant 0 : i32
      %add3A_53 = arith.addi %mul3A_51, %add3A_52 : i32
      %mul3A_54 = arith.constant 32 : i32
      %mul3A_55 = arith.muli %add3A_53, %mul3A_54 : i32
      %add3A_56 = arith.addi %add3A, %mul3A_55 : i32
      %mul3A_57 = arith.constant 128 : i32
      %mul3A_58 = arith.muli %add3A_56, %mul3A_57 : i32
      %dma_wait3A_59 = arith.constant 0 : i32
      %dma_wait3A_60 = arith.constant 0 : i32
      %dma_wait3A_61 = tpu.memref_slice %arg5[%dma_wait3A_59, %dma_wait3A_60] : memref<64x136xf32, #tpu.memory_space<vmem>> -> memref<64x128xf32, #tpu.memory_space<vmem>>
      %dma_wait3A_62 = arith.constant 0 : i32
      %dma_wait3A_63 = tpu.memref_slice %arg2[%dma_wait3A_62, %mul3A_58] : memref<64x1000000xf32, #tpu.memory_space<hbm>> -> memref<64x128xf32, #tpu.memory_space<hbm>>
      %dma_wait3A_64 = arith.constant 0 : i32
      %dma_wait3A_65 = arith.constant 0 : i32
      %dma_wait3A_66 = tpu.memref_slice %arg5[%dma_wait3A_64, %dma_wait3A_65] : memref<64x136xf32, #tpu.memory_space<vmem>> -> memref<64x128xf32, #tpu.memory_space<vmem>>
      %dma_wait3A_67 = arith.constant 0 : i32
      %dma_wait3A_68 = tpu.memref_slice %arg2[%dma_wait3A_67, %mul3A_58] : memref<64x1000000xf32, #tpu.memory_space<hbm>> -> memref<64x128xf32, #tpu.memory_space<hbm>>
      tpu.wait_dma2 semaphore(%arg9 : memref<!tpu.dma_semaphore, #tpu.memory_space<semaphore_mem>>) src(%dma_wait3A_68 : memref<64x128xf32, #tpu.memory_space<hbm>>) dst(%dma_wait3A_66 : memref<64x128xf32, #tpu.memory_space<vmem>>)
      %add3A_69 = arith.constant 1 : i32
      %add3A_70 = arith.addi %add3A_53, %add3A_69 : i32
      %lt3A_71 = arith.constant 244 : i32
      %lt3A_72 = arith.cmpi slt, %add3A_70, %lt3A_71 : i32
      %convert_element_type3A_73 = arith.extui %lt3A_72 : i1 to i32
      %cond3A_74 = arith.constant 0 : i32
      %cond3A_75 = arith.cmpi ne, %convert_element_type3A_73, %cond3A_74 : i32
      scf.if %cond3A_75 {
        %add3A_128 = arith.constant 32 : i32
        %add3A_129 = arith.addi %add3A_56, %add3A_128 : i32
        %mul3A_130 = arith.constant 128 : i32
        %mul3A_131 = arith.muli %add3A_129, %mul3A_130 : i32
        %dma_start3A_132 = arith.constant 0 : i32
        %dma_start3A_133 = arith.constant 0 : i32
        %dma_start3A_134 = tpu.memref_slice %arg6[%dma_start3A_132, %dma_start3A_133] : memref<64x136xf32, #tpu.memory_space<vmem>> -> memref<64x128xf32, #tpu.memory_space<vmem>>
        %dma_start3A_135 = arith.constant 0 : i32
        %dma_start3A_136 = tpu.memref_slice %arg2[%dma_start3A_135, %mul3A_131] : memref<64x1000000xf32, #tpu.memory_space<hbm>> -> memref<64x128xf32, #tpu.memory_space<hbm>>
        %dma_start3A_137 = arith.constant 0 : i32
        %dma_start3A_138 = arith.constant 0 : i32
        %dma_start3A_139 = tpu.memref_slice %arg6[%dma_start3A_137, %dma_start3A_138] : memref<64x136xf32, #tpu.memory_space<vmem>> -> memref<64x128xf32, #tpu.memory_space<vmem>>
        %dma_start3A_140 = arith.constant 0 : i32
        %dma_start3A_141 = tpu.memref_slice %arg2[%dma_start3A_140, %mul3A_131] : memref<64x1000000xf32, #tpu.memory_space<hbm>> -> memref<64x128xf32, #tpu.memory_space<hbm>>
        tpu.enqueue_dma source(%dma_start3A_141 : memref<64x128xf32, #tpu.memory_space<hbm>>) target(%dma_start3A_139 : memref<64x128xf32, #tpu.memory_space<vmem>>) target_semaphore(%arg10 : memref<!tpu.dma_semaphore, #tpu.memory_space<semaphore_mem>>)
      } else {
      }
      %ge3A = arith.constant 2 : i32
      %ge3A_76 = arith.cmpi sge, %add3A_53, %ge3A : i32
      %convert_element_type3A_77 = arith.extui %ge3A_76 : i1 to i32
      %cond3A_78 = arith.constant 0 : i32
      %cond3A_79 = arith.cmpi ne, %convert_element_type3A_77, %cond3A_78 : i32
      scf.if %cond3A_79 {
        %sub3A = arith.constant 64 : i32
        %sub3A_128 = arith.subi %add3A_56, %sub3A : i32
        %mul3A_129 = arith.constant 64 : i32
        %mul3A_130 = arith.muli %sub3A_128, %mul3A_129 : i32
        %dma_wait3A_131 = arith.constant 0 : i32
        %dma_wait3A_132 = tpu.memref_slice %arg4[%mul3A_130, %dma_wait3A_131] : memref<500000x128xf32, #tpu.memory_space<hbm>> -> memref<64x128xf32, #tpu.memory_space<hbm>>
        %dma_wait3A_133 = arith.constant 0 : i32
        %dma_wait3A_134 = tpu.memref_slice %arg4[%mul3A_130, %dma_wait3A_133] : memref<500000x128xf32, #tpu.memory_space<hbm>> -> memref<64x128xf32, #tpu.memory_space<hbm>>
        tpu.wait_dma2 semaphore(%arg11 : memref<!tpu.dma_semaphore, #tpu.memory_space<semaphore_mem>>) src(%arg7 : memref<64x128xf32, #tpu.memory_space<vmem>>) dst(%dma_wait3A_134 : memref<64x128xf32, #tpu.memory_space<hbm>>)
      } else {
      }
      %parallel_loop3A = arith.constant 0 : i32
      %parallel_loop3A_80 = arith.constant 64 : i32
      %parallel_loop3A_81 = arith.constant 1 : i32
      scf.for %parallel_loop3A_128 = %parallel_loop3A to %parallel_loop3A_80 step %parallel_loop3A_81  : i32 {
        %parallel_loop3A_129 = arith.constant 2 : i32
        %parallel_loop3A_130 = arith.muli %parallel_loop3A_129, %parallel_loop3A_128 : i32
        %parallel_loop3A_131 = arith.constant 0 : i32
        %parallel_loop3A_132 = arith.addi %parallel_loop3A_130, %parallel_loop3A_131 : i32
        %parallel_loop3A_133 = vector.broadcast %parallel_loop3A_132 : i32 to vector<16xi32>
        %parallel_loop3A_134 = tpu.vector_load_idx %arg5[%add3A_3, %parallel_loop3A_133] : memref<64x136xf32, #tpu.memory_space<vmem>>[vector<16xi32>, vector<16xi32>], vector<16xf32>,
        %parallel_loop3A_135 = arith.index_cast %parallel_loop3A_128 : i32 to index
        %parallel_loop3A_136 = arith.constant 0 : index
        %parallel_loop3A_137 = tpu.vector_load %arg7[%parallel_loop3A_135, %parallel_loop3A_136] {strides = array<i32>} : memref<64x128xf32, #tpu.memory_space<vmem>>, vector<16xf32>,
        tpu.vector_store %arg7[%parallel_loop3A_135, %parallel_loop3A_136], %parallel_loop3A_134 {strides = array<i32>} : memref<64x128xf32, #tpu.memory_space<vmem>>, vector<16xf32>,
        %parallel_loop3A_138 = tpu.vector_load_idx %arg5[%add3A_6, %parallel_loop3A_133] : memref<64x136xf32, #tpu.memory_space<vmem>>[vector<16xi32>, vector<16xi32>], vector<16xf32>,
        %parallel_loop3A_139 = arith.index_cast %parallel_loop3A_128 : i32 to index
        %parallel_loop3A_140 = arith.constant 16 : index
        %parallel_loop3A_141 = tpu.vector_load %arg7[%parallel_loop3A_139, %parallel_loop3A_140] {strides = array<i32>} : memref<64x128xf32, #tpu.memory_space<vmem>>, vector<16xf32>,
        tpu.vector_store %arg7[%parallel_loop3A_139, %parallel_loop3A_140], %parallel_loop3A_138 {strides = array<i32>} : memref<64x128xf32, #tpu.memory_space<vmem>>, vector<16xf32>,
        %parallel_loop3A_142 = tpu.vector_load_idx %arg5[%add3A_9, %parallel_loop3A_133] : memref<64x136xf32, #tpu.memory_space<vmem>>[vector<16xi32>, vector<16xi32>], vector<16xf32>,
        %parallel_loop3A_143 = arith.index_cast %parallel_loop3A_128 : i32 to index
        %parallel_loop3A_144 = arith.constant 32 : index
        %parallel_loop3A_145 = tpu.vector_load %arg7[%parallel_loop3A_143, %parallel_loop3A_144] {strides = array<i32>} : memref<64x128xf32, #tpu.memory_space<vmem>>, vector<16xf32>,
        tpu.vector_store %arg7[%parallel_loop3A_143, %parallel_loop3A_144], %parallel_loop3A_142 {strides = array<i32>} : memref<64x128xf32, #tpu.memory_space<vmem>>, vector<16xf32>,
        %parallel_loop3A_146 = tpu.vector_load_idx %arg5[%add3A_12, %parallel_loop3A_133] : memref<64x136xf32, #tpu.memory_space<vmem>>[vector<16xi32>, vector<16xi32>], vector<16xf32>,
        %parallel_loop3A_147 = arith.index_cast %parallel_loop3A_128 : i32 to index
        %parallel_loop3A_148 = arith.constant 48 : index
        %parallel_loop3A_149 = tpu.vector_load %arg7[%parallel_loop3A_147, %parallel_loop3A_148] {strides = array<i32>} : memref<64x128xf32, #tpu.memory_space<vmem>>, vector<16xf32>,
        tpu.vector_store %arg7[%parallel_loop3A_147, %parallel_loop3A_148], %parallel_loop3A_146 {strides = array<i32>} : memref<64x128xf32, #tpu.memory_space<vmem>>, vector<16xf32>,
        %parallel_loop3A_150 = arith.constant 2 : i32
        %parallel_loop3A_151 = arith.muli %parallel_loop3A_150, %parallel_loop3A_128 : i32
        %parallel_loop3A_152 = arith.constant 1 : i32
        %parallel_loop3A_153 = arith.addi %parallel_loop3A_151, %parallel_loop3A_152 : i32
        %parallel_loop3A_154 = vector.broadcast %parallel_loop3A_153 : i32 to vector<16xi32>
        %parallel_loop3A_155 = tpu.vector_load_idx %arg5[%add3A_3, %parallel_loop3A_154] : memref<64x136xf32, #tpu.memory_space<vmem>>[vector<16xi32>, vector<16xi32>], vector<16xf32>,
        %parallel_loop3A_156 = arith.index_cast %parallel_loop3A_128 : i32 to index
        %parallel_loop3A_157 = arith.constant 64 : index
        %parallel_loop3A_158 = tpu.vector_load %arg7[%parallel_loop3A_156, %parallel_loop3A_157] {strides = array<i32>} : memref<64x128xf32, #tpu.memory_space<vmem>>, vector<16xf32>,
        tpu.vector_store %arg7[%parallel_loop3A_156, %parallel_loop3A_157], %parallel_loop3A_155 {strides = array<i32>} : memref<64x128xf32, #tpu.memory_space<vmem>>, vector<16xf32>,
        %parallel_loop3A_159 = tpu.vector_load_idx %arg5[%add3A_6, %parallel_loop3A_154] : memref<64x136xf32, #tpu.memory_space<vmem>>[vector<16xi32>, vector<16xi32>], vector<16xf32>,
        %parallel_loop3A_160 = arith.index_cast %parallel_loop3A_128 : i32 to index
        %parallel_loop3A_161 = arith.constant 80 : index
        %parallel_loop3A_162 = tpu.vector_load %arg7[%parallel_loop3A_160, %parallel_loop3A_161] {strides = array<i32>} : memref<64x128xf32, #tpu.memory_space<vmem>>, vector<16xf32>,
        tpu.vector_store %arg7[%parallel_loop3A_160, %parallel_loop3A_161], %parallel_loop3A_159 {strides = array<i32>} : memref<64x128xf32, #tpu.memory_space<vmem>>, vector<16xf32>,
        %parallel_loop3A_163 = tpu.vector_load_idx %arg5[%add3A_9, %parallel_loop3A_154] : memref<64x136xf32, #tpu.memory_space<vmem>>[vector<16xi32>, vector<16xi32>], vector<16xf32>,
        %parallel_loop3A_164 = arith.index_cast %parallel_loop3A_128 : i32 to index
        %parallel_loop3A_165 = arith.constant 96 : index
        %parallel_loop3A_166 = tpu.vector_load %arg7[%parallel_loop3A_164, %parallel_loop3A_165] {strides = array<i32>} : memref<64x128xf32, #tpu.memory_space<vmem>>, vector<16xf32>,
        tpu.vector_store %arg7[%parallel_loop3A_164, %parallel_loop3A_165], %parallel_loop3A_163 {strides = array<i32>} : memref<64x128xf32, #tpu.memory_space<vmem>>, vector<16xf32>,
        %parallel_loop3A_167 = tpu.vector_load_idx %arg5[%add3A_12, %parallel_loop3A_154] : memref<64x136xf32, #tpu.memory_space<vmem>>[vector<16xi32>, vector<16xi32>], vector<16xf32>,
        %parallel_loop3A_168 = arith.index_cast %parallel_loop3A_128 : i32 to index
        %parallel_loop3A_169 = arith.constant 112 : index
        %parallel_loop3A_170 = tpu.vector_load %arg7[%parallel_loop3A_168, %parallel_loop3A_169] {strides = array<i32>} : memref<64x128xf32, #tpu.memory_space<vmem>>, vector<16xf32>,
        tpu.vector_store %arg7[%parallel_loop3A_168, %parallel_loop3A_169], %parallel_loop3A_167 {strides = array<i32>} : memref<64x128xf32, #tpu.memory_space<vmem>>, vector<16xf32>,
      } {sc.loop_unroll_factor = 8 : i64, sc.parallel_access}
      %mul3A_82 = arith.constant 64 : i32
      %mul3A_83 = arith.muli %add3A_56, %mul3A_82 : i32
      %dma_start3A_84 = arith.constant 0 : i32
      %dma_start3A_85 = tpu.memref_slice %arg4[%mul3A_83, %dma_start3A_84] : memref<500000x128xf32, #tpu.memory_space<hbm>> -> memref<64x128xf32, #tpu.memory_space<hbm>>
      %dma_start3A_86 = arith.constant 0 : i32
      %dma_start3A_87 = tpu.memref_slice %arg4[%mul3A_83, %dma_start3A_86] : memref<500000x128xf32, #tpu.memory_space<hbm>> -> memref<64x128xf32, #tpu.memory_space<hbm>>
      tpu.enqueue_dma source(%arg7 : memref<64x128xf32, #tpu.memory_space<vmem>>) target(%dma_start3A_87 : memref<64x128xf32, #tpu.memory_space<hbm>>) target_semaphore(%arg11 : memref<!tpu.dma_semaphore, #tpu.memory_space<semaphore_mem>>)
      %mul3A_88 = arith.constant 2 : i32
      %mul3A_89 = arith.muli %mul3A_88, %scan3A_49 : i32
      %add3A_90 = arith.constant 1 : i32
      %add3A_91 = arith.addi %mul3A_89, %add3A_90 : i32
      %mul3A_92 = arith.constant 32 : i32
      %mul3A_93 = arith.muli %add3A_91, %mul3A_92 : i32
      %add3A_94 = arith.addi %add3A, %mul3A_93 : i32
      %mul3A_95 = arith.constant 128 : i32
      %mul3A_96 = arith.muli %add3A_94, %mul3A_95 : i32
      %dma_wait3A_97 = arith.constant 0 : i32
      %dma_wait3A_98 = arith.constant 0 : i32
      %dma_wait3A_99 = tpu.memref_slice %arg6[%dma_wait3A_97, %dma_wait3A_98] : memref<64x136xf32, #tpu.memory_space<vmem>> -> memref<64x128xf32, #tpu.memory_space<vmem>>
      %dma_wait3A_100 = arith.constant 0 : i32
      %dma_wait3A_101 = tpu.memref_slice %arg2[%dma_wait3A_100, %mul3A_96] : memref<64x1000000xf32, #tpu.memory_space<hbm>> -> memref<64x128xf32, #tpu.memory_space<hbm>>
      %dma_wait3A_102 = arith.constant 0 : i32
      %dma_wait3A_103 = arith.constant 0 : i32
      %dma_wait3A_104 = tpu.memref_slice %arg6[%dma_wait3A_102, %dma_wait3A_103] : memref<64x136xf32, #tpu.memory_space<vmem>> -> memref<64x128xf32, #tpu.memory_space<vmem>>
      %dma_wait3A_105 = arith.constant 0 : i32
      %dma_wait3A_106 = tpu.memref_slice %arg2[%dma_wait3A_105, %mul3A_96] : memref<64x1000000xf32, #tpu.memory_space<hbm>> -> memref<64x128xf32, #tpu.memory_space<hbm>>
      tpu.wait_dma2 semaphore(%arg10 : memref<!tpu.dma_semaphore, #tpu.memory_space<semaphore_mem>>) src(%dma_wait3A_106 : memref<64x128xf32, #tpu.memory_space<hbm>>) dst(%dma_wait3A_104 : memref<64x128xf32, #tpu.memory_space<vmem>>)
      %add3A_107 = arith.constant 1 : i32
      %add3A_108 = arith.addi %add3A_91, %add3A_107 : i32
      %lt3A_109 = arith.constant 244 : i32
      %lt3A_110 = arith.cmpi slt, %add3A_108, %lt3A_109 : i32
      %convert_element_type3A_111 = arith.extui %lt3A_110 : i1 to i32
      %cond3A_112 = arith.constant 0 : i32
      %cond3A_113 = arith.cmpi ne, %convert_element_type3A_111, %cond3A_112 : i32
      scf.if %cond3A_113 {
        %add3A_128 = arith.constant 32 : i32
        %add3A_129 = arith.addi %add3A_94, %add3A_128 : i32
        %mul3A_130 = arith.constant 128 : i32
        %mul3A_131 = arith.muli %add3A_129, %mul3A_130 : i32
        %dma_start3A_132 = arith.constant 0 : i32
        %dma_start3A_133 = arith.constant 0 : i32
        %dma_start3A_134 = tpu.memref_slice %arg5[%dma_start3A_132, %dma_start3A_133] : memref<64x136xf32, #tpu.memory_space<vmem>> -> memref<64x128xf32, #tpu.memory_space<vmem>>
        %dma_start3A_135 = arith.constant 0 : i32
        %dma_start3A_136 = tpu.memref_slice %arg2[%dma_start3A_135, %mul3A_131] : memref<64x1000000xf32, #tpu.memory_space<hbm>> -> memref<64x128xf32, #tpu.memory_space<hbm>>
        %dma_start3A_137 = arith.constant 0 : i32
        %dma_start3A_138 = arith.constant 0 : i32
        %dma_start3A_139 = tpu.memref_slice %arg5[%dma_start3A_137, %dma_start3A_138] : memref<64x136xf32, #tpu.memory_space<vmem>> -> memref<64x128xf32, #tpu.memory_space<vmem>>
        %dma_start3A_140 = arith.constant 0 : i32
        %dma_start3A_141 = tpu.memref_slice %arg2[%dma_start3A_140, %mul3A_131] : memref<64x1000000xf32, #tpu.memory_space<hbm>> -> memref<64x128xf32, #tpu.memory_space<hbm>>
        tpu.enqueue_dma source(%dma_start3A_141 : memref<64x128xf32, #tpu.memory_space<hbm>>) target(%dma_start3A_139 : memref<64x128xf32, #tpu.memory_space<vmem>>) target_semaphore(%arg9 : memref<!tpu.dma_semaphore, #tpu.memory_space<semaphore_mem>>)
      } else {
      }
      %ge3A_114 = arith.constant 2 : i32
      %ge3A_115 = arith.cmpi sge, %add3A_91, %ge3A_114 : i32
      %convert_element_type3A_116 = arith.extui %ge3A_115 : i1 to i32
      %cond3A_117 = arith.constant 0 : i32
      %cond3A_118 = arith.cmpi ne, %convert_element_type3A_116, %cond3A_117 : i32
      scf.if %cond3A_118 {
        %sub3A = arith.constant 64 : i32
        %sub3A_128 = arith.subi %add3A_94, %sub3A : i32
        %mul3A_129 = arith.constant 64 : i32
        %mul3A_130 = arith.muli %sub3A_128, %mul3A_129 : i32
        %dma_wait3A_131 = arith.constant 0 : i32
        %dma_wait3A_132 = tpu.memref_slice %arg4[%mul3A_130, %dma_wait3A_131] : memref<500000x128xf32, #tpu.memory_space<hbm>> -> memref<64x128xf32, #tpu.memory_space<hbm>>
        %dma_wait3A_133 = arith.constant 0 : i32
        %dma_wait3A_134 = tpu.memref_slice %arg4[%mul3A_130, %dma_wait3A_133] : memref<500000x128xf32, #tpu.memory_space<hbm>> -> memref<64x128xf32, #tpu.memory_space<hbm>>
        tpu.wait_dma2 semaphore(%arg12 : memref<!tpu.dma_semaphore, #tpu.memory_space<semaphore_mem>>) src(%arg8 : memref<64x128xf32, #tpu.memory_space<vmem>>) dst(%dma_wait3A_134 : memref<64x128xf32, #tpu.memory_space<hbm>>)
      } else {
      }
      %parallel_loop3A_119 = arith.constant 0 : i32
      %parallel_loop3A_120 = arith.constant 64 : i32
      %parallel_loop3A_121 = arith.constant 1 : i32
      scf.for %parallel_loop3A_128 = %parallel_loop3A_119 to %parallel_loop3A_120 step %parallel_loop3A_121  : i32 {
        %parallel_loop3A_129 = arith.constant 2 : i32
        %parallel_loop3A_130 = arith.muli %parallel_loop3A_129, %parallel_loop3A_128 : i32
        %parallel_loop3A_131 = arith.constant 0 : i32
        %parallel_loop3A_132 = arith.addi %parallel_loop3A_130, %parallel_loop3A_131 : i32
        %parallel_loop3A_133 = vector.broadcast %parallel_loop3A_132 : i32 to vector<16xi32>
        %parallel_loop3A_134 = tpu.vector_load_idx %arg6[%add3A_3, %parallel_loop3A_133] : memref<64x136xf32, #tpu.memory_space<vmem>>[vector<16xi32>, vector<16xi32>], vector<16xf32>,
        %parallel_loop3A_135 = arith.index_cast %parallel_loop3A_128 : i32 to index
        %parallel_loop3A_136 = arith.constant 0 : index
        %parallel_loop3A_137 = tpu.vector_load %arg8[%parallel_loop3A_135, %parallel_loop3A_136] {strides = array<i32>} : memref<64x128xf32, #tpu.memory_space<vmem>>, vector<16xf32>,
        tpu.vector_store %arg8[%parallel_loop3A_135, %parallel_loop3A_136], %parallel_loop3A_134 {strides = array<i32>} : memref<64x128xf32, #tpu.memory_space<vmem>>, vector<16xf32>,
        %parallel_loop3A_138 = tpu.vector_load_idx %arg6[%add3A_6, %parallel_loop3A_133] : memref<64x136xf32, #tpu.memory_space<vmem>>[vector<16xi32>, vector<16xi32>], vector<16xf32>,
        %parallel_loop3A_139 = arith.index_cast %parallel_loop3A_128 : i32 to index
        %parallel_loop3A_140 = arith.constant 16 : index
        %parallel_loop3A_141 = tpu.vector_load %arg8[%parallel_loop3A_139, %parallel_loop3A_140] {strides = array<i32>} : memref<64x128xf32, #tpu.memory_space<vmem>>, vector<16xf32>,
        tpu.vector_store %arg8[%parallel_loop3A_139, %parallel_loop3A_140], %parallel_loop3A_138 {strides = array<i32>} : memref<64x128xf32, #tpu.memory_space<vmem>>, vector<16xf32>,
        %parallel_loop3A_142 = tpu.vector_load_idx %arg6[%add3A_9, %parallel_loop3A_133] : memref<64x136xf32, #tpu.memory_space<vmem>>[vector<16xi32>, vector<16xi32>], vector<16xf32>,
        %parallel_loop3A_143 = arith.index_cast %parallel_loop3A_128 : i32 to index
        %parallel_loop3A_144 = arith.constant 32 : index
        %parallel_loop3A_145 = tpu.vector_load %arg8[%parallel_loop3A_143, %parallel_loop3A_144] {strides = array<i32>} : memref<64x128xf32, #tpu.memory_space<vmem>>, vector<16xf32>,
        tpu.vector_store %arg8[%parallel_loop3A_143, %parallel_loop3A_144], %parallel_loop3A_142 {strides = array<i32>} : memref<64x128xf32, #tpu.memory_space<vmem>>, vector<16xf32>,
        %parallel_loop3A_146 = tpu.vector_load_idx %arg6[%add3A_12, %parallel_loop3A_133] : memref<64x136xf32, #tpu.memory_space<vmem>>[vector<16xi32>, vector<16xi32>], vector<16xf32>,
        %parallel_loop3A_147 = arith.index_cast %parallel_loop3A_128 : i32 to index
        %parallel_loop3A_148 = arith.constant 48 : index
        %parallel_loop3A_149 = tpu.vector_load %arg8[%parallel_loop3A_147, %parallel_loop3A_148] {strides = array<i32>} : memref<64x128xf32, #tpu.memory_space<vmem>>, vector<16xf32>,
        tpu.vector_store %arg8[%parallel_loop3A_147, %parallel_loop3A_148], %parallel_loop3A_146 {strides = array<i32>} : memref<64x128xf32, #tpu.memory_space<vmem>>, vector<16xf32>,
        %parallel_loop3A_150 = arith.constant 2 : i32
        %parallel_loop3A_151 = arith.muli %parallel_loop3A_150, %parallel_loop3A_128 : i32
        %parallel_loop3A_152 = arith.constant 1 : i32
        %parallel_loop3A_153 = arith.addi %parallel_loop3A_151, %parallel_loop3A_152 : i32
        %parallel_loop3A_154 = vector.broadcast %parallel_loop3A_153 : i32 to vector<16xi32>
        %parallel_loop3A_155 = tpu.vector_load_idx %arg6[%add3A_3, %parallel_loop3A_154] : memref<64x136xf32, #tpu.memory_space<vmem>>[vector<16xi32>, vector<16xi32>], vector<16xf32>,
        %parallel_loop3A_156 = arith.index_cast %parallel_loop3A_128 : i32 to index
        %parallel_loop3A_157 = arith.constant 64 : index
        %parallel_loop3A_158 = tpu.vector_load %arg8[%parallel_loop3A_156, %parallel_loop3A_157] {strides = array<i32>} : memref<64x128xf32, #tpu.memory_space<vmem>>, vector<16xf32>,
        tpu.vector_store %arg8[%parallel_loop3A_156, %parallel_loop3A_157], %parallel_loop3A_155 {strides = array<i32>} : memref<64x128xf32, #tpu.memory_space<vmem>>, vector<16xf32>,
        %parallel_loop3A_159 = tpu.vector_load_idx %arg6[%add3A_6, %parallel_loop3A_154] : memref<64x136xf32, #tpu.memory_space<vmem>>[vector<16xi32>, vector<16xi32>], vector<16xf32>,
        %parallel_loop3A_160 = arith.index_cast %parallel_loop3A_128 : i32 to index
        %parallel_loop3A_161 = arith.constant 80 : index
        %parallel_loop3A_162 = tpu.vector_load %arg8[%parallel_loop3A_160, %parallel_loop3A_161] {strides = array<i32>} : memref<64x128xf32, #tpu.memory_space<vmem>>, vector<16xf32>,
        tpu.vector_store %arg8[%parallel_loop3A_160, %parallel_loop3A_161], %parallel_loop3A_159 {strides = array<i32>} : memref<64x128xf32, #tpu.memory_space<vmem>>, vector<16xf32>,
        %parallel_loop3A_163 = tpu.vector_load_idx %arg6[%add3A_9, %parallel_loop3A_154] : memref<64x136xf32, #tpu.memory_space<vmem>>[vector<16xi32>, vector<16xi32>], vector<16xf32>,
        %parallel_loop3A_164 = arith.index_cast %parallel_loop3A_128 : i32 to index
        %parallel_loop3A_165 = arith.constant 96 : index
        %parallel_loop3A_166 = tpu.vector_load %arg8[%parallel_loop3A_164, %parallel_loop3A_165] {strides = array<i32>} : memref<64x128xf32, #tpu.memory_space<vmem>>, vector<16xf32>,
        tpu.vector_store %arg8[%parallel_loop3A_164, %parallel_loop3A_165], %parallel_loop3A_163 {strides = array<i32>} : memref<64x128xf32, #tpu.memory_space<vmem>>, vector<16xf32>,
        %parallel_loop3A_167 = tpu.vector_load_idx %arg6[%add3A_12, %parallel_loop3A_154] : memref<64x136xf32, #tpu.memory_space<vmem>>[vector<16xi32>, vector<16xi32>], vector<16xf32>,
        %parallel_loop3A_168 = arith.index_cast %parallel_loop3A_128 : i32 to index
        %parallel_loop3A_169 = arith.constant 112 : index
        %parallel_loop3A_170 = tpu.vector_load %arg8[%parallel_loop3A_168, %parallel_loop3A_169] {strides = array<i32>} : memref<64x128xf32, #tpu.memory_space<vmem>>, vector<16xf32>,
        tpu.vector_store %arg8[%parallel_loop3A_168, %parallel_loop3A_169], %parallel_loop3A_167 {strides = array<i32>} : memref<64x128xf32, #tpu.memory_space<vmem>>, vector<16xf32>,
      } {sc.loop_unroll_factor = 8 : i64, sc.parallel_access}
      %mul3A_122 = arith.constant 64 : i32
      %mul3A_123 = arith.muli %add3A_94, %mul3A_122 : i32
      %dma_start3A_124 = arith.constant 0 : i32
      %dma_start3A_125 = tpu.memref_slice %arg4[%mul3A_123, %dma_start3A_124] : memref<500000x128xf32, #tpu.memory_space<hbm>> -> memref<64x128xf32, #tpu.memory_space<hbm>>
      %dma_start3A_126 = arith.constant 0 : i32
      %dma_start3A_127 = tpu.memref_slice %arg4[%mul3A_123, %dma_start3A_126] : memref<500000x128xf32, #tpu.memory_space<hbm>> -> memref<64x128xf32, #tpu.memory_space<hbm>>
      tpu.enqueue_dma source(%arg8 : memref<64x128xf32, #tpu.memory_space<vmem>>) target(%dma_start3A_127 : memref<64x128xf32, #tpu.memory_space<hbm>>) target_semaphore(%arg12 : memref<!tpu.dma_semaphore, #tpu.memory_space<semaphore_mem>>)
    }
    %scan3A_27 = arith.constant 122 : i32
    %add3A_28 = arith.constant 7744 : i32
    %add3A_29 = arith.addi %add3A, %add3A_28 : i32
    %mul3A_30 = arith.constant 64 : i32
    %mul3A_31 = arith.muli %add3A_29, %mul3A_30 : i32
    %dma_wait3A = arith.constant 0 : i32
    %dma_wait3A_32 = tpu.memref_slice %arg4[%mul3A_31, %dma_wait3A] : memref<500000x128xf32, #tpu.memory_space<hbm>> -> memref<64x128xf32, #tpu.memory_space<hbm>>
    %dma_wait3A_33 = arith.constant 0 : i32
    %dma_wait3A_34 = tpu.memref_slice %arg4[%mul3A_31, %dma_wait3A_33] : memref<500000x128xf32, #tpu.memory_space<hbm>> -> memref<64x128xf32, #tpu.memory_space<hbm>>
    tpu.wait_dma2 semaphore(%arg11 : memref<!tpu.dma_semaphore, #tpu.memory_space<semaphore_mem>>) src(%arg7 : memref<64x128xf32, #tpu.memory_space<vmem>>) dst(%dma_wait3A_34 : memref<64x128xf32, #tpu.memory_space<hbm>>)
    %add3A_35 = arith.constant 7776 : i32
    %add3A_36 = arith.addi %add3A, %add3A_35 : i32
    %mul3A_37 = arith.constant 64 : i32
    %mul3A_38 = arith.muli %add3A_36, %mul3A_37 : i32
    %dma_wait3A_39 = arith.constant 0 : i32
    %dma_wait3A_40 = tpu.memref_slice %arg4[%mul3A_38, %dma_wait3A_39] : memref<500000x128xf32, #tpu.memory_space<hbm>> -> memref<64x128xf32, #tpu.memory_space<hbm>>
    %dma_wait3A_41 = arith.constant 0 : i32
    %dma_wait3A_42 = tpu.memref_slice %arg4[%mul3A_38, %dma_wait3A_41] : memref<500000x128xf32, #tpu.memory_space<hbm>> -> memref<64x128xf32, #tpu.memory_space<hbm>>
    tpu.wait_dma2 semaphore(%arg12 : memref<!tpu.dma_semaphore, #tpu.memory_space<semaphore_mem>>) src(%arg8 : memref<64x128xf32, #tpu.memory_space<vmem>>) dst(%dma_wait3A_42 : memref<64x128xf32, #tpu.memory_space<hbm>>)
    %lt3A = arith.constant 4 : i32
    %lt3A_43 = arith.cmpi slt, %add3A, %lt3A : i32
    %convert_element_type3A = arith.extui %lt3A_43 : i1 to i32
    %cond3A = arith.constant 0 : i32
    %cond3A_44 = arith.cmpi ne, %convert_element_type3A, %cond3A : i32
    scf.if %cond3A_44 {
      %add3A_49 = arith.constant 7808 : i32
      %add3A_50 = arith.addi %add3A_49, %add3A : i32
      %mul3A_51 = arith.constant 128 : i32
      %mul3A_52 = arith.muli %add3A_50, %mul3A_51 : i32
      %dma_start3A_53 = arith.constant 0 : i32
      %dma_start3A_54 = arith.constant 0 : i32
      %dma_start3A_55 = tpu.memref_slice %arg5[%dma_start3A_53, %dma_start3A_54] : memref<64x136xf32, #tpu.memory_space<vmem>> -> memref<64x128xf32, #tpu.memory_space<vmem>>
      %dma_start3A_56 = arith.constant 0 : i32
      %dma_start3A_57 = tpu.memref_slice %arg2[%dma_start3A_56, %mul3A_52] : memref<64x1000000xf32, #tpu.memory_space<hbm>> -> memref<64x128xf32, #tpu.memory_space<hbm>>
      %dma_start3A_58 = arith.constant 0 : i32
      %dma_start3A_59 = arith.constant 0 : i32
      %dma_start3A_60 = tpu.memref_slice %arg5[%dma_start3A_58, %dma_start3A_59] : memref<64x136xf32, #tpu.memory_space<vmem>> -> memref<64x128xf32, #tpu.memory_space<vmem>>
      %dma_start3A_61 = arith.constant 0 : i32
      %dma_start3A_62 = tpu.memref_slice %arg2[%dma_start3A_61, %mul3A_52] : memref<64x1000000xf32, #tpu.memory_space<hbm>> -> memref<64x128xf32, #tpu.memory_space<hbm>>
      tpu.enqueue_dma source(%dma_start3A_62 : memref<64x128xf32, #tpu.memory_space<hbm>>) target(%dma_start3A_60 : memref<64x128xf32, #tpu.memory_space<vmem>>) target_semaphore(%arg9 : memref<!tpu.dma_semaphore, #tpu.memory_space<semaphore_mem>>)
      %mul3A_63 = arith.constant 128 : i32
      %mul3A_64 = arith.muli %add3A_50, %mul3A_63 : i32
      %dma_wait3A_65 = arith.constant 0 : i32
      %dma_wait3A_66 = arith.constant 0 : i32
      %dma_wait3A_67 = tpu.memref_slice %arg5[%dma_wait3A_65, %dma_wait3A_66] : memref<64x136xf32, #tpu.memory_space<vmem>> -> memref<64x128xf32, #tpu.memory_space<vmem>>
      %dma_wait3A_68 = arith.constant 0 : i32
      %dma_wait3A_69 = tpu.memref_slice %arg2[%dma_wait3A_68, %mul3A_64] : memref<64x1000000xf32, #tpu.memory_space<hbm>> -> memref<64x128xf32, #tpu.memory_space<hbm>>
      %dma_wait3A_70 = arith.constant 0 : i32
      %dma_wait3A_71 = arith.constant 0 : i32
      %dma_wait3A_72 = tpu.memref_slice %arg5[%dma_wait3A_70, %dma_wait3A_71] : memref<64x136xf32, #tpu.memory_space<vmem>> -> memref<64x128xf32, #tpu.memory_space<vmem>>
      %dma_wait3A_73 = arith.constant 0 : i32
      %dma_wait3A_74 = tpu.memref_slice %arg2[%dma_wait3A_73, %mul3A_64] : memref<64x1000000xf32, #tpu.memory_space<hbm>> -> memref<64x128xf32, #tpu.memory_space<hbm>>
      tpu.wait_dma2 semaphore(%arg9 : memref<!tpu.dma_semaphore, #tpu.memory_space<semaphore_mem>>) src(%dma_wait3A_74 : memref<64x128xf32, #tpu.memory_space<hbm>>) dst(%dma_wait3A_72 : memref<64x128xf32, #tpu.memory_space<vmem>>)
      %parallel_loop3A = arith.constant 0 : i32
      %parallel_loop3A_75 = arith.constant 64 : i32
      %parallel_loop3A_76 = arith.constant 1 : i32
      scf.for %parallel_loop3A_89 = %parallel_loop3A to %parallel_loop3A_75 step %parallel_loop3A_76  : i32 {
        %parallel_loop3A_90 = arith.constant 2 : i32
        %parallel_loop3A_91 = arith.muli %parallel_loop3A_90, %parallel_loop3A_89 : i32
        %parallel_loop3A_92 = arith.constant 0 : i32
        %parallel_loop3A_93 = arith.addi %parallel_loop3A_91, %parallel_loop3A_92 : i32
        %parallel_loop3A_94 = vector.broadcast %parallel_loop3A_93 : i32 to vector<16xi32>
        %parallel_loop3A_95 = tpu.vector_load_idx %arg5[%add3A_3, %parallel_loop3A_94] : memref<64x136xf32, #tpu.memory_space<vmem>>[vector<16xi32>, vector<16xi32>], vector<16xf32>,
        %parallel_loop3A_96 = arith.index_cast %parallel_loop3A_89 : i32 to index
        %parallel_loop3A_97 = arith.constant 0 : index
        %parallel_loop3A_98 = tpu.vector_load %arg7[%parallel_loop3A_96, %parallel_loop3A_97] {strides = array<i32>} : memref<64x128xf32, #tpu.memory_space<vmem>>, vector<16xf32>,
        tpu.vector_store %arg7[%parallel_loop3A_96, %parallel_loop3A_97], %parallel_loop3A_95 {strides = array<i32>} : memref<64x128xf32, #tpu.memory_space<vmem>>, vector<16xf32>,
        %parallel_loop3A_99 = tpu.vector_load_idx %arg5[%add3A_6, %parallel_loop3A_94] : memref<64x136xf32, #tpu.memory_space<vmem>>[vector<16xi32>, vector<16xi32>], vector<16xf32>,
        %parallel_loop3A_100 = arith.index_cast %parallel_loop3A_89 : i32 to index
        %parallel_loop3A_101 = arith.constant 16 : index
        %parallel_loop3A_102 = tpu.vector_load %arg7[%parallel_loop3A_100, %parallel_loop3A_101] {strides = array<i32>} : memref<64x128xf32, #tpu.memory_space<vmem>>, vector<16xf32>,
        tpu.vector_store %arg7[%parallel_loop3A_100, %parallel_loop3A_101], %parallel_loop3A_99 {strides = array<i32>} : memref<64x128xf32, #tpu.memory_space<vmem>>, vector<16xf32>,
        %parallel_loop3A_103 = tpu.vector_load_idx %arg5[%add3A_9, %parallel_loop3A_94] : memref<64x136xf32, #tpu.memory_space<vmem>>[vector<16xi32>, vector<16xi32>], vector<16xf32>,
        %parallel_loop3A_104 = arith.index_cast %parallel_loop3A_89 : i32 to index
        %parallel_loop3A_105 = arith.constant 32 : index
        %parallel_loop3A_106 = tpu.vector_load %arg7[%parallel_loop3A_104, %parallel_loop3A_105] {strides = array<i32>} : memref<64x128xf32, #tpu.memory_space<vmem>>, vector<16xf32>,
        tpu.vector_store %arg7[%parallel_loop3A_104, %parallel_loop3A_105], %parallel_loop3A_103 {strides = array<i32>} : memref<64x128xf32, #tpu.memory_space<vmem>>, vector<16xf32>,
        %parallel_loop3A_107 = tpu.vector_load_idx %arg5[%add3A_12, %parallel_loop3A_94] : memref<64x136xf32, #tpu.memory_space<vmem>>[vector<16xi32>, vector<16xi32>], vector<16xf32>,
        %parallel_loop3A_108 = arith.index_cast %parallel_loop3A_89 : i32 to index
        %parallel_loop3A_109 = arith.constant 48 : index
        %parallel_loop3A_110 = tpu.vector_load %arg7[%parallel_loop3A_108, %parallel_loop3A_109] {strides = array<i32>} : memref<64x128xf32, #tpu.memory_space<vmem>>, vector<16xf32>,
        tpu.vector_store %arg7[%parallel_loop3A_108, %parallel_loop3A_109], %parallel_loop3A_107 {strides = array<i32>} : memref<64x128xf32, #tpu.memory_space<vmem>>, vector<16xf32>,
        %parallel_loop3A_111 = arith.constant 2 : i32
        %parallel_loop3A_112 = arith.muli %parallel_loop3A_111, %parallel_loop3A_89 : i32
        %parallel_loop3A_113 = arith.constant 1 : i32
        %parallel_loop3A_114 = arith.addi %parallel_loop3A_112, %parallel_loop3A_113 : i32
        %parallel_loop3A_115 = vector.broadcast %parallel_loop3A_114 : i32 to vector<16xi32>
        %parallel_loop3A_116 = tpu.vector_load_idx %arg5[%add3A_3, %parallel_loop3A_115] : memref<64x136xf32, #tpu.memory_space<vmem>>[vector<16xi32>, vector<16xi32>], vector<16xf32>,
        %parallel_loop3A_117 = arith.index_cast %parallel_loop3A_89 : i32 to index
        %parallel_loop3A_118 = arith.constant 64 : index
        %parallel_loop3A_119 = tpu.vector_load %arg7[%parallel_loop3A_117, %parallel_loop3A_118] {strides = array<i32>} : memref<64x128xf32, #tpu.memory_space<vmem>>, vector<16xf32>,
        tpu.vector_store %arg7[%parallel_loop3A_117, %parallel_loop3A_118], %parallel_loop3A_116 {strides = array<i32>} : memref<64x128xf32, #tpu.memory_space<vmem>>, vector<16xf32>,
        %parallel_loop3A_120 = tpu.vector_load_idx %arg5[%add3A_6, %parallel_loop3A_115] : memref<64x136xf32, #tpu.memory_space<vmem>>[vector<16xi32>, vector<16xi32>], vector<16xf32>,
        %parallel_loop3A_121 = arith.index_cast %parallel_loop3A_89 : i32 to index
        %parallel_loop3A_122 = arith.constant 80 : index
        %parallel_loop3A_123 = tpu.vector_load %arg7[%parallel_loop3A_121, %parallel_loop3A_122] {strides = array<i32>} : memref<64x128xf32, #tpu.memory_space<vmem>>, vector<16xf32>,
        tpu.vector_store %arg7[%parallel_loop3A_121, %parallel_loop3A_122], %parallel_loop3A_120 {strides = array<i32>} : memref<64x128xf32, #tpu.memory_space<vmem>>, vector<16xf32>,
        %parallel_loop3A_124 = tpu.vector_load_idx %arg5[%add3A_9, %parallel_loop3A_115] : memref<64x136xf32, #tpu.memory_space<vmem>>[vector<16xi32>, vector<16xi32>], vector<16xf32>,
        %parallel_loop3A_125 = arith.index_cast %parallel_loop3A_89 : i32 to index
        %parallel_loop3A_126 = arith.constant 96 : index
        %parallel_loop3A_127 = tpu.vector_load %arg7[%parallel_loop3A_125, %parallel_loop3A_126] {strides = array<i32>} : memref<64x128xf32, #tpu.memory_space<vmem>>, vector<16xf32>,
        tpu.vector_store %arg7[%parallel_loop3A_125, %parallel_loop3A_126], %parallel_loop3A_124 {strides = array<i32>} : memref<64x128xf32, #tpu.memory_space<vmem>>, vector<16xf32>,
        %parallel_loop3A_128 = tpu.vector_load_idx %arg5[%add3A_12, %parallel_loop3A_115] : memref<64x136xf32, #tpu.memory_space<vmem>>[vector<16xi32>, vector<16xi32>], vector<16xf32>,
        %parallel_loop3A_129 = arith.index_cast %parallel_loop3A_89 : i32 to index
        %parallel_loop3A_130 = arith.constant 112 : index
        %parallel_loop3A_131 = tpu.vector_load %arg7[%parallel_loop3A_129, %parallel_loop3A_130] {strides = array<i32>} : memref<64x128xf32, #tpu.memory_space<vmem>>, vector<16xf32>,
        tpu.vector_store %arg7[%parallel_loop3A_129, %parallel_loop3A_130], %parallel_loop3A_128 {strides = array<i32>} : memref<64x128xf32, #tpu.memory_space<vmem>>, vector<16xf32>,
      } {sc.loop_unroll_factor = 8 : i64, sc.parallel_access}
      %mul3A_77 = arith.constant 64 : i32
      %mul3A_78 = arith.muli %add3A_50, %mul3A_77 : i32
      %dma_start3A_79 = arith.constant 0 : i32
      %dma_start3A_80 = tpu.memref_slice %arg4[%mul3A_78, %dma_start3A_79] : memref<500000x128xf32, #tpu.memory_space<hbm>> -> memref<64x128xf32, #tpu.memory_space<hbm>>
      %dma_start3A_81 = arith.constant 0 : i32
      %dma_start3A_82 = tpu.memref_slice %arg4[%mul3A_78, %dma_start3A_81] : memref<500000x128xf32, #tpu.memory_space<hbm>> -> memref<64x128xf32, #tpu.memory_space<hbm>>
      tpu.enqueue_dma source(%arg7 : memref<64x128xf32, #tpu.memory_space<vmem>>) target(%dma_start3A_82 : memref<64x128xf32, #tpu.memory_space<hbm>>) target_semaphore(%arg11 : memref<!tpu.dma_semaphore, #tpu.memory_space<semaphore_mem>>)
      %mul3A_83 = arith.constant 64 : i32
      %mul3A_84 = arith.muli %add3A_50, %mul3A_83 : i32
      %dma_wait3A_85 = arith.constant 0 : i32
      %dma_wait3A_86 = tpu.memref_slice %arg4[%mul3A_84, %dma_wait3A_85] : memref<500000x128xf32, #tpu.memory_space<hbm>> -> memref<64x128xf32, #tpu.memory_space<hbm>>
      %dma_wait3A_87 = arith.constant 0 : i32
      %dma_wait3A_88 = tpu.memref_slice %arg4[%mul3A_84, %dma_wait3A_87] : memref<500000x128xf32, #tpu.memory_space<hbm>> -> memref<64x128xf32, #tpu.memory_space<hbm>>
      tpu.wait_dma2 semaphore(%arg11 : memref<!tpu.dma_semaphore, #tpu.memory_space<semaphore_mem>>) src(%arg7 : memref<64x128xf32, #tpu.memory_space<vmem>>) dst(%dma_wait3A_88 : memref<64x128xf32, #tpu.memory_space<hbm>>)
    } else {
    }
    %eq3A = arith.constant 4 : i32
    %eq3A_45 = arith.cmpi eq, %add3A, %eq3A : i32
    %convert_element_type3A_46 = arith.extui %eq3A_45 : i1 to i32
    %cond3A_47 = arith.constant 0 : i32
    %cond3A_48 = arith.cmpi ne, %convert_element_type3A_46, %cond3A_47 : i32
    scf.if %cond3A_48 {
      "tpu.region"() ({
        %run_scoped3A = tpu.sem_alloc : memref<!tpu.dma_semaphore, #tpu.memory_space<semaphore_mem>>
        %dma_start3A_49 = arith.constant 0 : i32
        %dma_start3A_50 = arith.constant 0 : i32
        %dma_start3A_51 = tpu.memref_slice %arg8[%dma_start3A_49, %dma_start3A_50] : memref<64x128xf32, #tpu.memory_space<vmem>> -> memref<32x128xf32, #tpu.memory_space<vmem>>
        %dma_start3A_52 = arith.constant 0 : i32
        %dma_start3A_53 = arith.constant 0 : i32
        %dma_start3A_54 = tpu.memref_slice %arg8[%dma_start3A_52, %dma_start3A_53] : memref<64x128xf32, #tpu.memory_space<vmem>> -> memref<32x128xf32, #tpu.memory_space<vmem>>
        tpu.enqueue_dma source(%arg3 : memref<32x128xf32, #tpu.memory_space<hbm>>) target(%dma_start3A_54 : memref<32x128xf32, #tpu.memory_space<vmem>>) target_semaphore(%run_scoped3A : memref<!tpu.dma_semaphore, #tpu.memory_space<semaphore_mem>>)
        %dma_wait3A_55 = arith.constant 0 : i32
        %dma_wait3A_56 = arith.constant 0 : i32
        %dma_wait3A_57 = tpu.memref_slice %arg8[%dma_wait3A_55, %dma_wait3A_56] : memref<64x128xf32, #tpu.memory_space<vmem>> -> memref<32x128xf32, #tpu.memory_space<vmem>>
        %dma_wait3A_58 = arith.constant 0 : i32
        %dma_wait3A_59 = arith.constant 0 : i32
        %dma_wait3A_60 = tpu.memref_slice %arg8[%dma_wait3A_58, %dma_wait3A_59] : memref<64x128xf32, #tpu.memory_space<vmem>> -> memref<32x128xf32, #tpu.memory_space<vmem>>
        tpu.wait_dma2 semaphore(%run_scoped3A : memref<!tpu.dma_semaphore, #tpu.memory_space<semaphore_mem>>) src(%arg3 : memref<32x128xf32, #tpu.memory_space<hbm>>) dst(%dma_wait3A_60 : memref<32x128xf32, #tpu.memory_space<vmem>>)
        tpu.yield
      }) : () -> ()
      "tpu.region"() ({
        %run_scoped3A = tpu.sem_alloc : memref<!tpu.dma_semaphore, #tpu.memory_space<semaphore_mem>>
        %dma_start3A_49 = arith.constant 0 : i32
        %dma_start3A_50 = arith.constant 0 : i32
        %dma_start3A_51 = tpu.memref_slice %arg8[%dma_start3A_49, %dma_start3A_50] : memref<64x128xf32, #tpu.memory_space<vmem>> -> memref<32x128xf32, #tpu.memory_space<vmem>>
        %dma_start3A_52 = arith.constant 499968 : i32
        %dma_start3A_53 = arith.constant 0 : i32
        %dma_start3A_54 = tpu.memref_slice %arg4[%dma_start3A_52, %dma_start3A_53] : memref<500000x128xf32, #tpu.memory_space<hbm>> -> memref<32x128xf32, #tpu.memory_space<hbm>>
        %dma_start3A_55 = arith.constant 499968 : i32
        %dma_start3A_56 = arith.constant 0 : i32
        %dma_start3A_57 = tpu.memref_slice %arg4[%dma_start3A_55, %dma_start3A_56] : memref<500000x128xf32, #tpu.memory_space<hbm>> -> memref<32x128xf32, #tpu.memory_space<hbm>>
        %dma_start3A_58 = arith.constant 0 : i32
        %dma_start3A_59 = arith.constant 0 : i32
        %dma_start3A_60 = tpu.memref_slice %arg8[%dma_start3A_58, %dma_start3A_59] : memref<64x128xf32, #tpu.memory_space<vmem>> -> memref<32x128xf32, #tpu.memory_space<vmem>>
        tpu.enqueue_dma source(%dma_start3A_60 : memref<32x128xf32, #tpu.memory_space<vmem>>) target(%dma_start3A_57 : memref<32x128xf32, #tpu.memory_space<hbm>>) target_semaphore(%run_scoped3A : memref<!tpu.dma_semaphore, #tpu.memory_space<semaphore_mem>>)
        %dma_wait3A_61 = arith.constant 0 : i32
        %dma_wait3A_62 = arith.constant 0 : i32
        %dma_wait3A_63 = tpu.memref_slice %arg8[%dma_wait3A_61, %dma_wait3A_62] : memref<64x128xf32, #tpu.memory_space<vmem>> -> memref<32x128xf32, #tpu.memory_space<vmem>>
        %dma_wait3A_64 = arith.constant 499968 : i32
        %dma_wait3A_65 = arith.constant 0 : i32
        %dma_wait3A_66 = tpu.memref_slice %arg4[%dma_wait3A_64, %dma_wait3A_65] : memref<500000x128xf32, #tpu.memory_space<hbm>> -> memref<32x128xf32, #tpu.memory_space<hbm>>
        %dma_wait3A_67 = arith.constant 499968 : i32
        %dma_wait3A_68 = arith.constant 0 : i32
        %dma_wait3A_69 = tpu.memref_slice %arg4[%dma_wait3A_67, %dma_wait3A_68] : memref<500000x128xf32, #tpu.memory_space<hbm>> -> memref<32x128xf32, #tpu.memory_space<hbm>>
        %dma_wait3A_70 = arith.constant 0 : i32
        %dma_wait3A_71 = arith.constant 0 : i32
        %dma_wait3A_72 = tpu.memref_slice %arg8[%dma_wait3A_70, %dma_wait3A_71] : memref<64x128xf32, #tpu.memory_space<vmem>> -> memref<32x128xf32, #tpu.memory_space<vmem>>
        tpu.wait_dma2 semaphore(%run_scoped3A : memref<!tpu.dma_semaphore, #tpu.memory_space<semaphore_mem>>) src(%dma_wait3A_72 : memref<32x128xf32, #tpu.memory_space<vmem>>) dst(%dma_wait3A_69 : memref<32x128xf32, #tpu.memory_space<hbm>>)
        tpu.yield
      }) : () -> ()
    } else {
    }
    return
  }
}

#map = affine_map<(d0, d1) -> (0)>
#map1 = affine_map<(d0, d1) -> (0, 0)>
#map2 = affine_map<(d0, d1) -> (0, 0, 0, 0, 0)>
module attributes {stable_mosaic.version = 14 : i64} {
  func.func @_gather_retile(%arg0: i32, %arg1: i32, %arg2: memref<819200xi32, #tpu.memory_space<hbm>>, %arg3: memref<1000000x64xf32, #tpu.memory_space<hbm>>, %arg4: memref<50x8x128x8x128xf32, #tpu.memory_space<hbm>>, %arg5: memref<128xi32, #tpu.memory_space<vmem>>, %arg6: memref<128xi32, #tpu.memory_space<vmem>>, %arg7: memref<128x64xf32, #tpu.memory_space<vmem>>, %arg8: memref<128x64xf32, #tpu.memory_space<vmem>>, %arg9: memref<64x129xf32, #tpu.memory_space<vmem>>, %arg10: memref<64x129xf32, #tpu.memory_space<vmem>>, %arg11: memref<!tpu.dma_semaphore, #tpu.memory_space<semaphore_mem>>, %arg12: memref<!tpu.dma_semaphore, #tpu.memory_space<semaphore_mem>>, %arg13: memref<!tpu.dma_semaphore, #tpu.memory_space<semaphore_mem>>, %arg14: memref<!tpu.dma_semaphore, #tpu.memory_space<semaphore_mem>>, %arg15: memref<!tpu.dma_semaphore, #tpu.memory_space<semaphore_mem>>, %arg16: memref<!tpu.dma_semaphore, #tpu.memory_space<semaphore_mem>>) attributes {dimension_semantics = [#tpu.dimension_semantics<core_parallel>, #tpu.dimension_semantics<subcore_parallel>], iteration_bounds = array<i64: 2, 16>, scalar_prefetch = 0 : i64, scratch_operands = 12 : i64, tpu.core_type = #tpu.core_type<sc_vector_subcore>, window_params = [{transform_indices = #map}, {transform_indices = #map1}, {transform_indices = #map2}]} {
    %mul3A = arith.constant 2 : i32
    %mul3A_0 = arith.muli %arg1, %mul3A : i32
    %add3A = arith.addi %mul3A_0, %arg0 : i32
    %iota3A = tpu.iota {dimensions = array<i32: 0>} : vector<16xi32>
    %add3A_1 = arith.constant 0 : i32
    %add3A_2 = vector.broadcast %add3A_1 : i32 to vector<16xi32>
    %add3A_3 = arith.addi %iota3A, %add3A_2 : vector<16xi32>
    %add3A_4 = arith.constant 16 : i32
    %add3A_5 = vector.broadcast %add3A_4 : i32 to vector<16xi32>
    %add3A_6 = arith.addi %iota3A, %add3A_5 : vector<16xi32>
    %add3A_7 = arith.constant 32 : i32
    %add3A_8 = vector.broadcast %add3A_7 : i32 to vector<16xi32>
    %add3A_9 = arith.addi %iota3A, %add3A_8 : vector<16xi32>
    %add3A_10 = arith.constant 48 : i32
    %add3A_11 = vector.broadcast %add3A_10 : i32 to vector<16xi32>
    %add3A_12 = arith.addi %iota3A, %add3A_11 : vector<16xi32>
    %mul3A_13 = arith.constant 200 : i32
    %mul3A_14 = arith.muli %add3A, %mul3A_13 : i32
    %add3A_15 = arith.constant 0 : i32
    %add3A_16 = arith.addi %mul3A_14, %add3A_15 : i32
    %jit3A = arith.constant 128 : i32
    %div3A = arith.divsi %add3A_16, %jit3A : i32
    %sign3A = arith.constant 0 : i32
    %sign3A_17 = arith.cmpi sgt, %add3A_16, %sign3A : i32
    %sign3A_18 = arith.extui %sign3A_17 : i1 to i32
    %sign3A_19 = arith.constant 0 : i32
    %sign3A_20 = arith.cmpi slt, %add3A_16, %sign3A_19 : i32
    %sign3A_21 = arith.extui %sign3A_20 : i1 to i32
    %sign3A_22 = arith.subi %sign3A_18, %sign3A_21 : i32
    %sign3A_23 = arith.constant 0 : i32
    %sign3A_24 = arith.cmpi sgt, %jit3A, %sign3A_23 : i32
    %sign3A_25 = arith.extui %sign3A_24 : i1 to i32
    %sign3A_26 = arith.constant 0 : i32
    %sign3A_27 = arith.cmpi slt, %jit3A, %sign3A_26 : i32
    %sign3A_28 = arith.extui %sign3A_27 : i1 to i32
    %sign3A_29 = arith.subi %sign3A_25, %sign3A_28 : i32
    %ne3A = arith.cmpi ne, %sign3A_22, %sign3A_29 : i32
    %rem3A = arith.remsi %add3A_16, %jit3A : i32
    %ne3A_30 = arith.constant 0 : i32
    %ne3A_31 = arith.cmpi ne, %rem3A, %ne3A_30 : i32
    %and3A = arith.andi %ne3A, %ne3A_31 : i1
    %sub3A = arith.constant 1 : i32
    %sub3A_32 = arith.subi %div3A, %sub3A : i32
    %select_n3A = arith.select %and3A, %sub3A_32, %div3A : i32
    %jit3A_33 = arith.constant 128 : i32
    %eq3A = arith.constant 0 : i32
    %eq3A_34 = arith.cmpi eq, %jit3A_33, %eq3A : i32
    %jit3A_35 = arith.constant 1 : i32
    %select_n3A_36 = arith.select %eq3A_34, %jit3A_35, %jit3A_33 : i32
    %rem3A_37 = arith.remsi %add3A_16, %select_n3A_36 : i32
    %ne3A_38 = arith.constant 0 : i32
    %ne3A_39 = arith.cmpi ne, %rem3A_37, %ne3A_38 : i32
    %lt3A = arith.constant 0 : i32
    %lt3A_40 = arith.cmpi slt, %rem3A_37, %lt3A : i32
    %lt3A_41 = arith.constant 0 : i32
    %lt3A_42 = arith.cmpi slt, %select_n3A_36, %lt3A_41 : i32
    %ne3A_43 = arith.xori %lt3A_40, %lt3A_42 : i1
    %and3A_44 = arith.andi %ne3A_43, %ne3A_39 : i1
    %add3A_45 = arith.addi %rem3A_37, %select_n3A_36 : i32
    %select_n3A_46 = arith.select %and3A_44, %add3A_45, %rem3A_37 : i32
    %mul3A_47 = arith.constant 16384 : i32
    %mul3A_48 = arith.muli %select_n3A, %mul3A_47 : i32
    %mul3A_49 = arith.constant 128 : i32
    %mul3A_50 = arith.muli %select_n3A_46, %mul3A_49 : i32
    %add3A_51 = arith.addi %mul3A_48, %mul3A_50 : i32
    %dma_start3A = tpu.memref_slice %arg2[%add3A_51] : memref<819200xi32, #tpu.memory_space<hbm>> -> memref<128xi32, #tpu.memory_space<hbm>>
    %dma_start3A_52 = tpu.memref_slice %arg2[%add3A_51] : memref<819200xi32, #tpu.memory_space<hbm>> -> memref<128xi32, #tpu.memory_space<hbm>>
    tpu.enqueue_dma source(%dma_start3A_52 : memref<128xi32, #tpu.memory_space<hbm>>) target(%arg5 : memref<128xi32, #tpu.memory_space<vmem>>) target_semaphore(%arg11 : memref<!tpu.dma_semaphore, #tpu.memory_space<semaphore_mem>>)
    %scan3A = arith.constant 0 : i32
    %scan3A_53 = arith.constant 100 : i32
    %scan3A_54 = arith.addi %scan3A, %scan3A_53 : i32
    %scan3A_55 = arith.constant 1 : i32
    scf.for %scan3A_1000 = %scan3A to %scan3A_54 step %scan3A_55  : i32 {
      %mul3A_1001 = arith.constant 2 : i32
      %mul3A_1002 = arith.muli %mul3A_1001, %scan3A_1000 : i32
      %add3A_1003 = arith.constant 0 : i32
      %add3A_1004 = arith.addi %mul3A_1002, %add3A_1003 : i32
      %mul3A_1005 = arith.constant 200 : i32
      %mul3A_1006 = arith.muli %add3A, %mul3A_1005 : i32
      %add3A_1007 = arith.addi %mul3A_1006, %add3A_1004 : i32
      %jit3A_1008 = arith.constant 128 : i32
      %div3A_1009 = arith.divsi %add3A_1007, %jit3A_1008 : i32
      %sign3A_1010 = arith.constant 0 : i32
      %sign3A_1011 = arith.cmpi sgt, %add3A_1007, %sign3A_1010 : i32
      %sign3A_1012 = arith.extui %sign3A_1011 : i1 to i32
      %sign3A_1013 = arith.constant 0 : i32
      %sign3A_1014 = arith.cmpi slt, %add3A_1007, %sign3A_1013 : i32
      %sign3A_1015 = arith.extui %sign3A_1014 : i1 to i32
      %sign3A_1016 = arith.subi %sign3A_1012, %sign3A_1015 : i32
      %sign3A_1017 = arith.constant 0 : i32
      %sign3A_1018 = arith.cmpi sgt, %jit3A_1008, %sign3A_1017 : i32
      %sign3A_1019 = arith.extui %sign3A_1018 : i1 to i32
      %sign3A_1020 = arith.constant 0 : i32
      %sign3A_1021 = arith.cmpi slt, %jit3A_1008, %sign3A_1020 : i32
      %sign3A_1022 = arith.extui %sign3A_1021 : i1 to i32
      %sign3A_1023 = arith.subi %sign3A_1019, %sign3A_1022 : i32
      %ne3A_1024 = arith.cmpi ne, %sign3A_1016, %sign3A_1023 : i32
      %rem3A_1025 = arith.remsi %add3A_1007, %jit3A_1008 : i32
      %ne3A_1026 = arith.constant 0 : i32
      %ne3A_1027 = arith.cmpi ne, %rem3A_1025, %ne3A_1026 : i32
      %and3A_1028 = arith.andi %ne3A_1024, %ne3A_1027 : i1
      %sub3A_1029 = arith.constant 1 : i32
      %sub3A_1030 = arith.subi %div3A_1009, %sub3A_1029 : i32
      %select_n3A_1031 = arith.select %and3A_1028, %sub3A_1030, %div3A_1009 : i32
      %jit3A_1032 = arith.constant 128 : i32
      %eq3A_1033 = arith.constant 0 : i32
      %eq3A_1034 = arith.cmpi eq, %jit3A_1032, %eq3A_1033 : i32
      %jit3A_1035 = arith.constant 1 : i32
      %select_n3A_1036 = arith.select %eq3A_1034, %jit3A_1035, %jit3A_1032 : i32
      %rem3A_1037 = arith.remsi %add3A_1007, %select_n3A_1036 : i32
      %ne3A_1038 = arith.constant 0 : i32
      %ne3A_1039 = arith.cmpi ne, %rem3A_1037, %ne3A_1038 : i32
      %lt3A_1040 = arith.constant 0 : i32
      %lt3A_1041 = arith.cmpi slt, %rem3A_1037, %lt3A_1040 : i32
      %lt3A_1042 = arith.constant 0 : i32
      %lt3A_1043 = arith.cmpi slt, %select_n3A_1036, %lt3A_1042 : i32
      %ne3A_1044 = arith.xori %lt3A_1041, %lt3A_1043 : i1
      %and3A_1045 = arith.andi %ne3A_1044, %ne3A_1039 : i1
      %add3A_1046 = arith.addi %rem3A_1037, %select_n3A_1036 : i32
      %select_n3A_1047 = arith.select %and3A_1045, %add3A_1046, %rem3A_1037 : i32
      %mul3A_1048 = arith.constant 16384 : i32
      %mul3A_1049 = arith.muli %select_n3A_1031, %mul3A_1048 : i32
      %mul3A_1050 = arith.constant 128 : i32
      %mul3A_1051 = arith.muli %select_n3A_1047, %mul3A_1050 : i32
      %add3A_1052 = arith.addi %mul3A_1049, %mul3A_1051 : i32
      %dma_wait3A_1053 = tpu.memref_slice %arg2[%add3A_1052] : memref<819200xi32, #tpu.memory_space<hbm>> -> memref<128xi32, #tpu.memory_space<hbm>>
      %dma_wait3A_1054 = tpu.memref_slice %arg2[%add3A_1052] : memref<819200xi32, #tpu.memory_space<hbm>> -> memref<128xi32, #tpu.memory_space<hbm>>
      tpu.wait_dma2 semaphore(%arg11 : memref<!tpu.dma_semaphore, #tpu.memory_space<semaphore_mem>>) src(%dma_wait3A_1054 : memref<128xi32, #tpu.memory_space<hbm>>) dst(%arg5 : memref<128xi32, #tpu.memory_space<vmem>>)
      %dma_start3A_1055 = arith.constant 0 : i32
      %dma_start3A_1056 = arith.constant 0 : i32
      %dma_start3A_1057 = tpu.memref_slice %arg3[%dma_start3A_1055, %dma_start3A_1056] : memref<1000000x64xf32, #tpu.memory_space<hbm>> -> memref<1000000x64xf32, #tpu.memory_space<hbm>>
      tpu.enqueue_indirect_dma source(%dma_start3A_1057 : memref<1000000x64xf32, #tpu.memory_space<hbm>>) target(%arg7 : memref<128x64xf32, #tpu.memory_space<vmem>>) offsets(%arg5 : memref<128xi32, #tpu.memory_space<vmem>>) semaphore(%arg13 : memref<!tpu.dma_semaphore, #tpu.memory_space<semaphore_mem>>)
      %add3A_1058 = arith.constant 1 : i32
      %add3A_1059 = arith.addi %add3A_1004, %add3A_1058 : i32
      %lt3A_1060 = arith.constant 200 : i32
      %lt3A_1061 = arith.cmpi slt, %add3A_1059, %lt3A_1060 : i32
      %convert_element_type3A = arith.extui %lt3A_1061 : i1 to i32
      %cond3A = arith.constant 0 : i32
      %cond3A_1062 = arith.cmpi ne, %convert_element_type3A, %cond3A : i32
      scf.if %cond3A_1062 {
        %add3A_2075 = arith.constant 1 : i32
        %add3A_2076 = arith.addi %add3A_1004, %add3A_2075 : i32
        %mul3A_2077 = arith.constant 200 : i32
        %mul3A_2078 = arith.muli %add3A, %mul3A_2077 : i32
        %add3A_2079 = arith.addi %mul3A_2078, %add3A_2076 : i32
        %jit3A_2080 = arith.constant 128 : i32
        %div3A_2081 = arith.divsi %add3A_2079, %jit3A_2080 : i32
        %sign3A_2082 = arith.constant 0 : i32
        %sign3A_2083 = arith.cmpi sgt, %add3A_2079, %sign3A_2082 : i32
        %sign3A_2084 = arith.extui %sign3A_2083 : i1 to i32
        %sign3A_2085 = arith.constant 0 : i32
        %sign3A_2086 = arith.cmpi slt, %add3A_2079, %sign3A_2085 : i32
        %sign3A_2087 = arith.extui %sign3A_2086 : i1 to i32
        %sign3A_2088 = arith.subi %sign3A_2084, %sign3A_2087 : i32
        %sign3A_2089 = arith.constant 0 : i32
        %sign3A_2090 = arith.cmpi sgt, %jit3A_2080, %sign3A_2089 : i32
        %sign3A_2091 = arith.extui %sign3A_2090 : i1 to i32
        %sign3A_2092 = arith.constant 0 : i32
        %sign3A_2093 = arith.cmpi slt, %jit3A_2080, %sign3A_2092 : i32
        %sign3A_2094 = arith.extui %sign3A_2093 : i1 to i32
        %sign3A_2095 = arith.subi %sign3A_2091, %sign3A_2094 : i32
        %ne3A_2096 = arith.cmpi ne, %sign3A_2088, %sign3A_2095 : i32
        %rem3A_2097 = arith.remsi %add3A_2079, %jit3A_2080 : i32
        %ne3A_2098 = arith.constant 0 : i32
        %ne3A_2099 = arith.cmpi ne, %rem3A_2097, %ne3A_2098 : i32
        %and3A_2100 = arith.andi %ne3A_2096, %ne3A_2099 : i1
        %sub3A_2101 = arith.constant 1 : i32
        %sub3A_2102 = arith.subi %div3A_2081, %sub3A_2101 : i32
        %select_n3A_2103 = arith.select %and3A_2100, %sub3A_2102, %div3A_2081 : i32
        %jit3A_2104 = arith.constant 128 : i32
        %eq3A_2105 = arith.constant 0 : i32
        %eq3A_2106 = arith.cmpi eq, %jit3A_2104, %eq3A_2105 : i32
        %jit3A_2107 = arith.constant 1 : i32
        %select_n3A_2108 = arith.select %eq3A_2106, %jit3A_2107, %jit3A_2104 : i32
        %rem3A_2109 = arith.remsi %add3A_2079, %select_n3A_2108 : i32
        %ne3A_2110 = arith.constant 0 : i32
        %ne3A_2111 = arith.cmpi ne, %rem3A_2109, %ne3A_2110 : i32
        %lt3A_2112 = arith.constant 0 : i32
        %lt3A_2113 = arith.cmpi slt, %rem3A_2109, %lt3A_2112 : i32
        %lt3A_2114 = arith.constant 0 : i32
        %lt3A_2115 = arith.cmpi slt, %select_n3A_2108, %lt3A_2114 : i32
        %ne3A_2116 = arith.xori %lt3A_2113, %lt3A_2115 : i1
        %and3A_2117 = arith.andi %ne3A_2116, %ne3A_2111 : i1
        %add3A_2118 = arith.addi %rem3A_2109, %select_n3A_2108 : i32
        %select_n3A_2119 = arith.select %and3A_2117, %add3A_2118, %rem3A_2109 : i32
        %mul3A_2120 = arith.constant 16384 : i32
        %mul3A_2121 = arith.muli %select_n3A_2103, %mul3A_2120 : i32
        %mul3A_2122 = arith.constant 128 : i32
        %mul3A_2123 = arith.muli %select_n3A_2119, %mul3A_2122 : i32
        %add3A_2124 = arith.addi %mul3A_2121, %mul3A_2123 : i32
        %dma_start3A_2125 = tpu.memref_slice %arg2[%add3A_2124] : memref<819200xi32, #tpu.memory_space<hbm>> -> memref<128xi32, #tpu.memory_space<hbm>>
        %dma_start3A_2126 = tpu.memref_slice %arg2[%add3A_2124] : memref<819200xi32, #tpu.memory_space<hbm>> -> memref<128xi32, #tpu.memory_space<hbm>>
        tpu.enqueue_dma source(%dma_start3A_2126 : memref<128xi32, #tpu.memory_space<hbm>>) target(%arg6 : memref<128xi32, #tpu.memory_space<vmem>>) target_semaphore(%arg12 : memref<!tpu.dma_semaphore, #tpu.memory_space<semaphore_mem>>)
      } else {
      }
      %dma_wait3A_1063 = arith.constant 0 : i32
      %dma_wait3A_1064 = arith.constant 0 : i32
      %dma_wait3A_1065 = tpu.memref_slice %arg3[%dma_wait3A_1063, %dma_wait3A_1064] : memref<1000000x64xf32, #tpu.memory_space<hbm>> -> memref<1000000x64xf32, #tpu.memory_space<hbm>>
      tpu.wait_indirect_dma semaphore(%arg13 : memref<!tpu.dma_semaphore, #tpu.memory_space<semaphore_mem>>) src(%dma_wait3A_1065 : memref<1000000x64xf32, #tpu.memory_space<hbm>>) dst(%arg7 : memref<128x64xf32, #tpu.memory_space<vmem>>)
      %ge3A = arith.constant 2 : i32
      %ge3A_1066 = arith.cmpi sge, %add3A_1004, %ge3A : i32
      %convert_element_type3A_1067 = arith.extui %ge3A_1066 : i1 to i32
      %cond3A_1068 = arith.constant 0 : i32
      %cond3A_1069 = arith.cmpi ne, %convert_element_type3A_1067, %cond3A_1068 : i32
      scf.if %cond3A_1069 {
        %sub3A_2075 = arith.constant 2 : i32
        %sub3A_2076 = arith.subi %add3A_1004, %sub3A_2075 : i32
        %mul3A_2077 = arith.constant 200 : i32
        %mul3A_2078 = arith.muli %add3A, %mul3A_2077 : i32
        %add3A_2079 = arith.addi %mul3A_2078, %sub3A_2076 : i32
        %jit3A_2080 = arith.constant 128 : i32
        %div3A_2081 = arith.divsi %add3A_2079, %jit3A_2080 : i32
        %sign3A_2082 = arith.constant 0 : i32
        %sign3A_2083 = arith.cmpi sgt, %add3A_2079, %sign3A_2082 : i32
        %sign3A_2084 = arith.extui %sign3A_2083 : i1 to i32
        %sign3A_2085 = arith.constant 0 : i32
        %sign3A_2086 = arith.cmpi slt, %add3A_2079, %sign3A_2085 : i32
        %sign3A_2087 = arith.extui %sign3A_2086 : i1 to i32
        %sign3A_2088 = arith.subi %sign3A_2084, %sign3A_2087 : i32
        %sign3A_2089 = arith.constant 0 : i32
        %sign3A_2090 = arith.cmpi sgt, %jit3A_2080, %sign3A_2089 : i32
        %sign3A_2091 = arith.extui %sign3A_2090 : i1 to i32
        %sign3A_2092 = arith.constant 0 : i32
        %sign3A_2093 = arith.cmpi slt, %jit3A_2080, %sign3A_2092 : i32
        %sign3A_2094 = arith.extui %sign3A_2093 : i1 to i32
        %sign3A_2095 = arith.subi %sign3A_2091, %sign3A_2094 : i32
        %ne3A_2096 = arith.cmpi ne, %sign3A_2088, %sign3A_2095 : i32
        %rem3A_2097 = arith.remsi %add3A_2079, %jit3A_2080 : i32
        %ne3A_2098 = arith.constant 0 : i32
        %ne3A_2099 = arith.cmpi ne, %rem3A_2097, %ne3A_2098 : i32
        %and3A_2100 = arith.andi %ne3A_2096, %ne3A_2099 : i1
        %sub3A_2101 = arith.constant 1 : i32
        %sub3A_2102 = arith.subi %div3A_2081, %sub3A_2101 : i32
        %select_n3A_2103 = arith.select %and3A_2100, %sub3A_2102, %div3A_2081 : i32
        %jit3A_2104 = arith.constant 128 : i32
        %eq3A_2105 = arith.constant 0 : i32
        %eq3A_2106 = arith.cmpi eq, %jit3A_2104, %eq3A_2105 : i32
        %jit3A_2107 = arith.constant 1 : i32
        %select_n3A_2108 = arith.select %eq3A_2106, %jit3A_2107, %jit3A_2104 : i32
        %rem3A_2109 = arith.remsi %add3A_2079, %select_n3A_2108 : i32
        %ne3A_2110 = arith.constant 0 : i32
        %ne3A_2111 = arith.cmpi ne, %rem3A_2109, %ne3A_2110 : i32
        %lt3A_2112 = arith.constant 0 : i32
        %lt3A_2113 = arith.cmpi slt, %rem3A_2109, %lt3A_2112 : i32
        %lt3A_2114 = arith.constant 0 : i32
        %lt3A_2115 = arith.cmpi slt, %select_n3A_2108, %lt3A_2114 : i32
        %ne3A_2116 = arith.xori %lt3A_2113, %lt3A_2115 : i1
        %and3A_2117 = arith.andi %ne3A_2116, %ne3A_2111 : i1
        %add3A_2118 = arith.addi %rem3A_2109, %select_n3A_2108 : i32
        %select_n3A_2119 = arith.select %and3A_2117, %add3A_2118, %rem3A_2109 : i32
        %dma_wait3A_2120 = arith.constant 0 : i32
        %dma_wait3A_2121 = arith.constant 0 : i32
        %dma_wait3A_2122 = arith.constant 0 : i32
        %dma_wait3A_2123 = tpu.memref_slice %arg9[%dma_wait3A_2121, %dma_wait3A_2122] : memref<64x129xf32, #tpu.memory_space<vmem>> -> memref<8x128xf32, #tpu.memory_space<vmem>>
        %dma_wait3A_2124 = arith.constant 0 : i32
        %dma_wait3A_2125 = arith.constant 0 : i32
        %dma_wait3A_2126 = tpu.memref_slice %arg4[%select_n3A_2103, %dma_wait3A_2120, %select_n3A_2119, %dma_wait3A_2124, %dma_wait3A_2125] : memref<50x8x128x8x128xf32, #tpu.memory_space<hbm>> -> memref<1x1x1x8x128xf32, #tpu.memory_space<hbm>>
        %dma_wait3A_2127 = tpu.memref_squeeze %dma_wait3A_2126 : memref<1x1x1x8x128xf32, #tpu.memory_space<hbm>> -> memref<8x128xf32, #tpu.memory_space<hbm>>
        %dma_wait3A_2128 = arith.constant 0 : i32
        %dma_wait3A_2129 = arith.constant 0 : i32
        %dma_wait3A_2130 = tpu.memref_slice %arg4[%select_n3A_2103, %dma_wait3A_2120, %select_n3A_2119, %dma_wait3A_2128, %dma_wait3A_2129] : memref<50x8x128x8x128xf32, #tpu.memory_space<hbm>> -> memref<1x1x1x8x128xf32, #tpu.memory_space<hbm>>
        %dma_wait3A_2131 = tpu.memref_squeeze %dma_wait3A_2130 : memref<1x1x1x8x128xf32, #tpu.memory_space<hbm>> -> memref<8x128xf32, #tpu.memory_space<hbm>>
        %dma_wait3A_2132 = arith.constant 0 : i32
        %dma_wait3A_2133 = arith.constant 0 : i32
        %dma_wait3A_2134 = tpu.memref_slice %arg9[%dma_wait3A_2132, %dma_wait3A_2133] : memref<64x129xf32, #tpu.memory_space<vmem>> -> memref<8x128xf32, #tpu.memory_space<vmem>>
        tpu.wait_dma2 semaphore(%arg15 : memref<!tpu.dma_semaphore, #tpu.memory_space<semaphore_mem>>) src(%dma_wait3A_2134 : memref<8x128xf32, #tpu.memory_space<vmem>>) dst(%dma_wait3A_2131 : memref<8x128xf32, #tpu.memory_space<hbm>>)
        %sub3A_2135 = arith.constant 2 : i32
        %sub3A_2136 = arith.subi %add3A_1004, %sub3A_2135 : i32
        %mul3A_2137 = arith.constant 200 : i32
        %mul3A_2138 = arith.muli %add3A, %mul3A_2137 : i32
        %add3A_2139 = arith.addi %mul3A_2138, %sub3A_2136 : i32
        %jit3A_2140 = arith.constant 128 : i32
        %div3A_2141 = arith.divsi %add3A_2139, %jit3A_2140 : i32
        %sign3A_2142 = arith.constant 0 : i32
        %sign3A_2143 = arith.cmpi sgt, %add3A_2139, %sign3A_2142 : i32
        %sign3A_2144 = arith.extui %sign3A_2143 : i1 to i32
        %sign3A_2145 = arith.constant 0 : i32
        %sign3A_2146 = arith.cmpi slt, %add3A_2139, %sign3A_2145 : i32
        %sign3A_2147 = arith.extui %sign3A_2146 : i1 to i32
        %sign3A_2148 = arith.subi %sign3A_2144, %sign3A_2147 : i32
        %sign3A_2149 = arith.constant 0 : i32
        %sign3A_2150 = arith.cmpi sgt, %jit3A_2140, %sign3A_2149 : i32
        %sign3A_2151 = arith.extui %sign3A_2150 : i1 to i32
        %sign3A_2152 = arith.constant 0 : i32
        %sign3A_2153 = arith.cmpi slt, %jit3A_2140, %sign3A_2152 : i32
        %sign3A_2154 = arith.extui %sign3A_2153 : i1 to i32
        %sign3A_2155 = arith.subi %sign3A_2151, %sign3A_2154 : i32
        %ne3A_2156 = arith.cmpi ne, %sign3A_2148, %sign3A_2155 : i32
        %rem3A_2157 = arith.remsi %add3A_2139, %jit3A_2140 : i32
        %ne3A_2158 = arith.constant 0 : i32
        %ne3A_2159 = arith.cmpi ne, %rem3A_2157, %ne3A_2158 : i32
        %and3A_2160 = arith.andi %ne3A_2156, %ne3A_2159 : i1
        %sub3A_2161 = arith.constant 1 : i32
        %sub3A_2162 = arith.subi %div3A_2141, %sub3A_2161 : i32
        %select_n3A_2163 = arith.select %and3A_2160, %sub3A_2162, %div3A_2141 : i32
        %jit3A_2164 = arith.constant 128 : i32
        %eq3A_2165 = arith.constant 0 : i32
        %eq3A_2166 = arith.cmpi eq, %jit3A_2164, %eq3A_2165 : i32
        %jit3A_2167 = arith.constant 1 : i32
        %select_n3A_2168 = arith.select %eq3A_2166, %jit3A_2167, %jit3A_2164 : i32
        %rem3A_2169 = arith.remsi %add3A_2139, %select_n3A_2168 : i32
        %ne3A_2170 = arith.constant 0 : i32
        %ne3A_2171 = arith.cmpi ne, %rem3A_2169, %ne3A_2170 : i32
        %lt3A_2172 = arith.constant 0 : i32
        %lt3A_2173 = arith.cmpi slt, %rem3A_2169, %lt3A_2172 : i32
        %lt3A_2174 = arith.constant 0 : i32
        %lt3A_2175 = arith.cmpi slt, %select_n3A_2168, %lt3A_2174 : i32
        %ne3A_2176 = arith.xori %lt3A_2173, %lt3A_2175 : i1
        %and3A_2177 = arith.andi %ne3A_2176, %ne3A_2171 : i1
        %add3A_2178 = arith.addi %rem3A_2169, %select_n3A_2168 : i32
        %select_n3A_2179 = arith.select %and3A_2177, %add3A_2178, %rem3A_2169 : i32
        %dma_wait3A_2180 = arith.constant 1 : i32
        %dma_wait3A_2181 = arith.constant 8 : i32
        %dma_wait3A_2182 = arith.constant 0 : i32
        %dma_wait3A_2183 = tpu.memref_slice %arg9[%dma_wait3A_2181, %dma_wait3A_2182] : memref<64x129xf32, #tpu.memory_space<vmem>> -> memref<8x128xf32, #tpu.memory_space<vmem>>
        %dma_wait3A_2184 = arith.constant 0 : i32
        %dma_wait3A_2185 = arith.constant 0 : i32
        %dma_wait3A_2186 = tpu.memref_slice %arg4[%select_n3A_2163, %dma_wait3A_2180, %select_n3A_2179, %dma_wait3A_2184, %dma_wait3A_2185] : memref<50x8x128x8x128xf32, #tpu.memory_space<hbm>> -> memref<1x1x1x8x128xf32, #tpu.memory_space<hbm>>
        %dma_wait3A_2187 = tpu.memref_squeeze %dma_wait3A_2186 : memref<1x1x1x8x128xf32, #tpu.memory_space<hbm>> -> memref<8x128xf32, #tpu.memory_space<hbm>>
        %dma_wait3A_2188 = arith.constant 0 : i32
        %dma_wait3A_2189 = arith.constant 0 : i32
        %dma_wait3A_2190 = tpu.memref_slice %arg4[%select_n3A_2163, %dma_wait3A_2180, %select_n3A_2179, %dma_wait3A_2188, %dma_wait3A_2189] : memref<50x8x128x8x128xf32, #tpu.memory_space<hbm>> -> memref<1x1x1x8x128xf32, #tpu.memory_space<hbm>>
        %dma_wait3A_2191 = tpu.memref_squeeze %dma_wait3A_2190 : memref<1x1x1x8x128xf32, #tpu.memory_space<hbm>> -> memref<8x128xf32, #tpu.memory_space<hbm>>
        %dma_wait3A_2192 = arith.constant 8 : i32
        %dma_wait3A_2193 = arith.constant 0 : i32
        %dma_wait3A_2194 = tpu.memref_slice %arg9[%dma_wait3A_2192, %dma_wait3A_2193] : memref<64x129xf32, #tpu.memory_space<vmem>> -> memref<8x128xf32, #tpu.memory_space<vmem>>
        tpu.wait_dma2 semaphore(%arg15 : memref<!tpu.dma_semaphore, #tpu.memory_space<semaphore_mem>>) src(%dma_wait3A_2194 : memref<8x128xf32, #tpu.memory_space<vmem>>) dst(%dma_wait3A_2191 : memref<8x128xf32, #tpu.memory_space<hbm>>)
        %sub3A_2195 = arith.constant 2 : i32
        %sub3A_2196 = arith.subi %add3A_1004, %sub3A_2195 : i32
        %mul3A_2197 = arith.constant 200 : i32
        %mul3A_2198 = arith.muli %add3A, %mul3A_2197 : i32
        %add3A_2199 = arith.addi %mul3A_2198, %sub3A_2196 : i32
        %jit3A_2200 = arith.constant 128 : i32
        %div3A_2201 = arith.divsi %add3A_2199, %jit3A_2200 : i32
        %sign3A_2202 = arith.constant 0 : i32
        %sign3A_2203 = arith.cmpi sgt, %add3A_2199, %sign3A_2202 : i32
        %sign3A_2204 = arith.extui %sign3A_2203 : i1 to i32
        %sign3A_2205 = arith.constant 0 : i32
        %sign3A_2206 = arith.cmpi slt, %add3A_2199, %sign3A_2205 : i32
        %sign3A_2207 = arith.extui %sign3A_2206 : i1 to i32
        %sign3A_2208 = arith.subi %sign3A_2204, %sign3A_2207 : i32
        %sign3A_2209 = arith.constant 0 : i32
        %sign3A_2210 = arith.cmpi sgt, %jit3A_2200, %sign3A_2209 : i32
        %sign3A_2211 = arith.extui %sign3A_2210 : i1 to i32
        %sign3A_2212 = arith.constant 0 : i32
        %sign3A_2213 = arith.cmpi slt, %jit3A_2200, %sign3A_2212 : i32
        %sign3A_2214 = arith.extui %sign3A_2213 : i1 to i32
        %sign3A_2215 = arith.subi %sign3A_2211, %sign3A_2214 : i32
        %ne3A_2216 = arith.cmpi ne, %sign3A_2208, %sign3A_2215 : i32
        %rem3A_2217 = arith.remsi %add3A_2199, %jit3A_2200 : i32
        %ne3A_2218 = arith.constant 0 : i32
        %ne3A_2219 = arith.cmpi ne, %rem3A_2217, %ne3A_2218 : i32
        %and3A_2220 = arith.andi %ne3A_2216, %ne3A_2219 : i1
        %sub3A_2221 = arith.constant 1 : i32
        %sub3A_2222 = arith.subi %div3A_2201, %sub3A_2221 : i32
        %select_n3A_2223 = arith.select %and3A_2220, %sub3A_2222, %div3A_2201 : i32
        %jit3A_2224 = arith.constant 128 : i32
        %eq3A_2225 = arith.constant 0 : i32
        %eq3A_2226 = arith.cmpi eq, %jit3A_2224, %eq3A_2225 : i32
        %jit3A_2227 = arith.constant 1 : i32
        %select_n3A_2228 = arith.select %eq3A_2226, %jit3A_2227, %jit3A_2224 : i32
        %rem3A_2229 = arith.remsi %add3A_2199, %select_n3A_2228 : i32
        %ne3A_2230 = arith.constant 0 : i32
        %ne3A_2231 = arith.cmpi ne, %rem3A_2229, %ne3A_2230 : i32
        %lt3A_2232 = arith.constant 0 : i32
        %lt3A_2233 = arith.cmpi slt, %rem3A_2229, %lt3A_2232 : i32
        %lt3A_2234 = arith.constant 0 : i32
        %lt3A_2235 = arith.cmpi slt, %select_n3A_2228, %lt3A_2234 : i32
        %ne3A_2236 = arith.xori %lt3A_2233, %lt3A_2235 : i1
        %and3A_2237 = arith.andi %ne3A_2236, %ne3A_2231 : i1
        %add3A_2238 = arith.addi %rem3A_2229, %select_n3A_2228 : i32
        %select_n3A_2239 = arith.select %and3A_2237, %add3A_2238, %rem3A_2229 : i32
        %dma_wait3A_2240 = arith.constant 2 : i32
        %dma_wait3A_2241 = arith.constant 16 : i32
        %dma_wait3A_2242 = arith.constant 0 : i32
        %dma_wait3A_2243 = tpu.memref_slice %arg9[%dma_wait3A_2241, %dma_wait3A_2242] : memref<64x129xf32, #tpu.memory_space<vmem>> -> memref<8x128xf32, #tpu.memory_space<vmem>>
        %dma_wait3A_2244 = arith.constant 0 : i32
        %dma_wait3A_2245 = arith.constant 0 : i32
        %dma_wait3A_2246 = tpu.memref_slice %arg4[%select_n3A_2223, %dma_wait3A_2240, %select_n3A_2239, %dma_wait3A_2244, %dma_wait3A_2245] : memref<50x8x128x8x128xf32, #tpu.memory_space<hbm>> -> memref<1x1x1x8x128xf32, #tpu.memory_space<hbm>>
        %dma_wait3A_2247 = tpu.memref_squeeze %dma_wait3A_2246 : memref<1x1x1x8x128xf32, #tpu.memory_space<hbm>> -> memref<8x128xf32, #tpu.memory_space<hbm>>
        %dma_wait3A_2248 = arith.constant 0 : i32
        %dma_wait3A_2249 = arith.constant 0 : i32
        %dma_wait3A_2250 = tpu.memref_slice %arg4[%select_n3A_2223, %dma_wait3A_2240, %select_n3A_2239, %dma_wait3A_2248, %dma_wait3A_2249] : memref<50x8x128x8x128xf32, #tpu.memory_space<hbm>> -> memref<1x1x1x8x128xf32, #tpu.memory_space<hbm>>
        %dma_wait3A_2251 = tpu.memref_squeeze %dma_wait3A_2250 : memref<1x1x1x8x128xf32, #tpu.memory_space<hbm>> -> memref<8x128xf32, #tpu.memory_space<hbm>>
        %dma_wait3A_2252 = arith.constant 16 : i32
        %dma_wait3A_2253 = arith.constant 0 : i32
        %dma_wait3A_2254 = tpu.memref_slice %arg9[%dma_wait3A_2252, %dma_wait3A_2253] : memref<64x129xf32, #tpu.memory_space<vmem>> -> memref<8x128xf32, #tpu.memory_space<vmem>>
        tpu.wait_dma2 semaphore(%arg15 : memref<!tpu.dma_semaphore, #tpu.memory_space<semaphore_mem>>) src(%dma_wait3A_2254 : memref<8x128xf32, #tpu.memory_space<vmem>>) dst(%dma_wait3A_2251 : memref<8x128xf32, #tpu.memory_space<hbm>>)
        %sub3A_2255 = arith.constant 2 : i32
        %sub3A_2256 = arith.subi %add3A_1004, %sub3A_2255 : i32
        %mul3A_2257 = arith.constant 200 : i32
        %mul3A_2258 = arith.muli %add3A, %mul3A_2257 : i32
        %add3A_2259 = arith.addi %mul3A_2258, %sub3A_2256 : i32
        %jit3A_2260 = arith.constant 128 : i32
        %div3A_2261 = arith.divsi %add3A_2259, %jit3A_2260 : i32
        %sign3A_2262 = arith.constant 0 : i32
        %sign3A_2263 = arith.cmpi sgt, %add3A_2259, %sign3A_2262 : i32
        %sign3A_2264 = arith.extui %sign3A_2263 : i1 to i32
        %sign3A_2265 = arith.constant 0 : i32
        %sign3A_2266 = arith.cmpi slt, %add3A_2259, %sign3A_2265 : i32
        %sign3A_2267 = arith.extui %sign3A_2266 : i1 to i32
        %sign3A_2268 = arith.subi %sign3A_2264, %sign3A_2267 : i32
        %sign3A_2269 = arith.constant 0 : i32
        %sign3A_2270 = arith.cmpi sgt, %jit3A_2260, %sign3A_2269 : i32
        %sign3A_2271 = arith.extui %sign3A_2270 : i1 to i32
        %sign3A_2272 = arith.constant 0 : i32
        %sign3A_2273 = arith.cmpi slt, %jit3A_2260, %sign3A_2272 : i32
        %sign3A_2274 = arith.extui %sign3A_2273 : i1 to i32
        %sign3A_2275 = arith.subi %sign3A_2271, %sign3A_2274 : i32
        %ne3A_2276 = arith.cmpi ne, %sign3A_2268, %sign3A_2275 : i32
        %rem3A_2277 = arith.remsi %add3A_2259, %jit3A_2260 : i32
        %ne3A_2278 = arith.constant 0 : i32
        %ne3A_2279 = arith.cmpi ne, %rem3A_2277, %ne3A_2278 : i32
        %and3A_2280 = arith.andi %ne3A_2276, %ne3A_2279 : i1
        %sub3A_2281 = arith.constant 1 : i32
        %sub3A_2282 = arith.subi %div3A_2261, %sub3A_2281 : i32
        %select_n3A_2283 = arith.select %and3A_2280, %sub3A_2282, %div3A_2261 : i32
        %jit3A_2284 = arith.constant 128 : i32
        %eq3A_2285 = arith.constant 0 : i32
        %eq3A_2286 = arith.cmpi eq, %jit3A_2284, %eq3A_2285 : i32
        %jit3A_2287 = arith.constant 1 : i32
        %select_n3A_2288 = arith.select %eq3A_2286, %jit3A_2287, %jit3A_2284 : i32
        %rem3A_2289 = arith.remsi %add3A_2259, %select_n3A_2288 : i32
        %ne3A_2290 = arith.constant 0 : i32
        %ne3A_2291 = arith.cmpi ne, %rem3A_2289, %ne3A_2290 : i32
        %lt3A_2292 = arith.constant 0 : i32
        %lt3A_2293 = arith.cmpi slt, %rem3A_2289, %lt3A_2292 : i32
        %lt3A_2294 = arith.constant 0 : i32
        %lt3A_2295 = arith.cmpi slt, %select_n3A_2288, %lt3A_2294 : i32
        %ne3A_2296 = arith.xori %lt3A_2293, %lt3A_2295 : i1
        %and3A_2297 = arith.andi %ne3A_2296, %ne3A_2291 : i1
        %add3A_2298 = arith.addi %rem3A_2289, %select_n3A_2288 : i32
        %select_n3A_2299 = arith.select %and3A_2297, %add3A_2298, %rem3A_2289 : i32
        %dma_wait3A_2300 = arith.constant 3 : i32
        %dma_wait3A_2301 = arith.constant 24 : i32
        %dma_wait3A_2302 = arith.constant 0 : i32
        %dma_wait3A_2303 = tpu.memref_slice %arg9[%dma_wait3A_2301, %dma_wait3A_2302] : memref<64x129xf32, #tpu.memory_space<vmem>> -> memref<8x128xf32, #tpu.memory_space<vmem>>
        %dma_wait3A_2304 = arith.constant 0 : i32
        %dma_wait3A_2305 = arith.constant 0 : i32
        %dma_wait3A_2306 = tpu.memref_slice %arg4[%select_n3A_2283, %dma_wait3A_2300, %select_n3A_2299, %dma_wait3A_2304, %dma_wait3A_2305] : memref<50x8x128x8x128xf32, #tpu.memory_space<hbm>> -> memref<1x1x1x8x128xf32, #tpu.memory_space<hbm>>
        %dma_wait3A_2307 = tpu.memref_squeeze %dma_wait3A_2306 : memref<1x1x1x8x128xf32, #tpu.memory_space<hbm>> -> memref<8x128xf32, #tpu.memory_space<hbm>>
        %dma_wait3A_2308 = arith.constant 0 : i32
        %dma_wait3A_2309 = arith.constant 0 : i32
        %dma_wait3A_2310 = tpu.memref_slice %arg4[%select_n3A_2283, %dma_wait3A_2300, %select_n3A_2299, %dma_wait3A_2308, %dma_wait3A_2309] : memref<50x8x128x8x128xf32, #tpu.memory_space<hbm>> -> memref<1x1x1x8x128xf32, #tpu.memory_space<hbm>>
        %dma_wait3A_2311 = tpu.memref_squeeze %dma_wait3A_2310 : memref<1x1x1x8x128xf32, #tpu.memory_space<hbm>> -> memref<8x128xf32, #tpu.memory_space<hbm>>
        %dma_wait3A_2312 = arith.constant 24 : i32
        %dma_wait3A_2313 = arith.constant 0 : i32
        %dma_wait3A_2314 = tpu.memref_slice %arg9[%dma_wait3A_2312, %dma_wait3A_2313] : memref<64x129xf32, #tpu.memory_space<vmem>> -> memref<8x128xf32, #tpu.memory_space<vmem>>
        tpu.wait_dma2 semaphore(%arg15 : memref<!tpu.dma_semaphore, #tpu.memory_space<semaphore_mem>>) src(%dma_wait3A_2314 : memref<8x128xf32, #tpu.memory_space<vmem>>) dst(%dma_wait3A_2311 : memref<8x128xf32, #tpu.memory_space<hbm>>)
        %sub3A_2315 = arith.constant 2 : i32
        %sub3A_2316 = arith.subi %add3A_1004, %sub3A_2315 : i32
        %mul3A_2317 = arith.constant 200 : i32
        %mul3A_2318 = arith.muli %add3A, %mul3A_2317 : i32
        %add3A_2319 = arith.addi %mul3A_2318, %sub3A_2316 : i32
        %jit3A_2320 = arith.constant 128 : i32
        %div3A_2321 = arith.divsi %add3A_2319, %jit3A_2320 : i32
        %sign3A_2322 = arith.constant 0 : i32
        %sign3A_2323 = arith.cmpi sgt, %add3A_2319, %sign3A_2322 : i32
        %sign3A_2324 = arith.extui %sign3A_2323 : i1 to i32
        %sign3A_2325 = arith.constant 0 : i32
        %sign3A_2326 = arith.cmpi slt, %add3A_2319, %sign3A_2325 : i32
        %sign3A_2327 = arith.extui %sign3A_2326 : i1 to i32
        %sign3A_2328 = arith.subi %sign3A_2324, %sign3A_2327 : i32
        %sign3A_2329 = arith.constant 0 : i32
        %sign3A_2330 = arith.cmpi sgt, %jit3A_2320, %sign3A_2329 : i32
        %sign3A_2331 = arith.extui %sign3A_2330 : i1 to i32
        %sign3A_2332 = arith.constant 0 : i32
        %sign3A_2333 = arith.cmpi slt, %jit3A_2320, %sign3A_2332 : i32
        %sign3A_2334 = arith.extui %sign3A_2333 : i1 to i32
        %sign3A_2335 = arith.subi %sign3A_2331, %sign3A_2334 : i32
        %ne3A_2336 = arith.cmpi ne, %sign3A_2328, %sign3A_2335 : i32
        %rem3A_2337 = arith.remsi %add3A_2319, %jit3A_2320 : i32
        %ne3A_2338 = arith.constant 0 : i32
        %ne3A_2339 = arith.cmpi ne, %rem3A_2337, %ne3A_2338 : i32
        %and3A_2340 = arith.andi %ne3A_2336, %ne3A_2339 : i1
        %sub3A_2341 = arith.constant 1 : i32
        %sub3A_2342 = arith.subi %div3A_2321, %sub3A_2341 : i32
        %select_n3A_2343 = arith.select %and3A_2340, %sub3A_2342, %div3A_2321 : i32
        %jit3A_2344 = arith.constant 128 : i32
        %eq3A_2345 = arith.constant 0 : i32
        %eq3A_2346 = arith.cmpi eq, %jit3A_2344, %eq3A_2345 : i32
        %jit3A_2347 = arith.constant 1 : i32
        %select_n3A_2348 = arith.select %eq3A_2346, %jit3A_2347, %jit3A_2344 : i32
        %rem3A_2349 = arith.remsi %add3A_2319, %select_n3A_2348 : i32
        %ne3A_2350 = arith.constant 0 : i32
        %ne3A_2351 = arith.cmpi ne, %rem3A_2349, %ne3A_2350 : i32
        %lt3A_2352 = arith.constant 0 : i32
        %lt3A_2353 = arith.cmpi slt, %rem3A_2349, %lt3A_2352 : i32
        %lt3A_2354 = arith.constant 0 : i32
        %lt3A_2355 = arith.cmpi slt, %select_n3A_2348, %lt3A_2354 : i32
        %ne3A_2356 = arith.xori %lt3A_2353, %lt3A_2355 : i1
        %and3A_2357 = arith.andi %ne3A_2356, %ne3A_2351 : i1
        %add3A_2358 = arith.addi %rem3A_2349, %select_n3A_2348 : i32
        %select_n3A_2359 = arith.select %and3A_2357, %add3A_2358, %rem3A_2349 : i32
        %dma_wait3A_2360 = arith.constant 4 : i32
        %dma_wait3A_2361 = arith.constant 32 : i32
        %dma_wait3A_2362 = arith.constant 0 : i32
        %dma_wait3A_2363 = tpu.memref_slice %arg9[%dma_wait3A_2361, %dma_wait3A_2362] : memref<64x129xf32, #tpu.memory_space<vmem>> -> memref<8x128xf32, #tpu.memory_space<vmem>>
        %dma_wait3A_2364 = arith.constant 0 : i32
        %dma_wait3A_2365 = arith.constant 0 : i32
        %dma_wait3A_2366 = tpu.memref_slice %arg4[%select_n3A_2343, %dma_wait3A_2360, %select_n3A_2359, %dma_wait3A_2364, %dma_wait3A_2365] : memref<50x8x128x8x128xf32, #tpu.memory_space<hbm>> -> memref<1x1x1x8x128xf32, #tpu.memory_space<hbm>>
        %dma_wait3A_2367 = tpu.memref_squeeze %dma_wait3A_2366 : memref<1x1x1x8x128xf32, #tpu.memory_space<hbm>> -> memref<8x128xf32, #tpu.memory_space<hbm>>
        %dma_wait3A_2368 = arith.constant 0 : i32
        %dma_wait3A_2369 = arith.constant 0 : i32
        %dma_wait3A_2370 = tpu.memref_slice %arg4[%select_n3A_2343, %dma_wait3A_2360, %select_n3A_2359, %dma_wait3A_2368, %dma_wait3A_2369] : memref<50x8x128x8x128xf32, #tpu.memory_space<hbm>> -> memref<1x1x1x8x128xf32, #tpu.memory_space<hbm>>
        %dma_wait3A_2371 = tpu.memref_squeeze %dma_wait3A_2370 : memref<1x1x1x8x128xf32, #tpu.memory_space<hbm>> -> memref<8x128xf32, #tpu.memory_space<hbm>>
        %dma_wait3A_2372 = arith.constant 32 : i32
        %dma_wait3A_2373 = arith.constant 0 : i32
        %dma_wait3A_2374 = tpu.memref_slice %arg9[%dma_wait3A_2372, %dma_wait3A_2373] : memref<64x129xf32, #tpu.memory_space<vmem>> -> memref<8x128xf32, #tpu.memory_space<vmem>>
        tpu.wait_dma2 semaphore(%arg15 : memref<!tpu.dma_semaphore, #tpu.memory_space<semaphore_mem>>) src(%dma_wait3A_2374 : memref<8x128xf32, #tpu.memory_space<vmem>>) dst(%dma_wait3A_2371 : memref<8x128xf32, #tpu.memory_space<hbm>>)
        %sub3A_2375 = arith.constant 2 : i32
        %sub3A_2376 = arith.subi %add3A_1004, %sub3A_2375 : i32
        %mul3A_2377 = arith.constant 200 : i32
        %mul3A_2378 = arith.muli %add3A, %mul3A_2377 : i32
        %add3A_2379 = arith.addi %mul3A_2378, %sub3A_2376 : i32
        %jit3A_2380 = arith.constant 128 : i32
        %div3A_2381 = arith.divsi %add3A_2379, %jit3A_2380 : i32
        %sign3A_2382 = arith.constant 0 : i32
        %sign3A_2383 = arith.cmpi sgt, %add3A_2379, %sign3A_2382 : i32
        %sign3A_2384 = arith.extui %sign3A_2383 : i1 to i32
        %sign3A_2385 = arith.constant 0 : i32
        %sign3A_2386 = arith.cmpi slt, %add3A_2379, %sign3A_2385 : i32
        %sign3A_2387 = arith.extui %sign3A_2386 : i1 to i32
        %sign3A_2388 = arith.subi %sign3A_2384, %sign3A_2387 : i32
        %sign3A_2389 = arith.constant 0 : i32
        %sign3A_2390 = arith.cmpi sgt, %jit3A_2380, %sign3A_2389 : i32
        %sign3A_2391 = arith.extui %sign3A_2390 : i1 to i32
        %sign3A_2392 = arith.constant 0 : i32
        %sign3A_2393 = arith.cmpi slt, %jit3A_2380, %sign3A_2392 : i32
        %sign3A_2394 = arith.extui %sign3A_2393 : i1 to i32
        %sign3A_2395 = arith.subi %sign3A_2391, %sign3A_2394 : i32
        %ne3A_2396 = arith.cmpi ne, %sign3A_2388, %sign3A_2395 : i32
        %rem3A_2397 = arith.remsi %add3A_2379, %jit3A_2380 : i32
        %ne3A_2398 = arith.constant 0 : i32
        %ne3A_2399 = arith.cmpi ne, %rem3A_2397, %ne3A_2398 : i32
        %and3A_2400 = arith.andi %ne3A_2396, %ne3A_2399 : i1
        %sub3A_2401 = arith.constant 1 : i32
        %sub3A_2402 = arith.subi %div3A_2381, %sub3A_2401 : i32
        %select_n3A_2403 = arith.select %and3A_2400, %sub3A_2402, %div3A_2381 : i32
        %jit3A_2404 = arith.constant 128 : i32
        %eq3A_2405 = arith.constant 0 : i32
        %eq3A_2406 = arith.cmpi eq, %jit3A_2404, %eq3A_2405 : i32
        %jit3A_2407 = arith.constant 1 : i32
        %select_n3A_2408 = arith.select %eq3A_2406, %jit3A_2407, %jit3A_2404 : i32
        %rem3A_2409 = arith.remsi %add3A_2379, %select_n3A_2408 : i32
        %ne3A_2410 = arith.constant 0 : i32
        %ne3A_2411 = arith.cmpi ne, %rem3A_2409, %ne3A_2410 : i32
        %lt3A_2412 = arith.constant 0 : i32
        %lt3A_2413 = arith.cmpi slt, %rem3A_2409, %lt3A_2412 : i32
        %lt3A_2414 = arith.constant 0 : i32
        %lt3A_2415 = arith.cmpi slt, %select_n3A_2408, %lt3A_2414 : i32
        %ne3A_2416 = arith.xori %lt3A_2413, %lt3A_2415 : i1
        %and3A_2417 = arith.andi %ne3A_2416, %ne3A_2411 : i1
        %add3A_2418 = arith.addi %rem3A_2409, %select_n3A_2408 : i32
        %select_n3A_2419 = arith.select %and3A_2417, %add3A_2418, %rem3A_2409 : i32
        %dma_wait3A_2420 = arith.constant 5 : i32
        %dma_wait3A_2421 = arith.constant 40 : i32
        %dma_wait3A_2422 = arith.constant 0 : i32
        %dma_wait3A_2423 = tpu.memref_slice %arg9[%dma_wait3A_2421, %dma_wait3A_2422] : memref<64x129xf32, #tpu.memory_space<vmem>> -> memref<8x128xf32, #tpu.memory_space<vmem>>
        %dma_wait3A_2424 = arith.constant 0 : i32
        %dma_wait3A_2425 = arith.constant 0 : i32
        %dma_wait3A_2426 = tpu.memref_slice %arg4[%select_n3A_2403, %dma_wait3A_2420, %select_n3A_2419, %dma_wait3A_2424, %dma_wait3A_2425] : memref<50x8x128x8x128xf32, #tpu.memory_space<hbm>> -> memref<1x1x1x8x128xf32, #tpu.memory_space<hbm>>
        %dma_wait3A_2427 = tpu.memref_squeeze %dma_wait3A_2426 : memref<1x1x1x8x128xf32, #tpu.memory_space<hbm>> -> memref<8x128xf32, #tpu.memory_space<hbm>>
        %dma_wait3A_2428 = arith.constant 0 : i32
        %dma_wait3A_2429 = arith.constant 0 : i32
        %dma_wait3A_2430 = tpu.memref_slice %arg4[%select_n3A_2403, %dma_wait3A_2420, %select_n3A_2419, %dma_wait3A_2428, %dma_wait3A_2429] : memref<50x8x128x8x128xf32, #tpu.memory_space<hbm>> -> memref<1x1x1x8x128xf32, #tpu.memory_space<hbm>>
        %dma_wait3A_2431 = tpu.memref_squeeze %dma_wait3A_2430 : memref<1x1x1x8x128xf32, #tpu.memory_space<hbm>> -> memref<8x128xf32, #tpu.memory_space<hbm>>
        %dma_wait3A_2432 = arith.constant 40 : i32
        %dma_wait3A_2433 = arith.constant 0 : i32
        %dma_wait3A_2434 = tpu.memref_slice %arg9[%dma_wait3A_2432, %dma_wait3A_2433] : memref<64x129xf32, #tpu.memory_space<vmem>> -> memref<8x128xf32, #tpu.memory_space<vmem>>
        tpu.wait_dma2 semaphore(%arg15 : memref<!tpu.dma_semaphore, #tpu.memory_space<semaphore_mem>>) src(%dma_wait3A_2434 : memref<8x128xf32, #tpu.memory_space<vmem>>) dst(%dma_wait3A_2431 : memref<8x128xf32, #tpu.memory_space<hbm>>)
        %sub3A_2435 = arith.constant 2 : i32
        %sub3A_2436 = arith.subi %add3A_1004, %sub3A_2435 : i32
        %mul3A_2437 = arith.constant 200 : i32
        %mul3A_2438 = arith.muli %add3A, %mul3A_2437 : i32
        %add3A_2439 = arith.addi %mul3A_2438, %sub3A_2436 : i32
        %jit3A_2440 = arith.constant 128 : i32
        %div3A_2441 = arith.divsi %add3A_2439, %jit3A_2440 : i32
        %sign3A_2442 = arith.constant 0 : i32
        %sign3A_2443 = arith.cmpi sgt, %add3A_2439, %sign3A_2442 : i32
        %sign3A_2444 = arith.extui %sign3A_2443 : i1 to i32
        %sign3A_2445 = arith.constant 0 : i32
        %sign3A_2446 = arith.cmpi slt, %add3A_2439, %sign3A_2445 : i32
        %sign3A_2447 = arith.extui %sign3A_2446 : i1 to i32
        %sign3A_2448 = arith.subi %sign3A_2444, %sign3A_2447 : i32
        %sign3A_2449 = arith.constant 0 : i32
        %sign3A_2450 = arith.cmpi sgt, %jit3A_2440, %sign3A_2449 : i32
        %sign3A_2451 = arith.extui %sign3A_2450 : i1 to i32
        %sign3A_2452 = arith.constant 0 : i32
        %sign3A_2453 = arith.cmpi slt, %jit3A_2440, %sign3A_2452 : i32
        %sign3A_2454 = arith.extui %sign3A_2453 : i1 to i32
        %sign3A_2455 = arith.subi %sign3A_2451, %sign3A_2454 : i32
        %ne3A_2456 = arith.cmpi ne, %sign3A_2448, %sign3A_2455 : i32
        %rem3A_2457 = arith.remsi %add3A_2439, %jit3A_2440 : i32
        %ne3A_2458 = arith.constant 0 : i32
        %ne3A_2459 = arith.cmpi ne, %rem3A_2457, %ne3A_2458 : i32
        %and3A_2460 = arith.andi %ne3A_2456, %ne3A_2459 : i1
        %sub3A_2461 = arith.constant 1 : i32
        %sub3A_2462 = arith.subi %div3A_2441, %sub3A_2461 : i32
        %select_n3A_2463 = arith.select %and3A_2460, %sub3A_2462, %div3A_2441 : i32
        %jit3A_2464 = arith.constant 128 : i32
        %eq3A_2465 = arith.constant 0 : i32
        %eq3A_2466 = arith.cmpi eq, %jit3A_2464, %eq3A_2465 : i32
        %jit3A_2467 = arith.constant 1 : i32
        %select_n3A_2468 = arith.select %eq3A_2466, %jit3A_2467, %jit3A_2464 : i32
        %rem3A_2469 = arith.remsi %add3A_2439, %select_n3A_2468 : i32
        %ne3A_2470 = arith.constant 0 : i32
        %ne3A_2471 = arith.cmpi ne, %rem3A_2469, %ne3A_2470 : i32
        %lt3A_2472 = arith.constant 0 : i32
        %lt3A_2473 = arith.cmpi slt, %rem3A_2469, %lt3A_2472 : i32
        %lt3A_2474 = arith.constant 0 : i32
        %lt3A_2475 = arith.cmpi slt, %select_n3A_2468, %lt3A_2474 : i32
        %ne3A_2476 = arith.xori %lt3A_2473, %lt3A_2475 : i1
        %and3A_2477 = arith.andi %ne3A_2476, %ne3A_2471 : i1
        %add3A_2478 = arith.addi %rem3A_2469, %select_n3A_2468 : i32
        %select_n3A_2479 = arith.select %and3A_2477, %add3A_2478, %rem3A_2469 : i32
        %dma_wait3A_2480 = arith.constant 6 : i32
        %dma_wait3A_2481 = arith.constant 48 : i32
        %dma_wait3A_2482 = arith.constant 0 : i32
        %dma_wait3A_2483 = tpu.memref_slice %arg9[%dma_wait3A_2481, %dma_wait3A_2482] : memref<64x129xf32, #tpu.memory_space<vmem>> -> memref<8x128xf32, #tpu.memory_space<vmem>>
        %dma_wait3A_2484 = arith.constant 0 : i32
        %dma_wait3A_2485 = arith.constant 0 : i32
        %dma_wait3A_2486 = tpu.memref_slice %arg4[%select_n3A_2463, %dma_wait3A_2480, %select_n3A_2479, %dma_wait3A_2484, %dma_wait3A_2485] : memref<50x8x128x8x128xf32, #tpu.memory_space<hbm>> -> memref<1x1x1x8x128xf32, #tpu.memory_space<hbm>>
        %dma_wait3A_2487 = tpu.memref_squeeze %dma_wait3A_2486 : memref<1x1x1x8x128xf32, #tpu.memory_space<hbm>> -> memref<8x128xf32, #tpu.memory_space<hbm>>
        %dma_wait3A_2488 = arith.constant 0 : i32
        %dma_wait3A_2489 = arith.constant 0 : i32
        %dma_wait3A_2490 = tpu.memref_slice %arg4[%select_n3A_2463, %dma_wait3A_2480, %select_n3A_2479, %dma_wait3A_2488, %dma_wait3A_2489] : memref<50x8x128x8x128xf32, #tpu.memory_space<hbm>> -> memref<1x1x1x8x128xf32, #tpu.memory_space<hbm>>
        %dma_wait3A_2491 = tpu.memref_squeeze %dma_wait3A_2490 : memref<1x1x1x8x128xf32, #tpu.memory_space<hbm>> -> memref<8x128xf32, #tpu.memory_space<hbm>>
        %dma_wait3A_2492 = arith.constant 48 : i32
        %dma_wait3A_2493 = arith.constant 0 : i32
        %dma_wait3A_2494 = tpu.memref_slice %arg9[%dma_wait3A_2492, %dma_wait3A_2493] : memref<64x129xf32, #tpu.memory_space<vmem>> -> memref<8x128xf32, #tpu.memory_space<vmem>>
        tpu.wait_dma2 semaphore(%arg15 : memref<!tpu.dma_semaphore, #tpu.memory_space<semaphore_mem>>) src(%dma_wait3A_2494 : memref<8x128xf32, #tpu.memory_space<vmem>>) dst(%dma_wait3A_2491 : memref<8x128xf32, #tpu.memory_space<hbm>>)
        %sub3A_2495 = arith.constant 2 : i32
        %sub3A_2496 = arith.subi %add3A_1004, %sub3A_2495 : i32
        %mul3A_2497 = arith.constant 200 : i32
        %mul3A_2498 = arith.muli %add3A, %mul3A_2497 : i32
        %add3A_2499 = arith.addi %mul3A_2498, %sub3A_2496 : i32
        %jit3A_2500 = arith.constant 128 : i32
        %div3A_2501 = arith.divsi %add3A_2499, %jit3A_2500 : i32
        %sign3A_2502 = arith.constant 0 : i32
        %sign3A_2503 = arith.cmpi sgt, %add3A_2499, %sign3A_2502 : i32
        %sign3A_2504 = arith.extui %sign3A_2503 : i1 to i32
        %sign3A_2505 = arith.constant 0 : i32
        %sign3A_2506 = arith.cmpi slt, %add3A_2499, %sign3A_2505 : i32
        %sign3A_2507 = arith.extui %sign3A_2506 : i1 to i32
        %sign3A_2508 = arith.subi %sign3A_2504, %sign3A_2507 : i32
        %sign3A_2509 = arith.constant 0 : i32
        %sign3A_2510 = arith.cmpi sgt, %jit3A_2500, %sign3A_2509 : i32
        %sign3A_2511 = arith.extui %sign3A_2510 : i1 to i32
        %sign3A_2512 = arith.constant 0 : i32
        %sign3A_2513 = arith.cmpi slt, %jit3A_2500, %sign3A_2512 : i32
        %sign3A_2514 = arith.extui %sign3A_2513 : i1 to i32
        %sign3A_2515 = arith.subi %sign3A_2511, %sign3A_2514 : i32
        %ne3A_2516 = arith.cmpi ne, %sign3A_2508, %sign3A_2515 : i32
        %rem3A_2517 = arith.remsi %add3A_2499, %jit3A_2500 : i32
        %ne3A_2518 = arith.constant 0 : i32
        %ne3A_2519 = arith.cmpi ne, %rem3A_2517, %ne3A_2518 : i32
        %and3A_2520 = arith.andi %ne3A_2516, %ne3A_2519 : i1
        %sub3A_2521 = arith.constant 1 : i32
        %sub3A_2522 = arith.subi %div3A_2501, %sub3A_2521 : i32
        %select_n3A_2523 = arith.select %and3A_2520, %sub3A_2522, %div3A_2501 : i32
        %jit3A_2524 = arith.constant 128 : i32
        %eq3A_2525 = arith.constant 0 : i32
        %eq3A_2526 = arith.cmpi eq, %jit3A_2524, %eq3A_2525 : i32
        %jit3A_2527 = arith.constant 1 : i32
        %select_n3A_2528 = arith.select %eq3A_2526, %jit3A_2527, %jit3A_2524 : i32
        %rem3A_2529 = arith.remsi %add3A_2499, %select_n3A_2528 : i32
        %ne3A_2530 = arith.constant 0 : i32
        %ne3A_2531 = arith.cmpi ne, %rem3A_2529, %ne3A_2530 : i32
        %lt3A_2532 = arith.constant 0 : i32
        %lt3A_2533 = arith.cmpi slt, %rem3A_2529, %lt3A_2532 : i32
        %lt3A_2534 = arith.constant 0 : i32
        %lt3A_2535 = arith.cmpi slt, %select_n3A_2528, %lt3A_2534 : i32
        %ne3A_2536 = arith.xori %lt3A_2533, %lt3A_2535 : i1
        %and3A_2537 = arith.andi %ne3A_2536, %ne3A_2531 : i1
        %add3A_2538 = arith.addi %rem3A_2529, %select_n3A_2528 : i32
        %select_n3A_2539 = arith.select %and3A_2537, %add3A_2538, %rem3A_2529 : i32
        %dma_wait3A_2540 = arith.constant 7 : i32
        %dma_wait3A_2541 = arith.constant 56 : i32
        %dma_wait3A_2542 = arith.constant 0 : i32
        %dma_wait3A_2543 = tpu.memref_slice %arg9[%dma_wait3A_2541, %dma_wait3A_2542] : memref<64x129xf32, #tpu.memory_space<vmem>> -> memref<8x128xf32, #tpu.memory_space<vmem>>
        %dma_wait3A_2544 = arith.constant 0 : i32
        %dma_wait3A_2545 = arith.constant 0 : i32
        %dma_wait3A_2546 = tpu.memref_slice %arg4[%select_n3A_2523, %dma_wait3A_2540, %select_n3A_2539, %dma_wait3A_2544, %dma_wait3A_2545] : memref<50x8x128x8x128xf32, #tpu.memory_space<hbm>> -> memref<1x1x1x8x128xf32, #tpu.memory_space<hbm>>
        %dma_wait3A_2547 = tpu.memref_squeeze %dma_wait3A_2546 : memref<1x1x1x8x128xf32, #tpu.memory_space<hbm>> -> memref<8x128xf32, #tpu.memory_space<hbm>>
        %dma_wait3A_2548 = arith.constant 0 : i32
        %dma_wait3A_2549 = arith.constant 0 : i32
        %dma_wait3A_2550 = tpu.memref_slice %arg4[%select_n3A_2523, %dma_wait3A_2540, %select_n3A_2539, %dma_wait3A_2548, %dma_wait3A_2549] : memref<50x8x128x8x128xf32, #tpu.memory_space<hbm>> -> memref<1x1x1x8x128xf32, #tpu.memory_space<hbm>>
        %dma_wait3A_2551 = tpu.memref_squeeze %dma_wait3A_2550 : memref<1x1x1x8x128xf32, #tpu.memory_space<hbm>> -> memref<8x128xf32, #tpu.memory_space<hbm>>
        %dma_wait3A_2552 = arith.constant 56 : i32
        %dma_wait3A_2553 = arith.constant 0 : i32
        %dma_wait3A_2554 = tpu.memref_slice %arg9[%dma_wait3A_2552, %dma_wait3A_2553] : memref<64x129xf32, #tpu.memory_space<vmem>> -> memref<8x128xf32, #tpu.memory_space<vmem>>
        tpu.wait_dma2 semaphore(%arg15 : memref<!tpu.dma_semaphore, #tpu.memory_space<semaphore_mem>>) src(%dma_wait3A_2554 : memref<8x128xf32, #tpu.memory_space<vmem>>) dst(%dma_wait3A_2551 : memref<8x128xf32, #tpu.memory_space<hbm>>)
      } else {
      }
      %parallel_loop3A = arith.constant 0 : i32
      %parallel_loop3A_1070 = arith.constant 128 : i32
      %parallel_loop3A_1071 = arith.constant 1 : i32
      scf.for %parallel_loop3A_2075 = %parallel_loop3A to %parallel_loop3A_1070 step %parallel_loop3A_1071  : i32 {
        %parallel_loop3A_2076 = vector.broadcast %parallel_loop3A_2075 : i32 to vector<16xi32>
        %parallel_loop3A_2077 = arith.index_cast %parallel_loop3A_2075 : i32 to index
        %parallel_loop3A_2078 = arith.constant 0 : index
        %parallel_loop3A_2079 = tpu.vector_load %arg7[%parallel_loop3A_2077, %parallel_loop3A_2078] {strides = array<i32>} : memref<128x64xf32, #tpu.memory_space<vmem>>, vector<16xf32>,
        tpu.vector_store_idx %arg9[%add3A_3, %parallel_loop3A_2076], %parallel_loop3A_2079 : memref<64x129xf32, #tpu.memory_space<vmem>>[vector<16xi32>, vector<16xi32>], vector<16xf32>,
        %parallel_loop3A_2080 = arith.index_cast %parallel_loop3A_2075 : i32 to index
        %parallel_loop3A_2081 = arith.constant 16 : index
        %parallel_loop3A_2082 = tpu.vector_load %arg7[%parallel_loop3A_2080, %parallel_loop3A_2081] {strides = array<i32>} : memref<128x64xf32, #tpu.memory_space<vmem>>, vector<16xf32>,
        tpu.vector_store_idx %arg9[%add3A_6, %parallel_loop3A_2076], %parallel_loop3A_2082 : memref<64x129xf32, #tpu.memory_space<vmem>>[vector<16xi32>, vector<16xi32>], vector<16xf32>,
        %parallel_loop3A_2083 = arith.index_cast %parallel_loop3A_2075 : i32 to index
        %parallel_loop3A_2084 = arith.constant 32 : index
        %parallel_loop3A_2085 = tpu.vector_load %arg7[%parallel_loop3A_2083, %parallel_loop3A_2084] {strides = array<i32>} : memref<128x64xf32, #tpu.memory_space<vmem>>, vector<16xf32>,
        tpu.vector_store_idx %arg9[%add3A_9, %parallel_loop3A_2076], %parallel_loop3A_2085 : memref<64x129xf32, #tpu.memory_space<vmem>>[vector<16xi32>, vector<16xi32>], vector<16xf32>,
        %parallel_loop3A_2086 = arith.index_cast %parallel_loop3A_2075 : i32 to index
        %parallel_loop3A_2087 = arith.constant 48 : index
        %parallel_loop3A_2088 = tpu.vector_load %arg7[%parallel_loop3A_2086, %parallel_loop3A_2087] {strides = array<i32>} : memref<128x64xf32, #tpu.memory_space<vmem>>, vector<16xf32>,
        tpu.vector_store_idx %arg9[%add3A_12, %parallel_loop3A_2076], %parallel_loop3A_2088 : memref<64x129xf32, #tpu.memory_space<vmem>>[vector<16xi32>, vector<16xi32>], vector<16xf32>,
      } {sc.loop_unroll_factor = 8 : i64, sc.parallel_access}
      %mul3A_1072 = arith.constant 200 : i32
      %mul3A_1073 = arith.muli %add3A, %mul3A_1072 : i32
      %add3A_1074 = arith.addi %mul3A_1073, %add3A_1004 : i32
      %jit3A_1075 = arith.constant 128 : i32
      %div3A_1076 = arith.divsi %add3A_1074, %jit3A_1075 : i32
      %sign3A_1077 = arith.constant 0 : i32
      %sign3A_1078 = arith.cmpi sgt, %add3A_1074, %sign3A_1077 : i32
      %sign3A_1079 = arith.extui %sign3A_1078 : i1 to i32
      %sign3A_1080 = arith.constant 0 : i32
      %sign3A_1081 = arith.cmpi slt, %add3A_1074, %sign3A_1080 : i32
      %sign3A_1082 = arith.extui %sign3A_1081 : i1 to i32
      %sign3A_1083 = arith.subi %sign3A_1079, %sign3A_1082 : i32
      %sign3A_1084 = arith.constant 0 : i32
      %sign3A_1085 = arith.cmpi sgt, %jit3A_1075, %sign3A_1084 : i32
      %sign3A_1086 = arith.extui %sign3A_1085 : i1 to i32
      %sign3A_1087 = arith.constant 0 : i32
      %sign3A_1088 = arith.cmpi slt, %jit3A_1075, %sign3A_1087 : i32
      %sign3A_1089 = arith.extui %sign3A_1088 : i1 to i32
      %sign3A_1090 = arith.subi %sign3A_1086, %sign3A_1089 : i32
      %ne3A_1091 = arith.cmpi ne, %sign3A_1083, %sign3A_1090 : i32
      %rem3A_1092 = arith.remsi %add3A_1074, %jit3A_1075 : i32
      %ne3A_1093 = arith.constant 0 : i32
      %ne3A_1094 = arith.cmpi ne, %rem3A_1092, %ne3A_1093 : i32
      %and3A_1095 = arith.andi %ne3A_1091, %ne3A_1094 : i1
      %sub3A_1096 = arith.constant 1 : i32
      %sub3A_1097 = arith.subi %div3A_1076, %sub3A_1096 : i32
      %select_n3A_1098 = arith.select %and3A_1095, %sub3A_1097, %div3A_1076 : i32
      %jit3A_1099 = arith.constant 128 : i32
      %eq3A_1100 = arith.constant 0 : i32
      %eq3A_1101 = arith.cmpi eq, %jit3A_1099, %eq3A_1100 : i32
      %jit3A_1102 = arith.constant 1 : i32
      %select_n3A_1103 = arith.select %eq3A_1101, %jit3A_1102, %jit3A_1099 : i32
      %rem3A_1104 = arith.remsi %add3A_1074, %select_n3A_1103 : i32
      %ne3A_1105 = arith.constant 0 : i32
      %ne3A_1106 = arith.cmpi ne, %rem3A_1104, %ne3A_1105 : i32
      %lt3A_1107 = arith.constant 0 : i32
      %lt3A_1108 = arith.cmpi slt, %rem3A_1104, %lt3A_1107 : i32
      %lt3A_1109 = arith.constant 0 : i32
      %lt3A_1110 = arith.cmpi slt, %select_n3A_1103, %lt3A_1109 : i32
      %ne3A_1111 = arith.xori %lt3A_1108, %lt3A_1110 : i1
      %and3A_1112 = arith.andi %ne3A_1111, %ne3A_1106 : i1
      %add3A_1113 = arith.addi %rem3A_1104, %select_n3A_1103 : i32
      %select_n3A_1114 = arith.select %and3A_1112, %add3A_1113, %rem3A_1104 : i32
      %dma_start3A_1115 = arith.constant 0 : i32
      %dma_start3A_1116 = arith.constant 0 : i32
      %dma_start3A_1117 = arith.constant 0 : i32
      %dma_start3A_1118 = tpu.memref_slice %arg9[%dma_start3A_1116, %dma_start3A_1117] : memref<64x129xf32, #tpu.memory_space<vmem>> -> memref<8x128xf32, #tpu.memory_space<vmem>>
      %dma_start3A_1119 = arith.constant 0 : i32
      %dma_start3A_1120 = arith.constant 0 : i32
      %dma_start3A_1121 = tpu.memref_slice %arg4[%select_n3A_1098, %dma_start3A_1115, %select_n3A_1114, %dma_start3A_1119, %dma_start3A_1120] : memref<50x8x128x8x128xf32, #tpu.memory_space<hbm>> -> memref<1x1x1x8x128xf32, #tpu.memory_space<hbm>>
      %dma_start3A_1122 = tpu.memref_squeeze %dma_start3A_1121 : memref<1x1x1x8x128xf32, #tpu.memory_space<hbm>> -> memref<8x128xf32, #tpu.memory_space<hbm>>
      %dma_start3A_1123 = arith.constant 0 : i32
      %dma_start3A_1124 = arith.constant 0 : i32
      %dma_start3A_1125 = tpu.memref_slice %arg4[%select_n3A_1098, %dma_start3A_1115, %select_n3A_1114, %dma_start3A_1123, %dma_start3A_1124] : memref<50x8x128x8x128xf32, #tpu.memory_space<hbm>> -> memref<1x1x1x8x128xf32, #tpu.memory_space<hbm>>
      %dma_start3A_1126 = tpu.memref_squeeze %dma_start3A_1125 : memref<1x1x1x8x128xf32, #tpu.memory_space<hbm>> -> memref<8x128xf32, #tpu.memory_space<hbm>>
      %dma_start3A_1127 = arith.constant 0 : i32
      %dma_start3A_1128 = arith.constant 0 : i32
      %dma_start3A_1129 = tpu.memref_slice %arg9[%dma_start3A_1127, %dma_start3A_1128] : memref<64x129xf32, #tpu.memory_space<vmem>> -> memref<8x128xf32, #tpu.memory_space<vmem>>
      tpu.enqueue_dma source(%dma_start3A_1129 : memref<8x128xf32, #tpu.memory_space<vmem>>) target(%dma_start3A_1126 : memref<8x128xf32, #tpu.memory_space<hbm>>) target_semaphore(%arg15 : memref<!tpu.dma_semaphore, #tpu.memory_space<semaphore_mem>>)
      %mul3A_1130 = arith.constant 200 : i32
      %mul3A_1131 = arith.muli %add3A, %mul3A_1130 : i32
      %add3A_1132 = arith.addi %mul3A_1131, %add3A_1004 : i32
      %jit3A_1133 = arith.constant 128 : i32
      %div3A_1134 = arith.divsi %add3A_1132, %jit3A_1133 : i32
      %sign3A_1135 = arith.constant 0 : i32
      %sign3A_1136 = arith.cmpi sgt, %add3A_1132, %sign3A_1135 : i32
      %sign3A_1137 = arith.extui %sign3A_1136 : i1 to i32
      %sign3A_1138 = arith.constant 0 : i32
      %sign3A_1139 = arith.cmpi slt, %add3A_1132, %sign3A_1138 : i32
      %sign3A_1140 = arith.extui %sign3A_1139 : i1 to i32
      %sign3A_1141 = arith.subi %sign3A_1137, %sign3A_1140 : i32
      %sign3A_1142 = arith.constant 0 : i32
      %sign3A_1143 = arith.cmpi sgt, %jit3A_1133, %sign3A_1142 : i32
      %sign3A_1144 = arith.extui %sign3A_1143 : i1 to i32
      %sign3A_1145 = arith.constant 0 : i32
      %sign3A_1146 = arith.cmpi slt, %jit3A_1133, %sign3A_1145 : i32
      %sign3A_1147 = arith.extui %sign3A_1146 : i1 to i32
      %sign3A_1148 = arith.subi %sign3A_1144, %sign3A_1147 : i32
      %ne3A_1149 = arith.cmpi ne, %sign3A_1141, %sign3A_1148 : i32
      %rem3A_1150 = arith.remsi %add3A_1132, %jit3A_1133 : i32
      %ne3A_1151 = arith.constant 0 : i32
      %ne3A_1152 = arith.cmpi ne, %rem3A_1150, %ne3A_1151 : i32
      %and3A_1153 = arith.andi %ne3A_1149, %ne3A_1152 : i1
      %sub3A_1154 = arith.constant 1 : i32
      %sub3A_1155 = arith.subi %div3A_1134, %sub3A_1154 : i32
      %select_n3A_1156 = arith.select %and3A_1153, %sub3A_1155, %div3A_1134 : i32
      %jit3A_1157 = arith.constant 128 : i32
      %eq3A_1158 = arith.constant 0 : i32
      %eq3A_1159 = arith.cmpi eq, %jit3A_1157, %eq3A_1158 : i32
      %jit3A_1160 = arith.constant 1 : i32
      %select_n3A_1161 = arith.select %eq3A_1159, %jit3A_1160, %jit3A_1157 : i32
      %rem3A_1162 = arith.remsi %add3A_1132, %select_n3A_1161 : i32
      %ne3A_1163 = arith.constant 0 : i32
      %ne3A_1164 = arith.cmpi ne, %rem3A_1162, %ne3A_1163 : i32
      %lt3A_1165 = arith.constant 0 : i32
      %lt3A_1166 = arith.cmpi slt, %rem3A_1162, %lt3A_1165 : i32
      %lt3A_1167 = arith.constant 0 : i32
      %lt3A_1168 = arith.cmpi slt, %select_n3A_1161, %lt3A_1167 : i32
      %ne3A_1169 = arith.xori %lt3A_1166, %lt3A_1168 : i1
      %and3A_1170 = arith.andi %ne3A_1169, %ne3A_1164 : i1
      %add3A_1171 = arith.addi %rem3A_1162, %select_n3A_1161 : i32
      %select_n3A_1172 = arith.select %and3A_1170, %add3A_1171, %rem3A_1162 : i32
      %dma_start3A_1173 = arith.constant 1 : i32
      %dma_start3A_1174 = arith.constant 8 : i32
      %dma_start3A_1175 = arith.constant 0 : i32
      %dma_start3A_1176 = tpu.memref_slice %arg9[%dma_start3A_1174, %dma_start3A_1175] : memref<64x129xf32, #tpu.memory_space<vmem>> -> memref<8x128xf32, #tpu.memory_space<vmem>>
      %dma_start3A_1177 = arith.constant 0 : i32
      %dma_start3A_1178 = arith.constant 0 : i32
      %dma_start3A_1179 = tpu.memref_slice %arg4[%select_n3A_1156, %dma_start3A_1173, %select_n3A_1172, %dma_start3A_1177, %dma_start3A_1178] : memref<50x8x128x8x128xf32, #tpu.memory_space<hbm>> -> memref<1x1x1x8x128xf32, #tpu.memory_space<hbm>>
      %dma_start3A_1180 = tpu.memref_squeeze %dma_start3A_1179 : memref<1x1x1x8x128xf32, #tpu.memory_space<hbm>> -> memref<8x128xf32, #tpu.memory_space<hbm>>
      %dma_start3A_1181 = arith.constant 0 : i32
      %dma_start3A_1182 = arith.constant 0 : i32
      %dma_start3A_1183 = tpu.memref_slice %arg4[%select_n3A_1156, %dma_start3A_1173, %select_n3A_1172, %dma_start3A_1181, %dma_start3A_1182] : memref<50x8x128x8x128xf32, #tpu.memory_space<hbm>> -> memref<1x1x1x8x128xf32, #tpu.memory_space<hbm>>
      %dma_start3A_1184 = tpu.memref_squeeze %dma_start3A_1183 : memref<1x1x1x8x128xf32, #tpu.memory_space<hbm>> -> memref<8x128xf32, #tpu.memory_space<hbm>>
      %dma_start3A_1185 = arith.constant 8 : i32
      %dma_start3A_1186 = arith.constant 0 : i32
      %dma_start3A_1187 = tpu.memref_slice %arg9[%dma_start3A_1185, %dma_start3A_1186] : memref<64x129xf32, #tpu.memory_space<vmem>> -> memref<8x128xf32, #tpu.memory_space<vmem>>
      tpu.enqueue_dma source(%dma_start3A_1187 : memref<8x128xf32, #tpu.memory_space<vmem>>) target(%dma_start3A_1184 : memref<8x128xf32, #tpu.memory_space<hbm>>) target_semaphore(%arg15 : memref<!tpu.dma_semaphore, #tpu.memory_space<semaphore_mem>>)
      %mul3A_1188 = arith.constant 200 : i32
      %mul3A_1189 = arith.muli %add3A, %mul3A_1188 : i32
      %add3A_1190 = arith.addi %mul3A_1189, %add3A_1004 : i32
      %jit3A_1191 = arith.constant 128 : i32
      %div3A_1192 = arith.divsi %add3A_1190, %jit3A_1191 : i32
      %sign3A_1193 = arith.constant 0 : i32
      %sign3A_1194 = arith.cmpi sgt, %add3A_1190, %sign3A_1193 : i32
      %sign3A_1195 = arith.extui %sign3A_1194 : i1 to i32
      %sign3A_1196 = arith.constant 0 : i32
      %sign3A_1197 = arith.cmpi slt, %add3A_1190, %sign3A_1196 : i32
      %sign3A_1198 = arith.extui %sign3A_1197 : i1 to i32
      %sign3A_1199 = arith.subi %sign3A_1195, %sign3A_1198 : i32
      %sign3A_1200 = arith.constant 0 : i32
      %sign3A_1201 = arith.cmpi sgt, %jit3A_1191, %sign3A_1200 : i32
      %sign3A_1202 = arith.extui %sign3A_1201 : i1 to i32
      %sign3A_1203 = arith.constant 0 : i32
      %sign3A_1204 = arith.cmpi slt, %jit3A_1191, %sign3A_1203 : i32
      %sign3A_1205 = arith.extui %sign3A_1204 : i1 to i32
      %sign3A_1206 = arith.subi %sign3A_1202, %sign3A_1205 : i32
      %ne3A_1207 = arith.cmpi ne, %sign3A_1199, %sign3A_1206 : i32
      %rem3A_1208 = arith.remsi %add3A_1190, %jit3A_1191 : i32
      %ne3A_1209 = arith.constant 0 : i32
      %ne3A_1210 = arith.cmpi ne, %rem3A_1208, %ne3A_1209 : i32
      %and3A_1211 = arith.andi %ne3A_1207, %ne3A_1210 : i1
      %sub3A_1212 = arith.constant 1 : i32
      %sub3A_1213 = arith.subi %div3A_1192, %sub3A_1212 : i32
      %select_n3A_1214 = arith.select %and3A_1211, %sub3A_1213, %div3A_1192 : i32
      %jit3A_1215 = arith.constant 128 : i32
      %eq3A_1216 = arith.constant 0 : i32
      %eq3A_1217 = arith.cmpi eq, %jit3A_1215, %eq3A_1216 : i32
      %jit3A_1218 = arith.constant 1 : i32
      %select_n3A_1219 = arith.select %eq3A_1217, %jit3A_1218, %jit3A_1215 : i32
      %rem3A_1220 = arith.remsi %add3A_1190, %select_n3A_1219 : i32
      %ne3A_1221 = arith.constant 0 : i32
      %ne3A_1222 = arith.cmpi ne, %rem3A_1220, %ne3A_1221 : i32
      %lt3A_1223 = arith.constant 0 : i32
      %lt3A_1224 = arith.cmpi slt, %rem3A_1220, %lt3A_1223 : i32
      %lt3A_1225 = arith.constant 0 : i32
      %lt3A_1226 = arith.cmpi slt, %select_n3A_1219, %lt3A_1225 : i32
      %ne3A_1227 = arith.xori %lt3A_1224, %lt3A_1226 : i1
      %and3A_1228 = arith.andi %ne3A_1227, %ne3A_1222 : i1
      %add3A_1229 = arith.addi %rem3A_1220, %select_n3A_1219 : i32
      %select_n3A_1230 = arith.select %and3A_1228, %add3A_1229, %rem3A_1220 : i32
      %dma_start3A_1231 = arith.constant 2 : i32
      %dma_start3A_1232 = arith.constant 16 : i32
      %dma_start3A_1233 = arith.constant 0 : i32
      %dma_start3A_1234 = tpu.memref_slice %arg9[%dma_start3A_1232, %dma_start3A_1233] : memref<64x129xf32, #tpu.memory_space<vmem>> -> memref<8x128xf32, #tpu.memory_space<vmem>>
      %dma_start3A_1235 = arith.constant 0 : i32
      %dma_start3A_1236 = arith.constant 0 : i32
      %dma_start3A_1237 = tpu.memref_slice %arg4[%select_n3A_1214, %dma_start3A_1231, %select_n3A_1230, %dma_start3A_1235, %dma_start3A_1236] : memref<50x8x128x8x128xf32, #tpu.memory_space<hbm>> -> memref<1x1x1x8x128xf32, #tpu.memory_space<hbm>>
      %dma_start3A_1238 = tpu.memref_squeeze %dma_start3A_1237 : memref<1x1x1x8x128xf32, #tpu.memory_space<hbm>> -> memref<8x128xf32, #tpu.memory_space<hbm>>
      %dma_start3A_1239 = arith.constant 0 : i32
      %dma_start3A_1240 = arith.constant 0 : i32
      %dma_start3A_1241 = tpu.memref_slice %arg4[%select_n3A_1214, %dma_start3A_1231, %select_n3A_1230, %dma_start3A_1239, %dma_start3A_1240] : memref<50x8x128x8x128xf32, #tpu.memory_space<hbm>> -> memref<1x1x1x8x128xf32, #tpu.memory_space<hbm>>
      %dma_start3A_1242 = tpu.memref_squeeze %dma_start3A_1241 : memref<1x1x1x8x128xf32, #tpu.memory_space<hbm>> -> memref<8x128xf32, #tpu.memory_space<hbm>>
      %dma_start3A_1243 = arith.constant 16 : i32
      %dma_start3A_1244 = arith.constant 0 : i32
      %dma_start3A_1245 = tpu.memref_slice %arg9[%dma_start3A_1243, %dma_start3A_1244] : memref<64x129xf32, #tpu.memory_space<vmem>> -> memref<8x128xf32, #tpu.memory_space<vmem>>
      tpu.enqueue_dma source(%dma_start3A_1245 : memref<8x128xf32, #tpu.memory_space<vmem>>) target(%dma_start3A_1242 : memref<8x128xf32, #tpu.memory_space<hbm>>) target_semaphore(%arg15 : memref<!tpu.dma_semaphore, #tpu.memory_space<semaphore_mem>>)
      %mul3A_1246 = arith.constant 200 : i32
      %mul3A_1247 = arith.muli %add3A, %mul3A_1246 : i32
      %add3A_1248 = arith.addi %mul3A_1247, %add3A_1004 : i32
      %jit3A_1249 = arith.constant 128 : i32
      %div3A_1250 = arith.divsi %add3A_1248, %jit3A_1249 : i32
      %sign3A_1251 = arith.constant 0 : i32
      %sign3A_1252 = arith.cmpi sgt, %add3A_1248, %sign3A_1251 : i32
      %sign3A_1253 = arith.extui %sign3A_1252 : i1 to i32
      %sign3A_1254 = arith.constant 0 : i32
      %sign3A_1255 = arith.cmpi slt, %add3A_1248, %sign3A_1254 : i32
      %sign3A_1256 = arith.extui %sign3A_1255 : i1 to i32
      %sign3A_1257 = arith.subi %sign3A_1253, %sign3A_1256 : i32
      %sign3A_1258 = arith.constant 0 : i32
      %sign3A_1259 = arith.cmpi sgt, %jit3A_1249, %sign3A_1258 : i32
      %sign3A_1260 = arith.extui %sign3A_1259 : i1 to i32
      %sign3A_1261 = arith.constant 0 : i32
      %sign3A_1262 = arith.cmpi slt, %jit3A_1249, %sign3A_1261 : i32
      %sign3A_1263 = arith.extui %sign3A_1262 : i1 to i32
      %sign3A_1264 = arith.subi %sign3A_1260, %sign3A_1263 : i32
      %ne3A_1265 = arith.cmpi ne, %sign3A_1257, %sign3A_1264 : i32
      %rem3A_1266 = arith.remsi %add3A_1248, %jit3A_1249 : i32
      %ne3A_1267 = arith.constant 0 : i32
      %ne3A_1268 = arith.cmpi ne, %rem3A_1266, %ne3A_1267 : i32
      %and3A_1269 = arith.andi %ne3A_1265, %ne3A_1268 : i1
      %sub3A_1270 = arith.constant 1 : i32
      %sub3A_1271 = arith.subi %div3A_1250, %sub3A_1270 : i32
      %select_n3A_1272 = arith.select %and3A_1269, %sub3A_1271, %div3A_1250 : i32
      %jit3A_1273 = arith.constant 128 : i32
      %eq3A_1274 = arith.constant 0 : i32
      %eq3A_1275 = arith.cmpi eq, %jit3A_1273, %eq3A_1274 : i32
      %jit3A_1276 = arith.constant 1 : i32
      %select_n3A_1277 = arith.select %eq3A_1275, %jit3A_1276, %jit3A_1273 : i32
      %rem3A_1278 = arith.remsi %add3A_1248, %select_n3A_1277 : i32
      %ne3A_1279 = arith.constant 0 : i32
      %ne3A_1280 = arith.cmpi ne, %rem3A_1278, %ne3A_1279 : i32
      %lt3A_1281 = arith.constant 0 : i32
      %lt3A_1282 = arith.cmpi slt, %rem3A_1278, %lt3A_1281 : i32
      %lt3A_1283 = arith.constant 0 : i32
      %lt3A_1284 = arith.cmpi slt, %select_n3A_1277, %lt3A_1283 : i32
      %ne3A_1285 = arith.xori %lt3A_1282, %lt3A_1284 : i1
      %and3A_1286 = arith.andi %ne3A_1285, %ne3A_1280 : i1
      %add3A_1287 = arith.addi %rem3A_1278, %select_n3A_1277 : i32
      %select_n3A_1288 = arith.select %and3A_1286, %add3A_1287, %rem3A_1278 : i32
      %dma_start3A_1289 = arith.constant 3 : i32
      %dma_start3A_1290 = arith.constant 24 : i32
      %dma_start3A_1291 = arith.constant 0 : i32
      %dma_start3A_1292 = tpu.memref_slice %arg9[%dma_start3A_1290, %dma_start3A_1291] : memref<64x129xf32, #tpu.memory_space<vmem>> -> memref<8x128xf32, #tpu.memory_space<vmem>>
      %dma_start3A_1293 = arith.constant 0 : i32
      %dma_start3A_1294 = arith.constant 0 : i32
      %dma_start3A_1295 = tpu.memref_slice %arg4[%select_n3A_1272, %dma_start3A_1289, %select_n3A_1288, %dma_start3A_1293, %dma_start3A_1294] : memref<50x8x128x8x128xf32, #tpu.memory_space<hbm>> -> memref<1x1x1x8x128xf32, #tpu.memory_space<hbm>>
      %dma_start3A_1296 = tpu.memref_squeeze %dma_start3A_1295 : memref<1x1x1x8x128xf32, #tpu.memory_space<hbm>> -> memref<8x128xf32, #tpu.memory_space<hbm>>
      %dma_start3A_1297 = arith.constant 0 : i32
      %dma_start3A_1298 = arith.constant 0 : i32
      %dma_start3A_1299 = tpu.memref_slice %arg4[%select_n3A_1272, %dma_start3A_1289, %select_n3A_1288, %dma_start3A_1297, %dma_start3A_1298] : memref<50x8x128x8x128xf32, #tpu.memory_space<hbm>> -> memref<1x1x1x8x128xf32, #tpu.memory_space<hbm>>
      %dma_start3A_1300 = tpu.memref_squeeze %dma_start3A_1299 : memref<1x1x1x8x128xf32, #tpu.memory_space<hbm>> -> memref<8x128xf32, #tpu.memory_space<hbm>>
      %dma_start3A_1301 = arith.constant 24 : i32
      %dma_start3A_1302 = arith.constant 0 : i32
      %dma_start3A_1303 = tpu.memref_slice %arg9[%dma_start3A_1301, %dma_start3A_1302] : memref<64x129xf32, #tpu.memory_space<vmem>> -> memref<8x128xf32, #tpu.memory_space<vmem>>
      tpu.enqueue_dma source(%dma_start3A_1303 : memref<8x128xf32, #tpu.memory_space<vmem>>) target(%dma_start3A_1300 : memref<8x128xf32, #tpu.memory_space<hbm>>) target_semaphore(%arg15 : memref<!tpu.dma_semaphore, #tpu.memory_space<semaphore_mem>>)
      %mul3A_1304 = arith.constant 200 : i32
      %mul3A_1305 = arith.muli %add3A, %mul3A_1304 : i32
      %add3A_1306 = arith.addi %mul3A_1305, %add3A_1004 : i32
      %jit3A_1307 = arith.constant 128 : i32
      %div3A_1308 = arith.divsi %add3A_1306, %jit3A_1307 : i32
      %sign3A_1309 = arith.constant 0 : i32
      %sign3A_1310 = arith.cmpi sgt, %add3A_1306, %sign3A_1309 : i32
      %sign3A_1311 = arith.extui %sign3A_1310 : i1 to i32
      %sign3A_1312 = arith.constant 0 : i32
      %sign3A_1313 = arith.cmpi slt, %add3A_1306, %sign3A_1312 : i32
      %sign3A_1314 = arith.extui %sign3A_1313 : i1 to i32
      %sign3A_1315 = arith.subi %sign3A_1311, %sign3A_1314 : i32
      %sign3A_1316 = arith.constant 0 : i32
      %sign3A_1317 = arith.cmpi sgt, %jit3A_1307, %sign3A_1316 : i32
      %sign3A_1318 = arith.extui %sign3A_1317 : i1 to i32
      %sign3A_1319 = arith.constant 0 : i32
      %sign3A_1320 = arith.cmpi slt, %jit3A_1307, %sign3A_1319 : i32
      %sign3A_1321 = arith.extui %sign3A_1320 : i1 to i32
      %sign3A_1322 = arith.subi %sign3A_1318, %sign3A_1321 : i32
      %ne3A_1323 = arith.cmpi ne, %sign3A_1315, %sign3A_1322 : i32
      %rem3A_1324 = arith.remsi %add3A_1306, %jit3A_1307 : i32
      %ne3A_1325 = arith.constant 0 : i32
      %ne3A_1326 = arith.cmpi ne, %rem3A_1324, %ne3A_1325 : i32
      %and3A_1327 = arith.andi %ne3A_1323, %ne3A_1326 : i1
      %sub3A_1328 = arith.constant 1 : i32
      %sub3A_1329 = arith.subi %div3A_1308, %sub3A_1328 : i32
      %select_n3A_1330 = arith.select %and3A_1327, %sub3A_1329, %div3A_1308 : i32
      %jit3A_1331 = arith.constant 128 : i32
      %eq3A_1332 = arith.constant 0 : i32
      %eq3A_1333 = arith.cmpi eq, %jit3A_1331, %eq3A_1332 : i32
      %jit3A_1334 = arith.constant 1 : i32
      %select_n3A_1335 = arith.select %eq3A_1333, %jit3A_1334, %jit3A_1331 : i32
      %rem3A_1336 = arith.remsi %add3A_1306, %select_n3A_1335 : i32
      %ne3A_1337 = arith.constant 0 : i32
      %ne3A_1338 = arith.cmpi ne, %rem3A_1336, %ne3A_1337 : i32
      %lt3A_1339 = arith.constant 0 : i32
      %lt3A_1340 = arith.cmpi slt, %rem3A_1336, %lt3A_1339 : i32
      %lt3A_1341 = arith.constant 0 : i32
      %lt3A_1342 = arith.cmpi slt, %select_n3A_1335, %lt3A_1341 : i32
      %ne3A_1343 = arith.xori %lt3A_1340, %lt3A_1342 : i1
      %and3A_1344 = arith.andi %ne3A_1343, %ne3A_1338 : i1
      %add3A_1345 = arith.addi %rem3A_1336, %select_n3A_1335 : i32
      %select_n3A_1346 = arith.select %and3A_1344, %add3A_1345, %rem3A_1336 : i32
      %dma_start3A_1347 = arith.constant 4 : i32
      %dma_start3A_1348 = arith.constant 32 : i32
      %dma_start3A_1349 = arith.constant 0 : i32
      %dma_start3A_1350 = tpu.memref_slice %arg9[%dma_start3A_1348, %dma_start3A_1349] : memref<64x129xf32, #tpu.memory_space<vmem>> -> memref<8x128xf32, #tpu.memory_space<vmem>>
      %dma_start3A_1351 = arith.constant 0 : i32
      %dma_start3A_1352 = arith.constant 0 : i32
      %dma_start3A_1353 = tpu.memref_slice %arg4[%select_n3A_1330, %dma_start3A_1347, %select_n3A_1346, %dma_start3A_1351, %dma_start3A_1352] : memref<50x8x128x8x128xf32, #tpu.memory_space<hbm>> -> memref<1x1x1x8x128xf32, #tpu.memory_space<hbm>>
      %dma_start3A_1354 = tpu.memref_squeeze %dma_start3A_1353 : memref<1x1x1x8x128xf32, #tpu.memory_space<hbm>> -> memref<8x128xf32, #tpu.memory_space<hbm>>
      %dma_start3A_1355 = arith.constant 0 : i32
      %dma_start3A_1356 = arith.constant 0 : i32
      %dma_start3A_1357 = tpu.memref_slice %arg4[%select_n3A_1330, %dma_start3A_1347, %select_n3A_1346, %dma_start3A_1355, %dma_start3A_1356] : memref<50x8x128x8x128xf32, #tpu.memory_space<hbm>> -> memref<1x1x1x8x128xf32, #tpu.memory_space<hbm>>
      %dma_start3A_1358 = tpu.memref_squeeze %dma_start3A_1357 : memref<1x1x1x8x128xf32, #tpu.memory_space<hbm>> -> memref<8x128xf32, #tpu.memory_space<hbm>>
      %dma_start3A_1359 = arith.constant 32 : i32
      %dma_start3A_1360 = arith.constant 0 : i32
      %dma_start3A_1361 = tpu.memref_slice %arg9[%dma_start3A_1359, %dma_start3A_1360] : memref<64x129xf32, #tpu.memory_space<vmem>> -> memref<8x128xf32, #tpu.memory_space<vmem>>
      tpu.enqueue_dma source(%dma_start3A_1361 : memref<8x128xf32, #tpu.memory_space<vmem>>) target(%dma_start3A_1358 : memref<8x128xf32, #tpu.memory_space<hbm>>) target_semaphore(%arg15 : memref<!tpu.dma_semaphore, #tpu.memory_space<semaphore_mem>>)
      %mul3A_1362 = arith.constant 200 : i32
      %mul3A_1363 = arith.muli %add3A, %mul3A_1362 : i32
      %add3A_1364 = arith.addi %mul3A_1363, %add3A_1004 : i32
      %jit3A_1365 = arith.constant 128 : i32
      %div3A_1366 = arith.divsi %add3A_1364, %jit3A_1365 : i32
      %sign3A_1367 = arith.constant 0 : i32
      %sign3A_1368 = arith.cmpi sgt, %add3A_1364, %sign3A_1367 : i32
      %sign3A_1369 = arith.extui %sign3A_1368 : i1 to i32
      %sign3A_1370 = arith.constant 0 : i32
      %sign3A_1371 = arith.cmpi slt, %add3A_1364, %sign3A_1370 : i32
      %sign3A_1372 = arith.extui %sign3A_1371 : i1 to i32
      %sign3A_1373 = arith.subi %sign3A_1369, %sign3A_1372 : i32
      %sign3A_1374 = arith.constant 0 : i32
      %sign3A_1375 = arith.cmpi sgt, %jit3A_1365, %sign3A_1374 : i32
      %sign3A_1376 = arith.extui %sign3A_1375 : i1 to i32
      %sign3A_1377 = arith.constant 0 : i32
      %sign3A_1378 = arith.cmpi slt, %jit3A_1365, %sign3A_1377 : i32
      %sign3A_1379 = arith.extui %sign3A_1378 : i1 to i32
      %sign3A_1380 = arith.subi %sign3A_1376, %sign3A_1379 : i32
      %ne3A_1381 = arith.cmpi ne, %sign3A_1373, %sign3A_1380 : i32
      %rem3A_1382 = arith.remsi %add3A_1364, %jit3A_1365 : i32
      %ne3A_1383 = arith.constant 0 : i32
      %ne3A_1384 = arith.cmpi ne, %rem3A_1382, %ne3A_1383 : i32
      %and3A_1385 = arith.andi %ne3A_1381, %ne3A_1384 : i1
      %sub3A_1386 = arith.constant 1 : i32
      %sub3A_1387 = arith.subi %div3A_1366, %sub3A_1386 : i32
      %select_n3A_1388 = arith.select %and3A_1385, %sub3A_1387, %div3A_1366 : i32
      %jit3A_1389 = arith.constant 128 : i32
      %eq3A_1390 = arith.constant 0 : i32
      %eq3A_1391 = arith.cmpi eq, %jit3A_1389, %eq3A_1390 : i32
      %jit3A_1392 = arith.constant 1 : i32
      %select_n3A_1393 = arith.select %eq3A_1391, %jit3A_1392, %jit3A_1389 : i32
      %rem3A_1394 = arith.remsi %add3A_1364, %select_n3A_1393 : i32
      %ne3A_1395 = arith.constant 0 : i32
      %ne3A_1396 = arith.cmpi ne, %rem3A_1394, %ne3A_1395 : i32
      %lt3A_1397 = arith.constant 0 : i32
      %lt3A_1398 = arith.cmpi slt, %rem3A_1394, %lt3A_1397 : i32
      %lt3A_1399 = arith.constant 0 : i32
      %lt3A_1400 = arith.cmpi slt, %select_n3A_1393, %lt3A_1399 : i32
      %ne3A_1401 = arith.xori %lt3A_1398, %lt3A_1400 : i1
      %and3A_1402 = arith.andi %ne3A_1401, %ne3A_1396 : i1
      %add3A_1403 = arith.addi %rem3A_1394, %select_n3A_1393 : i32
      %select_n3A_1404 = arith.select %and3A_1402, %add3A_1403, %rem3A_1394 : i32
      %dma_start3A_1405 = arith.constant 5 : i32
      %dma_start3A_1406 = arith.constant 40 : i32
      %dma_start3A_1407 = arith.constant 0 : i32
      %dma_start3A_1408 = tpu.memref_slice %arg9[%dma_start3A_1406, %dma_start3A_1407] : memref<64x129xf32, #tpu.memory_space<vmem>> -> memref<8x128xf32, #tpu.memory_space<vmem>>
      %dma_start3A_1409 = arith.constant 0 : i32
      %dma_start3A_1410 = arith.constant 0 : i32
      %dma_start3A_1411 = tpu.memref_slice %arg4[%select_n3A_1388, %dma_start3A_1405, %select_n3A_1404, %dma_start3A_1409, %dma_start3A_1410] : memref<50x8x128x8x128xf32, #tpu.memory_space<hbm>> -> memref<1x1x1x8x128xf32, #tpu.memory_space<hbm>>
      %dma_start3A_1412 = tpu.memref_squeeze %dma_start3A_1411 : memref<1x1x1x8x128xf32, #tpu.memory_space<hbm>> -> memref<8x128xf32, #tpu.memory_space<hbm>>
      %dma_start3A_1413 = arith.constant 0 : i32
      %dma_start3A_1414 = arith.constant 0 : i32
      %dma_start3A_1415 = tpu.memref_slice %arg4[%select_n3A_1388, %dma_start3A_1405, %select_n3A_1404, %dma_start3A_1413, %dma_start3A_1414] : memref<50x8x128x8x128xf32, #tpu.memory_space<hbm>> -> memref<1x1x1x8x128xf32, #tpu.memory_space<hbm>>
      %dma_start3A_1416 = tpu.memref_squeeze %dma_start3A_1415 : memref<1x1x1x8x128xf32, #tpu.memory_space<hbm>> -> memref<8x128xf32, #tpu.memory_space<hbm>>
      %dma_start3A_1417 = arith.constant 40 : i32
      %dma_start3A_1418 = arith.constant 0 : i32
      %dma_start3A_1419 = tpu.memref_slice %arg9[%dma_start3A_1417, %dma_start3A_1418] : memref<64x129xf32, #tpu.memory_space<vmem>> -> memref<8x128xf32, #tpu.memory_space<vmem>>
      tpu.enqueue_dma source(%dma_start3A_1419 : memref<8x128xf32, #tpu.memory_space<vmem>>) target(%dma_start3A_1416 : memref<8x128xf32, #tpu.memory_space<hbm>>) target_semaphore(%arg15 : memref<!tpu.dma_semaphore, #tpu.memory_space<semaphore_mem>>)
      %mul3A_1420 = arith.constant 200 : i32
      %mul3A_1421 = arith.muli %add3A, %mul3A_1420 : i32
      %add3A_1422 = arith.addi %mul3A_1421, %add3A_1004 : i32
      %jit3A_1423 = arith.constant 128 : i32
      %div3A_1424 = arith.divsi %add3A_1422, %jit3A_1423 : i32
      %sign3A_1425 = arith.constant 0 : i32
      %sign3A_1426 = arith.cmpi sgt, %add3A_1422, %sign3A_1425 : i32
      %sign3A_1427 = arith.extui %sign3A_1426 : i1 to i32
      %sign3A_1428 = arith.constant 0 : i32
      %sign3A_1429 = arith.cmpi slt, %add3A_1422, %sign3A_1428 : i32
      %sign3A_1430 = arith.extui %sign3A_1429 : i1 to i32
      %sign3A_1431 = arith.subi %sign3A_1427, %sign3A_1430 : i32
      %sign3A_1432 = arith.constant 0 : i32
      %sign3A_1433 = arith.cmpi sgt, %jit3A_1423, %sign3A_1432 : i32
      %sign3A_1434 = arith.extui %sign3A_1433 : i1 to i32
      %sign3A_1435 = arith.constant 0 : i32
      %sign3A_1436 = arith.cmpi slt, %jit3A_1423, %sign3A_1435 : i32
      %sign3A_1437 = arith.extui %sign3A_1436 : i1 to i32
      %sign3A_1438 = arith.subi %sign3A_1434, %sign3A_1437 : i32
      %ne3A_1439 = arith.cmpi ne, %sign3A_1431, %sign3A_1438 : i32
      %rem3A_1440 = arith.remsi %add3A_1422, %jit3A_1423 : i32
      %ne3A_1441 = arith.constant 0 : i32
      %ne3A_1442 = arith.cmpi ne, %rem3A_1440, %ne3A_1441 : i32
      %and3A_1443 = arith.andi %ne3A_1439, %ne3A_1442 : i1
      %sub3A_1444 = arith.constant 1 : i32
      %sub3A_1445 = arith.subi %div3A_1424, %sub3A_1444 : i32
      %select_n3A_1446 = arith.select %and3A_1443, %sub3A_1445, %div3A_1424 : i32
      %jit3A_1447 = arith.constant 128 : i32
      %eq3A_1448 = arith.constant 0 : i32
      %eq3A_1449 = arith.cmpi eq, %jit3A_1447, %eq3A_1448 : i32
      %jit3A_1450 = arith.constant 1 : i32
      %select_n3A_1451 = arith.select %eq3A_1449, %jit3A_1450, %jit3A_1447 : i32
      %rem3A_1452 = arith.remsi %add3A_1422, %select_n3A_1451 : i32
      %ne3A_1453 = arith.constant 0 : i32
      %ne3A_1454 = arith.cmpi ne, %rem3A_1452, %ne3A_1453 : i32
      %lt3A_1455 = arith.constant 0 : i32
      %lt3A_1456 = arith.cmpi slt, %rem3A_1452, %lt3A_1455 : i32
      %lt3A_1457 = arith.constant 0 : i32
      %lt3A_1458 = arith.cmpi slt, %select_n3A_1451, %lt3A_1457 : i32
      %ne3A_1459 = arith.xori %lt3A_1456, %lt3A_1458 : i1
      %and3A_1460 = arith.andi %ne3A_1459, %ne3A_1454 : i1
      %add3A_1461 = arith.addi %rem3A_1452, %select_n3A_1451 : i32
      %select_n3A_1462 = arith.select %and3A_1460, %add3A_1461, %rem3A_1452 : i32
      %dma_start3A_1463 = arith.constant 6 : i32
      %dma_start3A_1464 = arith.constant 48 : i32
      %dma_start3A_1465 = arith.constant 0 : i32
      %dma_start3A_1466 = tpu.memref_slice %arg9[%dma_start3A_1464, %dma_start3A_1465] : memref<64x129xf32, #tpu.memory_space<vmem>> -> memref<8x128xf32, #tpu.memory_space<vmem>>
      %dma_start3A_1467 = arith.constant 0 : i32
      %dma_start3A_1468 = arith.constant 0 : i32
      %dma_start3A_1469 = tpu.memref_slice %arg4[%select_n3A_1446, %dma_start3A_1463, %select_n3A_1462, %dma_start3A_1467, %dma_start3A_1468] : memref<50x8x128x8x128xf32, #tpu.memory_space<hbm>> -> memref<1x1x1x8x128xf32, #tpu.memory_space<hbm>>
      %dma_start3A_1470 = tpu.memref_squeeze %dma_start3A_1469 : memref<1x1x1x8x128xf32, #tpu.memory_space<hbm>> -> memref<8x128xf32, #tpu.memory_space<hbm>>
      %dma_start3A_1471 = arith.constant 0 : i32
      %dma_start3A_1472 = arith.constant 0 : i32
      %dma_start3A_1473 = tpu.memref_slice %arg4[%select_n3A_1446, %dma_start3A_1463, %select_n3A_1462, %dma_start3A_1471, %dma_start3A_1472] : memref<50x8x128x8x128xf32, #tpu.memory_space<hbm>> -> memref<1x1x1x8x128xf32, #tpu.memory_space<hbm>>
      %dma_start3A_1474 = tpu.memref_squeeze %dma_start3A_1473 : memref<1x1x1x8x128xf32, #tpu.memory_space<hbm>> -> memref<8x128xf32, #tpu.memory_space<hbm>>
      %dma_start3A_1475 = arith.constant 48 : i32
      %dma_start3A_1476 = arith.constant 0 : i32
      %dma_start3A_1477 = tpu.memref_slice %arg9[%dma_start3A_1475, %dma_start3A_1476] : memref<64x129xf32, #tpu.memory_space<vmem>> -> memref<8x128xf32, #tpu.memory_space<vmem>>
      tpu.enqueue_dma source(%dma_start3A_1477 : memref<8x128xf32, #tpu.memory_space<vmem>>) target(%dma_start3A_1474 : memref<8x128xf32, #tpu.memory_space<hbm>>) target_semaphore(%arg15 : memref<!tpu.dma_semaphore, #tpu.memory_space<semaphore_mem>>)
      %mul3A_1478 = arith.constant 200 : i32
      %mul3A_1479 = arith.muli %add3A, %mul3A_1478 : i32
      %add3A_1480 = arith.addi %mul3A_1479, %add3A_1004 : i32
      %jit3A_1481 = arith.constant 128 : i32
      %div3A_1482 = arith.divsi %add3A_1480, %jit3A_1481 : i32
      %sign3A_1483 = arith.constant 0 : i32
      %sign3A_1484 = arith.cmpi sgt, %add3A_1480, %sign3A_1483 : i32
      %sign3A_1485 = arith.extui %sign3A_1484 : i1 to i32
      %sign3A_1486 = arith.constant 0 : i32
      %sign3A_1487 = arith.cmpi slt, %add3A_1480, %sign3A_1486 : i32
      %sign3A_1488 = arith.extui %sign3A_1487 : i1 to i32
      %sign3A_1489 = arith.subi %sign3A_1485, %sign3A_1488 : i32
      %sign3A_1490 = arith.constant 0 : i32
      %sign3A_1491 = arith.cmpi sgt, %jit3A_1481, %sign3A_1490 : i32
      %sign3A_1492 = arith.extui %sign3A_1491 : i1 to i32
      %sign3A_1493 = arith.constant 0 : i32
      %sign3A_1494 = arith.cmpi slt, %jit3A_1481, %sign3A_1493 : i32
      %sign3A_1495 = arith.extui %sign3A_1494 : i1 to i32
      %sign3A_1496 = arith.subi %sign3A_1492, %sign3A_1495 : i32
      %ne3A_1497 = arith.cmpi ne, %sign3A_1489, %sign3A_1496 : i32
      %rem3A_1498 = arith.remsi %add3A_1480, %jit3A_1481 : i32
      %ne3A_1499 = arith.constant 0 : i32
      %ne3A_1500 = arith.cmpi ne, %rem3A_1498, %ne3A_1499 : i32
      %and3A_1501 = arith.andi %ne3A_1497, %ne3A_1500 : i1
      %sub3A_1502 = arith.constant 1 : i32
      %sub3A_1503 = arith.subi %div3A_1482, %sub3A_1502 : i32
      %select_n3A_1504 = arith.select %and3A_1501, %sub3A_1503, %div3A_1482 : i32
      %jit3A_1505 = arith.constant 128 : i32
      %eq3A_1506 = arith.constant 0 : i32
      %eq3A_1507 = arith.cmpi eq, %jit3A_1505, %eq3A_1506 : i32
      %jit3A_1508 = arith.constant 1 : i32
      %select_n3A_1509 = arith.select %eq3A_1507, %jit3A_1508, %jit3A_1505 : i32
      %rem3A_1510 = arith.remsi %add3A_1480, %select_n3A_1509 : i32
      %ne3A_1511 = arith.constant 0 : i32
      %ne3A_1512 = arith.cmpi ne, %rem3A_1510, %ne3A_1511 : i32
      %lt3A_1513 = arith.constant 0 : i32
      %lt3A_1514 = arith.cmpi slt, %rem3A_1510, %lt3A_1513 : i32
      %lt3A_1515 = arith.constant 0 : i32
      %lt3A_1516 = arith.cmpi slt, %select_n3A_1509, %lt3A_1515 : i32
      %ne3A_1517 = arith.xori %lt3A_1514, %lt3A_1516 : i1
      %and3A_1518 = arith.andi %ne3A_1517, %ne3A_1512 : i1
      %add3A_1519 = arith.addi %rem3A_1510, %select_n3A_1509 : i32
      %select_n3A_1520 = arith.select %and3A_1518, %add3A_1519, %rem3A_1510 : i32
      %dma_start3A_1521 = arith.constant 7 : i32
      %dma_start3A_1522 = arith.constant 56 : i32
      %dma_start3A_1523 = arith.constant 0 : i32
      %dma_start3A_1524 = tpu.memref_slice %arg9[%dma_start3A_1522, %dma_start3A_1523] : memref<64x129xf32, #tpu.memory_space<vmem>> -> memref<8x128xf32, #tpu.memory_space<vmem>>
      %dma_start3A_1525 = arith.constant 0 : i32
      %dma_start3A_1526 = arith.constant 0 : i32
      %dma_start3A_1527 = tpu.memref_slice %arg4[%select_n3A_1504, %dma_start3A_1521, %select_n3A_1520, %dma_start3A_1525, %dma_start3A_1526] : memref<50x8x128x8x128xf32, #tpu.memory_space<hbm>> -> memref<1x1x1x8x128xf32, #tpu.memory_space<hbm>>
      %dma_start3A_1528 = tpu.memref_squeeze %dma_start3A_1527 : memref<1x1x1x8x128xf32, #tpu.memory_space<hbm>> -> memref<8x128xf32, #tpu.memory_space<hbm>>
      %dma_start3A_1529 = arith.constant 0 : i32
      %dma_start3A_1530 = arith.constant 0 : i32
      %dma_start3A_1531 = tpu.memref_slice %arg4[%select_n3A_1504, %dma_start3A_1521, %select_n3A_1520, %dma_start3A_1529, %dma_start3A_1530] : memref<50x8x128x8x128xf32, #tpu.memory_space<hbm>> -> memref<1x1x1x8x128xf32, #tpu.memory_space<hbm>>
      %dma_start3A_1532 = tpu.memref_squeeze %dma_start3A_1531 : memref<1x1x1x8x128xf32, #tpu.memory_space<hbm>> -> memref<8x128xf32, #tpu.memory_space<hbm>>
      %dma_start3A_1533 = arith.constant 56 : i32
      %dma_start3A_1534 = arith.constant 0 : i32
      %dma_start3A_1535 = tpu.memref_slice %arg9[%dma_start3A_1533, %dma_start3A_1534] : memref<64x129xf32, #tpu.memory_space<vmem>> -> memref<8x128xf32, #tpu.memory_space<vmem>>
      tpu.enqueue_dma source(%dma_start3A_1535 : memref<8x128xf32, #tpu.memory_space<vmem>>) target(%dma_start3A_1532 : memref<8x128xf32, #tpu.memory_space<hbm>>) target_semaphore(%arg15 : memref<!tpu.dma_semaphore, #tpu.memory_space<semaphore_mem>>)
      %mul3A_1536 = arith.constant 2 : i32
      %mul3A_1537 = arith.muli %mul3A_1536, %scan3A_1000 : i32
      %add3A_1538 = arith.constant 1 : i32
      %add3A_1539 = arith.addi %mul3A_1537, %add3A_1538 : i32
      %mul3A_1540 = arith.constant 200 : i32
      %mul3A_1541 = arith.muli %add3A, %mul3A_1540 : i32
      %add3A_1542 = arith.addi %mul3A_1541, %add3A_1539 : i32
      %jit3A_1543 = arith.constant 128 : i32
      %div3A_1544 = arith.divsi %add3A_1542, %jit3A_1543 : i32
      %sign3A_1545 = arith.constant 0 : i32
      %sign3A_1546 = arith.cmpi sgt, %add3A_1542, %sign3A_1545 : i32
      %sign3A_1547 = arith.extui %sign3A_1546 : i1 to i32
      %sign3A_1548 = arith.constant 0 : i32
      %sign3A_1549 = arith.cmpi slt, %add3A_1542, %sign3A_1548 : i32
      %sign3A_1550 = arith.extui %sign3A_1549 : i1 to i32
      %sign3A_1551 = arith.subi %sign3A_1547, %sign3A_1550 : i32
      %sign3A_1552 = arith.constant 0 : i32
      %sign3A_1553 = arith.cmpi sgt, %jit3A_1543, %sign3A_1552 : i32
      %sign3A_1554 = arith.extui %sign3A_1553 : i1 to i32
      %sign3A_1555 = arith.constant 0 : i32
      %sign3A_1556 = arith.cmpi slt, %jit3A_1543, %sign3A_1555 : i32
      %sign3A_1557 = arith.extui %sign3A_1556 : i1 to i32
      %sign3A_1558 = arith.subi %sign3A_1554, %sign3A_1557 : i32
      %ne3A_1559 = arith.cmpi ne, %sign3A_1551, %sign3A_1558 : i32
      %rem3A_1560 = arith.remsi %add3A_1542, %jit3A_1543 : i32
      %ne3A_1561 = arith.constant 0 : i32
      %ne3A_1562 = arith.cmpi ne, %rem3A_1560, %ne3A_1561 : i32
      %and3A_1563 = arith.andi %ne3A_1559, %ne3A_1562 : i1
      %sub3A_1564 = arith.constant 1 : i32
      %sub3A_1565 = arith.subi %div3A_1544, %sub3A_1564 : i32
      %select_n3A_1566 = arith.select %and3A_1563, %sub3A_1565, %div3A_1544 : i32
      %jit3A_1567 = arith.constant 128 : i32
      %eq3A_1568 = arith.constant 0 : i32
      %eq3A_1569 = arith.cmpi eq, %jit3A_1567, %eq3A_1568 : i32
      %jit3A_1570 = arith.constant 1 : i32
      %select_n3A_1571 = arith.select %eq3A_1569, %jit3A_1570, %jit3A_1567 : i32
      %rem3A_1572 = arith.remsi %add3A_1542, %select_n3A_1571 : i32
      %ne3A_1573 = arith.constant 0 : i32
      %ne3A_1574 = arith.cmpi ne, %rem3A_1572, %ne3A_1573 : i32
      %lt3A_1575 = arith.constant 0 : i32
      %lt3A_1576 = arith.cmpi slt, %rem3A_1572, %lt3A_1575 : i32
      %lt3A_1577 = arith.constant 0 : i32
      %lt3A_1578 = arith.cmpi slt, %select_n3A_1571, %lt3A_1577 : i32
      %ne3A_1579 = arith.xori %lt3A_1576, %lt3A_1578 : i1
      %and3A_1580 = arith.andi %ne3A_1579, %ne3A_1574 : i1
      %add3A_1581 = arith.addi %rem3A_1572, %select_n3A_1571 : i32
      %select_n3A_1582 = arith.select %and3A_1580, %add3A_1581, %rem3A_1572 : i32
      %mul3A_1583 = arith.constant 16384 : i32
      %mul3A_1584 = arith.muli %select_n3A_1566, %mul3A_1583 : i32
      %mul3A_1585 = arith.constant 128 : i32
      %mul3A_1586 = arith.muli %select_n3A_1582, %mul3A_1585 : i32
      %add3A_1587 = arith.addi %mul3A_1584, %mul3A_1586 : i32
      %dma_wait3A_1588 = tpu.memref_slice %arg2[%add3A_1587] : memref<819200xi32, #tpu.memory_space<hbm>> -> memref<128xi32, #tpu.memory_space<hbm>>
      %dma_wait3A_1589 = tpu.memref_slice %arg2[%add3A_1587] : memref<819200xi32, #tpu.memory_space<hbm>> -> memref<128xi32, #tpu.memory_space<hbm>>
      tpu.wait_dma2 semaphore(%arg12 : memref<!tpu.dma_semaphore, #tpu.memory_space<semaphore_mem>>) src(%dma_wait3A_1589 : memref<128xi32, #tpu.memory_space<hbm>>) dst(%arg6 : memref<128xi32, #tpu.memory_space<vmem>>)
      %dma_start3A_1590 = arith.constant 0 : i32
      %dma_start3A_1591 = arith.constant 0 : i32
      %dma_start3A_1592 = tpu.memref_slice %arg3[%dma_start3A_1590, %dma_start3A_1591] : memref<1000000x64xf32, #tpu.memory_space<hbm>> -> memref<1000000x64xf32, #tpu.memory_space<hbm>>
      tpu.enqueue_indirect_dma source(%dma_start3A_1592 : memref<1000000x64xf32, #tpu.memory_space<hbm>>) target(%arg8 : memref<128x64xf32, #tpu.memory_space<vmem>>) offsets(%arg6 : memref<128xi32, #tpu.memory_space<vmem>>) semaphore(%arg14 : memref<!tpu.dma_semaphore, #tpu.memory_space<semaphore_mem>>)
      %add3A_1593 = arith.constant 1 : i32
      %add3A_1594 = arith.addi %add3A_1539, %add3A_1593 : i32
      %lt3A_1595 = arith.constant 200 : i32
      %lt3A_1596 = arith.cmpi slt, %add3A_1594, %lt3A_1595 : i32
      %convert_element_type3A_1597 = arith.extui %lt3A_1596 : i1 to i32
      %cond3A_1598 = arith.constant 0 : i32
      %cond3A_1599 = arith.cmpi ne, %convert_element_type3A_1597, %cond3A_1598 : i32
      scf.if %cond3A_1599 {
        %add3A_2075 = arith.constant 1 : i32
        %add3A_2076 = arith.addi %add3A_1539, %add3A_2075 : i32
        %mul3A_2077 = arith.constant 200 : i32
        %mul3A_2078 = arith.muli %add3A, %mul3A_2077 : i32
        %add3A_2079 = arith.addi %mul3A_2078, %add3A_2076 : i32
        %jit3A_2080 = arith.constant 128 : i32
        %div3A_2081 = arith.divsi %add3A_2079, %jit3A_2080 : i32
        %sign3A_2082 = arith.constant 0 : i32
        %sign3A_2083 = arith.cmpi sgt, %add3A_2079, %sign3A_2082 : i32
        %sign3A_2084 = arith.extui %sign3A_2083 : i1 to i32
        %sign3A_2085 = arith.constant 0 : i32
        %sign3A_2086 = arith.cmpi slt, %add3A_2079, %sign3A_2085 : i32
        %sign3A_2087 = arith.extui %sign3A_2086 : i1 to i32
        %sign3A_2088 = arith.subi %sign3A_2084, %sign3A_2087 : i32
        %sign3A_2089 = arith.constant 0 : i32
        %sign3A_2090 = arith.cmpi sgt, %jit3A_2080, %sign3A_2089 : i32
        %sign3A_2091 = arith.extui %sign3A_2090 : i1 to i32
        %sign3A_2092 = arith.constant 0 : i32
        %sign3A_2093 = arith.cmpi slt, %jit3A_2080, %sign3A_2092 : i32
        %sign3A_2094 = arith.extui %sign3A_2093 : i1 to i32
        %sign3A_2095 = arith.subi %sign3A_2091, %sign3A_2094 : i32
        %ne3A_2096 = arith.cmpi ne, %sign3A_2088, %sign3A_2095 : i32
        %rem3A_2097 = arith.remsi %add3A_2079, %jit3A_2080 : i32
        %ne3A_2098 = arith.constant 0 : i32
        %ne3A_2099 = arith.cmpi ne, %rem3A_2097, %ne3A_2098 : i32
        %and3A_2100 = arith.andi %ne3A_2096, %ne3A_2099 : i1
        %sub3A_2101 = arith.constant 1 : i32
        %sub3A_2102 = arith.subi %div3A_2081, %sub3A_2101 : i32
        %select_n3A_2103 = arith.select %and3A_2100, %sub3A_2102, %div3A_2081 : i32
        %jit3A_2104 = arith.constant 128 : i32
        %eq3A_2105 = arith.constant 0 : i32
        %eq3A_2106 = arith.cmpi eq, %jit3A_2104, %eq3A_2105 : i32
        %jit3A_2107 = arith.constant 1 : i32
        %select_n3A_2108 = arith.select %eq3A_2106, %jit3A_2107, %jit3A_2104 : i32
        %rem3A_2109 = arith.remsi %add3A_2079, %select_n3A_2108 : i32
        %ne3A_2110 = arith.constant 0 : i32
        %ne3A_2111 = arith.cmpi ne, %rem3A_2109, %ne3A_2110 : i32
        %lt3A_2112 = arith.constant 0 : i32
        %lt3A_2113 = arith.cmpi slt, %rem3A_2109, %lt3A_2112 : i32
        %lt3A_2114 = arith.constant 0 : i32
        %lt3A_2115 = arith.cmpi slt, %select_n3A_2108, %lt3A_2114 : i32
        %ne3A_2116 = arith.xori %lt3A_2113, %lt3A_2115 : i1
        %and3A_2117 = arith.andi %ne3A_2116, %ne3A_2111 : i1
        %add3A_2118 = arith.addi %rem3A_2109, %select_n3A_2108 : i32
        %select_n3A_2119 = arith.select %and3A_2117, %add3A_2118, %rem3A_2109 : i32
        %mul3A_2120 = arith.constant 16384 : i32
        %mul3A_2121 = arith.muli %select_n3A_2103, %mul3A_2120 : i32
        %mul3A_2122 = arith.constant 128 : i32
        %mul3A_2123 = arith.muli %select_n3A_2119, %mul3A_2122 : i32
        %add3A_2124 = arith.addi %mul3A_2121, %mul3A_2123 : i32
        %dma_start3A_2125 = tpu.memref_slice %arg2[%add3A_2124] : memref<819200xi32, #tpu.memory_space<hbm>> -> memref<128xi32, #tpu.memory_space<hbm>>
        %dma_start3A_2126 = tpu.memref_slice %arg2[%add3A_2124] : memref<819200xi32, #tpu.memory_space<hbm>> -> memref<128xi32, #tpu.memory_space<hbm>>
        tpu.enqueue_dma source(%dma_start3A_2126 : memref<128xi32, #tpu.memory_space<hbm>>) target(%arg5 : memref<128xi32, #tpu.memory_space<vmem>>) target_semaphore(%arg11 : memref<!tpu.dma_semaphore, #tpu.memory_space<semaphore_mem>>)
      } else {
      }
      %dma_wait3A_1600 = arith.constant 0 : i32
      %dma_wait3A_1601 = arith.constant 0 : i32
      %dma_wait3A_1602 = tpu.memref_slice %arg3[%dma_wait3A_1600, %dma_wait3A_1601] : memref<1000000x64xf32, #tpu.memory_space<hbm>> -> memref<1000000x64xf32, #tpu.memory_space<hbm>>
      tpu.wait_indirect_dma semaphore(%arg14 : memref<!tpu.dma_semaphore, #tpu.memory_space<semaphore_mem>>) src(%dma_wait3A_1602 : memref<1000000x64xf32, #tpu.memory_space<hbm>>) dst(%arg8 : memref<128x64xf32, #tpu.memory_space<vmem>>)
      %ge3A_1603 = arith.constant 2 : i32
      %ge3A_1604 = arith.cmpi sge, %add3A_1539, %ge3A_1603 : i32
      %convert_element_type3A_1605 = arith.extui %ge3A_1604 : i1 to i32
      %cond3A_1606 = arith.constant 0 : i32
      %cond3A_1607 = arith.cmpi ne, %convert_element_type3A_1605, %cond3A_1606 : i32
      scf.if %cond3A_1607 {
        %sub3A_2075 = arith.constant 2 : i32
        %sub3A_2076 = arith.subi %add3A_1539, %sub3A_2075 : i32
        %mul3A_2077 = arith.constant 200 : i32
        %mul3A_2078 = arith.muli %add3A, %mul3A_2077 : i32
        %add3A_2079 = arith.addi %mul3A_2078, %sub3A_2076 : i32
        %jit3A_2080 = arith.constant 128 : i32
        %div3A_2081 = arith.divsi %add3A_2079, %jit3A_2080 : i32
        %sign3A_2082 = arith.constant 0 : i32
        %sign3A_2083 = arith.cmpi sgt, %add3A_2079, %sign3A_2082 : i32
        %sign3A_2084 = arith.extui %sign3A_2083 : i1 to i32
        %sign3A_2085 = arith.constant 0 : i32
        %sign3A_2086 = arith.cmpi slt, %add3A_2079, %sign3A_2085 : i32
        %sign3A_2087 = arith.extui %sign3A_2086 : i1 to i32
        %sign3A_2088 = arith.subi %sign3A_2084, %sign3A_2087 : i32
        %sign3A_2089 = arith.constant 0 : i32
        %sign3A_2090 = arith.cmpi sgt, %jit3A_2080, %sign3A_2089 : i32
        %sign3A_2091 = arith.extui %sign3A_2090 : i1 to i32
        %sign3A_2092 = arith.constant 0 : i32
        %sign3A_2093 = arith.cmpi slt, %jit3A_2080, %sign3A_2092 : i32
        %sign3A_2094 = arith.extui %sign3A_2093 : i1 to i32
        %sign3A_2095 = arith.subi %sign3A_2091, %sign3A_2094 : i32
        %ne3A_2096 = arith.cmpi ne, %sign3A_2088, %sign3A_2095 : i32
        %rem3A_2097 = arith.remsi %add3A_2079, %jit3A_2080 : i32
        %ne3A_2098 = arith.constant 0 : i32
        %ne3A_2099 = arith.cmpi ne, %rem3A_2097, %ne3A_2098 : i32
        %and3A_2100 = arith.andi %ne3A_2096, %ne3A_2099 : i1
        %sub3A_2101 = arith.constant 1 : i32
        %sub3A_2102 = arith.subi %div3A_2081, %sub3A_2101 : i32
        %select_n3A_2103 = arith.select %and3A_2100, %sub3A_2102, %div3A_2081 : i32
        %jit3A_2104 = arith.constant 128 : i32
        %eq3A_2105 = arith.constant 0 : i32
        %eq3A_2106 = arith.cmpi eq, %jit3A_2104, %eq3A_2105 : i32
        %jit3A_2107 = arith.constant 1 : i32
        %select_n3A_2108 = arith.select %eq3A_2106, %jit3A_2107, %jit3A_2104 : i32
        %rem3A_2109 = arith.remsi %add3A_2079, %select_n3A_2108 : i32
        %ne3A_2110 = arith.constant 0 : i32
        %ne3A_2111 = arith.cmpi ne, %rem3A_2109, %ne3A_2110 : i32
        %lt3A_2112 = arith.constant 0 : i32
        %lt3A_2113 = arith.cmpi slt, %rem3A_2109, %lt3A_2112 : i32
        %lt3A_2114 = arith.constant 0 : i32
        %lt3A_2115 = arith.cmpi slt, %select_n3A_2108, %lt3A_2114 : i32
        %ne3A_2116 = arith.xori %lt3A_2113, %lt3A_2115 : i1
        %and3A_2117 = arith.andi %ne3A_2116, %ne3A_2111 : i1
        %add3A_2118 = arith.addi %rem3A_2109, %select_n3A_2108 : i32
        %select_n3A_2119 = arith.select %and3A_2117, %add3A_2118, %rem3A_2109 : i32
        %dma_wait3A_2120 = arith.constant 0 : i32
        %dma_wait3A_2121 = arith.constant 0 : i32
        %dma_wait3A_2122 = arith.constant 0 : i32
        %dma_wait3A_2123 = tpu.memref_slice %arg10[%dma_wait3A_2121, %dma_wait3A_2122] : memref<64x129xf32, #tpu.memory_space<vmem>> -> memref<8x128xf32, #tpu.memory_space<vmem>>
        %dma_wait3A_2124 = arith.constant 0 : i32
        %dma_wait3A_2125 = arith.constant 0 : i32
        %dma_wait3A_2126 = tpu.memref_slice %arg4[%select_n3A_2103, %dma_wait3A_2120, %select_n3A_2119, %dma_wait3A_2124, %dma_wait3A_2125] : memref<50x8x128x8x128xf32, #tpu.memory_space<hbm>> -> memref<1x1x1x8x128xf32, #tpu.memory_space<hbm>>
        %dma_wait3A_2127 = tpu.memref_squeeze %dma_wait3A_2126 : memref<1x1x1x8x128xf32, #tpu.memory_space<hbm>> -> memref<8x128xf32, #tpu.memory_space<hbm>>
        %dma_wait3A_2128 = arith.constant 0 : i32
        %dma_wait3A_2129 = arith.constant 0 : i32
        %dma_wait3A_2130 = tpu.memref_slice %arg4[%select_n3A_2103, %dma_wait3A_2120, %select_n3A_2119, %dma_wait3A_2128, %dma_wait3A_2129] : memref<50x8x128x8x128xf32, #tpu.memory_space<hbm>> -> memref<1x1x1x8x128xf32, #tpu.memory_space<hbm>>
        %dma_wait3A_2131 = tpu.memref_squeeze %dma_wait3A_2130 : memref<1x1x1x8x128xf32, #tpu.memory_space<hbm>> -> memref<8x128xf32, #tpu.memory_space<hbm>>
        %dma_wait3A_2132 = arith.constant 0 : i32
        %dma_wait3A_2133 = arith.constant 0 : i32
        %dma_wait3A_2134 = tpu.memref_slice %arg10[%dma_wait3A_2132, %dma_wait3A_2133] : memref<64x129xf32, #tpu.memory_space<vmem>> -> memref<8x128xf32, #tpu.memory_space<vmem>>
        tpu.wait_dma2 semaphore(%arg16 : memref<!tpu.dma_semaphore, #tpu.memory_space<semaphore_mem>>) src(%dma_wait3A_2134 : memref<8x128xf32, #tpu.memory_space<vmem>>) dst(%dma_wait3A_2131 : memref<8x128xf32, #tpu.memory_space<hbm>>)
        %sub3A_2135 = arith.constant 2 : i32
        %sub3A_2136 = arith.subi %add3A_1539, %sub3A_2135 : i32
        %mul3A_2137 = arith.constant 200 : i32
        %mul3A_2138 = arith.muli %add3A, %mul3A_2137 : i32
        %add3A_2139 = arith.addi %mul3A_2138, %sub3A_2136 : i32
        %jit3A_2140 = arith.constant 128 : i32
        %div3A_2141 = arith.divsi %add3A_2139, %jit3A_2140 : i32
        %sign3A_2142 = arith.constant 0 : i32
        %sign3A_2143 = arith.cmpi sgt, %add3A_2139, %sign3A_2142 : i32
        %sign3A_2144 = arith.extui %sign3A_2143 : i1 to i32
        %sign3A_2145 = arith.constant 0 : i32
        %sign3A_2146 = arith.cmpi slt, %add3A_2139, %sign3A_2145 : i32
        %sign3A_2147 = arith.extui %sign3A_2146 : i1 to i32
        %sign3A_2148 = arith.subi %sign3A_2144, %sign3A_2147 : i32
        %sign3A_2149 = arith.constant 0 : i32
        %sign3A_2150 = arith.cmpi sgt, %jit3A_2140, %sign3A_2149 : i32
        %sign3A_2151 = arith.extui %sign3A_2150 : i1 to i32
        %sign3A_2152 = arith.constant 0 : i32
        %sign3A_2153 = arith.cmpi slt, %jit3A_2140, %sign3A_2152 : i32
        %sign3A_2154 = arith.extui %sign3A_2153 : i1 to i32
        %sign3A_2155 = arith.subi %sign3A_2151, %sign3A_2154 : i32
        %ne3A_2156 = arith.cmpi ne, %sign3A_2148, %sign3A_2155 : i32
        %rem3A_2157 = arith.remsi %add3A_2139, %jit3A_2140 : i32
        %ne3A_2158 = arith.constant 0 : i32
        %ne3A_2159 = arith.cmpi ne, %rem3A_2157, %ne3A_2158 : i32
        %and3A_2160 = arith.andi %ne3A_2156, %ne3A_2159 : i1
        %sub3A_2161 = arith.constant 1 : i32
        %sub3A_2162 = arith.subi %div3A_2141, %sub3A_2161 : i32
        %select_n3A_2163 = arith.select %and3A_2160, %sub3A_2162, %div3A_2141 : i32
        %jit3A_2164 = arith.constant 128 : i32
        %eq3A_2165 = arith.constant 0 : i32
        %eq3A_2166 = arith.cmpi eq, %jit3A_2164, %eq3A_2165 : i32
        %jit3A_2167 = arith.constant 1 : i32
        %select_n3A_2168 = arith.select %eq3A_2166, %jit3A_2167, %jit3A_2164 : i32
        %rem3A_2169 = arith.remsi %add3A_2139, %select_n3A_2168 : i32
        %ne3A_2170 = arith.constant 0 : i32
        %ne3A_2171 = arith.cmpi ne, %rem3A_2169, %ne3A_2170 : i32
        %lt3A_2172 = arith.constant 0 : i32
        %lt3A_2173 = arith.cmpi slt, %rem3A_2169, %lt3A_2172 : i32
        %lt3A_2174 = arith.constant 0 : i32
        %lt3A_2175 = arith.cmpi slt, %select_n3A_2168, %lt3A_2174 : i32
        %ne3A_2176 = arith.xori %lt3A_2173, %lt3A_2175 : i1
        %and3A_2177 = arith.andi %ne3A_2176, %ne3A_2171 : i1
        %add3A_2178 = arith.addi %rem3A_2169, %select_n3A_2168 : i32
        %select_n3A_2179 = arith.select %and3A_2177, %add3A_2178, %rem3A_2169 : i32
        %dma_wait3A_2180 = arith.constant 1 : i32
        %dma_wait3A_2181 = arith.constant 8 : i32
        %dma_wait3A_2182 = arith.constant 0 : i32
        %dma_wait3A_2183 = tpu.memref_slice %arg10[%dma_wait3A_2181, %dma_wait3A_2182] : memref<64x129xf32, #tpu.memory_space<vmem>> -> memref<8x128xf32, #tpu.memory_space<vmem>>
        %dma_wait3A_2184 = arith.constant 0 : i32
        %dma_wait3A_2185 = arith.constant 0 : i32
        %dma_wait3A_2186 = tpu.memref_slice %arg4[%select_n3A_2163, %dma_wait3A_2180, %select_n3A_2179, %dma_wait3A_2184, %dma_wait3A_2185] : memref<50x8x128x8x128xf32, #tpu.memory_space<hbm>> -> memref<1x1x1x8x128xf32, #tpu.memory_space<hbm>>
        %dma_wait3A_2187 = tpu.memref_squeeze %dma_wait3A_2186 : memref<1x1x1x8x128xf32, #tpu.memory_space<hbm>> -> memref<8x128xf32, #tpu.memory_space<hbm>>
        %dma_wait3A_2188 = arith.constant 0 : i32
        %dma_wait3A_2189 = arith.constant 0 : i32
        %dma_wait3A_2190 = tpu.memref_slice %arg4[%select_n3A_2163, %dma_wait3A_2180, %select_n3A_2179, %dma_wait3A_2188, %dma_wait3A_2189] : memref<50x8x128x8x128xf32, #tpu.memory_space<hbm>> -> memref<1x1x1x8x128xf32, #tpu.memory_space<hbm>>
        %dma_wait3A_2191 = tpu.memref_squeeze %dma_wait3A_2190 : memref<1x1x1x8x128xf32, #tpu.memory_space<hbm>> -> memref<8x128xf32, #tpu.memory_space<hbm>>
        %dma_wait3A_2192 = arith.constant 8 : i32
        %dma_wait3A_2193 = arith.constant 0 : i32
        %dma_wait3A_2194 = tpu.memref_slice %arg10[%dma_wait3A_2192, %dma_wait3A_2193] : memref<64x129xf32, #tpu.memory_space<vmem>> -> memref<8x128xf32, #tpu.memory_space<vmem>>
        tpu.wait_dma2 semaphore(%arg16 : memref<!tpu.dma_semaphore, #tpu.memory_space<semaphore_mem>>) src(%dma_wait3A_2194 : memref<8x128xf32, #tpu.memory_space<vmem>>) dst(%dma_wait3A_2191 : memref<8x128xf32, #tpu.memory_space<hbm>>)
        %sub3A_2195 = arith.constant 2 : i32
        %sub3A_2196 = arith.subi %add3A_1539, %sub3A_2195 : i32
        %mul3A_2197 = arith.constant 200 : i32
        %mul3A_2198 = arith.muli %add3A, %mul3A_2197 : i32
        %add3A_2199 = arith.addi %mul3A_2198, %sub3A_2196 : i32
        %jit3A_2200 = arith.constant 128 : i32
        %div3A_2201 = arith.divsi %add3A_2199, %jit3A_2200 : i32
        %sign3A_2202 = arith.constant 0 : i32
        %sign3A_2203 = arith.cmpi sgt, %add3A_2199, %sign3A_2202 : i32
        %sign3A_2204 = arith.extui %sign3A_2203 : i1 to i32
        %sign3A_2205 = arith.constant 0 : i32
        %sign3A_2206 = arith.cmpi slt, %add3A_2199, %sign3A_2205 : i32
        %sign3A_2207 = arith.extui %sign3A_2206 : i1 to i32
        %sign3A_2208 = arith.subi %sign3A_2204, %sign3A_2207 : i32
        %sign3A_2209 = arith.constant 0 : i32
        %sign3A_2210 = arith.cmpi sgt, %jit3A_2200, %sign3A_2209 : i32
        %sign3A_2211 = arith.extui %sign3A_2210 : i1 to i32
        %sign3A_2212 = arith.constant 0 : i32
        %sign3A_2213 = arith.cmpi slt, %jit3A_2200, %sign3A_2212 : i32
        %sign3A_2214 = arith.extui %sign3A_2213 : i1 to i32
        %sign3A_2215 = arith.subi %sign3A_2211, %sign3A_2214 : i32
        %ne3A_2216 = arith.cmpi ne, %sign3A_2208, %sign3A_2215 : i32
        %rem3A_2217 = arith.remsi %add3A_2199, %jit3A_2200 : i32
        %ne3A_2218 = arith.constant 0 : i32
        %ne3A_2219 = arith.cmpi ne, %rem3A_2217, %ne3A_2218 : i32
        %and3A_2220 = arith.andi %ne3A_2216, %ne3A_2219 : i1
        %sub3A_2221 = arith.constant 1 : i32
        %sub3A_2222 = arith.subi %div3A_2201, %sub3A_2221 : i32
        %select_n3A_2223 = arith.select %and3A_2220, %sub3A_2222, %div3A_2201 : i32
        %jit3A_2224 = arith.constant 128 : i32
        %eq3A_2225 = arith.constant 0 : i32
        %eq3A_2226 = arith.cmpi eq, %jit3A_2224, %eq3A_2225 : i32
        %jit3A_2227 = arith.constant 1 : i32
        %select_n3A_2228 = arith.select %eq3A_2226, %jit3A_2227, %jit3A_2224 : i32
        %rem3A_2229 = arith.remsi %add3A_2199, %select_n3A_2228 : i32
        %ne3A_2230 = arith.constant 0 : i32
        %ne3A_2231 = arith.cmpi ne, %rem3A_2229, %ne3A_2230 : i32
        %lt3A_2232 = arith.constant 0 : i32
        %lt3A_2233 = arith.cmpi slt, %rem3A_2229, %lt3A_2232 : i32
        %lt3A_2234 = arith.constant 0 : i32
        %lt3A_2235 = arith.cmpi slt, %select_n3A_2228, %lt3A_2234 : i32
        %ne3A_2236 = arith.xori %lt3A_2233, %lt3A_2235 : i1
        %and3A_2237 = arith.andi %ne3A_2236, %ne3A_2231 : i1
        %add3A_2238 = arith.addi %rem3A_2229, %select_n3A_2228 : i32
        %select_n3A_2239 = arith.select %and3A_2237, %add3A_2238, %rem3A_2229 : i32
        %dma_wait3A_2240 = arith.constant 2 : i32
        %dma_wait3A_2241 = arith.constant 16 : i32
        %dma_wait3A_2242 = arith.constant 0 : i32
        %dma_wait3A_2243 = tpu.memref_slice %arg10[%dma_wait3A_2241, %dma_wait3A_2242] : memref<64x129xf32, #tpu.memory_space<vmem>> -> memref<8x128xf32, #tpu.memory_space<vmem>>
        %dma_wait3A_2244 = arith.constant 0 : i32
        %dma_wait3A_2245 = arith.constant 0 : i32
        %dma_wait3A_2246 = tpu.memref_slice %arg4[%select_n3A_2223, %dma_wait3A_2240, %select_n3A_2239, %dma_wait3A_2244, %dma_wait3A_2245] : memref<50x8x128x8x128xf32, #tpu.memory_space<hbm>> -> memref<1x1x1x8x128xf32, #tpu.memory_space<hbm>>
        %dma_wait3A_2247 = tpu.memref_squeeze %dma_wait3A_2246 : memref<1x1x1x8x128xf32, #tpu.memory_space<hbm>> -> memref<8x128xf32, #tpu.memory_space<hbm>>
        %dma_wait3A_2248 = arith.constant 0 : i32
        %dma_wait3A_2249 = arith.constant 0 : i32
        %dma_wait3A_2250 = tpu.memref_slice %arg4[%select_n3A_2223, %dma_wait3A_2240, %select_n3A_2239, %dma_wait3A_2248, %dma_wait3A_2249] : memref<50x8x128x8x128xf32, #tpu.memory_space<hbm>> -> memref<1x1x1x8x128xf32, #tpu.memory_space<hbm>>
        %dma_wait3A_2251 = tpu.memref_squeeze %dma_wait3A_2250 : memref<1x1x1x8x128xf32, #tpu.memory_space<hbm>> -> memref<8x128xf32, #tpu.memory_space<hbm>>
        %dma_wait3A_2252 = arith.constant 16 : i32
        %dma_wait3A_2253 = arith.constant 0 : i32
        %dma_wait3A_2254 = tpu.memref_slice %arg10[%dma_wait3A_2252, %dma_wait3A_2253] : memref<64x129xf32, #tpu.memory_space<vmem>> -> memref<8x128xf32, #tpu.memory_space<vmem>>
        tpu.wait_dma2 semaphore(%arg16 : memref<!tpu.dma_semaphore, #tpu.memory_space<semaphore_mem>>) src(%dma_wait3A_2254 : memref<8x128xf32, #tpu.memory_space<vmem>>) dst(%dma_wait3A_2251 : memref<8x128xf32, #tpu.memory_space<hbm>>)
        %sub3A_2255 = arith.constant 2 : i32
        %sub3A_2256 = arith.subi %add3A_1539, %sub3A_2255 : i32
        %mul3A_2257 = arith.constant 200 : i32
        %mul3A_2258 = arith.muli %add3A, %mul3A_2257 : i32
        %add3A_2259 = arith.addi %mul3A_2258, %sub3A_2256 : i32
        %jit3A_2260 = arith.constant 128 : i32
        %div3A_2261 = arith.divsi %add3A_2259, %jit3A_2260 : i32
        %sign3A_2262 = arith.constant 0 : i32
        %sign3A_2263 = arith.cmpi sgt, %add3A_2259, %sign3A_2262 : i32
        %sign3A_2264 = arith.extui %sign3A_2263 : i1 to i32
        %sign3A_2265 = arith.constant 0 : i32
        %sign3A_2266 = arith.cmpi slt, %add3A_2259, %sign3A_2265 : i32
        %sign3A_2267 = arith.extui %sign3A_2266 : i1 to i32
        %sign3A_2268 = arith.subi %sign3A_2264, %sign3A_2267 : i32
        %sign3A_2269 = arith.constant 0 : i32
        %sign3A_2270 = arith.cmpi sgt, %jit3A_2260, %sign3A_2269 : i32
        %sign3A_2271 = arith.extui %sign3A_2270 : i1 to i32
        %sign3A_2272 = arith.constant 0 : i32
        %sign3A_2273 = arith.cmpi slt, %jit3A_2260, %sign3A_2272 : i32
        %sign3A_2274 = arith.extui %sign3A_2273 : i1 to i32
        %sign3A_2275 = arith.subi %sign3A_2271, %sign3A_2274 : i32
        %ne3A_2276 = arith.cmpi ne, %sign3A_2268, %sign3A_2275 : i32
        %rem3A_2277 = arith.remsi %add3A_2259, %jit3A_2260 : i32
        %ne3A_2278 = arith.constant 0 : i32
        %ne3A_2279 = arith.cmpi ne, %rem3A_2277, %ne3A_2278 : i32
        %and3A_2280 = arith.andi %ne3A_2276, %ne3A_2279 : i1
        %sub3A_2281 = arith.constant 1 : i32
        %sub3A_2282 = arith.subi %div3A_2261, %sub3A_2281 : i32
        %select_n3A_2283 = arith.select %and3A_2280, %sub3A_2282, %div3A_2261 : i32
        %jit3A_2284 = arith.constant 128 : i32
        %eq3A_2285 = arith.constant 0 : i32
        %eq3A_2286 = arith.cmpi eq, %jit3A_2284, %eq3A_2285 : i32
        %jit3A_2287 = arith.constant 1 : i32
        %select_n3A_2288 = arith.select %eq3A_2286, %jit3A_2287, %jit3A_2284 : i32
        %rem3A_2289 = arith.remsi %add3A_2259, %select_n3A_2288 : i32
        %ne3A_2290 = arith.constant 0 : i32
        %ne3A_2291 = arith.cmpi ne, %rem3A_2289, %ne3A_2290 : i32
        %lt3A_2292 = arith.constant 0 : i32
        %lt3A_2293 = arith.cmpi slt, %rem3A_2289, %lt3A_2292 : i32
        %lt3A_2294 = arith.constant 0 : i32
        %lt3A_2295 = arith.cmpi slt, %select_n3A_2288, %lt3A_2294 : i32
        %ne3A_2296 = arith.xori %lt3A_2293, %lt3A_2295 : i1
        %and3A_2297 = arith.andi %ne3A_2296, %ne3A_2291 : i1
        %add3A_2298 = arith.addi %rem3A_2289, %select_n3A_2288 : i32
        %select_n3A_2299 = arith.select %and3A_2297, %add3A_2298, %rem3A_2289 : i32
        %dma_wait3A_2300 = arith.constant 3 : i32
        %dma_wait3A_2301 = arith.constant 24 : i32
        %dma_wait3A_2302 = arith.constant 0 : i32
        %dma_wait3A_2303 = tpu.memref_slice %arg10[%dma_wait3A_2301, %dma_wait3A_2302] : memref<64x129xf32, #tpu.memory_space<vmem>> -> memref<8x128xf32, #tpu.memory_space<vmem>>
        %dma_wait3A_2304 = arith.constant 0 : i32
        %dma_wait3A_2305 = arith.constant 0 : i32
        %dma_wait3A_2306 = tpu.memref_slice %arg4[%select_n3A_2283, %dma_wait3A_2300, %select_n3A_2299, %dma_wait3A_2304, %dma_wait3A_2305] : memref<50x8x128x8x128xf32, #tpu.memory_space<hbm>> -> memref<1x1x1x8x128xf32, #tpu.memory_space<hbm>>
        %dma_wait3A_2307 = tpu.memref_squeeze %dma_wait3A_2306 : memref<1x1x1x8x128xf32, #tpu.memory_space<hbm>> -> memref<8x128xf32, #tpu.memory_space<hbm>>
        %dma_wait3A_2308 = arith.constant 0 : i32
        %dma_wait3A_2309 = arith.constant 0 : i32
        %dma_wait3A_2310 = tpu.memref_slice %arg4[%select_n3A_2283, %dma_wait3A_2300, %select_n3A_2299, %dma_wait3A_2308, %dma_wait3A_2309] : memref<50x8x128x8x128xf32, #tpu.memory_space<hbm>> -> memref<1x1x1x8x128xf32, #tpu.memory_space<hbm>>
        %dma_wait3A_2311 = tpu.memref_squeeze %dma_wait3A_2310 : memref<1x1x1x8x128xf32, #tpu.memory_space<hbm>> -> memref<8x128xf32, #tpu.memory_space<hbm>>
        %dma_wait3A_2312 = arith.constant 24 : i32
        %dma_wait3A_2313 = arith.constant 0 : i32
        %dma_wait3A_2314 = tpu.memref_slice %arg10[%dma_wait3A_2312, %dma_wait3A_2313] : memref<64x129xf32, #tpu.memory_space<vmem>> -> memref<8x128xf32, #tpu.memory_space<vmem>>
        tpu.wait_dma2 semaphore(%arg16 : memref<!tpu.dma_semaphore, #tpu.memory_space<semaphore_mem>>) src(%dma_wait3A_2314 : memref<8x128xf32, #tpu.memory_space<vmem>>) dst(%dma_wait3A_2311 : memref<8x128xf32, #tpu.memory_space<hbm>>)
        %sub3A_2315 = arith.constant 2 : i32
        %sub3A_2316 = arith.subi %add3A_1539, %sub3A_2315 : i32
        %mul3A_2317 = arith.constant 200 : i32
        %mul3A_2318 = arith.muli %add3A, %mul3A_2317 : i32
        %add3A_2319 = arith.addi %mul3A_2318, %sub3A_2316 : i32
        %jit3A_2320 = arith.constant 128 : i32
        %div3A_2321 = arith.divsi %add3A_2319, %jit3A_2320 : i32
        %sign3A_2322 = arith.constant 0 : i32
        %sign3A_2323 = arith.cmpi sgt, %add3A_2319, %sign3A_2322 : i32
        %sign3A_2324 = arith.extui %sign3A_2323 : i1 to i32
        %sign3A_2325 = arith.constant 0 : i32
        %sign3A_2326 = arith.cmpi slt, %add3A_2319, %sign3A_2325 : i32
        %sign3A_2327 = arith.extui %sign3A_2326 : i1 to i32
        %sign3A_2328 = arith.subi %sign3A_2324, %sign3A_2327 : i32
        %sign3A_2329 = arith.constant 0 : i32
        %sign3A_2330 = arith.cmpi sgt, %jit3A_2320, %sign3A_2329 : i32
        %sign3A_2331 = arith.extui %sign3A_2330 : i1 to i32
        %sign3A_2332 = arith.constant 0 : i32
        %sign3A_2333 = arith.cmpi slt, %jit3A_2320, %sign3A_2332 : i32
        %sign3A_2334 = arith.extui %sign3A_2333 : i1 to i32
        %sign3A_2335 = arith.subi %sign3A_2331, %sign3A_2334 : i32
        %ne3A_2336 = arith.cmpi ne, %sign3A_2328, %sign3A_2335 : i32
        %rem3A_2337 = arith.remsi %add3A_2319, %jit3A_2320 : i32
        %ne3A_2338 = arith.constant 0 : i32
        %ne3A_2339 = arith.cmpi ne, %rem3A_2337, %ne3A_2338 : i32
        %and3A_2340 = arith.andi %ne3A_2336, %ne3A_2339 : i1
        %sub3A_2341 = arith.constant 1 : i32
        %sub3A_2342 = arith.subi %div3A_2321, %sub3A_2341 : i32
        %select_n3A_2343 = arith.select %and3A_2340, %sub3A_2342, %div3A_2321 : i32
        %jit3A_2344 = arith.constant 128 : i32
        %eq3A_2345 = arith.constant 0 : i32
        %eq3A_2346 = arith.cmpi eq, %jit3A_2344, %eq3A_2345 : i32
        %jit3A_2347 = arith.constant 1 : i32
        %select_n3A_2348 = arith.select %eq3A_2346, %jit3A_2347, %jit3A_2344 : i32
        %rem3A_2349 = arith.remsi %add3A_2319, %select_n3A_2348 : i32
        %ne3A_2350 = arith.constant 0 : i32
        %ne3A_2351 = arith.cmpi ne, %rem3A_2349, %ne3A_2350 : i32
        %lt3A_2352 = arith.constant 0 : i32
        %lt3A_2353 = arith.cmpi slt, %rem3A_2349, %lt3A_2352 : i32
        %lt3A_2354 = arith.constant 0 : i32
        %lt3A_2355 = arith.cmpi slt, %select_n3A_2348, %lt3A_2354 : i32
        %ne3A_2356 = arith.xori %lt3A_2353, %lt3A_2355 : i1
        %and3A_2357 = arith.andi %ne3A_2356, %ne3A_2351 : i1
        %add3A_2358 = arith.addi %rem3A_2349, %select_n3A_2348 : i32
        %select_n3A_2359 = arith.select %and3A_2357, %add3A_2358, %rem3A_2349 : i32
        %dma_wait3A_2360 = arith.constant 4 : i32
        %dma_wait3A_2361 = arith.constant 32 : i32
        %dma_wait3A_2362 = arith.constant 0 : i32
        %dma_wait3A_2363 = tpu.memref_slice %arg10[%dma_wait3A_2361, %dma_wait3A_2362] : memref<64x129xf32, #tpu.memory_space<vmem>> -> memref<8x128xf32, #tpu.memory_space<vmem>>
        %dma_wait3A_2364 = arith.constant 0 : i32
        %dma_wait3A_2365 = arith.constant 0 : i32
        %dma_wait3A_2366 = tpu.memref_slice %arg4[%select_n3A_2343, %dma_wait3A_2360, %select_n3A_2359, %dma_wait3A_2364, %dma_wait3A_2365] : memref<50x8x128x8x128xf32, #tpu.memory_space<hbm>> -> memref<1x1x1x8x128xf32, #tpu.memory_space<hbm>>
        %dma_wait3A_2367 = tpu.memref_squeeze %dma_wait3A_2366 : memref<1x1x1x8x128xf32, #tpu.memory_space<hbm>> -> memref<8x128xf32, #tpu.memory_space<hbm>>
        %dma_wait3A_2368 = arith.constant 0 : i32
        %dma_wait3A_2369 = arith.constant 0 : i32
        %dma_wait3A_2370 = tpu.memref_slice %arg4[%select_n3A_2343, %dma_wait3A_2360, %select_n3A_2359, %dma_wait3A_2368, %dma_wait3A_2369] : memref<50x8x128x8x128xf32, #tpu.memory_space<hbm>> -> memref<1x1x1x8x128xf32, #tpu.memory_space<hbm>>
        %dma_wait3A_2371 = tpu.memref_squeeze %dma_wait3A_2370 : memref<1x1x1x8x128xf32, #tpu.memory_space<hbm>> -> memref<8x128xf32, #tpu.memory_space<hbm>>
        %dma_wait3A_2372 = arith.constant 32 : i32
        %dma_wait3A_2373 = arith.constant 0 : i32
        %dma_wait3A_2374 = tpu.memref_slice %arg10[%dma_wait3A_2372, %dma_wait3A_2373] : memref<64x129xf32, #tpu.memory_space<vmem>> -> memref<8x128xf32, #tpu.memory_space<vmem>>
        tpu.wait_dma2 semaphore(%arg16 : memref<!tpu.dma_semaphore, #tpu.memory_space<semaphore_mem>>) src(%dma_wait3A_2374 : memref<8x128xf32, #tpu.memory_space<vmem>>) dst(%dma_wait3A_2371 : memref<8x128xf32, #tpu.memory_space<hbm>>)
        %sub3A_2375 = arith.constant 2 : i32
        %sub3A_2376 = arith.subi %add3A_1539, %sub3A_2375 : i32
        %mul3A_2377 = arith.constant 200 : i32
        %mul3A_2378 = arith.muli %add3A, %mul3A_2377 : i32
        %add3A_2379 = arith.addi %mul3A_2378, %sub3A_2376 : i32
        %jit3A_2380 = arith.constant 128 : i32
        %div3A_2381 = arith.divsi %add3A_2379, %jit3A_2380 : i32
        %sign3A_2382 = arith.constant 0 : i32
        %sign3A_2383 = arith.cmpi sgt, %add3A_2379, %sign3A_2382 : i32
        %sign3A_2384 = arith.extui %sign3A_2383 : i1 to i32
        %sign3A_2385 = arith.constant 0 : i32
        %sign3A_2386 = arith.cmpi slt, %add3A_2379, %sign3A_2385 : i32
        %sign3A_2387 = arith.extui %sign3A_2386 : i1 to i32
        %sign3A_2388 = arith.subi %sign3A_2384, %sign3A_2387 : i32
        %sign3A_2389 = arith.constant 0 : i32
        %sign3A_2390 = arith.cmpi sgt, %jit3A_2380, %sign3A_2389 : i32
        %sign3A_2391 = arith.extui %sign3A_2390 : i1 to i32
        %sign3A_2392 = arith.constant 0 : i32
        %sign3A_2393 = arith.cmpi slt, %jit3A_2380, %sign3A_2392 : i32
        %sign3A_2394 = arith.extui %sign3A_2393 : i1 to i32
        %sign3A_2395 = arith.subi %sign3A_2391, %sign3A_2394 : i32
        %ne3A_2396 = arith.cmpi ne, %sign3A_2388, %sign3A_2395 : i32
        %rem3A_2397 = arith.remsi %add3A_2379, %jit3A_2380 : i32
        %ne3A_2398 = arith.constant 0 : i32
        %ne3A_2399 = arith.cmpi ne, %rem3A_2397, %ne3A_2398 : i32
        %and3A_2400 = arith.andi %ne3A_2396, %ne3A_2399 : i1
        %sub3A_2401 = arith.constant 1 : i32
        %sub3A_2402 = arith.subi %div3A_2381, %sub3A_2401 : i32
        %select_n3A_2403 = arith.select %and3A_2400, %sub3A_2402, %div3A_2381 : i32
        %jit3A_2404 = arith.constant 128 : i32
        %eq3A_2405 = arith.constant 0 : i32
        %eq3A_2406 = arith.cmpi eq, %jit3A_2404, %eq3A_2405 : i32
        %jit3A_2407 = arith.constant 1 : i32
        %select_n3A_2408 = arith.select %eq3A_2406, %jit3A_2407, %jit3A_2404 : i32
        %rem3A_2409 = arith.remsi %add3A_2379, %select_n3A_2408 : i32
        %ne3A_2410 = arith.constant 0 : i32
        %ne3A_2411 = arith.cmpi ne, %rem3A_2409, %ne3A_2410 : i32
        %lt3A_2412 = arith.constant 0 : i32
        %lt3A_2413 = arith.cmpi slt, %rem3A_2409, %lt3A_2412 : i32
        %lt3A_2414 = arith.constant 0 : i32
        %lt3A_2415 = arith.cmpi slt, %select_n3A_2408, %lt3A_2414 : i32
        %ne3A_2416 = arith.xori %lt3A_2413, %lt3A_2415 : i1
        %and3A_2417 = arith.andi %ne3A_2416, %ne3A_2411 : i1
        %add3A_2418 = arith.addi %rem3A_2409, %select_n3A_2408 : i32
        %select_n3A_2419 = arith.select %and3A_2417, %add3A_2418, %rem3A_2409 : i32
        %dma_wait3A_2420 = arith.constant 5 : i32
        %dma_wait3A_2421 = arith.constant 40 : i32
        %dma_wait3A_2422 = arith.constant 0 : i32
        %dma_wait3A_2423 = tpu.memref_slice %arg10[%dma_wait3A_2421, %dma_wait3A_2422] : memref<64x129xf32, #tpu.memory_space<vmem>> -> memref<8x128xf32, #tpu.memory_space<vmem>>
        %dma_wait3A_2424 = arith.constant 0 : i32
        %dma_wait3A_2425 = arith.constant 0 : i32
        %dma_wait3A_2426 = tpu.memref_slice %arg4[%select_n3A_2403, %dma_wait3A_2420, %select_n3A_2419, %dma_wait3A_2424, %dma_wait3A_2425] : memref<50x8x128x8x128xf32, #tpu.memory_space<hbm>> -> memref<1x1x1x8x128xf32, #tpu.memory_space<hbm>>
        %dma_wait3A_2427 = tpu.memref_squeeze %dma_wait3A_2426 : memref<1x1x1x8x128xf32, #tpu.memory_space<hbm>> -> memref<8x128xf32, #tpu.memory_space<hbm>>
        %dma_wait3A_2428 = arith.constant 0 : i32
        %dma_wait3A_2429 = arith.constant 0 : i32
        %dma_wait3A_2430 = tpu.memref_slice %arg4[%select_n3A_2403, %dma_wait3A_2420, %select_n3A_2419, %dma_wait3A_2428, %dma_wait3A_2429] : memref<50x8x128x8x128xf32, #tpu.memory_space<hbm>> -> memref<1x1x1x8x128xf32, #tpu.memory_space<hbm>>
        %dma_wait3A_2431 = tpu.memref_squeeze %dma_wait3A_2430 : memref<1x1x1x8x128xf32, #tpu.memory_space<hbm>> -> memref<8x128xf32, #tpu.memory_space<hbm>>
        %dma_wait3A_2432 = arith.constant 40 : i32
        %dma_wait3A_2433 = arith.constant 0 : i32
        %dma_wait3A_2434 = tpu.memref_slice %arg10[%dma_wait3A_2432, %dma_wait3A_2433] : memref<64x129xf32, #tpu.memory_space<vmem>> -> memref<8x128xf32, #tpu.memory_space<vmem>>
        tpu.wait_dma2 semaphore(%arg16 : memref<!tpu.dma_semaphore, #tpu.memory_space<semaphore_mem>>) src(%dma_wait3A_2434 : memref<8x128xf32, #tpu.memory_space<vmem>>) dst(%dma_wait3A_2431 : memref<8x128xf32, #tpu.memory_space<hbm>>)
        %sub3A_2435 = arith.constant 2 : i32
        %sub3A_2436 = arith.subi %add3A_1539, %sub3A_2435 : i32
        %mul3A_2437 = arith.constant 200 : i32
        %mul3A_2438 = arith.muli %add3A, %mul3A_2437 : i32
        %add3A_2439 = arith.addi %mul3A_2438, %sub3A_2436 : i32
        %jit3A_2440 = arith.constant 128 : i32
        %div3A_2441 = arith.divsi %add3A_2439, %jit3A_2440 : i32
        %sign3A_2442 = arith.constant 0 : i32
        %sign3A_2443 = arith.cmpi sgt, %add3A_2439, %sign3A_2442 : i32
        %sign3A_2444 = arith.extui %sign3A_2443 : i1 to i32
        %sign3A_2445 = arith.constant 0 : i32
        %sign3A_2446 = arith.cmpi slt, %add3A_2439, %sign3A_2445 : i32
        %sign3A_2447 = arith.extui %sign3A_2446 : i1 to i32
        %sign3A_2448 = arith.subi %sign3A_2444, %sign3A_2447 : i32
        %sign3A_2449 = arith.constant 0 : i32
        %sign3A_2450 = arith.cmpi sgt, %jit3A_2440, %sign3A_2449 : i32
        %sign3A_2451 = arith.extui %sign3A_2450 : i1 to i32
        %sign3A_2452 = arith.constant 0 : i32
        %sign3A_2453 = arith.cmpi slt, %jit3A_2440, %sign3A_2452 : i32
        %sign3A_2454 = arith.extui %sign3A_2453 : i1 to i32
        %sign3A_2455 = arith.subi %sign3A_2451, %sign3A_2454 : i32
        %ne3A_2456 = arith.cmpi ne, %sign3A_2448, %sign3A_2455 : i32
        %rem3A_2457 = arith.remsi %add3A_2439, %jit3A_2440 : i32
        %ne3A_2458 = arith.constant 0 : i32
        %ne3A_2459 = arith.cmpi ne, %rem3A_2457, %ne3A_2458 : i32
        %and3A_2460 = arith.andi %ne3A_2456, %ne3A_2459 : i1
        %sub3A_2461 = arith.constant 1 : i32
        %sub3A_2462 = arith.subi %div3A_2441, %sub3A_2461 : i32
        %select_n3A_2463 = arith.select %and3A_2460, %sub3A_2462, %div3A_2441 : i32
        %jit3A_2464 = arith.constant 128 : i32
        %eq3A_2465 = arith.constant 0 : i32
        %eq3A_2466 = arith.cmpi eq, %jit3A_2464, %eq3A_2465 : i32
        %jit3A_2467 = arith.constant 1 : i32
        %select_n3A_2468 = arith.select %eq3A_2466, %jit3A_2467, %jit3A_2464 : i32
        %rem3A_2469 = arith.remsi %add3A_2439, %select_n3A_2468 : i32
        %ne3A_2470 = arith.constant 0 : i32
        %ne3A_2471 = arith.cmpi ne, %rem3A_2469, %ne3A_2470 : i32
        %lt3A_2472 = arith.constant 0 : i32
        %lt3A_2473 = arith.cmpi slt, %rem3A_2469, %lt3A_2472 : i32
        %lt3A_2474 = arith.constant 0 : i32
        %lt3A_2475 = arith.cmpi slt, %select_n3A_2468, %lt3A_2474 : i32
        %ne3A_2476 = arith.xori %lt3A_2473, %lt3A_2475 : i1
        %and3A_2477 = arith.andi %ne3A_2476, %ne3A_2471 : i1
        %add3A_2478 = arith.addi %rem3A_2469, %select_n3A_2468 : i32
        %select_n3A_2479 = arith.select %and3A_2477, %add3A_2478, %rem3A_2469 : i32
        %dma_wait3A_2480 = arith.constant 6 : i32
        %dma_wait3A_2481 = arith.constant 48 : i32
        %dma_wait3A_2482 = arith.constant 0 : i32
        %dma_wait3A_2483 = tpu.memref_slice %arg10[%dma_wait3A_2481, %dma_wait3A_2482] : memref<64x129xf32, #tpu.memory_space<vmem>> -> memref<8x128xf32, #tpu.memory_space<vmem>>
        %dma_wait3A_2484 = arith.constant 0 : i32
        %dma_wait3A_2485 = arith.constant 0 : i32
        %dma_wait3A_2486 = tpu.memref_slice %arg4[%select_n3A_2463, %dma_wait3A_2480, %select_n3A_2479, %dma_wait3A_2484, %dma_wait3A_2485] : memref<50x8x128x8x128xf32, #tpu.memory_space<hbm>> -> memref<1x1x1x8x128xf32, #tpu.memory_space<hbm>>
        %dma_wait3A_2487 = tpu.memref_squeeze %dma_wait3A_2486 : memref<1x1x1x8x128xf32, #tpu.memory_space<hbm>> -> memref<8x128xf32, #tpu.memory_space<hbm>>
        %dma_wait3A_2488 = arith.constant 0 : i32
        %dma_wait3A_2489 = arith.constant 0 : i32
        %dma_wait3A_2490 = tpu.memref_slice %arg4[%select_n3A_2463, %dma_wait3A_2480, %select_n3A_2479, %dma_wait3A_2488, %dma_wait3A_2489] : memref<50x8x128x8x128xf32, #tpu.memory_space<hbm>> -> memref<1x1x1x8x128xf32, #tpu.memory_space<hbm>>
        %dma_wait3A_2491 = tpu.memref_squeeze %dma_wait3A_2490 : memref<1x1x1x8x128xf32, #tpu.memory_space<hbm>> -> memref<8x128xf32, #tpu.memory_space<hbm>>
        %dma_wait3A_2492 = arith.constant 48 : i32
        %dma_wait3A_2493 = arith.constant 0 : i32
        %dma_wait3A_2494 = tpu.memref_slice %arg10[%dma_wait3A_2492, %dma_wait3A_2493] : memref<64x129xf32, #tpu.memory_space<vmem>> -> memref<8x128xf32, #tpu.memory_space<vmem>>
        tpu.wait_dma2 semaphore(%arg16 : memref<!tpu.dma_semaphore, #tpu.memory_space<semaphore_mem>>) src(%dma_wait3A_2494 : memref<8x128xf32, #tpu.memory_space<vmem>>) dst(%dma_wait3A_2491 : memref<8x128xf32, #tpu.memory_space<hbm>>)
        %sub3A_2495 = arith.constant 2 : i32
        %sub3A_2496 = arith.subi %add3A_1539, %sub3A_2495 : i32
        %mul3A_2497 = arith.constant 200 : i32
        %mul3A_2498 = arith.muli %add3A, %mul3A_2497 : i32
        %add3A_2499 = arith.addi %mul3A_2498, %sub3A_2496 : i32
        %jit3A_2500 = arith.constant 128 : i32
        %div3A_2501 = arith.divsi %add3A_2499, %jit3A_2500 : i32
        %sign3A_2502 = arith.constant 0 : i32
        %sign3A_2503 = arith.cmpi sgt, %add3A_2499, %sign3A_2502 : i32
        %sign3A_2504 = arith.extui %sign3A_2503 : i1 to i32
        %sign3A_2505 = arith.constant 0 : i32
        %sign3A_2506 = arith.cmpi slt, %add3A_2499, %sign3A_2505 : i32
        %sign3A_2507 = arith.extui %sign3A_2506 : i1 to i32
        %sign3A_2508 = arith.subi %sign3A_2504, %sign3A_2507 : i32
        %sign3A_2509 = arith.constant 0 : i32
        %sign3A_2510 = arith.cmpi sgt, %jit3A_2500, %sign3A_2509 : i32
        %sign3A_2511 = arith.extui %sign3A_2510 : i1 to i32
        %sign3A_2512 = arith.constant 0 : i32
        %sign3A_2513 = arith.cmpi slt, %jit3A_2500, %sign3A_2512 : i32
        %sign3A_2514 = arith.extui %sign3A_2513 : i1 to i32
        %sign3A_2515 = arith.subi %sign3A_2511, %sign3A_2514 : i32
        %ne3A_2516 = arith.cmpi ne, %sign3A_2508, %sign3A_2515 : i32
        %rem3A_2517 = arith.remsi %add3A_2499, %jit3A_2500 : i32
        %ne3A_2518 = arith.constant 0 : i32
        %ne3A_2519 = arith.cmpi ne, %rem3A_2517, %ne3A_2518 : i32
        %and3A_2520 = arith.andi %ne3A_2516, %ne3A_2519 : i1
        %sub3A_2521 = arith.constant 1 : i32
        %sub3A_2522 = arith.subi %div3A_2501, %sub3A_2521 : i32
        %select_n3A_2523 = arith.select %and3A_2520, %sub3A_2522, %div3A_2501 : i32
        %jit3A_2524 = arith.constant 128 : i32
        %eq3A_2525 = arith.constant 0 : i32
        %eq3A_2526 = arith.cmpi eq, %jit3A_2524, %eq3A_2525 : i32
        %jit3A_2527 = arith.constant 1 : i32
        %select_n3A_2528 = arith.select %eq3A_2526, %jit3A_2527, %jit3A_2524 : i32
        %rem3A_2529 = arith.remsi %add3A_2499, %select_n3A_2528 : i32
        %ne3A_2530 = arith.constant 0 : i32
        %ne3A_2531 = arith.cmpi ne, %rem3A_2529, %ne3A_2530 : i32
        %lt3A_2532 = arith.constant 0 : i32
        %lt3A_2533 = arith.cmpi slt, %rem3A_2529, %lt3A_2532 : i32
        %lt3A_2534 = arith.constant 0 : i32
        %lt3A_2535 = arith.cmpi slt, %select_n3A_2528, %lt3A_2534 : i32
        %ne3A_2536 = arith.xori %lt3A_2533, %lt3A_2535 : i1
        %and3A_2537 = arith.andi %ne3A_2536, %ne3A_2531 : i1
        %add3A_2538 = arith.addi %rem3A_2529, %select_n3A_2528 : i32
        %select_n3A_2539 = arith.select %and3A_2537, %add3A_2538, %rem3A_2529 : i32
        %dma_wait3A_2540 = arith.constant 7 : i32
        %dma_wait3A_2541 = arith.constant 56 : i32
        %dma_wait3A_2542 = arith.constant 0 : i32
        %dma_wait3A_2543 = tpu.memref_slice %arg10[%dma_wait3A_2541, %dma_wait3A_2542] : memref<64x129xf32, #tpu.memory_space<vmem>> -> memref<8x128xf32, #tpu.memory_space<vmem>>
        %dma_wait3A_2544 = arith.constant 0 : i32
        %dma_wait3A_2545 = arith.constant 0 : i32
        %dma_wait3A_2546 = tpu.memref_slice %arg4[%select_n3A_2523, %dma_wait3A_2540, %select_n3A_2539, %dma_wait3A_2544, %dma_wait3A_2545] : memref<50x8x128x8x128xf32, #tpu.memory_space<hbm>> -> memref<1x1x1x8x128xf32, #tpu.memory_space<hbm>>
        %dma_wait3A_2547 = tpu.memref_squeeze %dma_wait3A_2546 : memref<1x1x1x8x128xf32, #tpu.memory_space<hbm>> -> memref<8x128xf32, #tpu.memory_space<hbm>>
        %dma_wait3A_2548 = arith.constant 0 : i32
        %dma_wait3A_2549 = arith.constant 0 : i32
        %dma_wait3A_2550 = tpu.memref_slice %arg4[%select_n3A_2523, %dma_wait3A_2540, %select_n3A_2539, %dma_wait3A_2548, %dma_wait3A_2549] : memref<50x8x128x8x128xf32, #tpu.memory_space<hbm>> -> memref<1x1x1x8x128xf32, #tpu.memory_space<hbm>>
        %dma_wait3A_2551 = tpu.memref_squeeze %dma_wait3A_2550 : memref<1x1x1x8x128xf32, #tpu.memory_space<hbm>> -> memref<8x128xf32, #tpu.memory_space<hbm>>
        %dma_wait3A_2552 = arith.constant 56 : i32
        %dma_wait3A_2553 = arith.constant 0 : i32
        %dma_wait3A_2554 = tpu.memref_slice %arg10[%dma_wait3A_2552, %dma_wait3A_2553] : memref<64x129xf32, #tpu.memory_space<vmem>> -> memref<8x128xf32, #tpu.memory_space<vmem>>
        tpu.wait_dma2 semaphore(%arg16 : memref<!tpu.dma_semaphore, #tpu.memory_space<semaphore_mem>>) src(%dma_wait3A_2554 : memref<8x128xf32, #tpu.memory_space<vmem>>) dst(%dma_wait3A_2551 : memref<8x128xf32, #tpu.memory_space<hbm>>)
      } else {
      }
      %parallel_loop3A_1608 = arith.constant 0 : i32
      %parallel_loop3A_1609 = arith.constant 128 : i32
      %parallel_loop3A_1610 = arith.constant 1 : i32
      scf.for %parallel_loop3A_2075 = %parallel_loop3A_1608 to %parallel_loop3A_1609 step %parallel_loop3A_1610  : i32 {
        %parallel_loop3A_2076 = vector.broadcast %parallel_loop3A_2075 : i32 to vector<16xi32>
        %parallel_loop3A_2077 = arith.index_cast %parallel_loop3A_2075 : i32 to index
        %parallel_loop3A_2078 = arith.constant 0 : index
        %parallel_loop3A_2079 = tpu.vector_load %arg8[%parallel_loop3A_2077, %parallel_loop3A_2078] {strides = array<i32>} : memref<128x64xf32, #tpu.memory_space<vmem>>, vector<16xf32>,
        tpu.vector_store_idx %arg10[%add3A_3, %parallel_loop3A_2076], %parallel_loop3A_2079 : memref<64x129xf32, #tpu.memory_space<vmem>>[vector<16xi32>, vector<16xi32>], vector<16xf32>,
        %parallel_loop3A_2080 = arith.index_cast %parallel_loop3A_2075 : i32 to index
        %parallel_loop3A_2081 = arith.constant 16 : index
        %parallel_loop3A_2082 = tpu.vector_load %arg8[%parallel_loop3A_2080, %parallel_loop3A_2081] {strides = array<i32>} : memref<128x64xf32, #tpu.memory_space<vmem>>, vector<16xf32>,
        tpu.vector_store_idx %arg10[%add3A_6, %parallel_loop3A_2076], %parallel_loop3A_2082 : memref<64x129xf32, #tpu.memory_space<vmem>>[vector<16xi32>, vector<16xi32>], vector<16xf32>,
        %parallel_loop3A_2083 = arith.index_cast %parallel_loop3A_2075 : i32 to index
        %parallel_loop3A_2084 = arith.constant 32 : index
        %parallel_loop3A_2085 = tpu.vector_load %arg8[%parallel_loop3A_2083, %parallel_loop3A_2084] {strides = array<i32>} : memref<128x64xf32, #tpu.memory_space<vmem>>, vector<16xf32>,
        tpu.vector_store_idx %arg10[%add3A_9, %parallel_loop3A_2076], %parallel_loop3A_2085 : memref<64x129xf32, #tpu.memory_space<vmem>>[vector<16xi32>, vector<16xi32>], vector<16xf32>,
        %parallel_loop3A_2086 = arith.index_cast %parallel_loop3A_2075 : i32 to index
        %parallel_loop3A_2087 = arith.constant 48 : index
        %parallel_loop3A_2088 = tpu.vector_load %arg8[%parallel_loop3A_2086, %parallel_loop3A_2087] {strides = array<i32>} : memref<128x64xf32, #tpu.memory_space<vmem>>, vector<16xf32>,
        tpu.vector_store_idx %arg10[%add3A_12, %parallel_loop3A_2076], %parallel_loop3A_2088 : memref<64x129xf32, #tpu.memory_space<vmem>>[vector<16xi32>, vector<16xi32>], vector<16xf32>,
      } {sc.loop_unroll_factor = 8 : i64, sc.parallel_access}
      %mul3A_1611 = arith.constant 200 : i32
      %mul3A_1612 = arith.muli %add3A, %mul3A_1611 : i32
      %add3A_1613 = arith.addi %mul3A_1612, %add3A_1539 : i32
      %jit3A_1614 = arith.constant 128 : i32
      %div3A_1615 = arith.divsi %add3A_1613, %jit3A_1614 : i32
      %sign3A_1616 = arith.constant 0 : i32
      %sign3A_1617 = arith.cmpi sgt, %add3A_1613, %sign3A_1616 : i32
      %sign3A_1618 = arith.extui %sign3A_1617 : i1 to i32
      %sign3A_1619 = arith.constant 0 : i32
      %sign3A_1620 = arith.cmpi slt, %add3A_1613, %sign3A_1619 : i32
      %sign3A_1621 = arith.extui %sign3A_1620 : i1 to i32
      %sign3A_1622 = arith.subi %sign3A_1618, %sign3A_1621 : i32
      %sign3A_1623 = arith.constant 0 : i32
      %sign3A_1624 = arith.cmpi sgt, %jit3A_1614, %sign3A_1623 : i32
      %sign3A_1625 = arith.extui %sign3A_1624 : i1 to i32
      %sign3A_1626 = arith.constant 0 : i32
      %sign3A_1627 = arith.cmpi slt, %jit3A_1614, %sign3A_1626 : i32
      %sign3A_1628 = arith.extui %sign3A_1627 : i1 to i32
      %sign3A_1629 = arith.subi %sign3A_1625, %sign3A_1628 : i32
      %ne3A_1630 = arith.cmpi ne, %sign3A_1622, %sign3A_1629 : i32
      %rem3A_1631 = arith.remsi %add3A_1613, %jit3A_1614 : i32
      %ne3A_1632 = arith.constant 0 : i32
      %ne3A_1633 = arith.cmpi ne, %rem3A_1631, %ne3A_1632 : i32
      %and3A_1634 = arith.andi %ne3A_1630, %ne3A_1633 : i1
      %sub3A_1635 = arith.constant 1 : i32
      %sub3A_1636 = arith.subi %div3A_1615, %sub3A_1635 : i32
      %select_n3A_1637 = arith.select %and3A_1634, %sub3A_1636, %div3A_1615 : i32
      %jit3A_1638 = arith.constant 128 : i32
      %eq3A_1639 = arith.constant 0 : i32
      %eq3A_1640 = arith.cmpi eq, %jit3A_1638, %eq3A_1639 : i32
      %jit3A_1641 = arith.constant 1 : i32
      %select_n3A_1642 = arith.select %eq3A_1640, %jit3A_1641, %jit3A_1638 : i32
      %rem3A_1643 = arith.remsi %add3A_1613, %select_n3A_1642 : i32
      %ne3A_1644 = arith.constant 0 : i32
      %ne3A_1645 = arith.cmpi ne, %rem3A_1643, %ne3A_1644 : i32
      %lt3A_1646 = arith.constant 0 : i32
      %lt3A_1647 = arith.cmpi slt, %rem3A_1643, %lt3A_1646 : i32
      %lt3A_1648 = arith.constant 0 : i32
      %lt3A_1649 = arith.cmpi slt, %select_n3A_1642, %lt3A_1648 : i32
      %ne3A_1650 = arith.xori %lt3A_1647, %lt3A_1649 : i1
      %and3A_1651 = arith.andi %ne3A_1650, %ne3A_1645 : i1
      %add3A_1652 = arith.addi %rem3A_1643, %select_n3A_1642 : i32
      %select_n3A_1653 = arith.select %and3A_1651, %add3A_1652, %rem3A_1643 : i32
      %dma_start3A_1654 = arith.constant 0 : i32
      %dma_start3A_1655 = arith.constant 0 : i32
      %dma_start3A_1656 = arith.constant 0 : i32
      %dma_start3A_1657 = tpu.memref_slice %arg10[%dma_start3A_1655, %dma_start3A_1656] : memref<64x129xf32, #tpu.memory_space<vmem>> -> memref<8x128xf32, #tpu.memory_space<vmem>>
      %dma_start3A_1658 = arith.constant 0 : i32
      %dma_start3A_1659 = arith.constant 0 : i32
      %dma_start3A_1660 = tpu.memref_slice %arg4[%select_n3A_1637, %dma_start3A_1654, %select_n3A_1653, %dma_start3A_1658, %dma_start3A_1659] : memref<50x8x128x8x128xf32, #tpu.memory_space<hbm>> -> memref<1x1x1x8x128xf32, #tpu.memory_space<hbm>>
      %dma_start3A_1661 = tpu.memref_squeeze %dma_start3A_1660 : memref<1x1x1x8x128xf32, #tpu.memory_space<hbm>> -> memref<8x128xf32, #tpu.memory_space<hbm>>
      %dma_start3A_1662 = arith.constant 0 : i32
      %dma_start3A_1663 = arith.constant 0 : i32
      %dma_start3A_1664 = tpu.memref_slice %arg4[%select_n3A_1637, %dma_start3A_1654, %select_n3A_1653, %dma_start3A_1662, %dma_start3A_1663] : memref<50x8x128x8x128xf32, #tpu.memory_space<hbm>> -> memref<1x1x1x8x128xf32, #tpu.memory_space<hbm>>
      %dma_start3A_1665 = tpu.memref_squeeze %dma_start3A_1664 : memref<1x1x1x8x128xf32, #tpu.memory_space<hbm>> -> memref<8x128xf32, #tpu.memory_space<hbm>>
      %dma_start3A_1666 = arith.constant 0 : i32
      %dma_start3A_1667 = arith.constant 0 : i32
      %dma_start3A_1668 = tpu.memref_slice %arg10[%dma_start3A_1666, %dma_start3A_1667] : memref<64x129xf32, #tpu.memory_space<vmem>> -> memref<8x128xf32, #tpu.memory_space<vmem>>
      tpu.enqueue_dma source(%dma_start3A_1668 : memref<8x128xf32, #tpu.memory_space<vmem>>) target(%dma_start3A_1665 : memref<8x128xf32, #tpu.memory_space<hbm>>) target_semaphore(%arg16 : memref<!tpu.dma_semaphore, #tpu.memory_space<semaphore_mem>>)
      %mul3A_1669 = arith.constant 200 : i32
      %mul3A_1670 = arith.muli %add3A, %mul3A_1669 : i32
      %add3A_1671 = arith.addi %mul3A_1670, %add3A_1539 : i32
      %jit3A_1672 = arith.constant 128 : i32
      %div3A_1673 = arith.divsi %add3A_1671, %jit3A_1672 : i32
      %sign3A_1674 = arith.constant 0 : i32
      %sign3A_1675 = arith.cmpi sgt, %add3A_1671, %sign3A_1674 : i32
      %sign3A_1676 = arith.extui %sign3A_1675 : i1 to i32
      %sign3A_1677 = arith.constant 0 : i32
      %sign3A_1678 = arith.cmpi slt, %add3A_1671, %sign3A_1677 : i32
      %sign3A_1679 = arith.extui %sign3A_1678 : i1 to i32
      %sign3A_1680 = arith.subi %sign3A_1676, %sign3A_1679 : i32
      %sign3A_1681 = arith.constant 0 : i32
      %sign3A_1682 = arith.cmpi sgt, %jit3A_1672, %sign3A_1681 : i32
      %sign3A_1683 = arith.extui %sign3A_1682 : i1 to i32
      %sign3A_1684 = arith.constant 0 : i32
      %sign3A_1685 = arith.cmpi slt, %jit3A_1672, %sign3A_1684 : i32
      %sign3A_1686 = arith.extui %sign3A_1685 : i1 to i32
      %sign3A_1687 = arith.subi %sign3A_1683, %sign3A_1686 : i32
      %ne3A_1688 = arith.cmpi ne, %sign3A_1680, %sign3A_1687 : i32
      %rem3A_1689 = arith.remsi %add3A_1671, %jit3A_1672 : i32
      %ne3A_1690 = arith.constant 0 : i32
      %ne3A_1691 = arith.cmpi ne, %rem3A_1689, %ne3A_1690 : i32
      %and3A_1692 = arith.andi %ne3A_1688, %ne3A_1691 : i1
      %sub3A_1693 = arith.constant 1 : i32
      %sub3A_1694 = arith.subi %div3A_1673, %sub3A_1693 : i32
      %select_n3A_1695 = arith.select %and3A_1692, %sub3A_1694, %div3A_1673 : i32
      %jit3A_1696 = arith.constant 128 : i32
      %eq3A_1697 = arith.constant 0 : i32
      %eq3A_1698 = arith.cmpi eq, %jit3A_1696, %eq3A_1697 : i32
      %jit3A_1699 = arith.constant 1 : i32
      %select_n3A_1700 = arith.select %eq3A_1698, %jit3A_1699, %jit3A_1696 : i32
      %rem3A_1701 = arith.remsi %add3A_1671, %select_n3A_1700 : i32
      %ne3A_1702 = arith.constant 0 : i32
      %ne3A_1703 = arith.cmpi ne, %rem3A_1701, %ne3A_1702 : i32
      %lt3A_1704 = arith.constant 0 : i32
      %lt3A_1705 = arith.cmpi slt, %rem3A_1701, %lt3A_1704 : i32
      %lt3A_1706 = arith.constant 0 : i32
      %lt3A_1707 = arith.cmpi slt, %select_n3A_1700, %lt3A_1706 : i32
      %ne3A_1708 = arith.xori %lt3A_1705, %lt3A_1707 : i1
      %and3A_1709 = arith.andi %ne3A_1708, %ne3A_1703 : i1
      %add3A_1710 = arith.addi %rem3A_1701, %select_n3A_1700 : i32
      %select_n3A_1711 = arith.select %and3A_1709, %add3A_1710, %rem3A_1701 : i32
      %dma_start3A_1712 = arith.constant 1 : i32
      %dma_start3A_1713 = arith.constant 8 : i32
      %dma_start3A_1714 = arith.constant 0 : i32
      %dma_start3A_1715 = tpu.memref_slice %arg10[%dma_start3A_1713, %dma_start3A_1714] : memref<64x129xf32, #tpu.memory_space<vmem>> -> memref<8x128xf32, #tpu.memory_space<vmem>>
      %dma_start3A_1716 = arith.constant 0 : i32
      %dma_start3A_1717 = arith.constant 0 : i32
      %dma_start3A_1718 = tpu.memref_slice %arg4[%select_n3A_1695, %dma_start3A_1712, %select_n3A_1711, %dma_start3A_1716, %dma_start3A_1717] : memref<50x8x128x8x128xf32, #tpu.memory_space<hbm>> -> memref<1x1x1x8x128xf32, #tpu.memory_space<hbm>>
      %dma_start3A_1719 = tpu.memref_squeeze %dma_start3A_1718 : memref<1x1x1x8x128xf32, #tpu.memory_space<hbm>> -> memref<8x128xf32, #tpu.memory_space<hbm>>
      %dma_start3A_1720 = arith.constant 0 : i32
      %dma_start3A_1721 = arith.constant 0 : i32
      %dma_start3A_1722 = tpu.memref_slice %arg4[%select_n3A_1695, %dma_start3A_1712, %select_n3A_1711, %dma_start3A_1720, %dma_start3A_1721] : memref<50x8x128x8x128xf32, #tpu.memory_space<hbm>> -> memref<1x1x1x8x128xf32, #tpu.memory_space<hbm>>
      %dma_start3A_1723 = tpu.memref_squeeze %dma_start3A_1722 : memref<1x1x1x8x128xf32, #tpu.memory_space<hbm>> -> memref<8x128xf32, #tpu.memory_space<hbm>>
      %dma_start3A_1724 = arith.constant 8 : i32
      %dma_start3A_1725 = arith.constant 0 : i32
      %dma_start3A_1726 = tpu.memref_slice %arg10[%dma_start3A_1724, %dma_start3A_1725] : memref<64x129xf32, #tpu.memory_space<vmem>> -> memref<8x128xf32, #tpu.memory_space<vmem>>
      tpu.enqueue_dma source(%dma_start3A_1726 : memref<8x128xf32, #tpu.memory_space<vmem>>) target(%dma_start3A_1723 : memref<8x128xf32, #tpu.memory_space<hbm>>) target_semaphore(%arg16 : memref<!tpu.dma_semaphore, #tpu.memory_space<semaphore_mem>>)
      %mul3A_1727 = arith.constant 200 : i32
      %mul3A_1728 = arith.muli %add3A, %mul3A_1727 : i32
      %add3A_1729 = arith.addi %mul3A_1728, %add3A_1539 : i32
      %jit3A_1730 = arith.constant 128 : i32
      %div3A_1731 = arith.divsi %add3A_1729, %jit3A_1730 : i32
      %sign3A_1732 = arith.constant 0 : i32
      %sign3A_1733 = arith.cmpi sgt, %add3A_1729, %sign3A_1732 : i32
      %sign3A_1734 = arith.extui %sign3A_1733 : i1 to i32
      %sign3A_1735 = arith.constant 0 : i32
      %sign3A_1736 = arith.cmpi slt, %add3A_1729, %sign3A_1735 : i32
      %sign3A_1737 = arith.extui %sign3A_1736 : i1 to i32
      %sign3A_1738 = arith.subi %sign3A_1734, %sign3A_1737 : i32
      %sign3A_1739 = arith.constant 0 : i32
      %sign3A_1740 = arith.cmpi sgt, %jit3A_1730, %sign3A_1739 : i32
      %sign3A_1741 = arith.extui %sign3A_1740 : i1 to i32
      %sign3A_1742 = arith.constant 0 : i32
      %sign3A_1743 = arith.cmpi slt, %jit3A_1730, %sign3A_1742 : i32
      %sign3A_1744 = arith.extui %sign3A_1743 : i1 to i32
      %sign3A_1745 = arith.subi %sign3A_1741, %sign3A_1744 : i32
      %ne3A_1746 = arith.cmpi ne, %sign3A_1738, %sign3A_1745 : i32
      %rem3A_1747 = arith.remsi %add3A_1729, %jit3A_1730 : i32
      %ne3A_1748 = arith.constant 0 : i32
      %ne3A_1749 = arith.cmpi ne, %rem3A_1747, %ne3A_1748 : i32
      %and3A_1750 = arith.andi %ne3A_1746, %ne3A_1749 : i1
      %sub3A_1751 = arith.constant 1 : i32
      %sub3A_1752 = arith.subi %div3A_1731, %sub3A_1751 : i32
      %select_n3A_1753 = arith.select %and3A_1750, %sub3A_1752, %div3A_1731 : i32
      %jit3A_1754 = arith.constant 128 : i32
      %eq3A_1755 = arith.constant 0 : i32
      %eq3A_1756 = arith.cmpi eq, %jit3A_1754, %eq3A_1755 : i32
      %jit3A_1757 = arith.constant 1 : i32
      %select_n3A_1758 = arith.select %eq3A_1756, %jit3A_1757, %jit3A_1754 : i32
      %rem3A_1759 = arith.remsi %add3A_1729, %select_n3A_1758 : i32
      %ne3A_1760 = arith.constant 0 : i32
      %ne3A_1761 = arith.cmpi ne, %rem3A_1759, %ne3A_1760 : i32
      %lt3A_1762 = arith.constant 0 : i32
      %lt3A_1763 = arith.cmpi slt, %rem3A_1759, %lt3A_1762 : i32
      %lt3A_1764 = arith.constant 0 : i32
      %lt3A_1765 = arith.cmpi slt, %select_n3A_1758, %lt3A_1764 : i32
      %ne3A_1766 = arith.xori %lt3A_1763, %lt3A_1765 : i1
      %and3A_1767 = arith.andi %ne3A_1766, %ne3A_1761 : i1
      %add3A_1768 = arith.addi %rem3A_1759, %select_n3A_1758 : i32
      %select_n3A_1769 = arith.select %and3A_1767, %add3A_1768, %rem3A_1759 : i32
      %dma_start3A_1770 = arith.constant 2 : i32
      %dma_start3A_1771 = arith.constant 16 : i32
      %dma_start3A_1772 = arith.constant 0 : i32
      %dma_start3A_1773 = tpu.memref_slice %arg10[%dma_start3A_1771, %dma_start3A_1772] : memref<64x129xf32, #tpu.memory_space<vmem>> -> memref<8x128xf32, #tpu.memory_space<vmem>>
      %dma_start3A_1774 = arith.constant 0 : i32
      %dma_start3A_1775 = arith.constant 0 : i32
      %dma_start3A_1776 = tpu.memref_slice %arg4[%select_n3A_1753, %dma_start3A_1770, %select_n3A_1769, %dma_start3A_1774, %dma_start3A_1775] : memref<50x8x128x8x128xf32, #tpu.memory_space<hbm>> -> memref<1x1x1x8x128xf32, #tpu.memory_space<hbm>>
      %dma_start3A_1777 = tpu.memref_squeeze %dma_start3A_1776 : memref<1x1x1x8x128xf32, #tpu.memory_space<hbm>> -> memref<8x128xf32, #tpu.memory_space<hbm>>
      %dma_start3A_1778 = arith.constant 0 : i32
      %dma_start3A_1779 = arith.constant 0 : i32
      %dma_start3A_1780 = tpu.memref_slice %arg4[%select_n3A_1753, %dma_start3A_1770, %select_n3A_1769, %dma_start3A_1778, %dma_start3A_1779] : memref<50x8x128x8x128xf32, #tpu.memory_space<hbm>> -> memref<1x1x1x8x128xf32, #tpu.memory_space<hbm>>
      %dma_start3A_1781 = tpu.memref_squeeze %dma_start3A_1780 : memref<1x1x1x8x128xf32, #tpu.memory_space<hbm>> -> memref<8x128xf32, #tpu.memory_space<hbm>>
      %dma_start3A_1782 = arith.constant 16 : i32
      %dma_start3A_1783 = arith.constant 0 : i32
      %dma_start3A_1784 = tpu.memref_slice %arg10[%dma_start3A_1782, %dma_start3A_1783] : memref<64x129xf32, #tpu.memory_space<vmem>> -> memref<8x128xf32, #tpu.memory_space<vmem>>
      tpu.enqueue_dma source(%dma_start3A_1784 : memref<8x128xf32, #tpu.memory_space<vmem>>) target(%dma_start3A_1781 : memref<8x128xf32, #tpu.memory_space<hbm>>) target_semaphore(%arg16 : memref<!tpu.dma_semaphore, #tpu.memory_space<semaphore_mem>>)
      %mul3A_1785 = arith.constant 200 : i32
      %mul3A_1786 = arith.muli %add3A, %mul3A_1785 : i32
      %add3A_1787 = arith.addi %mul3A_1786, %add3A_1539 : i32
      %jit3A_1788 = arith.constant 128 : i32
      %div3A_1789 = arith.divsi %add3A_1787, %jit3A_1788 : i32
      %sign3A_1790 = arith.constant 0 : i32
      %sign3A_1791 = arith.cmpi sgt, %add3A_1787, %sign3A_1790 : i32
      %sign3A_1792 = arith.extui %sign3A_1791 : i1 to i32
      %sign3A_1793 = arith.constant 0 : i32
      %sign3A_1794 = arith.cmpi slt, %add3A_1787, %sign3A_1793 : i32
      %sign3A_1795 = arith.extui %sign3A_1794 : i1 to i32
      %sign3A_1796 = arith.subi %sign3A_1792, %sign3A_1795 : i32
      %sign3A_1797 = arith.constant 0 : i32
      %sign3A_1798 = arith.cmpi sgt, %jit3A_1788, %sign3A_1797 : i32
      %sign3A_1799 = arith.extui %sign3A_1798 : i1 to i32
      %sign3A_1800 = arith.constant 0 : i32
      %sign3A_1801 = arith.cmpi slt, %jit3A_1788, %sign3A_1800 : i32
      %sign3A_1802 = arith.extui %sign3A_1801 : i1 to i32
      %sign3A_1803 = arith.subi %sign3A_1799, %sign3A_1802 : i32
      %ne3A_1804 = arith.cmpi ne, %sign3A_1796, %sign3A_1803 : i32
      %rem3A_1805 = arith.remsi %add3A_1787, %jit3A_1788 : i32
      %ne3A_1806 = arith.constant 0 : i32
      %ne3A_1807 = arith.cmpi ne, %rem3A_1805, %ne3A_1806 : i32
      %and3A_1808 = arith.andi %ne3A_1804, %ne3A_1807 : i1
      %sub3A_1809 = arith.constant 1 : i32
      %sub3A_1810 = arith.subi %div3A_1789, %sub3A_1809 : i32
      %select_n3A_1811 = arith.select %and3A_1808, %sub3A_1810, %div3A_1789 : i32
      %jit3A_1812 = arith.constant 128 : i32
      %eq3A_1813 = arith.constant 0 : i32
      %eq3A_1814 = arith.cmpi eq, %jit3A_1812, %eq3A_1813 : i32
      %jit3A_1815 = arith.constant 1 : i32
      %select_n3A_1816 = arith.select %eq3A_1814, %jit3A_1815, %jit3A_1812 : i32
      %rem3A_1817 = arith.remsi %add3A_1787, %select_n3A_1816 : i32
      %ne3A_1818 = arith.constant 0 : i32
      %ne3A_1819 = arith.cmpi ne, %rem3A_1817, %ne3A_1818 : i32
      %lt3A_1820 = arith.constant 0 : i32
      %lt3A_1821 = arith.cmpi slt, %rem3A_1817, %lt3A_1820 : i32
      %lt3A_1822 = arith.constant 0 : i32
      %lt3A_1823 = arith.cmpi slt, %select_n3A_1816, %lt3A_1822 : i32
      %ne3A_1824 = arith.xori %lt3A_1821, %lt3A_1823 : i1
      %and3A_1825 = arith.andi %ne3A_1824, %ne3A_1819 : i1
      %add3A_1826 = arith.addi %rem3A_1817, %select_n3A_1816 : i32
      %select_n3A_1827 = arith.select %and3A_1825, %add3A_1826, %rem3A_1817 : i32
      %dma_start3A_1828 = arith.constant 3 : i32
      %dma_start3A_1829 = arith.constant 24 : i32
      %dma_start3A_1830 = arith.constant 0 : i32
      %dma_start3A_1831 = tpu.memref_slice %arg10[%dma_start3A_1829, %dma_start3A_1830] : memref<64x129xf32, #tpu.memory_space<vmem>> -> memref<8x128xf32, #tpu.memory_space<vmem>>
      %dma_start3A_1832 = arith.constant 0 : i32
      %dma_start3A_1833 = arith.constant 0 : i32
      %dma_start3A_1834 = tpu.memref_slice %arg4[%select_n3A_1811, %dma_start3A_1828, %select_n3A_1827, %dma_start3A_1832, %dma_start3A_1833] : memref<50x8x128x8x128xf32, #tpu.memory_space<hbm>> -> memref<1x1x1x8x128xf32, #tpu.memory_space<hbm>>
      %dma_start3A_1835 = tpu.memref_squeeze %dma_start3A_1834 : memref<1x1x1x8x128xf32, #tpu.memory_space<hbm>> -> memref<8x128xf32, #tpu.memory_space<hbm>>
      %dma_start3A_1836 = arith.constant 0 : i32
      %dma_start3A_1837 = arith.constant 0 : i32
      %dma_start3A_1838 = tpu.memref_slice %arg4[%select_n3A_1811, %dma_start3A_1828, %select_n3A_1827, %dma_start3A_1836, %dma_start3A_1837] : memref<50x8x128x8x128xf32, #tpu.memory_space<hbm>> -> memref<1x1x1x8x128xf32, #tpu.memory_space<hbm>>
      %dma_start3A_1839 = tpu.memref_squeeze %dma_start3A_1838 : memref<1x1x1x8x128xf32, #tpu.memory_space<hbm>> -> memref<8x128xf32, #tpu.memory_space<hbm>>
      %dma_start3A_1840 = arith.constant 24 : i32
      %dma_start3A_1841 = arith.constant 0 : i32
      %dma_start3A_1842 = tpu.memref_slice %arg10[%dma_start3A_1840, %dma_start3A_1841] : memref<64x129xf32, #tpu.memory_space<vmem>> -> memref<8x128xf32, #tpu.memory_space<vmem>>
      tpu.enqueue_dma source(%dma_start3A_1842 : memref<8x128xf32, #tpu.memory_space<vmem>>) target(%dma_start3A_1839 : memref<8x128xf32, #tpu.memory_space<hbm>>) target_semaphore(%arg16 : memref<!tpu.dma_semaphore, #tpu.memory_space<semaphore_mem>>)
      %mul3A_1843 = arith.constant 200 : i32
      %mul3A_1844 = arith.muli %add3A, %mul3A_1843 : i32
      %add3A_1845 = arith.addi %mul3A_1844, %add3A_1539 : i32
      %jit3A_1846 = arith.constant 128 : i32
      %div3A_1847 = arith.divsi %add3A_1845, %jit3A_1846 : i32
      %sign3A_1848 = arith.constant 0 : i32
      %sign3A_1849 = arith.cmpi sgt, %add3A_1845, %sign3A_1848 : i32
      %sign3A_1850 = arith.extui %sign3A_1849 : i1 to i32
      %sign3A_1851 = arith.constant 0 : i32
      %sign3A_1852 = arith.cmpi slt, %add3A_1845, %sign3A_1851 : i32
      %sign3A_1853 = arith.extui %sign3A_1852 : i1 to i32
      %sign3A_1854 = arith.subi %sign3A_1850, %sign3A_1853 : i32
      %sign3A_1855 = arith.constant 0 : i32
      %sign3A_1856 = arith.cmpi sgt, %jit3A_1846, %sign3A_1855 : i32
      %sign3A_1857 = arith.extui %sign3A_1856 : i1 to i32
      %sign3A_1858 = arith.constant 0 : i32
      %sign3A_1859 = arith.cmpi slt, %jit3A_1846, %sign3A_1858 : i32
      %sign3A_1860 = arith.extui %sign3A_1859 : i1 to i32
      %sign3A_1861 = arith.subi %sign3A_1857, %sign3A_1860 : i32
      %ne3A_1862 = arith.cmpi ne, %sign3A_1854, %sign3A_1861 : i32
      %rem3A_1863 = arith.remsi %add3A_1845, %jit3A_1846 : i32
      %ne3A_1864 = arith.constant 0 : i32
      %ne3A_1865 = arith.cmpi ne, %rem3A_1863, %ne3A_1864 : i32
      %and3A_1866 = arith.andi %ne3A_1862, %ne3A_1865 : i1
      %sub3A_1867 = arith.constant 1 : i32
      %sub3A_1868 = arith.subi %div3A_1847, %sub3A_1867 : i32
      %select_n3A_1869 = arith.select %and3A_1866, %sub3A_1868, %div3A_1847 : i32
      %jit3A_1870 = arith.constant 128 : i32
      %eq3A_1871 = arith.constant 0 : i32
      %eq3A_1872 = arith.cmpi eq, %jit3A_1870, %eq3A_1871 : i32
      %jit3A_1873 = arith.constant 1 : i32
      %select_n3A_1874 = arith.select %eq3A_1872, %jit3A_1873, %jit3A_1870 : i32
      %rem3A_1875 = arith.remsi %add3A_1845, %select_n3A_1874 : i32
      %ne3A_1876 = arith.constant 0 : i32
      %ne3A_1877 = arith.cmpi ne, %rem3A_1875, %ne3A_1876 : i32
      %lt3A_1878 = arith.constant 0 : i32
      %lt3A_1879 = arith.cmpi slt, %rem3A_1875, %lt3A_1878 : i32
      %lt3A_1880 = arith.constant 0 : i32
      %lt3A_1881 = arith.cmpi slt, %select_n3A_1874, %lt3A_1880 : i32
      %ne3A_1882 = arith.xori %lt3A_1879, %lt3A_1881 : i1
      %and3A_1883 = arith.andi %ne3A_1882, %ne3A_1877 : i1
      %add3A_1884 = arith.addi %rem3A_1875, %select_n3A_1874 : i32
      %select_n3A_1885 = arith.select %and3A_1883, %add3A_1884, %rem3A_1875 : i32
      %dma_start3A_1886 = arith.constant 4 : i32
      %dma_start3A_1887 = arith.constant 32 : i32
      %dma_start3A_1888 = arith.constant 0 : i32
      %dma_start3A_1889 = tpu.memref_slice %arg10[%dma_start3A_1887, %dma_start3A_1888] : memref<64x129xf32, #tpu.memory_space<vmem>> -> memref<8x128xf32, #tpu.memory_space<vmem>>
      %dma_start3A_1890 = arith.constant 0 : i32
      %dma_start3A_1891 = arith.constant 0 : i32
      %dma_start3A_1892 = tpu.memref_slice %arg4[%select_n3A_1869, %dma_start3A_1886, %select_n3A_1885, %dma_start3A_1890, %dma_start3A_1891] : memref<50x8x128x8x128xf32, #tpu.memory_space<hbm>> -> memref<1x1x1x8x128xf32, #tpu.memory_space<hbm>>
      %dma_start3A_1893 = tpu.memref_squeeze %dma_start3A_1892 : memref<1x1x1x8x128xf32, #tpu.memory_space<hbm>> -> memref<8x128xf32, #tpu.memory_space<hbm>>
      %dma_start3A_1894 = arith.constant 0 : i32
      %dma_start3A_1895 = arith.constant 0 : i32
      %dma_start3A_1896 = tpu.memref_slice %arg4[%select_n3A_1869, %dma_start3A_1886, %select_n3A_1885, %dma_start3A_1894, %dma_start3A_1895] : memref<50x8x128x8x128xf32, #tpu.memory_space<hbm>> -> memref<1x1x1x8x128xf32, #tpu.memory_space<hbm>>
      %dma_start3A_1897 = tpu.memref_squeeze %dma_start3A_1896 : memref<1x1x1x8x128xf32, #tpu.memory_space<hbm>> -> memref<8x128xf32, #tpu.memory_space<hbm>>
      %dma_start3A_1898 = arith.constant 32 : i32
      %dma_start3A_1899 = arith.constant 0 : i32
      %dma_start3A_1900 = tpu.memref_slice %arg10[%dma_start3A_1898, %dma_start3A_1899] : memref<64x129xf32, #tpu.memory_space<vmem>> -> memref<8x128xf32, #tpu.memory_space<vmem>>
      tpu.enqueue_dma source(%dma_start3A_1900 : memref<8x128xf32, #tpu.memory_space<vmem>>) target(%dma_start3A_1897 : memref<8x128xf32, #tpu.memory_space<hbm>>) target_semaphore(%arg16 : memref<!tpu.dma_semaphore, #tpu.memory_space<semaphore_mem>>)
      %mul3A_1901 = arith.constant 200 : i32
      %mul3A_1902 = arith.muli %add3A, %mul3A_1901 : i32
      %add3A_1903 = arith.addi %mul3A_1902, %add3A_1539 : i32
      %jit3A_1904 = arith.constant 128 : i32
      %div3A_1905 = arith.divsi %add3A_1903, %jit3A_1904 : i32
      %sign3A_1906 = arith.constant 0 : i32
      %sign3A_1907 = arith.cmpi sgt, %add3A_1903, %sign3A_1906 : i32
      %sign3A_1908 = arith.extui %sign3A_1907 : i1 to i32
      %sign3A_1909 = arith.constant 0 : i32
      %sign3A_1910 = arith.cmpi slt, %add3A_1903, %sign3A_1909 : i32
      %sign3A_1911 = arith.extui %sign3A_1910 : i1 to i32
      %sign3A_1912 = arith.subi %sign3A_1908, %sign3A_1911 : i32
      %sign3A_1913 = arith.constant 0 : i32
      %sign3A_1914 = arith.cmpi sgt, %jit3A_1904, %sign3A_1913 : i32
      %sign3A_1915 = arith.extui %sign3A_1914 : i1 to i32
      %sign3A_1916 = arith.constant 0 : i32
      %sign3A_1917 = arith.cmpi slt, %jit3A_1904, %sign3A_1916 : i32
      %sign3A_1918 = arith.extui %sign3A_1917 : i1 to i32
      %sign3A_1919 = arith.subi %sign3A_1915, %sign3A_1918 : i32
      %ne3A_1920 = arith.cmpi ne, %sign3A_1912, %sign3A_1919 : i32
      %rem3A_1921 = arith.remsi %add3A_1903, %jit3A_1904 : i32
      %ne3A_1922 = arith.constant 0 : i32
      %ne3A_1923 = arith.cmpi ne, %rem3A_1921, %ne3A_1922 : i32
      %and3A_1924 = arith.andi %ne3A_1920, %ne3A_1923 : i1
      %sub3A_1925 = arith.constant 1 : i32
      %sub3A_1926 = arith.subi %div3A_1905, %sub3A_1925 : i32
      %select_n3A_1927 = arith.select %and3A_1924, %sub3A_1926, %div3A_1905 : i32
      %jit3A_1928 = arith.constant 128 : i32
      %eq3A_1929 = arith.constant 0 : i32
      %eq3A_1930 = arith.cmpi eq, %jit3A_1928, %eq3A_1929 : i32
      %jit3A_1931 = arith.constant 1 : i32
      %select_n3A_1932 = arith.select %eq3A_1930, %jit3A_1931, %jit3A_1928 : i32
      %rem3A_1933 = arith.remsi %add3A_1903, %select_n3A_1932 : i32
      %ne3A_1934 = arith.constant 0 : i32
      %ne3A_1935 = arith.cmpi ne, %rem3A_1933, %ne3A_1934 : i32
      %lt3A_1936 = arith.constant 0 : i32
      %lt3A_1937 = arith.cmpi slt, %rem3A_1933, %lt3A_1936 : i32
      %lt3A_1938 = arith.constant 0 : i32
      %lt3A_1939 = arith.cmpi slt, %select_n3A_1932, %lt3A_1938 : i32
      %ne3A_1940 = arith.xori %lt3A_1937, %lt3A_1939 : i1
      %and3A_1941 = arith.andi %ne3A_1940, %ne3A_1935 : i1
      %add3A_1942 = arith.addi %rem3A_1933, %select_n3A_1932 : i32
      %select_n3A_1943 = arith.select %and3A_1941, %add3A_1942, %rem3A_1933 : i32
      %dma_start3A_1944 = arith.constant 5 : i32
      %dma_start3A_1945 = arith.constant 40 : i32
      %dma_start3A_1946 = arith.constant 0 : i32
      %dma_start3A_1947 = tpu.memref_slice %arg10[%dma_start3A_1945, %dma_start3A_1946] : memref<64x129xf32, #tpu.memory_space<vmem>> -> memref<8x128xf32, #tpu.memory_space<vmem>>
      %dma_start3A_1948 = arith.constant 0 : i32
      %dma_start3A_1949 = arith.constant 0 : i32
      %dma_start3A_1950 = tpu.memref_slice %arg4[%select_n3A_1927, %dma_start3A_1944, %select_n3A_1943, %dma_start3A_1948, %dma_start3A_1949] : memref<50x8x128x8x128xf32, #tpu.memory_space<hbm>> -> memref<1x1x1x8x128xf32, #tpu.memory_space<hbm>>
      %dma_start3A_1951 = tpu.memref_squeeze %dma_start3A_1950 : memref<1x1x1x8x128xf32, #tpu.memory_space<hbm>> -> memref<8x128xf32, #tpu.memory_space<hbm>>
      %dma_start3A_1952 = arith.constant 0 : i32
      %dma_start3A_1953 = arith.constant 0 : i32
      %dma_start3A_1954 = tpu.memref_slice %arg4[%select_n3A_1927, %dma_start3A_1944, %select_n3A_1943, %dma_start3A_1952, %dma_start3A_1953] : memref<50x8x128x8x128xf32, #tpu.memory_space<hbm>> -> memref<1x1x1x8x128xf32, #tpu.memory_space<hbm>>
      %dma_start3A_1955 = tpu.memref_squeeze %dma_start3A_1954 : memref<1x1x1x8x128xf32, #tpu.memory_space<hbm>> -> memref<8x128xf32, #tpu.memory_space<hbm>>
      %dma_start3A_1956 = arith.constant 40 : i32
      %dma_start3A_1957 = arith.constant 0 : i32
      %dma_start3A_1958 = tpu.memref_slice %arg10[%dma_start3A_1956, %dma_start3A_1957] : memref<64x129xf32, #tpu.memory_space<vmem>> -> memref<8x128xf32, #tpu.memory_space<vmem>>
      tpu.enqueue_dma source(%dma_start3A_1958 : memref<8x128xf32, #tpu.memory_space<vmem>>) target(%dma_start3A_1955 : memref<8x128xf32, #tpu.memory_space<hbm>>) target_semaphore(%arg16 : memref<!tpu.dma_semaphore, #tpu.memory_space<semaphore_mem>>)
      %mul3A_1959 = arith.constant 200 : i32
      %mul3A_1960 = arith.muli %add3A, %mul3A_1959 : i32
      %add3A_1961 = arith.addi %mul3A_1960, %add3A_1539 : i32
      %jit3A_1962 = arith.constant 128 : i32
      %div3A_1963 = arith.divsi %add3A_1961, %jit3A_1962 : i32
      %sign3A_1964 = arith.constant 0 : i32
      %sign3A_1965 = arith.cmpi sgt, %add3A_1961, %sign3A_1964 : i32
      %sign3A_1966 = arith.extui %sign3A_1965 : i1 to i32
      %sign3A_1967 = arith.constant 0 : i32
      %sign3A_1968 = arith.cmpi slt, %add3A_1961, %sign3A_1967 : i32
      %sign3A_1969 = arith.extui %sign3A_1968 : i1 to i32
      %sign3A_1970 = arith.subi %sign3A_1966, %sign3A_1969 : i32
      %sign3A_1971 = arith.constant 0 : i32
      %sign3A_1972 = arith.cmpi sgt, %jit3A_1962, %sign3A_1971 : i32
      %sign3A_1973 = arith.extui %sign3A_1972 : i1 to i32
      %sign3A_1974 = arith.constant 0 : i32
      %sign3A_1975 = arith.cmpi slt, %jit3A_1962, %sign3A_1974 : i32
      %sign3A_1976 = arith.extui %sign3A_1975 : i1 to i32
      %sign3A_1977 = arith.subi %sign3A_1973, %sign3A_1976 : i32
      %ne3A_1978 = arith.cmpi ne, %sign3A_1970, %sign3A_1977 : i32
      %rem3A_1979 = arith.remsi %add3A_1961, %jit3A_1962 : i32
      %ne3A_1980 = arith.constant 0 : i32
      %ne3A_1981 = arith.cmpi ne, %rem3A_1979, %ne3A_1980 : i32
      %and3A_1982 = arith.andi %ne3A_1978, %ne3A_1981 : i1
      %sub3A_1983 = arith.constant 1 : i32
      %sub3A_1984 = arith.subi %div3A_1963, %sub3A_1983 : i32
      %select_n3A_1985 = arith.select %and3A_1982, %sub3A_1984, %div3A_1963 : i32
      %jit3A_1986 = arith.constant 128 : i32
      %eq3A_1987 = arith.constant 0 : i32
      %eq3A_1988 = arith.cmpi eq, %jit3A_1986, %eq3A_1987 : i32
      %jit3A_1989 = arith.constant 1 : i32
      %select_n3A_1990 = arith.select %eq3A_1988, %jit3A_1989, %jit3A_1986 : i32
      %rem3A_1991 = arith.remsi %add3A_1961, %select_n3A_1990 : i32
      %ne3A_1992 = arith.constant 0 : i32
      %ne3A_1993 = arith.cmpi ne, %rem3A_1991, %ne3A_1992 : i32
      %lt3A_1994 = arith.constant 0 : i32
      %lt3A_1995 = arith.cmpi slt, %rem3A_1991, %lt3A_1994 : i32
      %lt3A_1996 = arith.constant 0 : i32
      %lt3A_1997 = arith.cmpi slt, %select_n3A_1990, %lt3A_1996 : i32
      %ne3A_1998 = arith.xori %lt3A_1995, %lt3A_1997 : i1
      %and3A_1999 = arith.andi %ne3A_1998, %ne3A_1993 : i1
      %add3A_2000 = arith.addi %rem3A_1991, %select_n3A_1990 : i32
      %select_n3A_2001 = arith.select %and3A_1999, %add3A_2000, %rem3A_1991 : i32
      %dma_start3A_2002 = arith.constant 6 : i32
      %dma_start3A_2003 = arith.constant 48 : i32
      %dma_start3A_2004 = arith.constant 0 : i32
      %dma_start3A_2005 = tpu.memref_slice %arg10[%dma_start3A_2003, %dma_start3A_2004] : memref<64x129xf32, #tpu.memory_space<vmem>> -> memref<8x128xf32, #tpu.memory_space<vmem>>
      %dma_start3A_2006 = arith.constant 0 : i32
      %dma_start3A_2007 = arith.constant 0 : i32
      %dma_start3A_2008 = tpu.memref_slice %arg4[%select_n3A_1985, %dma_start3A_2002, %select_n3A_2001, %dma_start3A_2006, %dma_start3A_2007] : memref<50x8x128x8x128xf32, #tpu.memory_space<hbm>> -> memref<1x1x1x8x128xf32, #tpu.memory_space<hbm>>
      %dma_start3A_2009 = tpu.memref_squeeze %dma_start3A_2008 : memref<1x1x1x8x128xf32, #tpu.memory_space<hbm>> -> memref<8x128xf32, #tpu.memory_space<hbm>>
      %dma_start3A_2010 = arith.constant 0 : i32
      %dma_start3A_2011 = arith.constant 0 : i32
      %dma_start3A_2012 = tpu.memref_slice %arg4[%select_n3A_1985, %dma_start3A_2002, %select_n3A_2001, %dma_start3A_2010, %dma_start3A_2011] : memref<50x8x128x8x128xf32, #tpu.memory_space<hbm>> -> memref<1x1x1x8x128xf32, #tpu.memory_space<hbm>>
      %dma_start3A_2013 = tpu.memref_squeeze %dma_start3A_2012 : memref<1x1x1x8x128xf32, #tpu.memory_space<hbm>> -> memref<8x128xf32, #tpu.memory_space<hbm>>
      %dma_start3A_2014 = arith.constant 48 : i32
      %dma_start3A_2015 = arith.constant 0 : i32
      %dma_start3A_2016 = tpu.memref_slice %arg10[%dma_start3A_2014, %dma_start3A_2015] : memref<64x129xf32, #tpu.memory_space<vmem>> -> memref<8x128xf32, #tpu.memory_space<vmem>>
      tpu.enqueue_dma source(%dma_start3A_2016 : memref<8x128xf32, #tpu.memory_space<vmem>>) target(%dma_start3A_2013 : memref<8x128xf32, #tpu.memory_space<hbm>>) target_semaphore(%arg16 : memref<!tpu.dma_semaphore, #tpu.memory_space<semaphore_mem>>)
      %mul3A_2017 = arith.constant 200 : i32
      %mul3A_2018 = arith.muli %add3A, %mul3A_2017 : i32
      %add3A_2019 = arith.addi %mul3A_2018, %add3A_1539 : i32
      %jit3A_2020 = arith.constant 128 : i32
      %div3A_2021 = arith.divsi %add3A_2019, %jit3A_2020 : i32
      %sign3A_2022 = arith.constant 0 : i32
      %sign3A_2023 = arith.cmpi sgt, %add3A_2019, %sign3A_2022 : i32
      %sign3A_2024 = arith.extui %sign3A_2023 : i1 to i32
      %sign3A_2025 = arith.constant 0 : i32
      %sign3A_2026 = arith.cmpi slt, %add3A_2019, %sign3A_2025 : i32
      %sign3A_2027 = arith.extui %sign3A_2026 : i1 to i32
      %sign3A_2028 = arith.subi %sign3A_2024, %sign3A_2027 : i32
      %sign3A_2029 = arith.constant 0 : i32
      %sign3A_2030 = arith.cmpi sgt, %jit3A_2020, %sign3A_2029 : i32
      %sign3A_2031 = arith.extui %sign3A_2030 : i1 to i32
      %sign3A_2032 = arith.constant 0 : i32
      %sign3A_2033 = arith.cmpi slt, %jit3A_2020, %sign3A_2032 : i32
      %sign3A_2034 = arith.extui %sign3A_2033 : i1 to i32
      %sign3A_2035 = arith.subi %sign3A_2031, %sign3A_2034 : i32
      %ne3A_2036 = arith.cmpi ne, %sign3A_2028, %sign3A_2035 : i32
      %rem3A_2037 = arith.remsi %add3A_2019, %jit3A_2020 : i32
      %ne3A_2038 = arith.constant 0 : i32
      %ne3A_2039 = arith.cmpi ne, %rem3A_2037, %ne3A_2038 : i32
      %and3A_2040 = arith.andi %ne3A_2036, %ne3A_2039 : i1
      %sub3A_2041 = arith.constant 1 : i32
      %sub3A_2042 = arith.subi %div3A_2021, %sub3A_2041 : i32
      %select_n3A_2043 = arith.select %and3A_2040, %sub3A_2042, %div3A_2021 : i32
      %jit3A_2044 = arith.constant 128 : i32
      %eq3A_2045 = arith.constant 0 : i32
      %eq3A_2046 = arith.cmpi eq, %jit3A_2044, %eq3A_2045 : i32
      %jit3A_2047 = arith.constant 1 : i32
      %select_n3A_2048 = arith.select %eq3A_2046, %jit3A_2047, %jit3A_2044 : i32
      %rem3A_2049 = arith.remsi %add3A_2019, %select_n3A_2048 : i32
      %ne3A_2050 = arith.constant 0 : i32
      %ne3A_2051 = arith.cmpi ne, %rem3A_2049, %ne3A_2050 : i32
      %lt3A_2052 = arith.constant 0 : i32
      %lt3A_2053 = arith.cmpi slt, %rem3A_2049, %lt3A_2052 : i32
      %lt3A_2054 = arith.constant 0 : i32
      %lt3A_2055 = arith.cmpi slt, %select_n3A_2048, %lt3A_2054 : i32
      %ne3A_2056 = arith.xori %lt3A_2053, %lt3A_2055 : i1
      %and3A_2057 = arith.andi %ne3A_2056, %ne3A_2051 : i1
      %add3A_2058 = arith.addi %rem3A_2049, %select_n3A_2048 : i32
      %select_n3A_2059 = arith.select %and3A_2057, %add3A_2058, %rem3A_2049 : i32
      %dma_start3A_2060 = arith.constant 7 : i32
      %dma_start3A_2061 = arith.constant 56 : i32
      %dma_start3A_2062 = arith.constant 0 : i32
      %dma_start3A_2063 = tpu.memref_slice %arg10[%dma_start3A_2061, %dma_start3A_2062] : memref<64x129xf32, #tpu.memory_space<vmem>> -> memref<8x128xf32, #tpu.memory_space<vmem>>
      %dma_start3A_2064 = arith.constant 0 : i32
      %dma_start3A_2065 = arith.constant 0 : i32
      %dma_start3A_2066 = tpu.memref_slice %arg4[%select_n3A_2043, %dma_start3A_2060, %select_n3A_2059, %dma_start3A_2064, %dma_start3A_2065] : memref<50x8x128x8x128xf32, #tpu.memory_space<hbm>> -> memref<1x1x1x8x128xf32, #tpu.memory_space<hbm>>
      %dma_start3A_2067 = tpu.memref_squeeze %dma_start3A_2066 : memref<1x1x1x8x128xf32, #tpu.memory_space<hbm>> -> memref<8x128xf32, #tpu.memory_space<hbm>>
      %dma_start3A_2068 = arith.constant 0 : i32
      %dma_start3A_2069 = arith.constant 0 : i32
      %dma_start3A_2070 = tpu.memref_slice %arg4[%select_n3A_2043, %dma_start3A_2060, %select_n3A_2059, %dma_start3A_2068, %dma_start3A_2069] : memref<50x8x128x8x128xf32, #tpu.memory_space<hbm>> -> memref<1x1x1x8x128xf32, #tpu.memory_space<hbm>>
      %dma_start3A_2071 = tpu.memref_squeeze %dma_start3A_2070 : memref<1x1x1x8x128xf32, #tpu.memory_space<hbm>> -> memref<8x128xf32, #tpu.memory_space<hbm>>
      %dma_start3A_2072 = arith.constant 56 : i32
      %dma_start3A_2073 = arith.constant 0 : i32
      %dma_start3A_2074 = tpu.memref_slice %arg10[%dma_start3A_2072, %dma_start3A_2073] : memref<64x129xf32, #tpu.memory_space<vmem>> -> memref<8x128xf32, #tpu.memory_space<vmem>>
      tpu.enqueue_dma source(%dma_start3A_2074 : memref<8x128xf32, #tpu.memory_space<vmem>>) target(%dma_start3A_2071 : memref<8x128xf32, #tpu.memory_space<hbm>>) target_semaphore(%arg16 : memref<!tpu.dma_semaphore, #tpu.memory_space<semaphore_mem>>)
    }
    %scan3A_56 = arith.constant 100 : i32
    %mul3A_57 = arith.constant 200 : i32
    %mul3A_58 = arith.muli %add3A, %mul3A_57 : i32
    %add3A_59 = arith.constant 198 : i32
    %add3A_60 = arith.addi %mul3A_58, %add3A_59 : i32
    %jit3A_61 = arith.constant 128 : i32
    %div3A_62 = arith.divsi %add3A_60, %jit3A_61 : i32
    %sign3A_63 = arith.constant 0 : i32
    %sign3A_64 = arith.cmpi sgt, %add3A_60, %sign3A_63 : i32
    %sign3A_65 = arith.extui %sign3A_64 : i1 to i32
    %sign3A_66 = arith.constant 0 : i32
    %sign3A_67 = arith.cmpi slt, %add3A_60, %sign3A_66 : i32
    %sign3A_68 = arith.extui %sign3A_67 : i1 to i32
    %sign3A_69 = arith.subi %sign3A_65, %sign3A_68 : i32
    %sign3A_70 = arith.constant 0 : i32
    %sign3A_71 = arith.cmpi sgt, %jit3A_61, %sign3A_70 : i32
    %sign3A_72 = arith.extui %sign3A_71 : i1 to i32
    %sign3A_73 = arith.constant 0 : i32
    %sign3A_74 = arith.cmpi slt, %jit3A_61, %sign3A_73 : i32
    %sign3A_75 = arith.extui %sign3A_74 : i1 to i32
    %sign3A_76 = arith.subi %sign3A_72, %sign3A_75 : i32
    %ne3A_77 = arith.cmpi ne, %sign3A_69, %sign3A_76 : i32
    %rem3A_78 = arith.remsi %add3A_60, %jit3A_61 : i32
    %ne3A_79 = arith.constant 0 : i32
    %ne3A_80 = arith.cmpi ne, %rem3A_78, %ne3A_79 : i32
    %and3A_81 = arith.andi %ne3A_77, %ne3A_80 : i1
    %sub3A_82 = arith.constant 1 : i32
    %sub3A_83 = arith.subi %div3A_62, %sub3A_82 : i32
    %select_n3A_84 = arith.select %and3A_81, %sub3A_83, %div3A_62 : i32
    %jit3A_85 = arith.constant 128 : i32
    %eq3A_86 = arith.constant 0 : i32
    %eq3A_87 = arith.cmpi eq, %jit3A_85, %eq3A_86 : i32
    %jit3A_88 = arith.constant 1 : i32
    %select_n3A_89 = arith.select %eq3A_87, %jit3A_88, %jit3A_85 : i32
    %rem3A_90 = arith.remsi %add3A_60, %select_n3A_89 : i32
    %ne3A_91 = arith.constant 0 : i32
    %ne3A_92 = arith.cmpi ne, %rem3A_90, %ne3A_91 : i32
    %lt3A_93 = arith.constant 0 : i32
    %lt3A_94 = arith.cmpi slt, %rem3A_90, %lt3A_93 : i32
    %lt3A_95 = arith.constant 0 : i32
    %lt3A_96 = arith.cmpi slt, %select_n3A_89, %lt3A_95 : i32
    %ne3A_97 = arith.xori %lt3A_94, %lt3A_96 : i1
    %and3A_98 = arith.andi %ne3A_97, %ne3A_92 : i1
    %add3A_99 = arith.addi %rem3A_90, %select_n3A_89 : i32
    %select_n3A_100 = arith.select %and3A_98, %add3A_99, %rem3A_90 : i32
    %dma_wait3A = arith.constant 0 : i32
    %dma_wait3A_101 = arith.constant 0 : i32
    %dma_wait3A_102 = arith.constant 0 : i32
    %dma_wait3A_103 = tpu.memref_slice %arg9[%dma_wait3A_101, %dma_wait3A_102] : memref<64x129xf32, #tpu.memory_space<vmem>> -> memref<8x128xf32, #tpu.memory_space<vmem>>
    %dma_wait3A_104 = arith.constant 0 : i32
    %dma_wait3A_105 = arith.constant 0 : i32
    %dma_wait3A_106 = tpu.memref_slice %arg4[%select_n3A_84, %dma_wait3A, %select_n3A_100, %dma_wait3A_104, %dma_wait3A_105] : memref<50x8x128x8x128xf32, #tpu.memory_space<hbm>> -> memref<1x1x1x8x128xf32, #tpu.memory_space<hbm>>
    %dma_wait3A_107 = tpu.memref_squeeze %dma_wait3A_106 : memref<1x1x1x8x128xf32, #tpu.memory_space<hbm>> -> memref<8x128xf32, #tpu.memory_space<hbm>>
    %dma_wait3A_108 = arith.constant 0 : i32
    %dma_wait3A_109 = arith.constant 0 : i32
    %dma_wait3A_110 = tpu.memref_slice %arg4[%select_n3A_84, %dma_wait3A, %select_n3A_100, %dma_wait3A_108, %dma_wait3A_109] : memref<50x8x128x8x128xf32, #tpu.memory_space<hbm>> -> memref<1x1x1x8x128xf32, #tpu.memory_space<hbm>>
    %dma_wait3A_111 = tpu.memref_squeeze %dma_wait3A_110 : memref<1x1x1x8x128xf32, #tpu.memory_space<hbm>> -> memref<8x128xf32, #tpu.memory_space<hbm>>
    %dma_wait3A_112 = arith.constant 0 : i32
    %dma_wait3A_113 = arith.constant 0 : i32
    %dma_wait3A_114 = tpu.memref_slice %arg9[%dma_wait3A_112, %dma_wait3A_113] : memref<64x129xf32, #tpu.memory_space<vmem>> -> memref<8x128xf32, #tpu.memory_space<vmem>>
    tpu.wait_dma2 semaphore(%arg15 : memref<!tpu.dma_semaphore, #tpu.memory_space<semaphore_mem>>) src(%dma_wait3A_114 : memref<8x128xf32, #tpu.memory_space<vmem>>) dst(%dma_wait3A_111 : memref<8x128xf32, #tpu.memory_space<hbm>>)
    %mul3A_115 = arith.constant 200 : i32
    %mul3A_116 = arith.muli %add3A, %mul3A_115 : i32
    %add3A_117 = arith.constant 198 : i32
    %add3A_118 = arith.addi %mul3A_116, %add3A_117 : i32
    %jit3A_119 = arith.constant 128 : i32
    %div3A_120 = arith.divsi %add3A_118, %jit3A_119 : i32
    %sign3A_121 = arith.constant 0 : i32
    %sign3A_122 = arith.cmpi sgt, %add3A_118, %sign3A_121 : i32
    %sign3A_123 = arith.extui %sign3A_122 : i1 to i32
    %sign3A_124 = arith.constant 0 : i32
    %sign3A_125 = arith.cmpi slt, %add3A_118, %sign3A_124 : i32
    %sign3A_126 = arith.extui %sign3A_125 : i1 to i32
    %sign3A_127 = arith.subi %sign3A_123, %sign3A_126 : i32
    %sign3A_128 = arith.constant 0 : i32
    %sign3A_129 = arith.cmpi sgt, %jit3A_119, %sign3A_128 : i32
    %sign3A_130 = arith.extui %sign3A_129 : i1 to i32
    %sign3A_131 = arith.constant 0 : i32
    %sign3A_132 = arith.cmpi slt, %jit3A_119, %sign3A_131 : i32
    %sign3A_133 = arith.extui %sign3A_132 : i1 to i32
    %sign3A_134 = arith.subi %sign3A_130, %sign3A_133 : i32
    %ne3A_135 = arith.cmpi ne, %sign3A_127, %sign3A_134 : i32
    %rem3A_136 = arith.remsi %add3A_118, %jit3A_119 : i32
    %ne3A_137 = arith.constant 0 : i32
    %ne3A_138 = arith.cmpi ne, %rem3A_136, %ne3A_137 : i32
    %and3A_139 = arith.andi %ne3A_135, %ne3A_138 : i1
    %sub3A_140 = arith.constant 1 : i32
    %sub3A_141 = arith.subi %div3A_120, %sub3A_140 : i32
    %select_n3A_142 = arith.select %and3A_139, %sub3A_141, %div3A_120 : i32
    %jit3A_143 = arith.constant 128 : i32
    %eq3A_144 = arith.constant 0 : i32
    %eq3A_145 = arith.cmpi eq, %jit3A_143, %eq3A_144 : i32
    %jit3A_146 = arith.constant 1 : i32
    %select_n3A_147 = arith.select %eq3A_145, %jit3A_146, %jit3A_143 : i32
    %rem3A_148 = arith.remsi %add3A_118, %select_n3A_147 : i32
    %ne3A_149 = arith.constant 0 : i32
    %ne3A_150 = arith.cmpi ne, %rem3A_148, %ne3A_149 : i32
    %lt3A_151 = arith.constant 0 : i32
    %lt3A_152 = arith.cmpi slt, %rem3A_148, %lt3A_151 : i32
    %lt3A_153 = arith.constant 0 : i32
    %lt3A_154 = arith.cmpi slt, %select_n3A_147, %lt3A_153 : i32
    %ne3A_155 = arith.xori %lt3A_152, %lt3A_154 : i1
    %and3A_156 = arith.andi %ne3A_155, %ne3A_150 : i1
    %add3A_157 = arith.addi %rem3A_148, %select_n3A_147 : i32
    %select_n3A_158 = arith.select %and3A_156, %add3A_157, %rem3A_148 : i32
    %dma_wait3A_159 = arith.constant 1 : i32
    %dma_wait3A_160 = arith.constant 8 : i32
    %dma_wait3A_161 = arith.constant 0 : i32
    %dma_wait3A_162 = tpu.memref_slice %arg9[%dma_wait3A_160, %dma_wait3A_161] : memref<64x129xf32, #tpu.memory_space<vmem>> -> memref<8x128xf32, #tpu.memory_space<vmem>>
    %dma_wait3A_163 = arith.constant 0 : i32
    %dma_wait3A_164 = arith.constant 0 : i32
    %dma_wait3A_165 = tpu.memref_slice %arg4[%select_n3A_142, %dma_wait3A_159, %select_n3A_158, %dma_wait3A_163, %dma_wait3A_164] : memref<50x8x128x8x128xf32, #tpu.memory_space<hbm>> -> memref<1x1x1x8x128xf32, #tpu.memory_space<hbm>>
    %dma_wait3A_166 = tpu.memref_squeeze %dma_wait3A_165 : memref<1x1x1x8x128xf32, #tpu.memory_space<hbm>> -> memref<8x128xf32, #tpu.memory_space<hbm>>
    %dma_wait3A_167 = arith.constant 0 : i32
    %dma_wait3A_168 = arith.constant 0 : i32
    %dma_wait3A_169 = tpu.memref_slice %arg4[%select_n3A_142, %dma_wait3A_159, %select_n3A_158, %dma_wait3A_167, %dma_wait3A_168] : memref<50x8x128x8x128xf32, #tpu.memory_space<hbm>> -> memref<1x1x1x8x128xf32, #tpu.memory_space<hbm>>
    %dma_wait3A_170 = tpu.memref_squeeze %dma_wait3A_169 : memref<1x1x1x8x128xf32, #tpu.memory_space<hbm>> -> memref<8x128xf32, #tpu.memory_space<hbm>>
    %dma_wait3A_171 = arith.constant 8 : i32
    %dma_wait3A_172 = arith.constant 0 : i32
    %dma_wait3A_173 = tpu.memref_slice %arg9[%dma_wait3A_171, %dma_wait3A_172] : memref<64x129xf32, #tpu.memory_space<vmem>> -> memref<8x128xf32, #tpu.memory_space<vmem>>
    tpu.wait_dma2 semaphore(%arg15 : memref<!tpu.dma_semaphore, #tpu.memory_space<semaphore_mem>>) src(%dma_wait3A_173 : memref<8x128xf32, #tpu.memory_space<vmem>>) dst(%dma_wait3A_170 : memref<8x128xf32, #tpu.memory_space<hbm>>)
    %mul3A_174 = arith.constant 200 : i32
    %mul3A_175 = arith.muli %add3A, %mul3A_174 : i32
    %add3A_176 = arith.constant 198 : i32
    %add3A_177 = arith.addi %mul3A_175, %add3A_176 : i32
    %jit3A_178 = arith.constant 128 : i32
    %div3A_179 = arith.divsi %add3A_177, %jit3A_178 : i32
    %sign3A_180 = arith.constant 0 : i32
    %sign3A_181 = arith.cmpi sgt, %add3A_177, %sign3A_180 : i32
    %sign3A_182 = arith.extui %sign3A_181 : i1 to i32
    %sign3A_183 = arith.constant 0 : i32
    %sign3A_184 = arith.cmpi slt, %add3A_177, %sign3A_183 : i32
    %sign3A_185 = arith.extui %sign3A_184 : i1 to i32
    %sign3A_186 = arith.subi %sign3A_182, %sign3A_185 : i32
    %sign3A_187 = arith.constant 0 : i32
    %sign3A_188 = arith.cmpi sgt, %jit3A_178, %sign3A_187 : i32
    %sign3A_189 = arith.extui %sign3A_188 : i1 to i32
    %sign3A_190 = arith.constant 0 : i32
    %sign3A_191 = arith.cmpi slt, %jit3A_178, %sign3A_190 : i32
    %sign3A_192 = arith.extui %sign3A_191 : i1 to i32
    %sign3A_193 = arith.subi %sign3A_189, %sign3A_192 : i32
    %ne3A_194 = arith.cmpi ne, %sign3A_186, %sign3A_193 : i32
    %rem3A_195 = arith.remsi %add3A_177, %jit3A_178 : i32
    %ne3A_196 = arith.constant 0 : i32
    %ne3A_197 = arith.cmpi ne, %rem3A_195, %ne3A_196 : i32
    %and3A_198 = arith.andi %ne3A_194, %ne3A_197 : i1
    %sub3A_199 = arith.constant 1 : i32
    %sub3A_200 = arith.subi %div3A_179, %sub3A_199 : i32
    %select_n3A_201 = arith.select %and3A_198, %sub3A_200, %div3A_179 : i32
    %jit3A_202 = arith.constant 128 : i32
    %eq3A_203 = arith.constant 0 : i32
    %eq3A_204 = arith.cmpi eq, %jit3A_202, %eq3A_203 : i32
    %jit3A_205 = arith.constant 1 : i32
    %select_n3A_206 = arith.select %eq3A_204, %jit3A_205, %jit3A_202 : i32
    %rem3A_207 = arith.remsi %add3A_177, %select_n3A_206 : i32
    %ne3A_208 = arith.constant 0 : i32
    %ne3A_209 = arith.cmpi ne, %rem3A_207, %ne3A_208 : i32
    %lt3A_210 = arith.constant 0 : i32
    %lt3A_211 = arith.cmpi slt, %rem3A_207, %lt3A_210 : i32
    %lt3A_212 = arith.constant 0 : i32
    %lt3A_213 = arith.cmpi slt, %select_n3A_206, %lt3A_212 : i32
    %ne3A_214 = arith.xori %lt3A_211, %lt3A_213 : i1
    %and3A_215 = arith.andi %ne3A_214, %ne3A_209 : i1
    %add3A_216 = arith.addi %rem3A_207, %select_n3A_206 : i32
    %select_n3A_217 = arith.select %and3A_215, %add3A_216, %rem3A_207 : i32
    %dma_wait3A_218 = arith.constant 2 : i32
    %dma_wait3A_219 = arith.constant 16 : i32
    %dma_wait3A_220 = arith.constant 0 : i32
    %dma_wait3A_221 = tpu.memref_slice %arg9[%dma_wait3A_219, %dma_wait3A_220] : memref<64x129xf32, #tpu.memory_space<vmem>> -> memref<8x128xf32, #tpu.memory_space<vmem>>
    %dma_wait3A_222 = arith.constant 0 : i32
    %dma_wait3A_223 = arith.constant 0 : i32
    %dma_wait3A_224 = tpu.memref_slice %arg4[%select_n3A_201, %dma_wait3A_218, %select_n3A_217, %dma_wait3A_222, %dma_wait3A_223] : memref<50x8x128x8x128xf32, #tpu.memory_space<hbm>> -> memref<1x1x1x8x128xf32, #tpu.memory_space<hbm>>
    %dma_wait3A_225 = tpu.memref_squeeze %dma_wait3A_224 : memref<1x1x1x8x128xf32, #tpu.memory_space<hbm>> -> memref<8x128xf32, #tpu.memory_space<hbm>>
    %dma_wait3A_226 = arith.constant 0 : i32
    %dma_wait3A_227 = arith.constant 0 : i32
    %dma_wait3A_228 = tpu.memref_slice %arg4[%select_n3A_201, %dma_wait3A_218, %select_n3A_217, %dma_wait3A_226, %dma_wait3A_227] : memref<50x8x128x8x128xf32, #tpu.memory_space<hbm>> -> memref<1x1x1x8x128xf32, #tpu.memory_space<hbm>>
    %dma_wait3A_229 = tpu.memref_squeeze %dma_wait3A_228 : memref<1x1x1x8x128xf32, #tpu.memory_space<hbm>> -> memref<8x128xf32, #tpu.memory_space<hbm>>
    %dma_wait3A_230 = arith.constant 16 : i32
    %dma_wait3A_231 = arith.constant 0 : i32
    %dma_wait3A_232 = tpu.memref_slice %arg9[%dma_wait3A_230, %dma_wait3A_231] : memref<64x129xf32, #tpu.memory_space<vmem>> -> memref<8x128xf32, #tpu.memory_space<vmem>>
    tpu.wait_dma2 semaphore(%arg15 : memref<!tpu.dma_semaphore, #tpu.memory_space<semaphore_mem>>) src(%dma_wait3A_232 : memref<8x128xf32, #tpu.memory_space<vmem>>) dst(%dma_wait3A_229 : memref<8x128xf32, #tpu.memory_space<hbm>>)
    %mul3A_233 = arith.constant 200 : i32
    %mul3A_234 = arith.muli %add3A, %mul3A_233 : i32
    %add3A_235 = arith.constant 198 : i32
    %add3A_236 = arith.addi %mul3A_234, %add3A_235 : i32
    %jit3A_237 = arith.constant 128 : i32
    %div3A_238 = arith.divsi %add3A_236, %jit3A_237 : i32
    %sign3A_239 = arith.constant 0 : i32
    %sign3A_240 = arith.cmpi sgt, %add3A_236, %sign3A_239 : i32
    %sign3A_241 = arith.extui %sign3A_240 : i1 to i32
    %sign3A_242 = arith.constant 0 : i32
    %sign3A_243 = arith.cmpi slt, %add3A_236, %sign3A_242 : i32
    %sign3A_244 = arith.extui %sign3A_243 : i1 to i32
    %sign3A_245 = arith.subi %sign3A_241, %sign3A_244 : i32
    %sign3A_246 = arith.constant 0 : i32
    %sign3A_247 = arith.cmpi sgt, %jit3A_237, %sign3A_246 : i32
    %sign3A_248 = arith.extui %sign3A_247 : i1 to i32
    %sign3A_249 = arith.constant 0 : i32
    %sign3A_250 = arith.cmpi slt, %jit3A_237, %sign3A_249 : i32
    %sign3A_251 = arith.extui %sign3A_250 : i1 to i32
    %sign3A_252 = arith.subi %sign3A_248, %sign3A_251 : i32
    %ne3A_253 = arith.cmpi ne, %sign3A_245, %sign3A_252 : i32
    %rem3A_254 = arith.remsi %add3A_236, %jit3A_237 : i32
    %ne3A_255 = arith.constant 0 : i32
    %ne3A_256 = arith.cmpi ne, %rem3A_254, %ne3A_255 : i32
    %and3A_257 = arith.andi %ne3A_253, %ne3A_256 : i1
    %sub3A_258 = arith.constant 1 : i32
    %sub3A_259 = arith.subi %div3A_238, %sub3A_258 : i32
    %select_n3A_260 = arith.select %and3A_257, %sub3A_259, %div3A_238 : i32
    %jit3A_261 = arith.constant 128 : i32
    %eq3A_262 = arith.constant 0 : i32
    %eq3A_263 = arith.cmpi eq, %jit3A_261, %eq3A_262 : i32
    %jit3A_264 = arith.constant 1 : i32
    %select_n3A_265 = arith.select %eq3A_263, %jit3A_264, %jit3A_261 : i32
    %rem3A_266 = arith.remsi %add3A_236, %select_n3A_265 : i32
    %ne3A_267 = arith.constant 0 : i32
    %ne3A_268 = arith.cmpi ne, %rem3A_266, %ne3A_267 : i32
    %lt3A_269 = arith.constant 0 : i32
    %lt3A_270 = arith.cmpi slt, %rem3A_266, %lt3A_269 : i32
    %lt3A_271 = arith.constant 0 : i32
    %lt3A_272 = arith.cmpi slt, %select_n3A_265, %lt3A_271 : i32
    %ne3A_273 = arith.xori %lt3A_270, %lt3A_272 : i1
    %and3A_274 = arith.andi %ne3A_273, %ne3A_268 : i1
    %add3A_275 = arith.addi %rem3A_266, %select_n3A_265 : i32
    %select_n3A_276 = arith.select %and3A_274, %add3A_275, %rem3A_266 : i32
    %dma_wait3A_277 = arith.constant 3 : i32
    %dma_wait3A_278 = arith.constant 24 : i32
    %dma_wait3A_279 = arith.constant 0 : i32
    %dma_wait3A_280 = tpu.memref_slice %arg9[%dma_wait3A_278, %dma_wait3A_279] : memref<64x129xf32, #tpu.memory_space<vmem>> -> memref<8x128xf32, #tpu.memory_space<vmem>>
    %dma_wait3A_281 = arith.constant 0 : i32
    %dma_wait3A_282 = arith.constant 0 : i32
    %dma_wait3A_283 = tpu.memref_slice %arg4[%select_n3A_260, %dma_wait3A_277, %select_n3A_276, %dma_wait3A_281, %dma_wait3A_282] : memref<50x8x128x8x128xf32, #tpu.memory_space<hbm>> -> memref<1x1x1x8x128xf32, #tpu.memory_space<hbm>>
    %dma_wait3A_284 = tpu.memref_squeeze %dma_wait3A_283 : memref<1x1x1x8x128xf32, #tpu.memory_space<hbm>> -> memref<8x128xf32, #tpu.memory_space<hbm>>
    %dma_wait3A_285 = arith.constant 0 : i32
    %dma_wait3A_286 = arith.constant 0 : i32
    %dma_wait3A_287 = tpu.memref_slice %arg4[%select_n3A_260, %dma_wait3A_277, %select_n3A_276, %dma_wait3A_285, %dma_wait3A_286] : memref<50x8x128x8x128xf32, #tpu.memory_space<hbm>> -> memref<1x1x1x8x128xf32, #tpu.memory_space<hbm>>
    %dma_wait3A_288 = tpu.memref_squeeze %dma_wait3A_287 : memref<1x1x1x8x128xf32, #tpu.memory_space<hbm>> -> memref<8x128xf32, #tpu.memory_space<hbm>>
    %dma_wait3A_289 = arith.constant 24 : i32
    %dma_wait3A_290 = arith.constant 0 : i32
    %dma_wait3A_291 = tpu.memref_slice %arg9[%dma_wait3A_289, %dma_wait3A_290] : memref<64x129xf32, #tpu.memory_space<vmem>> -> memref<8x128xf32, #tpu.memory_space<vmem>>
    tpu.wait_dma2 semaphore(%arg15 : memref<!tpu.dma_semaphore, #tpu.memory_space<semaphore_mem>>) src(%dma_wait3A_291 : memref<8x128xf32, #tpu.memory_space<vmem>>) dst(%dma_wait3A_288 : memref<8x128xf32, #tpu.memory_space<hbm>>)
    %mul3A_292 = arith.constant 200 : i32
    %mul3A_293 = arith.muli %add3A, %mul3A_292 : i32
    %add3A_294 = arith.constant 198 : i32
    %add3A_295 = arith.addi %mul3A_293, %add3A_294 : i32
    %jit3A_296 = arith.constant 128 : i32
    %div3A_297 = arith.divsi %add3A_295, %jit3A_296 : i32
    %sign3A_298 = arith.constant 0 : i32
    %sign3A_299 = arith.cmpi sgt, %add3A_295, %sign3A_298 : i32
    %sign3A_300 = arith.extui %sign3A_299 : i1 to i32
    %sign3A_301 = arith.constant 0 : i32
    %sign3A_302 = arith.cmpi slt, %add3A_295, %sign3A_301 : i32
    %sign3A_303 = arith.extui %sign3A_302 : i1 to i32
    %sign3A_304 = arith.subi %sign3A_300, %sign3A_303 : i32
    %sign3A_305 = arith.constant 0 : i32
    %sign3A_306 = arith.cmpi sgt, %jit3A_296, %sign3A_305 : i32
    %sign3A_307 = arith.extui %sign3A_306 : i1 to i32
    %sign3A_308 = arith.constant 0 : i32
    %sign3A_309 = arith.cmpi slt, %jit3A_296, %sign3A_308 : i32
    %sign3A_310 = arith.extui %sign3A_309 : i1 to i32
    %sign3A_311 = arith.subi %sign3A_307, %sign3A_310 : i32
    %ne3A_312 = arith.cmpi ne, %sign3A_304, %sign3A_311 : i32
    %rem3A_313 = arith.remsi %add3A_295, %jit3A_296 : i32
    %ne3A_314 = arith.constant 0 : i32
    %ne3A_315 = arith.cmpi ne, %rem3A_313, %ne3A_314 : i32
    %and3A_316 = arith.andi %ne3A_312, %ne3A_315 : i1
    %sub3A_317 = arith.constant 1 : i32
    %sub3A_318 = arith.subi %div3A_297, %sub3A_317 : i32
    %select_n3A_319 = arith.select %and3A_316, %sub3A_318, %div3A_297 : i32
    %jit3A_320 = arith.constant 128 : i32
    %eq3A_321 = arith.constant 0 : i32
    %eq3A_322 = arith.cmpi eq, %jit3A_320, %eq3A_321 : i32
    %jit3A_323 = arith.constant 1 : i32
    %select_n3A_324 = arith.select %eq3A_322, %jit3A_323, %jit3A_320 : i32
    %rem3A_325 = arith.remsi %add3A_295, %select_n3A_324 : i32
    %ne3A_326 = arith.constant 0 : i32
    %ne3A_327 = arith.cmpi ne, %rem3A_325, %ne3A_326 : i32
    %lt3A_328 = arith.constant 0 : i32
    %lt3A_329 = arith.cmpi slt, %rem3A_325, %lt3A_328 : i32
    %lt3A_330 = arith.constant 0 : i32
    %lt3A_331 = arith.cmpi slt, %select_n3A_324, %lt3A_330 : i32
    %ne3A_332 = arith.xori %lt3A_329, %lt3A_331 : i1
    %and3A_333 = arith.andi %ne3A_332, %ne3A_327 : i1
    %add3A_334 = arith.addi %rem3A_325, %select_n3A_324 : i32
    %select_n3A_335 = arith.select %and3A_333, %add3A_334, %rem3A_325 : i32
    %dma_wait3A_336 = arith.constant 4 : i32
    %dma_wait3A_337 = arith.constant 32 : i32
    %dma_wait3A_338 = arith.constant 0 : i32
    %dma_wait3A_339 = tpu.memref_slice %arg9[%dma_wait3A_337, %dma_wait3A_338] : memref<64x129xf32, #tpu.memory_space<vmem>> -> memref<8x128xf32, #tpu.memory_space<vmem>>
    %dma_wait3A_340 = arith.constant 0 : i32
    %dma_wait3A_341 = arith.constant 0 : i32
    %dma_wait3A_342 = tpu.memref_slice %arg4[%select_n3A_319, %dma_wait3A_336, %select_n3A_335, %dma_wait3A_340, %dma_wait3A_341] : memref<50x8x128x8x128xf32, #tpu.memory_space<hbm>> -> memref<1x1x1x8x128xf32, #tpu.memory_space<hbm>>
    %dma_wait3A_343 = tpu.memref_squeeze %dma_wait3A_342 : memref<1x1x1x8x128xf32, #tpu.memory_space<hbm>> -> memref<8x128xf32, #tpu.memory_space<hbm>>
    %dma_wait3A_344 = arith.constant 0 : i32
    %dma_wait3A_345 = arith.constant 0 : i32
    %dma_wait3A_346 = tpu.memref_slice %arg4[%select_n3A_319, %dma_wait3A_336, %select_n3A_335, %dma_wait3A_344, %dma_wait3A_345] : memref<50x8x128x8x128xf32, #tpu.memory_space<hbm>> -> memref<1x1x1x8x128xf32, #tpu.memory_space<hbm>>
    %dma_wait3A_347 = tpu.memref_squeeze %dma_wait3A_346 : memref<1x1x1x8x128xf32, #tpu.memory_space<hbm>> -> memref<8x128xf32, #tpu.memory_space<hbm>>
    %dma_wait3A_348 = arith.constant 32 : i32
    %dma_wait3A_349 = arith.constant 0 : i32
    %dma_wait3A_350 = tpu.memref_slice %arg9[%dma_wait3A_348, %dma_wait3A_349] : memref<64x129xf32, #tpu.memory_space<vmem>> -> memref<8x128xf32, #tpu.memory_space<vmem>>
    tpu.wait_dma2 semaphore(%arg15 : memref<!tpu.dma_semaphore, #tpu.memory_space<semaphore_mem>>) src(%dma_wait3A_350 : memref<8x128xf32, #tpu.memory_space<vmem>>) dst(%dma_wait3A_347 : memref<8x128xf32, #tpu.memory_space<hbm>>)
    %mul3A_351 = arith.constant 200 : i32
    %mul3A_352 = arith.muli %add3A, %mul3A_351 : i32
    %add3A_353 = arith.constant 198 : i32
    %add3A_354 = arith.addi %mul3A_352, %add3A_353 : i32
    %jit3A_355 = arith.constant 128 : i32
    %div3A_356 = arith.divsi %add3A_354, %jit3A_355 : i32
    %sign3A_357 = arith.constant 0 : i32
    %sign3A_358 = arith.cmpi sgt, %add3A_354, %sign3A_357 : i32
    %sign3A_359 = arith.extui %sign3A_358 : i1 to i32
    %sign3A_360 = arith.constant 0 : i32
    %sign3A_361 = arith.cmpi slt, %add3A_354, %sign3A_360 : i32
    %sign3A_362 = arith.extui %sign3A_361 : i1 to i32
    %sign3A_363 = arith.subi %sign3A_359, %sign3A_362 : i32
    %sign3A_364 = arith.constant 0 : i32
    %sign3A_365 = arith.cmpi sgt, %jit3A_355, %sign3A_364 : i32
    %sign3A_366 = arith.extui %sign3A_365 : i1 to i32
    %sign3A_367 = arith.constant 0 : i32
    %sign3A_368 = arith.cmpi slt, %jit3A_355, %sign3A_367 : i32
    %sign3A_369 = arith.extui %sign3A_368 : i1 to i32
    %sign3A_370 = arith.subi %sign3A_366, %sign3A_369 : i32
    %ne3A_371 = arith.cmpi ne, %sign3A_363, %sign3A_370 : i32
    %rem3A_372 = arith.remsi %add3A_354, %jit3A_355 : i32
    %ne3A_373 = arith.constant 0 : i32
    %ne3A_374 = arith.cmpi ne, %rem3A_372, %ne3A_373 : i32
    %and3A_375 = arith.andi %ne3A_371, %ne3A_374 : i1
    %sub3A_376 = arith.constant 1 : i32
    %sub3A_377 = arith.subi %div3A_356, %sub3A_376 : i32
    %select_n3A_378 = arith.select %and3A_375, %sub3A_377, %div3A_356 : i32
    %jit3A_379 = arith.constant 128 : i32
    %eq3A_380 = arith.constant 0 : i32
    %eq3A_381 = arith.cmpi eq, %jit3A_379, %eq3A_380 : i32
    %jit3A_382 = arith.constant 1 : i32
    %select_n3A_383 = arith.select %eq3A_381, %jit3A_382, %jit3A_379 : i32
    %rem3A_384 = arith.remsi %add3A_354, %select_n3A_383 : i32
    %ne3A_385 = arith.constant 0 : i32
    %ne3A_386 = arith.cmpi ne, %rem3A_384, %ne3A_385 : i32
    %lt3A_387 = arith.constant 0 : i32
    %lt3A_388 = arith.cmpi slt, %rem3A_384, %lt3A_387 : i32
    %lt3A_389 = arith.constant 0 : i32
    %lt3A_390 = arith.cmpi slt, %select_n3A_383, %lt3A_389 : i32
    %ne3A_391 = arith.xori %lt3A_388, %lt3A_390 : i1
    %and3A_392 = arith.andi %ne3A_391, %ne3A_386 : i1
    %add3A_393 = arith.addi %rem3A_384, %select_n3A_383 : i32
    %select_n3A_394 = arith.select %and3A_392, %add3A_393, %rem3A_384 : i32
    %dma_wait3A_395 = arith.constant 5 : i32
    %dma_wait3A_396 = arith.constant 40 : i32
    %dma_wait3A_397 = arith.constant 0 : i32
    %dma_wait3A_398 = tpu.memref_slice %arg9[%dma_wait3A_396, %dma_wait3A_397] : memref<64x129xf32, #tpu.memory_space<vmem>> -> memref<8x128xf32, #tpu.memory_space<vmem>>
    %dma_wait3A_399 = arith.constant 0 : i32
    %dma_wait3A_400 = arith.constant 0 : i32
    %dma_wait3A_401 = tpu.memref_slice %arg4[%select_n3A_378, %dma_wait3A_395, %select_n3A_394, %dma_wait3A_399, %dma_wait3A_400] : memref<50x8x128x8x128xf32, #tpu.memory_space<hbm>> -> memref<1x1x1x8x128xf32, #tpu.memory_space<hbm>>
    %dma_wait3A_402 = tpu.memref_squeeze %dma_wait3A_401 : memref<1x1x1x8x128xf32, #tpu.memory_space<hbm>> -> memref<8x128xf32, #tpu.memory_space<hbm>>
    %dma_wait3A_403 = arith.constant 0 : i32
    %dma_wait3A_404 = arith.constant 0 : i32
    %dma_wait3A_405 = tpu.memref_slice %arg4[%select_n3A_378, %dma_wait3A_395, %select_n3A_394, %dma_wait3A_403, %dma_wait3A_404] : memref<50x8x128x8x128xf32, #tpu.memory_space<hbm>> -> memref<1x1x1x8x128xf32, #tpu.memory_space<hbm>>
    %dma_wait3A_406 = tpu.memref_squeeze %dma_wait3A_405 : memref<1x1x1x8x128xf32, #tpu.memory_space<hbm>> -> memref<8x128xf32, #tpu.memory_space<hbm>>
    %dma_wait3A_407 = arith.constant 40 : i32
    %dma_wait3A_408 = arith.constant 0 : i32
    %dma_wait3A_409 = tpu.memref_slice %arg9[%dma_wait3A_407, %dma_wait3A_408] : memref<64x129xf32, #tpu.memory_space<vmem>> -> memref<8x128xf32, #tpu.memory_space<vmem>>
    tpu.wait_dma2 semaphore(%arg15 : memref<!tpu.dma_semaphore, #tpu.memory_space<semaphore_mem>>) src(%dma_wait3A_409 : memref<8x128xf32, #tpu.memory_space<vmem>>) dst(%dma_wait3A_406 : memref<8x128xf32, #tpu.memory_space<hbm>>)
    %mul3A_410 = arith.constant 200 : i32
    %mul3A_411 = arith.muli %add3A, %mul3A_410 : i32
    %add3A_412 = arith.constant 198 : i32
    %add3A_413 = arith.addi %mul3A_411, %add3A_412 : i32
    %jit3A_414 = arith.constant 128 : i32
    %div3A_415 = arith.divsi %add3A_413, %jit3A_414 : i32
    %sign3A_416 = arith.constant 0 : i32
    %sign3A_417 = arith.cmpi sgt, %add3A_413, %sign3A_416 : i32
    %sign3A_418 = arith.extui %sign3A_417 : i1 to i32
    %sign3A_419 = arith.constant 0 : i32
    %sign3A_420 = arith.cmpi slt, %add3A_413, %sign3A_419 : i32
    %sign3A_421 = arith.extui %sign3A_420 : i1 to i32
    %sign3A_422 = arith.subi %sign3A_418, %sign3A_421 : i32
    %sign3A_423 = arith.constant 0 : i32
    %sign3A_424 = arith.cmpi sgt, %jit3A_414, %sign3A_423 : i32
    %sign3A_425 = arith.extui %sign3A_424 : i1 to i32
    %sign3A_426 = arith.constant 0 : i32
    %sign3A_427 = arith.cmpi slt, %jit3A_414, %sign3A_426 : i32
    %sign3A_428 = arith.extui %sign3A_427 : i1 to i32
    %sign3A_429 = arith.subi %sign3A_425, %sign3A_428 : i32
    %ne3A_430 = arith.cmpi ne, %sign3A_422, %sign3A_429 : i32
    %rem3A_431 = arith.remsi %add3A_413, %jit3A_414 : i32
    %ne3A_432 = arith.constant 0 : i32
    %ne3A_433 = arith.cmpi ne, %rem3A_431, %ne3A_432 : i32
    %and3A_434 = arith.andi %ne3A_430, %ne3A_433 : i1
    %sub3A_435 = arith.constant 1 : i32
    %sub3A_436 = arith.subi %div3A_415, %sub3A_435 : i32
    %select_n3A_437 = arith.select %and3A_434, %sub3A_436, %div3A_415 : i32
    %jit3A_438 = arith.constant 128 : i32
    %eq3A_439 = arith.constant 0 : i32
    %eq3A_440 = arith.cmpi eq, %jit3A_438, %eq3A_439 : i32
    %jit3A_441 = arith.constant 1 : i32
    %select_n3A_442 = arith.select %eq3A_440, %jit3A_441, %jit3A_438 : i32
    %rem3A_443 = arith.remsi %add3A_413, %select_n3A_442 : i32
    %ne3A_444 = arith.constant 0 : i32
    %ne3A_445 = arith.cmpi ne, %rem3A_443, %ne3A_444 : i32
    %lt3A_446 = arith.constant 0 : i32
    %lt3A_447 = arith.cmpi slt, %rem3A_443, %lt3A_446 : i32
    %lt3A_448 = arith.constant 0 : i32
    %lt3A_449 = arith.cmpi slt, %select_n3A_442, %lt3A_448 : i32
    %ne3A_450 = arith.xori %lt3A_447, %lt3A_449 : i1
    %and3A_451 = arith.andi %ne3A_450, %ne3A_445 : i1
    %add3A_452 = arith.addi %rem3A_443, %select_n3A_442 : i32
    %select_n3A_453 = arith.select %and3A_451, %add3A_452, %rem3A_443 : i32
    %dma_wait3A_454 = arith.constant 6 : i32
    %dma_wait3A_455 = arith.constant 48 : i32
    %dma_wait3A_456 = arith.constant 0 : i32
    %dma_wait3A_457 = tpu.memref_slice %arg9[%dma_wait3A_455, %dma_wait3A_456] : memref<64x129xf32, #tpu.memory_space<vmem>> -> memref<8x128xf32, #tpu.memory_space<vmem>>
    %dma_wait3A_458 = arith.constant 0 : i32
    %dma_wait3A_459 = arith.constant 0 : i32
    %dma_wait3A_460 = tpu.memref_slice %arg4[%select_n3A_437, %dma_wait3A_454, %select_n3A_453, %dma_wait3A_458, %dma_wait3A_459] : memref<50x8x128x8x128xf32, #tpu.memory_space<hbm>> -> memref<1x1x1x8x128xf32, #tpu.memory_space<hbm>>
    %dma_wait3A_461 = tpu.memref_squeeze %dma_wait3A_460 : memref<1x1x1x8x128xf32, #tpu.memory_space<hbm>> -> memref<8x128xf32, #tpu.memory_space<hbm>>
    %dma_wait3A_462 = arith.constant 0 : i32
    %dma_wait3A_463 = arith.constant 0 : i32
    %dma_wait3A_464 = tpu.memref_slice %arg4[%select_n3A_437, %dma_wait3A_454, %select_n3A_453, %dma_wait3A_462, %dma_wait3A_463] : memref<50x8x128x8x128xf32, #tpu.memory_space<hbm>> -> memref<1x1x1x8x128xf32, #tpu.memory_space<hbm>>
    %dma_wait3A_465 = tpu.memref_squeeze %dma_wait3A_464 : memref<1x1x1x8x128xf32, #tpu.memory_space<hbm>> -> memref<8x128xf32, #tpu.memory_space<hbm>>
    %dma_wait3A_466 = arith.constant 48 : i32
    %dma_wait3A_467 = arith.constant 0 : i32
    %dma_wait3A_468 = tpu.memref_slice %arg9[%dma_wait3A_466, %dma_wait3A_467] : memref<64x129xf32, #tpu.memory_space<vmem>> -> memref<8x128xf32, #tpu.memory_space<vmem>>
    tpu.wait_dma2 semaphore(%arg15 : memref<!tpu.dma_semaphore, #tpu.memory_space<semaphore_mem>>) src(%dma_wait3A_468 : memref<8x128xf32, #tpu.memory_space<vmem>>) dst(%dma_wait3A_465 : memref<8x128xf32, #tpu.memory_space<hbm>>)
    %mul3A_469 = arith.constant 200 : i32
    %mul3A_470 = arith.muli %add3A, %mul3A_469 : i32
    %add3A_471 = arith.constant 198 : i32
    %add3A_472 = arith.addi %mul3A_470, %add3A_471 : i32
    %jit3A_473 = arith.constant 128 : i32
    %div3A_474 = arith.divsi %add3A_472, %jit3A_473 : i32
    %sign3A_475 = arith.constant 0 : i32
    %sign3A_476 = arith.cmpi sgt, %add3A_472, %sign3A_475 : i32
    %sign3A_477 = arith.extui %sign3A_476 : i1 to i32
    %sign3A_478 = arith.constant 0 : i32
    %sign3A_479 = arith.cmpi slt, %add3A_472, %sign3A_478 : i32
    %sign3A_480 = arith.extui %sign3A_479 : i1 to i32
    %sign3A_481 = arith.subi %sign3A_477, %sign3A_480 : i32
    %sign3A_482 = arith.constant 0 : i32
    %sign3A_483 = arith.cmpi sgt, %jit3A_473, %sign3A_482 : i32
    %sign3A_484 = arith.extui %sign3A_483 : i1 to i32
    %sign3A_485 = arith.constant 0 : i32
    %sign3A_486 = arith.cmpi slt, %jit3A_473, %sign3A_485 : i32
    %sign3A_487 = arith.extui %sign3A_486 : i1 to i32
    %sign3A_488 = arith.subi %sign3A_484, %sign3A_487 : i32
    %ne3A_489 = arith.cmpi ne, %sign3A_481, %sign3A_488 : i32
    %rem3A_490 = arith.remsi %add3A_472, %jit3A_473 : i32
    %ne3A_491 = arith.constant 0 : i32
    %ne3A_492 = arith.cmpi ne, %rem3A_490, %ne3A_491 : i32
    %and3A_493 = arith.andi %ne3A_489, %ne3A_492 : i1
    %sub3A_494 = arith.constant 1 : i32
    %sub3A_495 = arith.subi %div3A_474, %sub3A_494 : i32
    %select_n3A_496 = arith.select %and3A_493, %sub3A_495, %div3A_474 : i32
    %jit3A_497 = arith.constant 128 : i32
    %eq3A_498 = arith.constant 0 : i32
    %eq3A_499 = arith.cmpi eq, %jit3A_497, %eq3A_498 : i32
    %jit3A_500 = arith.constant 1 : i32
    %select_n3A_501 = arith.select %eq3A_499, %jit3A_500, %jit3A_497 : i32
    %rem3A_502 = arith.remsi %add3A_472, %select_n3A_501 : i32
    %ne3A_503 = arith.constant 0 : i32
    %ne3A_504 = arith.cmpi ne, %rem3A_502, %ne3A_503 : i32
    %lt3A_505 = arith.constant 0 : i32
    %lt3A_506 = arith.cmpi slt, %rem3A_502, %lt3A_505 : i32
    %lt3A_507 = arith.constant 0 : i32
    %lt3A_508 = arith.cmpi slt, %select_n3A_501, %lt3A_507 : i32
    %ne3A_509 = arith.xori %lt3A_506, %lt3A_508 : i1
    %and3A_510 = arith.andi %ne3A_509, %ne3A_504 : i1
    %add3A_511 = arith.addi %rem3A_502, %select_n3A_501 : i32
    %select_n3A_512 = arith.select %and3A_510, %add3A_511, %rem3A_502 : i32
    %dma_wait3A_513 = arith.constant 7 : i32
    %dma_wait3A_514 = arith.constant 56 : i32
    %dma_wait3A_515 = arith.constant 0 : i32
    %dma_wait3A_516 = tpu.memref_slice %arg9[%dma_wait3A_514, %dma_wait3A_515] : memref<64x129xf32, #tpu.memory_space<vmem>> -> memref<8x128xf32, #tpu.memory_space<vmem>>
    %dma_wait3A_517 = arith.constant 0 : i32
    %dma_wait3A_518 = arith.constant 0 : i32
    %dma_wait3A_519 = tpu.memref_slice %arg4[%select_n3A_496, %dma_wait3A_513, %select_n3A_512, %dma_wait3A_517, %dma_wait3A_518] : memref<50x8x128x8x128xf32, #tpu.memory_space<hbm>> -> memref<1x1x1x8x128xf32, #tpu.memory_space<hbm>>
    %dma_wait3A_520 = tpu.memref_squeeze %dma_wait3A_519 : memref<1x1x1x8x128xf32, #tpu.memory_space<hbm>> -> memref<8x128xf32, #tpu.memory_space<hbm>>
    %dma_wait3A_521 = arith.constant 0 : i32
    %dma_wait3A_522 = arith.constant 0 : i32
    %dma_wait3A_523 = tpu.memref_slice %arg4[%select_n3A_496, %dma_wait3A_513, %select_n3A_512, %dma_wait3A_521, %dma_wait3A_522] : memref<50x8x128x8x128xf32, #tpu.memory_space<hbm>> -> memref<1x1x1x8x128xf32, #tpu.memory_space<hbm>>
    %dma_wait3A_524 = tpu.memref_squeeze %dma_wait3A_523 : memref<1x1x1x8x128xf32, #tpu.memory_space<hbm>> -> memref<8x128xf32, #tpu.memory_space<hbm>>
    %dma_wait3A_525 = arith.constant 56 : i32
    %dma_wait3A_526 = arith.constant 0 : i32
    %dma_wait3A_527 = tpu.memref_slice %arg9[%dma_wait3A_525, %dma_wait3A_526] : memref<64x129xf32, #tpu.memory_space<vmem>> -> memref<8x128xf32, #tpu.memory_space<vmem>>
    tpu.wait_dma2 semaphore(%arg15 : memref<!tpu.dma_semaphore, #tpu.memory_space<semaphore_mem>>) src(%dma_wait3A_527 : memref<8x128xf32, #tpu.memory_space<vmem>>) dst(%dma_wait3A_524 : memref<8x128xf32, #tpu.memory_space<hbm>>)
    %mul3A_528 = arith.constant 200 : i32
    %mul3A_529 = arith.muli %add3A, %mul3A_528 : i32
    %add3A_530 = arith.constant 199 : i32
    %add3A_531 = arith.addi %mul3A_529, %add3A_530 : i32
    %jit3A_532 = arith.constant 128 : i32
    %div3A_533 = arith.divsi %add3A_531, %jit3A_532 : i32
    %sign3A_534 = arith.constant 0 : i32
    %sign3A_535 = arith.cmpi sgt, %add3A_531, %sign3A_534 : i32
    %sign3A_536 = arith.extui %sign3A_535 : i1 to i32
    %sign3A_537 = arith.constant 0 : i32
    %sign3A_538 = arith.cmpi slt, %add3A_531, %sign3A_537 : i32
    %sign3A_539 = arith.extui %sign3A_538 : i1 to i32
    %sign3A_540 = arith.subi %sign3A_536, %sign3A_539 : i32
    %sign3A_541 = arith.constant 0 : i32
    %sign3A_542 = arith.cmpi sgt, %jit3A_532, %sign3A_541 : i32
    %sign3A_543 = arith.extui %sign3A_542 : i1 to i32
    %sign3A_544 = arith.constant 0 : i32
    %sign3A_545 = arith.cmpi slt, %jit3A_532, %sign3A_544 : i32
    %sign3A_546 = arith.extui %sign3A_545 : i1 to i32
    %sign3A_547 = arith.subi %sign3A_543, %sign3A_546 : i32
    %ne3A_548 = arith.cmpi ne, %sign3A_540, %sign3A_547 : i32
    %rem3A_549 = arith.remsi %add3A_531, %jit3A_532 : i32
    %ne3A_550 = arith.constant 0 : i32
    %ne3A_551 = arith.cmpi ne, %rem3A_549, %ne3A_550 : i32
    %and3A_552 = arith.andi %ne3A_548, %ne3A_551 : i1
    %sub3A_553 = arith.constant 1 : i32
    %sub3A_554 = arith.subi %div3A_533, %sub3A_553 : i32
    %select_n3A_555 = arith.select %and3A_552, %sub3A_554, %div3A_533 : i32
    %jit3A_556 = arith.constant 128 : i32
    %eq3A_557 = arith.constant 0 : i32
    %eq3A_558 = arith.cmpi eq, %jit3A_556, %eq3A_557 : i32
    %jit3A_559 = arith.constant 1 : i32
    %select_n3A_560 = arith.select %eq3A_558, %jit3A_559, %jit3A_556 : i32
    %rem3A_561 = arith.remsi %add3A_531, %select_n3A_560 : i32
    %ne3A_562 = arith.constant 0 : i32
    %ne3A_563 = arith.cmpi ne, %rem3A_561, %ne3A_562 : i32
    %lt3A_564 = arith.constant 0 : i32
    %lt3A_565 = arith.cmpi slt, %rem3A_561, %lt3A_564 : i32
    %lt3A_566 = arith.constant 0 : i32
    %lt3A_567 = arith.cmpi slt, %select_n3A_560, %lt3A_566 : i32
    %ne3A_568 = arith.xori %lt3A_565, %lt3A_567 : i1
    %and3A_569 = arith.andi %ne3A_568, %ne3A_563 : i1
    %add3A_570 = arith.addi %rem3A_561, %select_n3A_560 : i32
    %select_n3A_571 = arith.select %and3A_569, %add3A_570, %rem3A_561 : i32
    %dma_wait3A_572 = arith.constant 0 : i32
    %dma_wait3A_573 = arith.constant 0 : i32
    %dma_wait3A_574 = arith.constant 0 : i32
    %dma_wait3A_575 = tpu.memref_slice %arg10[%dma_wait3A_573, %dma_wait3A_574] : memref<64x129xf32, #tpu.memory_space<vmem>> -> memref<8x128xf32, #tpu.memory_space<vmem>>
    %dma_wait3A_576 = arith.constant 0 : i32
    %dma_wait3A_577 = arith.constant 0 : i32
    %dma_wait3A_578 = tpu.memref_slice %arg4[%select_n3A_555, %dma_wait3A_572, %select_n3A_571, %dma_wait3A_576, %dma_wait3A_577] : memref<50x8x128x8x128xf32, #tpu.memory_space<hbm>> -> memref<1x1x1x8x128xf32, #tpu.memory_space<hbm>>
    %dma_wait3A_579 = tpu.memref_squeeze %dma_wait3A_578 : memref<1x1x1x8x128xf32, #tpu.memory_space<hbm>> -> memref<8x128xf32, #tpu.memory_space<hbm>>
    %dma_wait3A_580 = arith.constant 0 : i32
    %dma_wait3A_581 = arith.constant 0 : i32
    %dma_wait3A_582 = tpu.memref_slice %arg4[%select_n3A_555, %dma_wait3A_572, %select_n3A_571, %dma_wait3A_580, %dma_wait3A_581] : memref<50x8x128x8x128xf32, #tpu.memory_space<hbm>> -> memref<1x1x1x8x128xf32, #tpu.memory_space<hbm>>
    %dma_wait3A_583 = tpu.memref_squeeze %dma_wait3A_582 : memref<1x1x1x8x128xf32, #tpu.memory_space<hbm>> -> memref<8x128xf32, #tpu.memory_space<hbm>>
    %dma_wait3A_584 = arith.constant 0 : i32
    %dma_wait3A_585 = arith.constant 0 : i32
    %dma_wait3A_586 = tpu.memref_slice %arg10[%dma_wait3A_584, %dma_wait3A_585] : memref<64x129xf32, #tpu.memory_space<vmem>> -> memref<8x128xf32, #tpu.memory_space<vmem>>
    tpu.wait_dma2 semaphore(%arg16 : memref<!tpu.dma_semaphore, #tpu.memory_space<semaphore_mem>>) src(%dma_wait3A_586 : memref<8x128xf32, #tpu.memory_space<vmem>>) dst(%dma_wait3A_583 : memref<8x128xf32, #tpu.memory_space<hbm>>)
    %mul3A_587 = arith.constant 200 : i32
    %mul3A_588 = arith.muli %add3A, %mul3A_587 : i32
    %add3A_589 = arith.constant 199 : i32
    %add3A_590 = arith.addi %mul3A_588, %add3A_589 : i32
    %jit3A_591 = arith.constant 128 : i32
    %div3A_592 = arith.divsi %add3A_590, %jit3A_591 : i32
    %sign3A_593 = arith.constant 0 : i32
    %sign3A_594 = arith.cmpi sgt, %add3A_590, %sign3A_593 : i32
    %sign3A_595 = arith.extui %sign3A_594 : i1 to i32
    %sign3A_596 = arith.constant 0 : i32
    %sign3A_597 = arith.cmpi slt, %add3A_590, %sign3A_596 : i32
    %sign3A_598 = arith.extui %sign3A_597 : i1 to i32
    %sign3A_599 = arith.subi %sign3A_595, %sign3A_598 : i32
    %sign3A_600 = arith.constant 0 : i32
    %sign3A_601 = arith.cmpi sgt, %jit3A_591, %sign3A_600 : i32
    %sign3A_602 = arith.extui %sign3A_601 : i1 to i32
    %sign3A_603 = arith.constant 0 : i32
    %sign3A_604 = arith.cmpi slt, %jit3A_591, %sign3A_603 : i32
    %sign3A_605 = arith.extui %sign3A_604 : i1 to i32
    %sign3A_606 = arith.subi %sign3A_602, %sign3A_605 : i32
    %ne3A_607 = arith.cmpi ne, %sign3A_599, %sign3A_606 : i32
    %rem3A_608 = arith.remsi %add3A_590, %jit3A_591 : i32
    %ne3A_609 = arith.constant 0 : i32
    %ne3A_610 = arith.cmpi ne, %rem3A_608, %ne3A_609 : i32
    %and3A_611 = arith.andi %ne3A_607, %ne3A_610 : i1
    %sub3A_612 = arith.constant 1 : i32
    %sub3A_613 = arith.subi %div3A_592, %sub3A_612 : i32
    %select_n3A_614 = arith.select %and3A_611, %sub3A_613, %div3A_592 : i32
    %jit3A_615 = arith.constant 128 : i32
    %eq3A_616 = arith.constant 0 : i32
    %eq3A_617 = arith.cmpi eq, %jit3A_615, %eq3A_616 : i32
    %jit3A_618 = arith.constant 1 : i32
    %select_n3A_619 = arith.select %eq3A_617, %jit3A_618, %jit3A_615 : i32
    %rem3A_620 = arith.remsi %add3A_590, %select_n3A_619 : i32
    %ne3A_621 = arith.constant 0 : i32
    %ne3A_622 = arith.cmpi ne, %rem3A_620, %ne3A_621 : i32
    %lt3A_623 = arith.constant 0 : i32
    %lt3A_624 = arith.cmpi slt, %rem3A_620, %lt3A_623 : i32
    %lt3A_625 = arith.constant 0 : i32
    %lt3A_626 = arith.cmpi slt, %select_n3A_619, %lt3A_625 : i32
    %ne3A_627 = arith.xori %lt3A_624, %lt3A_626 : i1
    %and3A_628 = arith.andi %ne3A_627, %ne3A_622 : i1
    %add3A_629 = arith.addi %rem3A_620, %select_n3A_619 : i32
    %select_n3A_630 = arith.select %and3A_628, %add3A_629, %rem3A_620 : i32
    %dma_wait3A_631 = arith.constant 1 : i32
    %dma_wait3A_632 = arith.constant 8 : i32
    %dma_wait3A_633 = arith.constant 0 : i32
    %dma_wait3A_634 = tpu.memref_slice %arg10[%dma_wait3A_632, %dma_wait3A_633] : memref<64x129xf32, #tpu.memory_space<vmem>> -> memref<8x128xf32, #tpu.memory_space<vmem>>
    %dma_wait3A_635 = arith.constant 0 : i32
    %dma_wait3A_636 = arith.constant 0 : i32
    %dma_wait3A_637 = tpu.memref_slice %arg4[%select_n3A_614, %dma_wait3A_631, %select_n3A_630, %dma_wait3A_635, %dma_wait3A_636] : memref<50x8x128x8x128xf32, #tpu.memory_space<hbm>> -> memref<1x1x1x8x128xf32, #tpu.memory_space<hbm>>
    %dma_wait3A_638 = tpu.memref_squeeze %dma_wait3A_637 : memref<1x1x1x8x128xf32, #tpu.memory_space<hbm>> -> memref<8x128xf32, #tpu.memory_space<hbm>>
    %dma_wait3A_639 = arith.constant 0 : i32
    %dma_wait3A_640 = arith.constant 0 : i32
    %dma_wait3A_641 = tpu.memref_slice %arg4[%select_n3A_614, %dma_wait3A_631, %select_n3A_630, %dma_wait3A_639, %dma_wait3A_640] : memref<50x8x128x8x128xf32, #tpu.memory_space<hbm>> -> memref<1x1x1x8x128xf32, #tpu.memory_space<hbm>>
    %dma_wait3A_642 = tpu.memref_squeeze %dma_wait3A_641 : memref<1x1x1x8x128xf32, #tpu.memory_space<hbm>> -> memref<8x128xf32, #tpu.memory_space<hbm>>
    %dma_wait3A_643 = arith.constant 8 : i32
    %dma_wait3A_644 = arith.constant 0 : i32
    %dma_wait3A_645 = tpu.memref_slice %arg10[%dma_wait3A_643, %dma_wait3A_644] : memref<64x129xf32, #tpu.memory_space<vmem>> -> memref<8x128xf32, #tpu.memory_space<vmem>>
    tpu.wait_dma2 semaphore(%arg16 : memref<!tpu.dma_semaphore, #tpu.memory_space<semaphore_mem>>) src(%dma_wait3A_645 : memref<8x128xf32, #tpu.memory_space<vmem>>) dst(%dma_wait3A_642 : memref<8x128xf32, #tpu.memory_space<hbm>>)
    %mul3A_646 = arith.constant 200 : i32
    %mul3A_647 = arith.muli %add3A, %mul3A_646 : i32
    %add3A_648 = arith.constant 199 : i32
    %add3A_649 = arith.addi %mul3A_647, %add3A_648 : i32
    %jit3A_650 = arith.constant 128 : i32
    %div3A_651 = arith.divsi %add3A_649, %jit3A_650 : i32
    %sign3A_652 = arith.constant 0 : i32
    %sign3A_653 = arith.cmpi sgt, %add3A_649, %sign3A_652 : i32
    %sign3A_654 = arith.extui %sign3A_653 : i1 to i32
    %sign3A_655 = arith.constant 0 : i32
    %sign3A_656 = arith.cmpi slt, %add3A_649, %sign3A_655 : i32
    %sign3A_657 = arith.extui %sign3A_656 : i1 to i32
    %sign3A_658 = arith.subi %sign3A_654, %sign3A_657 : i32
    %sign3A_659 = arith.constant 0 : i32
    %sign3A_660 = arith.cmpi sgt, %jit3A_650, %sign3A_659 : i32
    %sign3A_661 = arith.extui %sign3A_660 : i1 to i32
    %sign3A_662 = arith.constant 0 : i32
    %sign3A_663 = arith.cmpi slt, %jit3A_650, %sign3A_662 : i32
    %sign3A_664 = arith.extui %sign3A_663 : i1 to i32
    %sign3A_665 = arith.subi %sign3A_661, %sign3A_664 : i32
    %ne3A_666 = arith.cmpi ne, %sign3A_658, %sign3A_665 : i32
    %rem3A_667 = arith.remsi %add3A_649, %jit3A_650 : i32
    %ne3A_668 = arith.constant 0 : i32
    %ne3A_669 = arith.cmpi ne, %rem3A_667, %ne3A_668 : i32
    %and3A_670 = arith.andi %ne3A_666, %ne3A_669 : i1
    %sub3A_671 = arith.constant 1 : i32
    %sub3A_672 = arith.subi %div3A_651, %sub3A_671 : i32
    %select_n3A_673 = arith.select %and3A_670, %sub3A_672, %div3A_651 : i32
    %jit3A_674 = arith.constant 128 : i32
    %eq3A_675 = arith.constant 0 : i32
    %eq3A_676 = arith.cmpi eq, %jit3A_674, %eq3A_675 : i32
    %jit3A_677 = arith.constant 1 : i32
    %select_n3A_678 = arith.select %eq3A_676, %jit3A_677, %jit3A_674 : i32
    %rem3A_679 = arith.remsi %add3A_649, %select_n3A_678 : i32
    %ne3A_680 = arith.constant 0 : i32
    %ne3A_681 = arith.cmpi ne, %rem3A_679, %ne3A_680 : i32
    %lt3A_682 = arith.constant 0 : i32
    %lt3A_683 = arith.cmpi slt, %rem3A_679, %lt3A_682 : i32
    %lt3A_684 = arith.constant 0 : i32
    %lt3A_685 = arith.cmpi slt, %select_n3A_678, %lt3A_684 : i32
    %ne3A_686 = arith.xori %lt3A_683, %lt3A_685 : i1
    %and3A_687 = arith.andi %ne3A_686, %ne3A_681 : i1
    %add3A_688 = arith.addi %rem3A_679, %select_n3A_678 : i32
    %select_n3A_689 = arith.select %and3A_687, %add3A_688, %rem3A_679 : i32
    %dma_wait3A_690 = arith.constant 2 : i32
    %dma_wait3A_691 = arith.constant 16 : i32
    %dma_wait3A_692 = arith.constant 0 : i32
    %dma_wait3A_693 = tpu.memref_slice %arg10[%dma_wait3A_691, %dma_wait3A_692] : memref<64x129xf32, #tpu.memory_space<vmem>> -> memref<8x128xf32, #tpu.memory_space<vmem>>
    %dma_wait3A_694 = arith.constant 0 : i32
    %dma_wait3A_695 = arith.constant 0 : i32
    %dma_wait3A_696 = tpu.memref_slice %arg4[%select_n3A_673, %dma_wait3A_690, %select_n3A_689, %dma_wait3A_694, %dma_wait3A_695] : memref<50x8x128x8x128xf32, #tpu.memory_space<hbm>> -> memref<1x1x1x8x128xf32, #tpu.memory_space<hbm>>
    %dma_wait3A_697 = tpu.memref_squeeze %dma_wait3A_696 : memref<1x1x1x8x128xf32, #tpu.memory_space<hbm>> -> memref<8x128xf32, #tpu.memory_space<hbm>>
    %dma_wait3A_698 = arith.constant 0 : i32
    %dma_wait3A_699 = arith.constant 0 : i32
    %dma_wait3A_700 = tpu.memref_slice %arg4[%select_n3A_673, %dma_wait3A_690, %select_n3A_689, %dma_wait3A_698, %dma_wait3A_699] : memref<50x8x128x8x128xf32, #tpu.memory_space<hbm>> -> memref<1x1x1x8x128xf32, #tpu.memory_space<hbm>>
    %dma_wait3A_701 = tpu.memref_squeeze %dma_wait3A_700 : memref<1x1x1x8x128xf32, #tpu.memory_space<hbm>> -> memref<8x128xf32, #tpu.memory_space<hbm>>
    %dma_wait3A_702 = arith.constant 16 : i32
    %dma_wait3A_703 = arith.constant 0 : i32
    %dma_wait3A_704 = tpu.memref_slice %arg10[%dma_wait3A_702, %dma_wait3A_703] : memref<64x129xf32, #tpu.memory_space<vmem>> -> memref<8x128xf32, #tpu.memory_space<vmem>>
    tpu.wait_dma2 semaphore(%arg16 : memref<!tpu.dma_semaphore, #tpu.memory_space<semaphore_mem>>) src(%dma_wait3A_704 : memref<8x128xf32, #tpu.memory_space<vmem>>) dst(%dma_wait3A_701 : memref<8x128xf32, #tpu.memory_space<hbm>>)
    %mul3A_705 = arith.constant 200 : i32
    %mul3A_706 = arith.muli %add3A, %mul3A_705 : i32
    %add3A_707 = arith.constant 199 : i32
    %add3A_708 = arith.addi %mul3A_706, %add3A_707 : i32
    %jit3A_709 = arith.constant 128 : i32
    %div3A_710 = arith.divsi %add3A_708, %jit3A_709 : i32
    %sign3A_711 = arith.constant 0 : i32
    %sign3A_712 = arith.cmpi sgt, %add3A_708, %sign3A_711 : i32
    %sign3A_713 = arith.extui %sign3A_712 : i1 to i32
    %sign3A_714 = arith.constant 0 : i32
    %sign3A_715 = arith.cmpi slt, %add3A_708, %sign3A_714 : i32
    %sign3A_716 = arith.extui %sign3A_715 : i1 to i32
    %sign3A_717 = arith.subi %sign3A_713, %sign3A_716 : i32
    %sign3A_718 = arith.constant 0 : i32
    %sign3A_719 = arith.cmpi sgt, %jit3A_709, %sign3A_718 : i32
    %sign3A_720 = arith.extui %sign3A_719 : i1 to i32
    %sign3A_721 = arith.constant 0 : i32
    %sign3A_722 = arith.cmpi slt, %jit3A_709, %sign3A_721 : i32
    %sign3A_723 = arith.extui %sign3A_722 : i1 to i32
    %sign3A_724 = arith.subi %sign3A_720, %sign3A_723 : i32
    %ne3A_725 = arith.cmpi ne, %sign3A_717, %sign3A_724 : i32
    %rem3A_726 = arith.remsi %add3A_708, %jit3A_709 : i32
    %ne3A_727 = arith.constant 0 : i32
    %ne3A_728 = arith.cmpi ne, %rem3A_726, %ne3A_727 : i32
    %and3A_729 = arith.andi %ne3A_725, %ne3A_728 : i1
    %sub3A_730 = arith.constant 1 : i32
    %sub3A_731 = arith.subi %div3A_710, %sub3A_730 : i32
    %select_n3A_732 = arith.select %and3A_729, %sub3A_731, %div3A_710 : i32
    %jit3A_733 = arith.constant 128 : i32
    %eq3A_734 = arith.constant 0 : i32
    %eq3A_735 = arith.cmpi eq, %jit3A_733, %eq3A_734 : i32
    %jit3A_736 = arith.constant 1 : i32
    %select_n3A_737 = arith.select %eq3A_735, %jit3A_736, %jit3A_733 : i32
    %rem3A_738 = arith.remsi %add3A_708, %select_n3A_737 : i32
    %ne3A_739 = arith.constant 0 : i32
    %ne3A_740 = arith.cmpi ne, %rem3A_738, %ne3A_739 : i32
    %lt3A_741 = arith.constant 0 : i32
    %lt3A_742 = arith.cmpi slt, %rem3A_738, %lt3A_741 : i32
    %lt3A_743 = arith.constant 0 : i32
    %lt3A_744 = arith.cmpi slt, %select_n3A_737, %lt3A_743 : i32
    %ne3A_745 = arith.xori %lt3A_742, %lt3A_744 : i1
    %and3A_746 = arith.andi %ne3A_745, %ne3A_740 : i1
    %add3A_747 = arith.addi %rem3A_738, %select_n3A_737 : i32
    %select_n3A_748 = arith.select %and3A_746, %add3A_747, %rem3A_738 : i32
    %dma_wait3A_749 = arith.constant 3 : i32
    %dma_wait3A_750 = arith.constant 24 : i32
    %dma_wait3A_751 = arith.constant 0 : i32
    %dma_wait3A_752 = tpu.memref_slice %arg10[%dma_wait3A_750, %dma_wait3A_751] : memref<64x129xf32, #tpu.memory_space<vmem>> -> memref<8x128xf32, #tpu.memory_space<vmem>>
    %dma_wait3A_753 = arith.constant 0 : i32
    %dma_wait3A_754 = arith.constant 0 : i32
    %dma_wait3A_755 = tpu.memref_slice %arg4[%select_n3A_732, %dma_wait3A_749, %select_n3A_748, %dma_wait3A_753, %dma_wait3A_754] : memref<50x8x128x8x128xf32, #tpu.memory_space<hbm>> -> memref<1x1x1x8x128xf32, #tpu.memory_space<hbm>>
    %dma_wait3A_756 = tpu.memref_squeeze %dma_wait3A_755 : memref<1x1x1x8x128xf32, #tpu.memory_space<hbm>> -> memref<8x128xf32, #tpu.memory_space<hbm>>
    %dma_wait3A_757 = arith.constant 0 : i32
    %dma_wait3A_758 = arith.constant 0 : i32
    %dma_wait3A_759 = tpu.memref_slice %arg4[%select_n3A_732, %dma_wait3A_749, %select_n3A_748, %dma_wait3A_757, %dma_wait3A_758] : memref<50x8x128x8x128xf32, #tpu.memory_space<hbm>> -> memref<1x1x1x8x128xf32, #tpu.memory_space<hbm>>
    %dma_wait3A_760 = tpu.memref_squeeze %dma_wait3A_759 : memref<1x1x1x8x128xf32, #tpu.memory_space<hbm>> -> memref<8x128xf32, #tpu.memory_space<hbm>>
    %dma_wait3A_761 = arith.constant 24 : i32
    %dma_wait3A_762 = arith.constant 0 : i32
    %dma_wait3A_763 = tpu.memref_slice %arg10[%dma_wait3A_761, %dma_wait3A_762] : memref<64x129xf32, #tpu.memory_space<vmem>> -> memref<8x128xf32, #tpu.memory_space<vmem>>
    tpu.wait_dma2 semaphore(%arg16 : memref<!tpu.dma_semaphore, #tpu.memory_space<semaphore_mem>>) src(%dma_wait3A_763 : memref<8x128xf32, #tpu.memory_space<vmem>>) dst(%dma_wait3A_760 : memref<8x128xf32, #tpu.memory_space<hbm>>)
    %mul3A_764 = arith.constant 200 : i32
    %mul3A_765 = arith.muli %add3A, %mul3A_764 : i32
    %add3A_766 = arith.constant 199 : i32
    %add3A_767 = arith.addi %mul3A_765, %add3A_766 : i32
    %jit3A_768 = arith.constant 128 : i32
    %div3A_769 = arith.divsi %add3A_767, %jit3A_768 : i32
    %sign3A_770 = arith.constant 0 : i32
    %sign3A_771 = arith.cmpi sgt, %add3A_767, %sign3A_770 : i32
    %sign3A_772 = arith.extui %sign3A_771 : i1 to i32
    %sign3A_773 = arith.constant 0 : i32
    %sign3A_774 = arith.cmpi slt, %add3A_767, %sign3A_773 : i32
    %sign3A_775 = arith.extui %sign3A_774 : i1 to i32
    %sign3A_776 = arith.subi %sign3A_772, %sign3A_775 : i32
    %sign3A_777 = arith.constant 0 : i32
    %sign3A_778 = arith.cmpi sgt, %jit3A_768, %sign3A_777 : i32
    %sign3A_779 = arith.extui %sign3A_778 : i1 to i32
    %sign3A_780 = arith.constant 0 : i32
    %sign3A_781 = arith.cmpi slt, %jit3A_768, %sign3A_780 : i32
    %sign3A_782 = arith.extui %sign3A_781 : i1 to i32
    %sign3A_783 = arith.subi %sign3A_779, %sign3A_782 : i32
    %ne3A_784 = arith.cmpi ne, %sign3A_776, %sign3A_783 : i32
    %rem3A_785 = arith.remsi %add3A_767, %jit3A_768 : i32
    %ne3A_786 = arith.constant 0 : i32
    %ne3A_787 = arith.cmpi ne, %rem3A_785, %ne3A_786 : i32
    %and3A_788 = arith.andi %ne3A_784, %ne3A_787 : i1
    %sub3A_789 = arith.constant 1 : i32
    %sub3A_790 = arith.subi %div3A_769, %sub3A_789 : i32
    %select_n3A_791 = arith.select %and3A_788, %sub3A_790, %div3A_769 : i32
    %jit3A_792 = arith.constant 128 : i32
    %eq3A_793 = arith.constant 0 : i32
    %eq3A_794 = arith.cmpi eq, %jit3A_792, %eq3A_793 : i32
    %jit3A_795 = arith.constant 1 : i32
    %select_n3A_796 = arith.select %eq3A_794, %jit3A_795, %jit3A_792 : i32
    %rem3A_797 = arith.remsi %add3A_767, %select_n3A_796 : i32
    %ne3A_798 = arith.constant 0 : i32
    %ne3A_799 = arith.cmpi ne, %rem3A_797, %ne3A_798 : i32
    %lt3A_800 = arith.constant 0 : i32
    %lt3A_801 = arith.cmpi slt, %rem3A_797, %lt3A_800 : i32
    %lt3A_802 = arith.constant 0 : i32
    %lt3A_803 = arith.cmpi slt, %select_n3A_796, %lt3A_802 : i32
    %ne3A_804 = arith.xori %lt3A_801, %lt3A_803 : i1
    %and3A_805 = arith.andi %ne3A_804, %ne3A_799 : i1
    %add3A_806 = arith.addi %rem3A_797, %select_n3A_796 : i32
    %select_n3A_807 = arith.select %and3A_805, %add3A_806, %rem3A_797 : i32
    %dma_wait3A_808 = arith.constant 4 : i32
    %dma_wait3A_809 = arith.constant 32 : i32
    %dma_wait3A_810 = arith.constant 0 : i32
    %dma_wait3A_811 = tpu.memref_slice %arg10[%dma_wait3A_809, %dma_wait3A_810] : memref<64x129xf32, #tpu.memory_space<vmem>> -> memref<8x128xf32, #tpu.memory_space<vmem>>
    %dma_wait3A_812 = arith.constant 0 : i32
    %dma_wait3A_813 = arith.constant 0 : i32
    %dma_wait3A_814 = tpu.memref_slice %arg4[%select_n3A_791, %dma_wait3A_808, %select_n3A_807, %dma_wait3A_812, %dma_wait3A_813] : memref<50x8x128x8x128xf32, #tpu.memory_space<hbm>> -> memref<1x1x1x8x128xf32, #tpu.memory_space<hbm>>
    %dma_wait3A_815 = tpu.memref_squeeze %dma_wait3A_814 : memref<1x1x1x8x128xf32, #tpu.memory_space<hbm>> -> memref<8x128xf32, #tpu.memory_space<hbm>>
    %dma_wait3A_816 = arith.constant 0 : i32
    %dma_wait3A_817 = arith.constant 0 : i32
    %dma_wait3A_818 = tpu.memref_slice %arg4[%select_n3A_791, %dma_wait3A_808, %select_n3A_807, %dma_wait3A_816, %dma_wait3A_817] : memref<50x8x128x8x128xf32, #tpu.memory_space<hbm>> -> memref<1x1x1x8x128xf32, #tpu.memory_space<hbm>>
    %dma_wait3A_819 = tpu.memref_squeeze %dma_wait3A_818 : memref<1x1x1x8x128xf32, #tpu.memory_space<hbm>> -> memref<8x128xf32, #tpu.memory_space<hbm>>
    %dma_wait3A_820 = arith.constant 32 : i32
    %dma_wait3A_821 = arith.constant 0 : i32
    %dma_wait3A_822 = tpu.memref_slice %arg10[%dma_wait3A_820, %dma_wait3A_821] : memref<64x129xf32, #tpu.memory_space<vmem>> -> memref<8x128xf32, #tpu.memory_space<vmem>>
    tpu.wait_dma2 semaphore(%arg16 : memref<!tpu.dma_semaphore, #tpu.memory_space<semaphore_mem>>) src(%dma_wait3A_822 : memref<8x128xf32, #tpu.memory_space<vmem>>) dst(%dma_wait3A_819 : memref<8x128xf32, #tpu.memory_space<hbm>>)
    %mul3A_823 = arith.constant 200 : i32
    %mul3A_824 = arith.muli %add3A, %mul3A_823 : i32
    %add3A_825 = arith.constant 199 : i32
    %add3A_826 = arith.addi %mul3A_824, %add3A_825 : i32
    %jit3A_827 = arith.constant 128 : i32
    %div3A_828 = arith.divsi %add3A_826, %jit3A_827 : i32
    %sign3A_829 = arith.constant 0 : i32
    %sign3A_830 = arith.cmpi sgt, %add3A_826, %sign3A_829 : i32
    %sign3A_831 = arith.extui %sign3A_830 : i1 to i32
    %sign3A_832 = arith.constant 0 : i32
    %sign3A_833 = arith.cmpi slt, %add3A_826, %sign3A_832 : i32
    %sign3A_834 = arith.extui %sign3A_833 : i1 to i32
    %sign3A_835 = arith.subi %sign3A_831, %sign3A_834 : i32
    %sign3A_836 = arith.constant 0 : i32
    %sign3A_837 = arith.cmpi sgt, %jit3A_827, %sign3A_836 : i32
    %sign3A_838 = arith.extui %sign3A_837 : i1 to i32
    %sign3A_839 = arith.constant 0 : i32
    %sign3A_840 = arith.cmpi slt, %jit3A_827, %sign3A_839 : i32
    %sign3A_841 = arith.extui %sign3A_840 : i1 to i32
    %sign3A_842 = arith.subi %sign3A_838, %sign3A_841 : i32
    %ne3A_843 = arith.cmpi ne, %sign3A_835, %sign3A_842 : i32
    %rem3A_844 = arith.remsi %add3A_826, %jit3A_827 : i32
    %ne3A_845 = arith.constant 0 : i32
    %ne3A_846 = arith.cmpi ne, %rem3A_844, %ne3A_845 : i32
    %and3A_847 = arith.andi %ne3A_843, %ne3A_846 : i1
    %sub3A_848 = arith.constant 1 : i32
    %sub3A_849 = arith.subi %div3A_828, %sub3A_848 : i32
    %select_n3A_850 = arith.select %and3A_847, %sub3A_849, %div3A_828 : i32
    %jit3A_851 = arith.constant 128 : i32
    %eq3A_852 = arith.constant 0 : i32
    %eq3A_853 = arith.cmpi eq, %jit3A_851, %eq3A_852 : i32
    %jit3A_854 = arith.constant 1 : i32
    %select_n3A_855 = arith.select %eq3A_853, %jit3A_854, %jit3A_851 : i32
    %rem3A_856 = arith.remsi %add3A_826, %select_n3A_855 : i32
    %ne3A_857 = arith.constant 0 : i32
    %ne3A_858 = arith.cmpi ne, %rem3A_856, %ne3A_857 : i32
    %lt3A_859 = arith.constant 0 : i32
    %lt3A_860 = arith.cmpi slt, %rem3A_856, %lt3A_859 : i32
    %lt3A_861 = arith.constant 0 : i32
    %lt3A_862 = arith.cmpi slt, %select_n3A_855, %lt3A_861 : i32
    %ne3A_863 = arith.xori %lt3A_860, %lt3A_862 : i1
    %and3A_864 = arith.andi %ne3A_863, %ne3A_858 : i1
    %add3A_865 = arith.addi %rem3A_856, %select_n3A_855 : i32
    %select_n3A_866 = arith.select %and3A_864, %add3A_865, %rem3A_856 : i32
    %dma_wait3A_867 = arith.constant 5 : i32
    %dma_wait3A_868 = arith.constant 40 : i32
    %dma_wait3A_869 = arith.constant 0 : i32
    %dma_wait3A_870 = tpu.memref_slice %arg10[%dma_wait3A_868, %dma_wait3A_869] : memref<64x129xf32, #tpu.memory_space<vmem>> -> memref<8x128xf32, #tpu.memory_space<vmem>>
    %dma_wait3A_871 = arith.constant 0 : i32
    %dma_wait3A_872 = arith.constant 0 : i32
    %dma_wait3A_873 = tpu.memref_slice %arg4[%select_n3A_850, %dma_wait3A_867, %select_n3A_866, %dma_wait3A_871, %dma_wait3A_872] : memref<50x8x128x8x128xf32, #tpu.memory_space<hbm>> -> memref<1x1x1x8x128xf32, #tpu.memory_space<hbm>>
    %dma_wait3A_874 = tpu.memref_squeeze %dma_wait3A_873 : memref<1x1x1x8x128xf32, #tpu.memory_space<hbm>> -> memref<8x128xf32, #tpu.memory_space<hbm>>
    %dma_wait3A_875 = arith.constant 0 : i32
    %dma_wait3A_876 = arith.constant 0 : i32
    %dma_wait3A_877 = tpu.memref_slice %arg4[%select_n3A_850, %dma_wait3A_867, %select_n3A_866, %dma_wait3A_875, %dma_wait3A_876] : memref<50x8x128x8x128xf32, #tpu.memory_space<hbm>> -> memref<1x1x1x8x128xf32, #tpu.memory_space<hbm>>
    %dma_wait3A_878 = tpu.memref_squeeze %dma_wait3A_877 : memref<1x1x1x8x128xf32, #tpu.memory_space<hbm>> -> memref<8x128xf32, #tpu.memory_space<hbm>>
    %dma_wait3A_879 = arith.constant 40 : i32
    %dma_wait3A_880 = arith.constant 0 : i32
    %dma_wait3A_881 = tpu.memref_slice %arg10[%dma_wait3A_879, %dma_wait3A_880] : memref<64x129xf32, #tpu.memory_space<vmem>> -> memref<8x128xf32, #tpu.memory_space<vmem>>
    tpu.wait_dma2 semaphore(%arg16 : memref<!tpu.dma_semaphore, #tpu.memory_space<semaphore_mem>>) src(%dma_wait3A_881 : memref<8x128xf32, #tpu.memory_space<vmem>>) dst(%dma_wait3A_878 : memref<8x128xf32, #tpu.memory_space<hbm>>)
    %mul3A_882 = arith.constant 200 : i32
    %mul3A_883 = arith.muli %add3A, %mul3A_882 : i32
    %add3A_884 = arith.constant 199 : i32
    %add3A_885 = arith.addi %mul3A_883, %add3A_884 : i32
    %jit3A_886 = arith.constant 128 : i32
    %div3A_887 = arith.divsi %add3A_885, %jit3A_886 : i32
    %sign3A_888 = arith.constant 0 : i32
    %sign3A_889 = arith.cmpi sgt, %add3A_885, %sign3A_888 : i32
    %sign3A_890 = arith.extui %sign3A_889 : i1 to i32
    %sign3A_891 = arith.constant 0 : i32
    %sign3A_892 = arith.cmpi slt, %add3A_885, %sign3A_891 : i32
    %sign3A_893 = arith.extui %sign3A_892 : i1 to i32
    %sign3A_894 = arith.subi %sign3A_890, %sign3A_893 : i32
    %sign3A_895 = arith.constant 0 : i32
    %sign3A_896 = arith.cmpi sgt, %jit3A_886, %sign3A_895 : i32
    %sign3A_897 = arith.extui %sign3A_896 : i1 to i32
    %sign3A_898 = arith.constant 0 : i32
    %sign3A_899 = arith.cmpi slt, %jit3A_886, %sign3A_898 : i32
    %sign3A_900 = arith.extui %sign3A_899 : i1 to i32
    %sign3A_901 = arith.subi %sign3A_897, %sign3A_900 : i32
    %ne3A_902 = arith.cmpi ne, %sign3A_894, %sign3A_901 : i32
    %rem3A_903 = arith.remsi %add3A_885, %jit3A_886 : i32
    %ne3A_904 = arith.constant 0 : i32
    %ne3A_905 = arith.cmpi ne, %rem3A_903, %ne3A_904 : i32
    %and3A_906 = arith.andi %ne3A_902, %ne3A_905 : i1
    %sub3A_907 = arith.constant 1 : i32
    %sub3A_908 = arith.subi %div3A_887, %sub3A_907 : i32
    %select_n3A_909 = arith.select %and3A_906, %sub3A_908, %div3A_887 : i32
    %jit3A_910 = arith.constant 128 : i32
    %eq3A_911 = arith.constant 0 : i32
    %eq3A_912 = arith.cmpi eq, %jit3A_910, %eq3A_911 : i32
    %jit3A_913 = arith.constant 1 : i32
    %select_n3A_914 = arith.select %eq3A_912, %jit3A_913, %jit3A_910 : i32
    %rem3A_915 = arith.remsi %add3A_885, %select_n3A_914 : i32
    %ne3A_916 = arith.constant 0 : i32
    %ne3A_917 = arith.cmpi ne, %rem3A_915, %ne3A_916 : i32
    %lt3A_918 = arith.constant 0 : i32
    %lt3A_919 = arith.cmpi slt, %rem3A_915, %lt3A_918 : i32
    %lt3A_920 = arith.constant 0 : i32
    %lt3A_921 = arith.cmpi slt, %select_n3A_914, %lt3A_920 : i32
    %ne3A_922 = arith.xori %lt3A_919, %lt3A_921 : i1
    %and3A_923 = arith.andi %ne3A_922, %ne3A_917 : i1
    %add3A_924 = arith.addi %rem3A_915, %select_n3A_914 : i32
    %select_n3A_925 = arith.select %and3A_923, %add3A_924, %rem3A_915 : i32
    %dma_wait3A_926 = arith.constant 6 : i32
    %dma_wait3A_927 = arith.constant 48 : i32
    %dma_wait3A_928 = arith.constant 0 : i32
    %dma_wait3A_929 = tpu.memref_slice %arg10[%dma_wait3A_927, %dma_wait3A_928] : memref<64x129xf32, #tpu.memory_space<vmem>> -> memref<8x128xf32, #tpu.memory_space<vmem>>
    %dma_wait3A_930 = arith.constant 0 : i32
    %dma_wait3A_931 = arith.constant 0 : i32
    %dma_wait3A_932 = tpu.memref_slice %arg4[%select_n3A_909, %dma_wait3A_926, %select_n3A_925, %dma_wait3A_930, %dma_wait3A_931] : memref<50x8x128x8x128xf32, #tpu.memory_space<hbm>> -> memref<1x1x1x8x128xf32, #tpu.memory_space<hbm>>
    %dma_wait3A_933 = tpu.memref_squeeze %dma_wait3A_932 : memref<1x1x1x8x128xf32, #tpu.memory_space<hbm>> -> memref<8x128xf32, #tpu.memory_space<hbm>>
    %dma_wait3A_934 = arith.constant 0 : i32
    %dma_wait3A_935 = arith.constant 0 : i32
    %dma_wait3A_936 = tpu.memref_slice %arg4[%select_n3A_909, %dma_wait3A_926, %select_n3A_925, %dma_wait3A_934, %dma_wait3A_935] : memref<50x8x128x8x128xf32, #tpu.memory_space<hbm>> -> memref<1x1x1x8x128xf32, #tpu.memory_space<hbm>>
    %dma_wait3A_937 = tpu.memref_squeeze %dma_wait3A_936 : memref<1x1x1x8x128xf32, #tpu.memory_space<hbm>> -> memref<8x128xf32, #tpu.memory_space<hbm>>
    %dma_wait3A_938 = arith.constant 48 : i32
    %dma_wait3A_939 = arith.constant 0 : i32
    %dma_wait3A_940 = tpu.memref_slice %arg10[%dma_wait3A_938, %dma_wait3A_939] : memref<64x129xf32, #tpu.memory_space<vmem>> -> memref<8x128xf32, #tpu.memory_space<vmem>>
    tpu.wait_dma2 semaphore(%arg16 : memref<!tpu.dma_semaphore, #tpu.memory_space<semaphore_mem>>) src(%dma_wait3A_940 : memref<8x128xf32, #tpu.memory_space<vmem>>) dst(%dma_wait3A_937 : memref<8x128xf32, #tpu.memory_space<hbm>>)
    %mul3A_941 = arith.constant 200 : i32
    %mul3A_942 = arith.muli %add3A, %mul3A_941 : i32
    %add3A_943 = arith.constant 199 : i32
    %add3A_944 = arith.addi %mul3A_942, %add3A_943 : i32
    %jit3A_945 = arith.constant 128 : i32
    %div3A_946 = arith.divsi %add3A_944, %jit3A_945 : i32
    %sign3A_947 = arith.constant 0 : i32
    %sign3A_948 = arith.cmpi sgt, %add3A_944, %sign3A_947 : i32
    %sign3A_949 = arith.extui %sign3A_948 : i1 to i32
    %sign3A_950 = arith.constant 0 : i32
    %sign3A_951 = arith.cmpi slt, %add3A_944, %sign3A_950 : i32
    %sign3A_952 = arith.extui %sign3A_951 : i1 to i32
    %sign3A_953 = arith.subi %sign3A_949, %sign3A_952 : i32
    %sign3A_954 = arith.constant 0 : i32
    %sign3A_955 = arith.cmpi sgt, %jit3A_945, %sign3A_954 : i32
    %sign3A_956 = arith.extui %sign3A_955 : i1 to i32
    %sign3A_957 = arith.constant 0 : i32
    %sign3A_958 = arith.cmpi slt, %jit3A_945, %sign3A_957 : i32
    %sign3A_959 = arith.extui %sign3A_958 : i1 to i32
    %sign3A_960 = arith.subi %sign3A_956, %sign3A_959 : i32
    %ne3A_961 = arith.cmpi ne, %sign3A_953, %sign3A_960 : i32
    %rem3A_962 = arith.remsi %add3A_944, %jit3A_945 : i32
    %ne3A_963 = arith.constant 0 : i32
    %ne3A_964 = arith.cmpi ne, %rem3A_962, %ne3A_963 : i32
    %and3A_965 = arith.andi %ne3A_961, %ne3A_964 : i1
    %sub3A_966 = arith.constant 1 : i32
    %sub3A_967 = arith.subi %div3A_946, %sub3A_966 : i32
    %select_n3A_968 = arith.select %and3A_965, %sub3A_967, %div3A_946 : i32
    %jit3A_969 = arith.constant 128 : i32
    %eq3A_970 = arith.constant 0 : i32
    %eq3A_971 = arith.cmpi eq, %jit3A_969, %eq3A_970 : i32
    %jit3A_972 = arith.constant 1 : i32
    %select_n3A_973 = arith.select %eq3A_971, %jit3A_972, %jit3A_969 : i32
    %rem3A_974 = arith.remsi %add3A_944, %select_n3A_973 : i32
    %ne3A_975 = arith.constant 0 : i32
    %ne3A_976 = arith.cmpi ne, %rem3A_974, %ne3A_975 : i32
    %lt3A_977 = arith.constant 0 : i32
    %lt3A_978 = arith.cmpi slt, %rem3A_974, %lt3A_977 : i32
    %lt3A_979 = arith.constant 0 : i32
    %lt3A_980 = arith.cmpi slt, %select_n3A_973, %lt3A_979 : i32
    %ne3A_981 = arith.xori %lt3A_978, %lt3A_980 : i1
    %and3A_982 = arith.andi %ne3A_981, %ne3A_976 : i1
    %add3A_983 = arith.addi %rem3A_974, %select_n3A_973 : i32
    %select_n3A_984 = arith.select %and3A_982, %add3A_983, %rem3A_974 : i32
    %dma_wait3A_985 = arith.constant 7 : i32
    %dma_wait3A_986 = arith.constant 56 : i32
    %dma_wait3A_987 = arith.constant 0 : i32
    %dma_wait3A_988 = tpu.memref_slice %arg10[%dma_wait3A_986, %dma_wait3A_987] : memref<64x129xf32, #tpu.memory_space<vmem>> -> memref<8x128xf32, #tpu.memory_space<vmem>>
    %dma_wait3A_989 = arith.constant 0 : i32
    %dma_wait3A_990 = arith.constant 0 : i32
    %dma_wait3A_991 = tpu.memref_slice %arg4[%select_n3A_968, %dma_wait3A_985, %select_n3A_984, %dma_wait3A_989, %dma_wait3A_990] : memref<50x8x128x8x128xf32, #tpu.memory_space<hbm>> -> memref<1x1x1x8x128xf32, #tpu.memory_space<hbm>>
    %dma_wait3A_992 = tpu.memref_squeeze %dma_wait3A_991 : memref<1x1x1x8x128xf32, #tpu.memory_space<hbm>> -> memref<8x128xf32, #tpu.memory_space<hbm>>
    %dma_wait3A_993 = arith.constant 0 : i32
    %dma_wait3A_994 = arith.constant 0 : i32
    %dma_wait3A_995 = tpu.memref_slice %arg4[%select_n3A_968, %dma_wait3A_985, %select_n3A_984, %dma_wait3A_993, %dma_wait3A_994] : memref<50x8x128x8x128xf32, #tpu.memory_space<hbm>> -> memref<1x1x1x8x128xf32, #tpu.memory_space<hbm>>
    %dma_wait3A_996 = tpu.memref_squeeze %dma_wait3A_995 : memref<1x1x1x8x128xf32, #tpu.memory_space<hbm>> -> memref<8x128xf32, #tpu.memory_space<hbm>>
    %dma_wait3A_997 = arith.constant 56 : i32
    %dma_wait3A_998 = arith.constant 0 : i32
    %dma_wait3A_999 = tpu.memref_slice %arg10[%dma_wait3A_997, %dma_wait3A_998] : memref<64x129xf32, #tpu.memory_space<vmem>> -> memref<8x128xf32, #tpu.memory_space<vmem>>
    tpu.wait_dma2 semaphore(%arg16 : memref<!tpu.dma_semaphore, #tpu.memory_space<semaphore_mem>>) src(%dma_wait3A_999 : memref<8x128xf32, #tpu.memory_space<vmem>>) dst(%dma_wait3A_996 : memref<8x128xf32, #tpu.memory_space<hbm>>)
    return
  }
}

</mosaic_0001>

<sc_bundles>
// kernel: kernel.4.cloned.1.call-start
scs
__scs_entry_jumppad:
0x0: {  	(pc) =	sbr.rel $0x88, $3  }
0x1: {  	(tag) =	ssettag $0x0;
	lr =	simm.s32 $0x1  }
0x2: {  	[smem:$0x3F9F] =	sst lr;
	_ =	strace $0xD0000000  }
0x3: {  	_ = 	snop  }
0x4: {  	_ = 	snop  }
0x5: {  	_ = 	snop  }
0x6: {  	_ = 	snop  }
0x7: {  	_ = 	snop  }
__scs_overlays_trampoline_lowered:
0x8: {  	[smem:$0x3FAE] =	sst s0  }
0x9: {  	[smem:$0x3FAF] =	sst s1  }
0xa: {  	[smem:$0x3FB0] =	sst s2  }
0xb: {  	[smem:$0x3FB1] =	sst s3  }
0xc: {  	[smem:$0x3FB2] =	sst s4  }
0xd: {  	[smem:$0x3FB3] =	sst s5  }
0xe: {  	[smem:$0x3FB4] =	sst s6  }
0xf: {  	[smem:$0x3FB5] =	sst s7  }
0x10: {  	[smem:$0x3FB6] =	sst s8  }
0x11: {  	[smem:$0x3FB7] =	sst s9;
	s0 =	simm.s32 @!p0 $0x0  }
0x12: {  	s1 =	sld [smem:$0x3F9D];
	s0 =	simm.s32 @p0 $0x1  }
0x13: {  	[smem:$0x3FB8] =	sst s0;
	s0 =	simm.s32 @!p1 $0x0  }
0x14: {  	s2 =	sld [smem:$0x3F9C];
	s0 =	simm.s32 @p1 $0x1  }
0x15: {  	[smem:$0x3FB9] =	sst s0;
	s0 =	simm.s32 @!p2 $0x0  }
0x16: {  	s3 =	sld [smem:$0x3FDB];
	s0 =	simm.s32 @p2 $0x1  }
0x17: {  	s4 =	simm.s32 $0x1BF5;
	[smem:$0x3FBB] =	sst s0  }
0x18: {  	s0 =	sld [smem:$0x3F9E];
	_ =	swait.ge [sflag:s4], $0x0  }
0x19: {  	s7 =	sld [smem:$0x3F9F]  }
0x1a: {  	s8 =	sadd.s32 $0xFFFFE003, lr  }
0x1b: {  	s9 =	sadd.s32 $0xFFFFFEF7, lr;
	s5 =	simm.s32 $0xFFFFFFFF;
	p2 =	slt.u32 s8, $0xFFFFF086  }
0x1c: {  	p1 =	slt.u32 s9, $0xF7A;
	s5 =	simm.s32 @!p2 $0x0  }
0x1d: {  	s5 =	simm.s32 @p1 $0x1;
	p0 =	seq.s32 s7, s2  }
0x1e: {  	s7 =	smul.u32 @!p0 $0xF7A, s2;
	p2 =	seq.s32 @!p0 s5, $0x0  }
0x1f: {  	s9 =	smul.u32 $0xF7A, s1;
	s8 =	simm.s32 @!p0 $0x1BF5;
	p2 =	por !p2, p0  }
0x20: {  	[sflag:s8] =	ssyncset.s32 @!p0 $0xFFFFF086;
	s6 =	sadd.s32 @!p0 s3, s7;
	s7 =	simm.s32 @!p0 $0x108  }
0x21: {  	s3 =	sadd.s32 s3, s9;
	s6 =	sadd.s32 @!p0 $0x88, s6;
	s7 =	simm.s32 @p2 $0x1082  }
0x22: {  	[simem:s7], [sflag:s8] =	dma.local @!p0 [hbm:s6], $0xF7A  }
0x23: {  	s9 =	sor.u32 $0xD0000000, s2;
	s6 =	simm.s32 $0x108;
	_ =	swait.ge @!p0 [sflag:s8], $0x0  }
0x24: {  	s3 =	sadd.s32 $0x88, s3;
	s6 =	simm.s32 @!p1 $0x1082;
	[sflag:s4] =	ssyncset.s32 $0xFFFFF086  }
0x25: {  	[simem:s6], [sflag:s4] =	dma.local [hbm:s3], $0xF7A  }
0x26: {  	[smem:$0x3F9F] =	sst s1;
	(tag) =	ssettag s2;
	_ =	strace s9  }
0x27: {  	s1 =	sld [smem:$0x3FAF]  }
0x28: {  	s2 =	sld [smem:$0x3FB0]  }
0x29: {  	s4 =	sld [smem:$0x3FB2]  }
0x2a: {  	p0 =	seq.s32 s5, $0x0;
	s5 =	sld [smem:$0x3FB3]  }
0x2b: {  	s6 =	sld [smem:$0x3FB4]  }
0x2c: {  	s7 =	sld [smem:$0x3FB5]  }
0x2d: {  	s3 =	simm.s32 $0x108;
	s8 =	sld [smem:$0x3FB6]  }
0x2e: {  	s3 =	simm.s32 @!p0 $0x1082;
	s9 =	sld [smem:$0x3FB7]  }
0x2f: {  	lr =	sadd.s32 s0, s3;
	s0 =	sld [smem:$0x3FAE]  }
0x30: {  	s3 =	sld [smem:$0x3FB1]  }
0x31: {  	[smem:$0x3FBA] =	sst s10  }
0x32: {  	s10 =	sld [smem:$0x3FB8];
	_ =	sdelay $0x3  }
0x33: {  	p0 =	seq.s32 s10, $0x1;
	s10 =	sld [smem:$0x3FBA];
	_ =	sdelay $0x3  }
0x34: {  	[smem:$0x3FBA] =	sst s10  }
0x35: {  	s10 =	sld [smem:$0x3FB9];
	_ =	sdelay $0x3  }
0x36: {  	p1 =	seq.s32 s10, $0x1;
	s10 =	sld [smem:$0x3FBA];
	_ =	sdelay $0x3  }
0x37: {  	[smem:$0x3FBA] =	sst s10  }
0x38: {  	s10 =	sld [smem:$0x3FBB]  }
0x39: {  	_ = 	snop;
	(pc) =	sbr.ind lr, $3  }
0x3a: {  	_ = 	snop  }
0x3b: {  	_ = 	snop  }
0x3c: {  	p2 =	seq.s32 s10, $0x1;
	s10 =	sld [smem:$0x3FBA]  }
0x3d: {  	_ =	shalt  }
0x3e: {  	_ =	shalt  }
0x3f: {  	_ =	shalt  }
0x40: {  	_ =	shalt  }
0x41: {  	_ =	shalt  }
0x42: {  	_ =	shalt  }
0x43: {  	_ =	shalt  }
0x44: {  	_ =	shalt  }
0x45: {  	_ =	shalt  }
0x46: {  	_ =	shalt  }
0x47: {  	_ =	shalt  }
0x48: {  	_ =	shalt  }
0x49: {  	_ =	shalt  }
0x4a: {  	_ =	shalt  }
0x4b: {  	_ =	shalt  }
0x4c: {  	_ =	shalt  }
0x4d: {  	_ =	shalt  }
0x4e: {  	_ =	shalt  }
0x4f: {  	_ =	shalt  }
0x50: {  	_ =	shalt  }
0x51: {  	_ =	shalt  }
0x52: {  	_ =	shalt  }
0x53: {  	_ =	shalt  }
0x54: {  	_ =	shalt  }
0x55: {  	_ =	shalt  }
0x56: {  	_ =	shalt  }
0x57: {  	_ =	shalt  }
0x58: {  	_ =	shalt  }
0x59: {  	_ =	shalt  }
0x5a: {  	_ =	shalt  }
0x5b: {  	_ =	shalt  }
0x5c: {  	_ =	shalt  }
0x5d: {  	_ =	shalt  }
0x5e: {  	_ =	shalt  }
0x5f: {  	_ =	shalt  }
0x60: {  	_ =	shalt  }
0x61: {  	_ =	shalt  }
0x62: {  	_ =	shalt  }
0x63: {  	_ =	shalt  }
0x64: {  	_ =	shalt  }
0x65: {  	_ =	shalt  }
0x66: {  	_ =	shalt  }
0x67: {  	_ =	shalt  }
0x68: {  	_ =	shalt  }
0x69: {  	_ =	shalt  }
0x6a: {  	_ =	shalt  }
0x6b: {  	_ =	shalt  }
0x6c: {  	_ =	shalt  }
0x6d: {  	_ =	shalt  }
0x6e: {  	_ =	shalt  }
0x6f: {  	_ =	shalt  }
0x70: {  	_ =	shalt  }
0x71: {  	_ =	shalt  }
0x72: {  	_ =	shalt  }
0x73: {  	_ =	shalt  }
0x74: {  	_ =	shalt  }
0x75: {  	_ =	shalt  }
0x76: {  	_ =	shalt  }
0x77: {  	_ =	shalt  }
0x78: {  	_ =	shalt  }
0x79: {  	_ =	shalt  }
0x7a: {  	_ =	shalt  }
0x7b: {  	_ =	shalt  }
0x7c: {  	_ =	shalt  }
0x7d: {  	_ =	shalt  }
0x7e: {  	_ =	shalt  }
0x7f: {  	_ =	shalt  }
0x80: {  	_ =	shalt  }
0x81: {  	_ =	shalt  }
0x82: {  	_ =	shalt  }
0x83: {  	_ =	shalt  }
0x84: {  	_ =	shalt  }
0x85: {  	_ =	shalt  }
0x86: {  	_ =	shalt  }
0x87: {  	_ =	shalt  }
.Lfunc_end0:
.L_simem_size_0:
called_computation_lowered:
.L_overlay_start_0:
0x88: {  	s2 =	sld [smem:$0x3FD9]  }
0x89: {  	s3 =	sld [smem:$0x3FFE];
	_ =	sdelay $0x1  }
0x8a: {  	s1 =	srdreg.scid  }
0x8b: {  	s0 =	sand.u32 $0x1, s1  }
0x8c: {  	s17 =	sshll.u32 s0, $0xA;
	s2 =	sadd.s32 s3, s2  }
0x8d: {  	s2 =	sadd.s32 s2, s17  }
0x8e: {  	[smem:$0x3FC6] =	sst s2  }
0x8f: {  	_ = 	snop  }
0x90: {  	s2 =	sld [smem:$0x3FC8]  }
0x91: {  	s18 =	sld [smem:$0x3FD0];
	(tm) =	ssettm $0x1  }
0x92: {  	s4 =	sld [smem:$0x3FFB];
	_ =	sdelay $0x3  }
0x93: {  	_ =	strace s4  }
0x94: {  	s4 =	sld [smem:$0x3FFC];
	_ =	sdelay $0x3  }
0x95: {  	_ =	strace s4  }
0x96: {  	s4 =	sld [smem:$0x3FFD];
	_ =	sdelay $0x3  }
0x97: {  	_ =	strace s4  }
0x98: {  	_ =	strace $0x8FFFFFFF  }
0x99: {  	s19 =	sld [smem:$0x3FDB];
	_ =	sdelay $0x1  }
0x9a: {  	s5 =	simm.s32 $_scs_section_size  }
0x9b: {  	s6 =	simm.s32 $_size__tile_overlayer_lowered;
	s7 =	simm.s32 $_tile_overlayer_lowered  }
0x9c: {  	s22 =	simm.s32 $0x1BFF;
	s21 =	sshll.u32 s7, $0x1;
	s4 =	sadd.s32 s5, s19  }
0x9d: {  	s8 =	simm.s32 $0x0;
	s20 =	sshll.u32 s6, $0x1;
	s6 =	sadd.s32 s21, s4  }
0x9e: {  	[timem:s8], [sflag:s22] =	dma.local [hbm:s6], s20  }
0x9f: {  	_ =	swait.ge [sflag:s22], s20  }
0xa0: {  	s5 =	ssub.s32 $0x0, s20;
	[sflag:s22] =	ssyncset.done $0x0  }
0xa1: {  	[sflag:s22] =	ssyncadd.s32 s5;
	_ =	sdelay $0x1  }
0xa2: {  	s23 =	simm.s32 $0x1B8B  }
0xa3: {  	_ =	swait.ge [sflag:s23], $0x1  }
0xa4: {  	[sflag:s23] =	ssyncset.done $0x0  }
0xa5: {  	s25 =	simm.s32 $0x1B8E;
	s24 =	sld [smem:$0x3FFE];
	[sflag:s23] =	ssyncadd.s32 $0xFFFFFFFF  }
0xa6: {  	s26 =	simm.s32 $execute0_lowered;
	[smem:$0x3FD2] =	sst s25  }
0xa7: {  	s6 =	sshll.u32 s26, $0x1;
	_ =	strace $0x80000046;
	[dreg:$0x1] =	wrdreg $0xFFFFFFFF  }
0xa8: {  	s28 =	simm.s32 $_size_execute0_lowered;
	s4 =	sadd.s32 s4, s6;
	[dreg:$0x0] =	wrdreg $0x0  }
0xa9: {  	s6 =	sshll.u32 s28, $0x1;
	[dreg:$0x2] =	wrdreg s4  }
0xaa: {  	[dreg:$0x3] =	wrdreg s6  }
0xab: {  	[dreg:$0x4] =	wrdreg $0xC0  }
0xac: {  	_ =	task [dreg:s8], $0x5FFFF  }
0xad: {  	[dreg:$0x1] =	wrdreg $0xFFFFFFFF  }
0xae: {  	[dreg:$0x0] =	wrdreg $0x60  }
0xaf: {  	[dreg:$0x2] =	wrdreg s2  }
0xb0: {  	[dreg:$0x3] =	wrdreg s18  }
0xb1: {  	[dreg:$0x4] =	wrdreg s24  }
0xb2: {  	[dreg:$0x5] =	wrdreg $0x9  }
0xb3: {  	_ =	task.clear_ibuf [dreg:s8], $0x6FFFF;
	_ =	strace $0x90000046  }
0xb4: {  	s29 =	simm.s32 $0x9;
	_ =	strace $0x80000048  }
0xb5: {  	_ =	swait.ge [sflag:s29], $0x1  }
0xb6: {  	[sflag:s29] =	ssyncadd.s32 $0xFFFFFFFF  }
0xb7: {  	_ =	strace $0x90000048  }
0xb8: {  	_ =	sfence  }
0xb9: {  	s30 =	sld [smem:$0x0];
	_ =	sdelay $0x2  }
0xba: {  	s31 =	sshll.u32 s1, $0xD;
	s1 =	sshrl.u32 s1, $0x2  }
0xbb: {  	s3 =	sand.u32 $0x4000, s31;
	s1 =	sadd.s32 s1, s30  }
0xbc: {  	s0 =	sor.u32 s3, s0;
	s1 =	sshll.u32 s1, $0x11  }
0xbd: {  	s0 =	sor.u32 s1, s0  }
0xbe: {  	s0 =	sadd.s32 $0x8F2B, s0  }
0xbf: {  	[sflag:s0] =	ssyncadd.remote.s32 $0x1  }
0xc0: {  	_ =	sfence.sel $0xFFFF  }
0xc1: {  	[dreg:$0x0] =	wrdreg $0xFFFFFFFF;
	(pc) =	sbr.abs _section_cstart, $3  }
0xc2: {  	[dreg:$0x1] =	wrdreg $0xFFFFFFFF  }
0xc3: {  	_ =	task.clear_ibuf [dreg:s8], $0x2FFFF;
	_ =	strace $0x9FFFFFFF  }
0xc4: {  	(tm) =	ssettm $0x7FFFFFFF  }
0xc5: {  	_ =	shalt  }
tec
execute0_lowered:
.L_overlay_start_1:
0x0: {  	(tag) =	ssettag $0x1  }
0x1: {  	v0 =	vimm.s32 $0xB80  }
0x2: {  	vm14 =	vcmask $0x300;
	vm13 =	vcmask $0x704;
	vm12 =	vcmask $0xB08  }
0x3: {  	vm11 =	vcmask $0xF0C;
	vm10 =	vcmask $0x1310;
	vm9 =	vcmask $0x1714  }
0x4: {  	vm8 =	vcmask $0x1B18;
	vm7 =	vcmask $0x1F1C;
	vm6 =	vcmask $0x2320  }
0x5: {  	vm5 =	vcmask $0x2724;
	vm4 =	vcmask $0x2B28;
	vm3 =	vcmask $0x2F2C  }
0x6: {  	vm2 =	vcmask $0x3330;
	vm1 =	vcmask $0x3734;
	vm0 =	vcmask $0x3B38  }
0x7: {  	v1 =	vimm.s32 $0x1B80;
	v2 =	vimm.s32 $0x2B80;
	v3 =	vimm.s32 $0x3B80  }
0x8: {  	s0 =	rddreg [dreg:$0x0];
	v0 =	vsel vm14, $0x0, v0;
	v1 =	vsel vm14, $0x1000, v1;
	v2 =	vsel vm14, $0x2000, v2  }
0x9: {  	s1 =	rddreg [dreg:$0x2];
	v3 =	vsel vm14, $0x3000, v3;
	v0 =	vsel vm13, $0x80, v0;
	v1 =	vsel vm13, $0x1080, v1  }
0xa: {  	s2 =	srdreg.scid;
	s6 =	stileid.u32;
	s3 =	simm.s32 $0x0;
	v2 =	vsel vm13, $0x2080, v2;
	v3 =	vsel vm13, $0x3080, v3;
	v0 =	vsel vm12, $0x100, v0  }
0xb: {  	s28 =	simm.s32 $0x4000;
	s14 =	simm.s32 $0x7800;
	s2 =	sand.u32 $0x1, s2;
	v1 =	vsel vm12, $0x1100, v1;
	v2 =	vsel vm12, $0x2100, v2;
	v3 =	vsel vm12, $0x3100, v3  }
0xc: {  	s4 =	sshll.u32 s6, $0x1;
	[smem:$0x7FF] =	sst s3;
	s17 =	sadd.s32 $0x7A1A00, s1;
	v0 =	vsel vm11, $0x180, v0;
	v1 =	vsel vm11, $0x1180, v1;
	v2 =	vsel vm11, $0x2180, v2  }
0xd: {  	s7 =	sadd.s32 $0xA00, s1;
	s9 =	sadd.s32 $0x1000, s0;
	s4 =	sor.u32 s2, s4;
	v3 =	vsel vm11, $0x3180, v3;
	v0 =	vsel vm10, $0x200, v0;
	v1 =	vsel vm10, $0x1200, v1  }
0xe: {  	p0 =	sgt.u32 s6, $0x1;
	_ =	strace $0x80000047;
	s5 =	sshll.u32 s4, $0x7;
	v2 =	vsel vm10, $0x2200, v2;
	v3 =	vsel vm10, $0x3200, v3;
	v0 =	vsel vm9, $0x280, v0  }
0xf: {  	[dreg:$0x5] =	wrdreg s17;
	s18 =	ssub.s32 $0x2, s2;
	s8 =	sadd.s32 s0, s5;
	v1 =	vsel vm9, $0x1280, v1;
	v2 =	vsel vm9, $0x2280, v2;
	v3 =	vsel vm9, $0x3280, v3  }
0x10: {  	s20 =	sshrl.u32 s18, $0x1;
	s19 =	sadd.s32 $0x1E8500, s8;
	[dreg:$0x4] =	wrdreg s8;
	v0 =	vsel vm8, $0x300, v0;
	v1 =	vsel vm8, $0x1300, v1;
	v2 =	vsel vm8, $0x2300, v2  }
0x11: {  	s22 =	sor.u32 $0x1E80, s4;
	s21 =	sadd.s32 $0x2DC780, s8;
	[dreg:$0x6] =	wrdreg s19;
	v3 =	vsel vm8, $0x3300, v3;
	v0 =	vsel vm7, $0x380, v0;
	v1 =	vsel vm7, $0x1380, v1  }
0x12: {  	p1 =	sne.s32 s4, $0x4;
	s23 =	sadd.s32 $0x3D0A00, s8;
	[dreg:$0x7] =	wrdreg s21;
	v2 =	vsel vm7, $0x2380, v2;
	v3 =	vsel vm7, $0x3380, v3;
	v0 =	vsel vm6, $0x800, v0  }
0x13: {  	s24 =	sshll.u32 s22, $0x7;
	s10 =	sadd.s32 $0x4C4C80, s8;
	[dreg:$0x8] =	wrdreg s23;
	v1 =	vsel vm6, $0x1800, v1;
	v2 =	vsel vm6, $0x2800, v2;
	v3 =	vsel vm6, $0x3800, v3  }
0x14: {  	s2 =	sshll.u32 s22, $0xA;
	s0 =	sadd.s32 s0, s24;
	[dreg:$0x9] =	wrdreg s10;
	v0 =	vsel vm5, $0x880, v0;
	v1 =	vsel vm5, $0x1880, v1;
	v2 =	vsel vm5, $0x2880, v2  }
0x15: {  	s1 =	ssub.s32 s18, s20;
	s25 =	sadd.s32 s7, s2;
	[dreg:$0xa] =	wrdreg s0;
	v3 =	vsel vm5, $0x3880, v3;
	v0 =	vsel vm4, $0x900, v0;
	v1 =	vsel vm4, $0x1900, v1  }
0x16: {  	s20 =	simm.s32 $0x2;
	s26 =	sadd.s32 $0x5B8F00, s8;
	[dreg:$0xb] =	wrdreg s25;
	v2 =	vsel vm4, $0x2900, v2;
	v3 =	vsel vm4, $0x3900, v3;
	v0 =	vsel vm3, $0x980, v0  }
.Ltmp0:
0x17: {  	s29 =	smax.u32 s1, $0x1;
	[dreg:$0xc] =	wrdreg s26;
	v1 =	vsel vm3, $0x1980, v1;
	v2 =	vsel vm3, $0x2980, v2;
	v3 =	vsel vm3, $0x3980, v3;
	(pc) =	sbr.rel .LBB2_1-.Ltmp0, $4  }
0x18: {  	s30 =	sadd.s32 $0xF4280, s8;
	s31 =	sadd.s32 $0x6AD180, s8;
	[dreg:$0xd] =	wrdreg s29;
	v0 =	vsel vm2, $0xA00, v0;
	v1 =	vsel vm2, $0x1A00, v1;
	v2 =	vsel vm2, $0x2A00, v2  }
0x19: {  	s2 =	simm.s32 $0x6800;
	s1 =	simm.s32 $0x7000;
	[dreg:$0xe] =	wrdreg s30;
	v3 =	vsel vm2, $0x3A00, v3;
	v0 =	vsel vm1, $0xA80, v0;
	v1 =	vsel vm1, $0x1A80, v1  }
0x1a: {  	[dreg:$0xf] =	wrdreg s31;
	s26 =	simm.s32 $0x1;
	s19 =	simm.s32 $0x8000;
	v2 =	vsel vm1, $0x2A80, v2;
	v3 =	vsel vm1, $0x3A80, v3;
	v0 =	vsel vm0, $0xB00, v0  }
0x1b: {  	s21 =	simm.s32 $0xA000;
	s23 =	simm.s32 $0x4;
	s10 =	simm.s32 $0x0;
	v1 =	vsel vm0, $0x1B00, v1;
	v2 =	vsel vm0, $0x2B00, v2;
	v3 =	vsel vm0, $0x3B00, v3  }
.LBB2_11:
0x1c: {  	s0 =	simm.s32 @!p1 $0x0;
	s5 =	simm.s32 @!p1 $0xA000;
	s6 =	rddreg [dreg:$0x1]  }
0x1d: {  	[tilespmem:s5], [sflag:$0x5] =	stream.linear.gather @!p1 [hbm4b:s6+s0], $0x1000, $0x38;
	[tilespmem:$0xC000] =	vst v63  }
0x1e: {  	s6 =	simm.s32 @!p1 $0x5  }
0x1f: {  	_ =	swait.ge @!p1 [sflag:s6], $0x1000  }
0x20: {  	[sflag:s6] =	ssyncset.done @!p1 $0x0  }
0x21: {  	s8 =	rddreg [dreg:$0x5];
	[sflag:s6] =	ssyncadd.s32 @!p1 $0xFFFFF000  }
0x22: {  	[hbm4b:s8+s0] =	stream.linear.scatter @!p1 [tilespmem:s5], [sflag:$0x5], $0x1000, $0x38;
	[tilespmem:$0xC000] =	vst v63  }
0x23: {  	_ =	swait.ge @!p1 [sflag:s6], $0x1000  }
0x24: {  	s10 =	sadd.s32 $0x1, s10;
	s31 =	rddreg [dreg:$0xd]  }
0x25: {  	p2 =	sne.s32 s10, s31  }
.Ltmp1:
0x26: {  	_ = 	snop;
	(pc) =	sbr.rel @!p2 .LBB2_12-.Ltmp1, $3  }
0x27: {  	_ =	sdelay $0x1  }
0x28: {  	[sflag:s6] =	ssyncset.done @!p1 $0x0  }
0x29: {  	[sflag:s6] =	ssyncadd.s32 @!p1 $0xFFFFF000  }
.LBB2_1:
0x2a: {  	[dreg:$0x10] =	wrdreg s10  }
0x2b: {  	s0 =	rddreg [dreg:$0x4]  }
0x2c: {  	[tilespmem:s3], [sflag:$0x1] =	stream.linear.gather [hbm4b:s0+s3], $0x400, $0x38;
	[tilespmem:$0xC000] =	vst v63  }
0x2d: {  	s11 =	rddreg [dreg:$0xe];
	s5 =	simm.s32 $0x800  }
0x2e: {  	[tilespmem:s5], [sflag:$0x1] =	stream.linear.gather [hbm4b:s11+s3], $0x400, $0x38;
	[tilespmem:$0xC000] =	vst v63  }
0x2f: {  	s12 =	rddreg [dreg:$0x6];
	s13 =	simm.s32 $0x1000  }
0x30: {  	[tilespmem:s13], [sflag:$0x1] =	stream.linear.gather [hbm4b:s12+s3], $0x400, $0x38;
	[tilespmem:$0xC000] =	vst v63  }
0x31: {  	s15 =	rddreg [dreg:$0x7];
	s16 =	simm.s32 $0x1800  }
0x32: {  	[tilespmem:s16], [sflag:$0x1] =	stream.linear.gather [hbm4b:s15+s3], $0x400, $0x38;
	[tilespmem:$0xC000] =	vst v63  }
0x33: {  	s17 =	rddreg [dreg:$0x8];
	s18 =	simm.s32 $0x2000  }
0x34: {  	[tilespmem:s18], [sflag:$0x1] =	stream.linear.gather [hbm4b:s17+s3], $0x400, $0x38;
	[tilespmem:$0xC000] =	vst v63  }
0x35: {  	s22 =	rddreg [dreg:$0x9];
	s24 =	simm.s32 $0x2800  }
0x36: {  	[tilespmem:s24], [sflag:$0x1] =	stream.linear.gather [hbm4b:s22+s3], $0x400, $0x38;
	[tilespmem:$0xC000] =	vst v63  }
0x37: {  	s25 =	rddreg [dreg:$0xc];
	s29 =	simm.s32 $0x3000  }
0x38: {  	[tilespmem:s29], [sflag:$0x1] =	stream.linear.gather [hbm4b:s25+s3], $0x400, $0x38;
	[tilespmem:$0xC000] =	vst v63  }
0x39: {  	s30 =	rddreg [dreg:$0xf];
	s31 =	simm.s32 $0x3800;
	s25 =	simm.s32 $0x0  }
0x3a: {  	[tilespmem:s31], [sflag:$0x1] =	stream.linear.gather [hbm4b:s30+s3], $0x400, $0x38;
	[tilespmem:$0xC000] =	vst v63  }
.LBB2_2:
0x3b: {  	s5 =	sshll.u32 s25, $0x6  }
0x3c: {  	_ =	swait.ge [sflag:s26], $0x2000;
	s6 =	sor.u32 s4, s5  }
0x3d: {  	[sflag:s26] =	ssyncset.done $0x0;
	s5 =	sshll.u32 s6, $0x7  }
0x3e: {  	[sflag:s26] =	ssyncadd.s32 $0xFFFFE000;
	s5 =	sadd.s32 s5, s9  }
0x3f: {  	[tilespmem:s28], [sflag:$0x2] =	stream.linear.gather [hbm4b:s5+s3], $0x400, $0x38;
	[tilespmem:$0xC000] =	vst v63  }
0x40: {  	s0 =	simm.s32 $0x4800;
	s8 =	sadd.s32 $0xF4280, s5  }
0x41: {  	[tilespmem:s0], [sflag:$0x2] =	stream.linear.gather [hbm4b:s8+s3], $0x400, $0x38;
	[tilespmem:$0xC000] =	vst v63  }
0x42: {  	s12 =	simm.s32 $0x5000;
	s11 =	sadd.s32 $0x1E8500, s5  }
0x43: {  	[tilespmem:s12], [sflag:$0x2] =	stream.linear.gather [hbm4b:s11+s3], $0x400, $0x38;
	[tilespmem:$0xC000] =	vst v63  }
0x44: {  	s15 =	simm.s32 $0x5800;
	s13 =	sadd.s32 $0x2DC780, s5  }
0x45: {  	[tilespmem:s15], [sflag:$0x2] =	stream.linear.gather [hbm4b:s13+s3], $0x400, $0x38;
	[tilespmem:$0xC000] =	vst v63  }
0x46: {  	s17 =	simm.s32 $0x6000;
	s16 =	sadd.s32 $0x3D0A00, s5  }
0x47: {  	[tilespmem:s17], [sflag:$0x2] =	stream.linear.gather [hbm4b:s16+s3], $0x400, $0x38;
	[tilespmem:$0xC000] =	vst v63  }
0x48: {  	s18 =	sadd.s32 $0x4C4C80, s5  }
0x49: {  	[tilespmem:s2], [sflag:$0x2] =	stream.linear.gather [hbm4b:s18+s3], $0x400, $0x38;
	[tilespmem:$0xC000] =	vst v63  }
0x4a: {  	s22 =	sadd.s32 $0x5B8F00, s5  }
0x4b: {  	[tilespmem:s1], [sflag:$0x2] =	stream.linear.gather [hbm4b:s22+s3], $0x400, $0x38;
	[tilespmem:$0xC000] =	vst v63  }
0x4c: {  	s10 =	simm.s32 $0xC;
	p2 =	seq.s32 s25, $0x0;
	s5 =	sadd.s32 $0x6AD180, s5  }
0x4d: {  	v4 =	vor.u32 s10, v0;
	[tilespmem:s14], [sflag:$0x2] =	stream.linear.gather [hbm4b:s5+s3], $0x400, $0x38;
	[tilespmem:$0xC000] =	vst v63  }
0x4e: {  	s15 =	simm.s32 $0x6;
	s5 =	simm.s32 @!p2 $0x3  }
0x4f: {  	v5 =	vor.u32 s15, v0;
	s16 =	simm.s32 $0x2;
	_ =	swait.ge @!p2 [sflag:s5], $0x2000  }
0x50: {  	s12 =	simm.s32 $0x0;
	v6 =	vor.u32 s16, v0;
	[sflag:s5] =	ssyncset.done @!p2 $0x0  }
0x51: {  	s24 =	simm.s32 $0x8;
	v7 =	vor.u32 s12, v0;
	[sflag:s5] =	ssyncadd.s32 @!p2 $0xFFFFE000  }
0x52: {  	v8 =	vor.u32 s24, v0;
	v4 =	vld.idx.msk [tilespmem:v4+s3+$0x0], $0xffff  }
0x53: {  	v9 =	vor.u32 s10, v1;
	s13 =	simm.s32 $0x4  }
0x54: {  	v10 =	vor.u32 s13, v0;
	v5 =	vld.idx.msk [tilespmem:v5+s3+$0x0], $0xffff  }
0x55: {  	v11 =	vor.u32 s15, v1;
	v6 =	vld.idx.msk [tilespmem:v6+s3+$0x0], $0xffff  }
0x56: {  	s8 =	simm.s32 $0x8200;
	s11 =	simm.s32 $0xE;
	v12 =	vor.u32 s16, v1;
	v7 =	vld.idx.msk [tilespmem:v7+s3+$0x0], $0xffff  }
0x57: {  	v13 =	vor.u32 s11, v0;
	v8 =	vld.idx.msk [tilespmem:v8+s3+$0x0], $0xffff;
	[tilespmem:s8+$0x100] =	vst v4  }
0x58: {  	v4 =	vor.u32 s24, v1;
	v9 =	vld.idx.msk [tilespmem:v9+s3+$0x0], $0xffff  }
0x59: {  	v14 =	vor.u32 s10, v2;
	[tilespmem:s8+$0xFFFFFF80] =	vst v5;
	v5 =	vld.idx.msk [tilespmem:v10+s3+$0x0], $0xffff  }
0x5a: {  	v10 =	vor.u32 s13, v1;
	[tilespmem:s8+$0xFFFFFE80] =	vst v6;
	v11 =	vld.idx.msk [tilespmem:v11+s3+$0x0], $0xffff  }
0x5b: {  	v6 =	vor.u32 s15, v2;
	v12 =	vld.idx.msk [tilespmem:v12+s3+$0x0], $0xffff  }
0x5c: {  	v15 =	vor.u32 s16, v2;
	v13 =	vld.idx.msk [tilespmem:v13+s3+$0x0], $0xffff;
	[tilespmem:s8+$0x0] =	vst v8  }
0x5d: {  	v8 =	vor.u32 s12, v1;
	v16 =	vld.idx.msk [tilespmem:v4+s3+$0x0], $0xffff;
	[tilespmem:s8+$0x110] =	vst v9  }
0x5e: {  	v4 =	vor.u32 s11, v1;
	[tilespmem:s8+$0xFFFFFF00] =	vst v5;
	v5 =	vld.idx.msk [tilespmem:v14+s3+$0x0], $0xffff  }
0x5f: {  	[tilespmem:s8+$0xFFFFFF90] =	vst v11;
	v9 =	vld.idx.msk [tilespmem:v10+s3+$0x0], $0xffff;
	v10 =	vor.u32 s10, v3  }
0x60: {  	v11 =	vor.u32 s13, v2;
	[tilespmem:s8+$0xFFFFFE90] =	vst v12;
	v6 =	vld.idx.msk [tilespmem:v6+s3+$0x0], $0xffff  }
0x61: {  	[tilespmem:s8+$0xFFFFFE00] =	vst v7;
	s10 =	simm.s32 $0xA;
	v7 =	vld.idx.msk [tilespmem:v15+s3+$0x0], $0xffff  }
0x62: {  	s17 =	simm.s32 $0xD;
	[tilespmem:s8+$0x180] =	vst v13;
	v13 =	vld.idx.msk [tilespmem:v8+s3+$0x0], $0xffff;
	v15 =	vor.u32 s10, v0  }
0x63: {  	v8 =	vor.u32 s16, v3;
	v14 =	vmov s17;
	v17 =	vld.idx.msk [tilespmem:v4+s3+$0x0], $0xffff;
	[tilespmem:s8+$0x120] =	vst v5  }
0x64: {  	s29 =	simm.s32 $0x7;
	v12 =	vor.u32 s15, v3;
	v14 =	vshll.u32 v14, $0x3;
	[tilespmem:s8+$0xFFFFFF10] =	vst v9;
	v9 =	vld.idx.msk [tilespmem:v10+s3+$0x0], $0xffff  }
0x65: {  	v4 =	vmov s29;
	v5 =	vand.u32 $0x7FFFFC00, v14;
	v14 =	vor.u32 s11, v2;
	[tilespmem:s8+$0xFFFFFFA0] =	vst v6;
	v6 =	vld.idx.msk [tilespmem:v11+s3+$0x0], $0xffff  }
0x66: {  	[tilespmem:s8+$0xFFFFFEA0] =	vst v7;
	v7 =	vor.u32 s13, v3;
	v10 =	vshll.u32 v4, $0x3;
	v4 =	vadd.s32 s17, v5  }
0x67: {  	s30 =	simm.s32 $0x3;
	v15 =	vld.idx.msk [tilespmem:v15+s3+$0x0], $0xffff;
	v5 =	vand.u32 $0x7FFFFC00, v10;
	v10 =	vadd.s32 v0, v4  }
0x68: {  	s31 =	simm.s32 $0x5;
	v19 =	vor.u32 s12, v2;
	v18 =	vld.idx.msk [tilespmem:v8+s3+$0x0], $0xffff;
	v8 =	vmov s30;
	[tilespmem:s8+$0x190] =	vst v17  }
0x69: {  	v11 =	vld.idx.msk [tilespmem:v12+s3+$0x0], $0xffff;
	v8 =	vshll.u32 v8, $0x3;
	v5 =	vadd.s32 s29, v5;
	[tilespmem:s8+$0x130] =	vst v9;
	v9 =	vmov s31  }
0x6a: {  	v17 =	vor.u32 s24, v2;
	v14 =	vld.idx.msk [tilespmem:v14+s3+$0x0], $0xffff;
	[tilespmem:s8+$0xFFFFFF20] =	vst v6;
	v6 =	vand.u32 $0x7FFFFC00, v8;
	v20 =	vshll.u32 v9, $0x3  }
0x6b: {  	v12 =	vadd.s32 v0, v5;
	v8 =	vadd.s32 s30, v6;
	v6 =	vld.idx.msk [tilespmem:v7+s3+$0x0], $0xffff;
	v7 =	vand.u32 $0x7FFFFC00, v20  }
0x6c: {  	[tilespmem:s8+$0xFFFFFE10] =	vst v13;
	v9 =	vld.idx.msk [tilespmem:v10+s3+$0x0], $0xffff;
	v10 =	vor.u32 s11, v3;
	v7 =	vadd.s32 s31, v7  }
0x6d: {  	[tilespmem:s8+$0x10] =	vst v16;
	v20 =	vadd.s32 v0, v7  }
0x6e: {  	v21 =	vor.u32 s10, v1;
	v19 =	vld.idx.msk [tilespmem:v19+s3+$0x0], $0xffff;
	[tilespmem:s8+$0x80] =	vst v15  }
0x6f: {  	[tilespmem:s8+$0xFFFFFFB0] =	vst v11;
	v11 =	vadd.s32 v0, v8;
	s11 =	simm.s32 $0xF;
	v23 =	vld.idx.msk [tilespmem:v17+s3+$0x0], $0xffff  }
0x70: {  	v17 =	vor.u32 s12, v3;
	v15 =	vmov s11;
	v13 =	vld.idx.msk [tilespmem:v12+s3+$0x0], $0xffff;
	[tilespmem:s8+$0x1A0] =	vst v14  }
0x71: {  	v22 =	vadd.s32 v1, v5;
	v14 =	vshll.u32 v15, $0x3;
	[tilespmem:s8+$0xFFFFFF30] =	vst v6;
	v16 =	vld.idx.msk [tilespmem:v10+s3+$0x0], $0xffff  }
0x72: {  	v10 =	vand.u32 $0x7FFFFC00, v14;
	v15 =	vld.idx.msk [tilespmem:v20+s3+$0x0], $0xffff;
	v20 =	vor.u32 s24, v3  }
0x73: {  	[tilespmem:s8+$0xFFFFFEB0] =	vst v18;
	v12 =	vld.idx.msk [tilespmem:v21+s3+$0x0], $0xffff;
	v6 =	vadd.s32 s11, v10  }
0x74: {  	[tilespmem:s8+$0xFFFFFE20] =	vst v19;
	v14 =	vld.idx.msk [tilespmem:v11+s3+$0x0], $0xffff;
	v18 =	vadd.s32 v0, v6  }
0x75: {  	s16 =	simm.s32 $0x8600;
	v19 =	vadd.s32 v1, v4;
	v11 =	vld.idx.msk [tilespmem:v17+s3+$0x0], $0xffff;
	[tilespmem:s8+$0xFFFFFFC0] =	vst v13  }
0x76: {  	s15 =	simm.s32 $0x1F;
	s17 =	simm.s32 $0x1;
	s12 =	simm.s32 $0x0;
	v10 =	vadd.s32 v1, v7;
	v17 =	vadd.s32 v1, v8;
	[tilespmem:s8+$0x20] =	vst v23;
	v13 =	vld.idx.msk [tilespmem:v22+s3+$0x0], $0xffff  }
.LBB2_3:
0x77: {  	s30 =	sadd.s32 $0xFFFFFFF1, s15;
	s29 =	sadd.s32 $0xFFFFFFF7, s15;
	s31 =	sadd.s32 $0xFFFFFFFB, s15;
	v21 =	vor.u32 s17, v0;
	v20 =	vld.idx.msk [tilespmem:v20+s3+$0x0], $0xffff;
	[tilespmem:s8+$0x140] =	vst v9  }
0x78: {  	s13 =	sadd.s32 $0xFFFFFFF3, s15;
	s18 =	sadd.s32 $0xFFFFFFF9, s15;
	s5 =	sadd.s32 $0xFFFFFFFF, s15;
	v22 =	vor.u32 s30, v0;
	v23 =	vor.u32 s29, v0;
	v9 =	vor.u32 s31, v0;
	[tilespmem:s8+$0x1B0] =	vst v16  }
0x79: {  	s22 =	sadd.s32 $0xFFFFFFF5, s15;
	s24 =	sadd.s32 $0xFFFFFFFD, s15;
	s12 =	sadd.s32 $0x8, s12;
	v16 =	vor.u32 s13, v0;
	v24 =	vor.u32 s18, v0;
	v25 =	vor.u32 s5, v0;
	v18 =	vld.idx.msk [tilespmem:v18+s3+$0x0], $0xffff  }
0x7a: {  	v26 =	vor.u32 s22, v0;
	v27 =	vor.u32 s24, v0;
	p2 =	slt.u32 s12, $0x38;
	[tilespmem:s8+$0xFFFFFEC0] =	vst v14;
	v14 =	vld.idx.msk [tilespmem:v19+s3+$0x0], $0xffff  }
0x7b: {  	s0 =	sadd.s32 $0xFFFFFFFA, s11;
	v17 =	vld.idx.msk [tilespmem:v17+s3+$0x0], $0xffff;
	[tilespmem:s8+$0xFFFFFF40] =	vst v15;
	v15 =	vor.u32 s10, v2  }
0x7c: {  	v19 =	vadd.s32 v1, v6;
	v10 =	vld.idx.msk [tilespmem:v10+s3+$0x0], $0xffff;
	[tilespmem:s8+$0xFFFFFFD0] =	vst v13;
	v13 =	vmov s0  }
0x7d: {  	v22 =	vld.idx.msk [tilespmem:v22+s3+$0x0], $0xffff;
	[tilespmem:s8+$0xFFFFFE30] =	vst v11;
	v11 =	vshll.u32 v13, $0x3  }
0x7e: {  	v13 =	vadd.s32 v2, v7;
	v25 =	vld.idx.msk [tilespmem:v25+s3+$0x0], $0xffff;
	v11 =	vand.u32 $0x7FFFFC00, v11;
	[tilespmem:s8+$0x90] =	vst v12  }
0x7f: {  	v28 =	vor.u32 s30, v1;
	v12 =	vld.idx.msk [tilespmem:v21+s3+$0x0], $0xffff;
	v21 =	vadd.s32 s0, v11;
	[tilespmem:s8+$0x1C0] =	vst v18  }
0x80: {  	v18 =	vor.u32 s5, v1;
	v11 =	vadd.s32 v0, v21;
	v15 =	vld.idx.msk [tilespmem:v15+s3+$0x0], $0xffff;
	[tilespmem:s8+$0x150] =	vst v14  }
0x81: {  	v14 =	vor.u32 s24, v1;
	[tilespmem:s8+$0xFFFFFED0] =	vst v17;
	v17 =	vld.idx.msk [tilespmem:v19+s3+$0x0], $0xffff  }
0x82: {  	v29 =	vadd.s32 v2, v8;
	v19 =	vor.u32 s29, v1;
	v27 =	vld.idx.msk [tilespmem:v27+s3+$0x0], $0xffff;
	[tilespmem:s8+$0xFFFFFF50] =	vst v10  }
0x83: {  	v30 =	vor.u32 s10, v3;
	s10 =	smov.u32 s31;
	[tilespmem:s16+$0xFFFFFE00] =	vst v22;
	v22 =	vld.idx.msk [tilespmem:v13+s3+$0x0], $0xffff  }
0x84: {  	v31 =	vor.u32 s18, v1;
	v23 =	vld.idx.msk [tilespmem:v23+s3+$0x0], $0xffff;
	[tilespmem:s8+$0x30] =	vst v20  }
0x85: {  	v20 =	vor.u32 s13, v1;
	[tilespmem:s8+$0xFFFFFE40] =	vst v12;
	v11 =	vld.idx.msk [tilespmem:v11+s3+$0x0], $0xffff;
	v12 =	vadd.s32 v2, v6  }
0x86: {  	s0 =	sadd.s32 $0xFFFFFFFC, s11;
	s11 =	smov.u32 s15;
	v10 =	vor.u32 s30, v2;
	v24 =	vld.idx.msk [tilespmem:v24+s3+$0x0], $0xffff;
	[tilespmem:s8+$0xA0] =	vst v15  }
0x87: {  	v13 =	vor.u32 s5, v2;
	v15 =	vld.idx.msk [tilespmem:v29+s3+$0x0], $0xffff;
	v29 =	vmov s0;
	[tilespmem:s8+$0x1D0] =	vst v17  }
0x88: {  	v17 =	vor.u32 s24, v2;
	v16 =	vld.idx.msk [tilespmem:v16+s3+$0x0], $0xffff;
	[tilespmem:s16+$0x100] =	vst v27;
	v27 =	vadd.s32 v1, v21;
	v29 =	vshll.u32 v29, $0x3  }
0x89: {  	v32 =	vor.u32 s29, v2;
	[tilespmem:s8+$0xFFFFFF60] =	vst v22;
	v22 =	vld.idx.msk [tilespmem:v30+s3+$0x0], $0xffff;
	v29 =	vand.u32 $0x7FFFFC00, v29  }
0x8a: {  	v30 =	vor.u32 s22, v1;
	[tilespmem:s16+$0xFFFFFF80] =	vst v23;
	v23 =	vadd.s32 s0, v29;
	v29 =	vld.idx.msk [tilespmem:v12+s3+$0x0], $0xffff  }
0x8b: {  	v12 =	vor.u32 s18, v2;
	v19 =	vld.idx.msk [tilespmem:v19+s3+$0x0], $0xffff;
	[tilespmem:s8+$0x40] =	vst v11;
	v33 =	vadd.s32 v0, v23  }
0x8c: {  	v34 =	vor.u32 s13, v2;
	v26 =	vld.idx.msk [tilespmem:v26+s3+$0x0], $0xffff;
	[tilespmem:s16+$0x0] =	vst v24  }
0x8d: {  	v8 =	vadd.s32 v3, v8;
	[tilespmem:s8+$0xFFFFFEE0] =	vst v15;
	v15 =	vld.idx.msk [tilespmem:v27+s3+$0x0], $0xffff  }
0x8e: {  	v7 =	vadd.s32 v3, v7;
	[tilespmem:s16+$0xFFFFFE80] =	vst v16;
	v14 =	vld.idx.msk [tilespmem:v14+s3+$0x0], $0xffff  }
0x8f: {  	v11 =	vor.u32 s30, v3;
	v16 =	vld.idx.msk [tilespmem:v20+s3+$0x0], $0xffff;
	[tilespmem:s8+$0xB0] =	vst v22  }
0x90: {  	v20 =	vld.idx.msk [tilespmem:v33+s3+$0x0], $0xffff;
	[tilespmem:s8+$0x1E0] =	vst v29  }
0x91: {  	v24 =	vor.u32 s17, v1;
	v22 =	vld.idx.msk [tilespmem:v31+s3+$0x0], $0xffff;
	[tilespmem:s16+$0x180] =	vst v25  }
0x92: {  	[tilespmem:s16+$0xFFFFFF00] =	vst v26;
	v8 =	vld.idx.msk [tilespmem:v8+s3+$0x0], $0xffff  }
0x93: {  	v25 =	vor.u32 s22, v2;
	[tilespmem:s16+$0xFFFFFF90] =	vst v19;
	v7 =	vld.idx.msk [tilespmem:v7+s3+$0x0], $0xffff  }
0x94: {  	v19 =	vld.idx.msk [tilespmem:v28+s3+$0x0], $0xffff;
	[tilespmem:s16+$0x110] =	vst v14;
	v14 =	vadd.s32 v2, v21  }
0x95: {  	v26 =	vadd.s32 v1, v23;
	[tilespmem:s16+$0xFFFFFE90] =	vst v16;
	v16 =	vld.idx.msk [tilespmem:v32+s3+$0x0], $0xffff  }
0x96: {  	v24 =	vld.idx.msk [tilespmem:v24+s3+$0x0], $0xffff;
	[tilespmem:s8+$0x50] =	vst v15  }
0x97: {  	v15 =	vld.idx.msk [tilespmem:v34+s3+$0x0], $0xffff;
	[tilespmem:s16+$0x10] =	vst v22  }
0x98: {  	v22 =	vor.u32 s29, v3;
	v18 =	vld.idx.msk [tilespmem:v18+s3+$0x0], $0xffff;
	[tilespmem:s8+$0xFFFFFEF0] =	vst v8  }
0x99: {  	v8 =	vld.idx.msk [tilespmem:v14+s3+$0x0], $0xffff;
	[tilespmem:s8+$0xC0] =	vst v20;
	v14 =	vadd.s32 v2, v4  }
0x9a: {  	v20 =	vor.u32 s17, v2;
	[tilespmem:s8+$0xFFFFFF70] =	vst v7;
	v7 =	vld.idx.msk [tilespmem:v26+s3+$0x0], $0xffff  }
0x9b: {  	[tilespmem:s16+$0xFFFFFFA0] =	vst v16;
	v16 =	vld.idx.msk [tilespmem:v17+s3+$0x0], $0xffff;
	v17 =	vadd.s32 v3, v21  }
0x9c: {  	v21 =	vld.idx.msk [tilespmem:v30+s3+$0x0], $0xffff;
	[tilespmem:s8+$0xFFFFFE50] =	vst v24;
	v24 =	vadd.s32 v2, v23  }
0x9d: {  	[tilespmem:s16+$0xFFFFFE10] =	vst v19;
	v19 =	vld.idx.msk [tilespmem:v22+s3+$0x0], $0xffff;
	v22 =	vadd.s32 v2, v5  }
0x9e: {  	v26 =	vor.u32 s24, v3;
	[tilespmem:s16+$0x190] =	vst v18;
	v14 =	vld.idx.msk [tilespmem:v14+s3+$0x0], $0xffff  }
0x9f: {  	v18 =	vld.idx.msk [tilespmem:v20+s3+$0x0], $0xffff;
	[tilespmem:s8+$0x60] =	vst v8  }
0xa0: {  	v6 =	vadd.s32 v3, v6;
	v8 =	vld.idx.msk [tilespmem:v17+s3+$0x0], $0xffff;
	[tilespmem:s8+$0xD0] =	vst v7  }
0xa1: {  	v7 =	vor.u32 s17, v3;
	[tilespmem:s16+$0x120] =	vst v16;
	v16 =	vld.idx.msk [tilespmem:v24+s3+$0x0], $0xffff  }
0xa2: {  	v20 =	vadd.s32 v3, v4;
	[tilespmem:s16+$0xFFFFFF10] =	vst v21;
	v17 =	vld.idx.msk [tilespmem:v22+s3+$0x0], $0xffff  }
0xa3: {  	s0 =	sadd.s32 $0xFFFFFFFE, s15;
	v21 =	vor.u32 s13, v3;
	[tilespmem:s16+$0xFFFFFFB0] =	vst v19;
	v19 =	vld.idx.msk [tilespmem:v26+s3+$0x0], $0xffff  }
0xa4: {  	v4 =	vmov s0;
	v22 =	vadd.s32 v3, v5;
	[tilespmem:s16+$0xFFFFFEA0] =	vst v15;
	v15 =	vld.idx.msk [tilespmem:v25+s3+$0x0], $0xffff  }
0xa5: {  	v4 =	vshll.u32 v4, $0x3;
	s13 =	sadd.s32 $0xFFFFFFF8, s15;
	[tilespmem:s8+$0xFFFFFE60] =	vst v18;
	v18 =	vadd.s32 v3, v23;
	v6 =	vld.idx.msk [tilespmem:v6+s3+$0x0], $0xffff  }
0xa6: {  	v4 =	vand.u32 $0x7FFFFC00, v4;
	v5 =	vmov s13;
	v7 =	vld.idx.msk [tilespmem:v7+s3+$0x0], $0xffff;
	[tilespmem:s8+$0x160] =	vst v14  }
0xa7: {  	v4 =	vadd.s32 s0, v4;
	v5 =	vshll.u32 v5, $0x3;
	[tilespmem:s8+$0x70] =	vst v8;
	v14 =	vld.idx.msk [tilespmem:v20+s3+$0x0], $0xffff  }
0xa8: {  	v5 =	vand.u32 $0x7FFFFC00, v5;
	v20 =	vadd.s32 v0, v4;
	v8 =	vld.idx.msk [tilespmem:v21+s3+$0x0], $0xffff;
	[tilespmem:s8+$0xFFFFFFE0] =	vst v17  }
0xa9: {  	v5 =	vadd.s32 s13, v5;
	v17 =	vor.u32 s22, v3;
	v21 =	vld.idx.msk [tilespmem:v22+s3+$0x0], $0xffff;
	[tilespmem:s8+$0xE0] =	vst v16  }
0xaa: {  	s0 =	sadd.s32 $0xFFFFFFF4, s15;
	[tilespmem:s16+$0xFFFFFF20] =	vst v15;
	v15 =	vadd.s32 v0, v5;
	v16 =	vld.idx.msk [tilespmem:v18+s3+$0x0], $0xffff  }
0xab: {  	s13 =	sadd.s32 $0xFFFFFFF6, s15;
	v18 =	vmov s0;
	v22 =	vld.idx.msk [tilespmem:v9+s3+$0x0], $0xffff;
	[tilespmem:s16+$0x130] =	vst v19  }
0xac: {  	v9 =	vshll.u32 v18, $0x3;
	v18 =	vmov s13;
	v13 =	vld.idx.msk [tilespmem:v13+s3+$0x0], $0xffff;
	[tilespmem:s8+$0xFFFFFE70] =	vst v7  }
0xad: {  	v19 =	vor.u32 s10, v1;
	v7 =	vand.u32 $0x7FFFFC00, v9;
	v18 =	vshll.u32 v18, $0x3;
	v9 =	vld.idx.msk [tilespmem:v20+s3+$0x0], $0xffff;
	[tilespmem:s8+$0x1F0] =	vst v6  }
0xae: {  	[tilespmem:s16+$0xFFFFFEB0] =	vst v8;
	v8 =	vadd.s32 s0, v7;
	v6 =	vld.idx.msk [tilespmem:v17+s3+$0x0], $0xffff;
	v7 =	vand.u32 $0x7FFFFC00, v18;
	v17 =	vor.u32 s5, v3  }
0xaf: {  	v18 =	vadd.s32 v0, v8;
	v7 =	vadd.s32 s13, v7;
	v23 =	vld.idx.msk [tilespmem:v15+s3+$0x0], $0xffff;
	[tilespmem:s8+$0xFFFFFFF0] =	vst v21  }
0xb0: {  	v21 =	vld.idx.msk [tilespmem:v10+s3+$0x0], $0xffff;
	v15 =	vadd.s32 v0, v7;
	v10 =	vadd.s32 v1, v7;
	[tilespmem:s8+$0xF0] =	vst v16  }
0xb1: {  	v24 =	vadd.s32 v1, v5;
	v16 =	vmov s15;
	v25 =	vld.idx.msk [tilespmem:v12+s3+$0x0], $0xffff;
	[tilespmem:s16+$0x80] =	vst v22  }
0xb2: {  	v12 =	vld.idx.msk [tilespmem:v19+s3+$0x0], $0xffff;
	[tilespmem:s16+$0x1A0] =	vst v13;
	v13 =	vshll.u32 v16, $0x3  }
.Ltmp2:
0xb3: {  	v20 =	vor.u32 s18, v3;
	v16 =	vld.idx.msk [tilespmem:v17+s3+$0x0], $0xffff;
	v13 =	vand.u32 $0x7FFFFC00, v13;
	[tilespmem:s8+$0x170] =	vst v14;
	s8 =	smov.u32 s16;
	(pc) =	sbr.rel @p2 .LBB2_3-.Ltmp2, $4  }
0xb4: {  	v14 =	vld.idx.msk [tilespmem:v18+s3+$0x0], $0xffff;
	[tilespmem:s16+$0xFFFFFF30] =	vst v6;
	v6 =	vadd.s32 s15, v13  }
0xb5: {  	v15 =	vld.idx.msk [tilespmem:v15+s3+$0x0], $0xffff;
	[tilespmem:s16+$0xFFFFFFC0] =	vst v23;
	v18 =	vadd.s32 v0, v6  }
0xb6: {  	v19 =	vadd.s32 v1, v4;
	[tilespmem:s16+$0xFFFFFE20] =	vst v21;
	v13 =	vld.idx.msk [tilespmem:v24+s3+$0x0], $0xffff  }
0xb7: {  	s17 =	sadd.s32 $0xFFFFFFF2, s11;
	v17 =	vadd.s32 v1, v8;
	s15 =	sadd.s32 $0x10, s15;
	s16 =	sadd.s32 $0x400, s16;
	v11 =	vld.idx.msk [tilespmem:v11+s3+$0x0], $0xffff;
	[tilespmem:s8+$0x20] =	vst v25  }
0xb8: {  	v21 =	vor.u32 s10, v2;
	_ =	sdelay $0x2  }
0xb9: {  	s0 =	sadd.s32 $0xFFFFFFFA, s11  }
0xba: {  	[tilespmem:s8+$0x90] =	vst v12;
	v12 =	vmov s0  }
0xbb: {  	v12 =	vshll.u32 v12, $0x3;
	v21 =	vld.idx.msk [tilespmem:v21+s3+$0x0], $0xffff  }
0xbc: {  	[tilespmem:s8+$0x140] =	vst v9;
	v9 =	vand.u32 $0x7FFFFC00, v12;
	v12 =	vor.u32 s10, v3  }
0xbd: {  	v20 =	vld.idx.msk [tilespmem:v20+s3+$0x0], $0xffff;
	[tilespmem:s8+$0x1B0] =	vst v16;
	s13 =	sadd.s32 $0xFFFFFFFC, s11;
	v9 =	vadd.s32 s0, v9  }
0xbe: {  	[tilespmem:s8+$0xFFFFFEC0] =	vst v14;
	v16 =	vmov s13;
	v14 =	vadd.s32 v0, v9  }
0xbf: {  	v18 =	vld.idx.msk [tilespmem:v18+s3+$0x0], $0xffff;
	[tilespmem:s8+$0xFFFFFF40] =	vst v15;
	v15 =	vor.u32 s17, v0;
	v16 =	vshll.u32 v16, $0x3  }
0xc0: {  	v19 =	vld.idx.msk [tilespmem:v19+s3+$0x0], $0xffff;
	v16 =	vand.u32 $0x7FFFFC00, v16;
	[tilespmem:s8+$0xA0] =	vst v21  }
0xc1: {  	[tilespmem:s8+$0xFFFFFFD0] =	vst v13;
	v13 =	vadd.s32 v1, v6;
	v16 =	vadd.s32 s13, v16;
	v12 =	vld.idx.msk [tilespmem:v12+s3+$0x0], $0xffff  }
0xc2: {  	v17 =	vld.idx.msk [tilespmem:v17+s3+$0x0], $0xffff;
	[tilespmem:s8+$0x30] =	vst v20;
	v20 =	vadd.s32 v0, v16  }
0xc3: {  	[tilespmem:s8+$0xFFFFFE30] =	vst v11;
	v11 =	vadd.s32 v2, v8;
	v14 =	vld.idx.msk [tilespmem:v14+s3+$0x0], $0xffff  }
0xc4: {  	[tilespmem:s8+$0x1C0] =	vst v18;
	v18 =	vadd.s32 v1, v9;
	v15 =	vld.idx.msk [tilespmem:v15+s3+$0x0], $0xffff  }
0xc5: {  	v10 =	vld.idx.msk [tilespmem:v10+s3+$0x0], $0xffff;
	[tilespmem:s8+$0x150] =	vst v19;
	v19 =	vor.u32 s17, v1  }
0xc6: {  	v13 =	vld.idx.msk [tilespmem:v13+s3+$0x0], $0xffff;
	v21 =	vadd.s32 v2, v7;
	[tilespmem:s8+$0xB0] =	vst v12  }
0xc7: {  	[tilespmem:s8+$0xFFFFFED0] =	vst v17;
	v12 =	vadd.s32 v2, v6;
	v17 =	vld.idx.msk [tilespmem:v20+s3+$0x0], $0xffff  }
0xc8: {  	v11 =	vld.idx.msk [tilespmem:v11+s3+$0x0], $0xffff;
	[tilespmem:s8+$0x40] =	vst v14;
	v14 =	vadd.s32 v1, v16  }
0xc9: {  	v8 =	vadd.s32 v3, v8;
	[tilespmem:s8+$0xFFFFFE40] =	vst v15;
	v15 =	vld.idx.msk [tilespmem:v18+s3+$0x0], $0xffff  }
0xca: {  	[tilespmem:s8+$0xFFFFFF50] =	vst v10;
	v10 =	vadd.s32 v2, v9;
	v18 =	vld.idx.msk [tilespmem:v19+s3+$0x0], $0xffff  }
0xcb: {  	[tilespmem:s8+$0x1D0] =	vst v13;
	v13 =	vor.u32 s17, v2;
	v19 =	vld.idx.msk [tilespmem:v21+s3+$0x0], $0xffff  }
0xcc: {  	v7 =	vadd.s32 v3, v7;
	v12 =	vld.idx.msk [tilespmem:v12+s3+$0x0], $0xffff;
	[tilespmem:s8+$0xC0] =	vst v17  }
0xcd: {  	[tilespmem:s8+$0xFFFFFEE0] =	vst v11;
	v11 =	vld.idx.msk [tilespmem:v14+s3+$0x0], $0xffff;
	v14 =	vadd.s32 v2, v5  }
0xce: {  	v8 =	vld.idx.msk [tilespmem:v8+s3+$0x0], $0xffff;
	[tilespmem:s8+$0x50] =	vst v15;
	v17 =	vadd.s32 v2, v4  }
0xcf: {  	v15 =	vadd.s32 v2, v16;
	[tilespmem:s8+$0xFFFFFE50] =	vst v18;
	v10 =	vld.idx.msk [tilespmem:v10+s3+$0x0], $0xffff  }
0xd0: {  	v6 =	vadd.s32 v3, v6;
	[tilespmem:s8+$0xFFFFFF60] =	vst v19;
	v13 =	vld.idx.msk [tilespmem:v13+s3+$0x0], $0xffff  }
0xd1: {  	v9 =	vadd.s32 v3, v9;
	v7 =	vld.idx.msk [tilespmem:v7+s3+$0x0], $0xffff;
	[tilespmem:s8+$0x1E0] =	vst v12  }
0xd2: {  	v12 =	vor.u32 s17, v3;
	[tilespmem:s8+$0xD0] =	vst v11;
	v11 =	vld.idx.msk [tilespmem:v14+s3+$0x0], $0xffff  }
0xd3: {  	[tilespmem:s8+$0xFFFFFEF0] =	vst v8;
	v5 =	vadd.s32 v3, v5;
	v14 =	vld.idx.msk [tilespmem:v17+s3+$0x0], $0xffff  }
0xd4: {  	v4 =	vadd.s32 v3, v4;
	[tilespmem:s8+$0x60] =	vst v10;
	v8 =	vld.idx.msk [tilespmem:v15+s3+$0x0], $0xffff  }
0xd5: {  	v10 =	vadd.s32 v3, v16;
	[tilespmem:s8+$0xFFFFFE60] =	vst v13;
	v6 =	vld.idx.msk [tilespmem:v6+s3+$0x0], $0xffff  }
0xd6: {  	[tilespmem:s8+$0xFFFFFF70] =	vst v7;
	v9 =	vld.idx.msk [tilespmem:v9+s3+$0x0], $0xffff  }
0xd7: {  	v7 =	vld.idx.msk [tilespmem:v12+s3+$0x0], $0xffff;
	[tilespmem:s8+$0xFFFFFFE0] =	vst v11  }
0xd8: {  	[tilespmem:s8+$0x160] =	vst v14;
	v5 =	vld.idx.msk [tilespmem:v5+s3+$0x0], $0xffff  }
0xd9: {  	[tilespmem:s8+$0xE0] =	vst v8;
	v4 =	vld.idx.msk [tilespmem:v4+s3+$0x0], $0xffff  }
0xda: {  	[tilespmem:s8+$0x1F0] =	vst v6;
	v8 =	vld.idx.msk [tilespmem:v10+s3+$0x0], $0xffff  }
0xdb: {  	[tilespmem:s8+$0x70] =	vst v9  }
0xdc: {  	[tilespmem:s8+$0xFFFFFE70] =	vst v7  }
0xdd: {  	[tilespmem:s8+$0xFFFFFFF0] =	vst v5  }
0xde: {  	s15 =	sshll.u32 s6, $0xA;
	[tilespmem:s8+$0x170] =	vst v4  }
0xdf: {  	s0 =	sadd.s32 s7, s15;
	[tilespmem:s8+$0xF0] =	vst v8  }
0xe0: {  	[hbm4b:s0+s3] =	stream.linear.scatter [tilespmem:s19], [sflag:$0x3], $0x2000, $0x38;
	[tilespmem:$0xC000] =	vst v63  }
0xe1: {  	s6 =	sor.u32 $0x20, s6;
	p2 =	seq.s32 s25, $0x79;
	_ =	swait.ge [sflag:s20], $0x2000  }
0xe2: {  	s0 =	sshll.u32 @!p2 s6, $0x7;
	[sflag:s20] =	ssyncset.done $0x0  }
0xe3: {  	s5 =	simm.s32 @!p2 $0x0;
	s0 =	sadd.s32 @!p2 s0, s9;
	[sflag:s20] =	ssyncadd.s32 $0xFFFFE000  }
0xe4: {  	[tilespmem:s5], [sflag:$0x1] =	stream.linear.gather @!p2 [hbm4b:s0+s5], $0x400, $0x38;
	[tilespmem:$0xC000] =	vst v63  }
0xe5: {  	s10 =	simm.s32 @!p2 $0x800;
	s8 =	sadd.s32 @!p2 $0xF4280, s0  }
0xe6: {  	[tilespmem:s10], [sflag:$0x1] =	stream.linear.gather @!p2 [hbm4b:s8+s5], $0x400, $0x38;
	[tilespmem:$0xC000] =	vst v63  }
0xe7: {  	s8 =	sadd.s32 @!p2 $0x1E8500, s0;
	s10 =	simm.s32 @!p2 $0x1000  }
0xe8: {  	[tilespmem:s10], [sflag:$0x1] =	stream.linear.gather @!p2 [hbm4b:s8+s5], $0x400, $0x38;
	[tilespmem:$0xC000] =	vst v63  }
0xe9: {  	s8 =	sadd.s32 @!p2 $0x2DC780, s0;
	s10 =	simm.s32 @!p2 $0x1800  }
0xea: {  	[tilespmem:s10], [sflag:$0x1] =	stream.linear.gather @!p2 [hbm4b:s8+s5], $0x400, $0x38;
	[tilespmem:$0xC000] =	vst v63  }
0xeb: {  	s8 =	sadd.s32 @!p2 $0x3D0A00, s0;
	s10 =	simm.s32 @!p2 $0x2000  }
0xec: {  	[tilespmem:s10], [sflag:$0x1] =	stream.linear.gather @!p2 [hbm4b:s8+s5], $0x400, $0x38;
	[tilespmem:$0xC000] =	vst v63  }
0xed: {  	s8 =	sadd.s32 @!p2 $0x4C4C80, s0;
	s10 =	simm.s32 @!p2 $0x2800  }
0xee: {  	[tilespmem:s10], [sflag:$0x1] =	stream.linear.gather @!p2 [hbm4b:s8+s5], $0x400, $0x38;
	[tilespmem:$0xC000] =	vst v63  }
0xef: {  	s16 =	simm.s32 $0xC;
	s8 =	sadd.s32 @!p2 $0x5B8F00, s0;
	s10 =	simm.s32 @!p2 $0x3000  }
0xf0: {  	[tilespmem:s10], [sflag:$0x1] =	stream.linear.gather @!p2 [hbm4b:s8+s5], $0x400, $0x38;
	[tilespmem:$0xC000] =	vst v63  }
0xf1: {  	p3 =	seq.s32 @!p2 s25, $0x0;
	s0 =	sadd.s32 @!p2 $0x6AD180, s0;
	s8 =	simm.s32 @!p2 $0x3800  }
0xf2: {  	v4 =	vor.u32 s16, v0;
	[tilespmem:s8], [sflag:$0x1] =	stream.linear.gather @!p2 [hbm4b:s0+s5], $0x400, $0x38;
	[tilespmem:$0xC000] =	vst v63  }
0xf3: {  	s17 =	simm.s32 $0x6;
	p2 =	por p2, !p3  }
0xf4: {  	s15 =	simm.s32 $0x2;
	v5 =	vor.u32 s17, v0;
	_ =	swait.ge @p2 [sflag:s23], $0x2000  }
0xf5: {  	s12 =	simm.s32 $0x0;
	v6 =	vor.u32 s15, v0;
	[sflag:s23] =	ssyncset.done @p2 $0x0  }
0xf6: {  	s18 =	simm.s32 $0x8;
	v7 =	vor.u32 s12, v0;
	[sflag:s23] =	ssyncadd.s32 @p2 $0xFFFFE000  }
0xf7: {  	v8 =	vor.u32 s18, v0;
	v4 =	vld.idx.msk [tilespmem:v4+s28+$0x0], $0xffff  }
0xf8: {  	s13 =	simm.s32 $0x4;
	v9 =	vor.u32 s16, v1  }
0xf9: {  	v10 =	vor.u32 s13, v0;
	v5 =	vld.idx.msk [tilespmem:v5+s28+$0x0], $0xffff  }
0xfa: {  	v11 =	vor.u32 s17, v1;
	v6 =	vld.idx.msk [tilespmem:v6+s28+$0x0], $0xffff  }
0xfb: {  	s22 =	simm.s32 $0xE;
	v12 =	vor.u32 s15, v1;
	s8 =	simm.s32 $0xA200;
	v7 =	vld.idx.msk [tilespmem:v7+s28+$0x0], $0xffff  }
0xfc: {  	v13 =	vor.u32 s22, v0;
	v8 =	vld.idx.msk [tilespmem:v8+s28+$0x0], $0xffff;
	[tilespmem:s8+$0x100] =	vst v4  }
0xfd: {  	v4 =	vor.u32 s18, v1;
	v9 =	vld.idx.msk [tilespmem:v9+s28+$0x0], $0xffff  }
0xfe: {  	v14 =	vor.u32 s16, v2;
	[tilespmem:s8+$0xFFFFFF80] =	vst v5;
	v5 =	vld.idx.msk [tilespmem:v10+s28+$0x0], $0xffff  }
0xff: {  	v10 =	vor.u32 s13, v1;
	[tilespmem:s8+$0xFFFFFE80] =	vst v6;
	v11 =	vld.idx.msk [tilespmem:v11+s28+$0x0], $0xffff  }
0x100: {  	v6 =	vor.u32 s17, v2;
	v12 =	vld.idx.msk [tilespmem:v12+s28+$0x0], $0xffff  }
0x101: {  	v15 =	vor.u32 s15, v2;
	v13 =	vld.idx.msk [tilespmem:v13+s28+$0x0], $0xffff;
	[tilespmem:s8+$0x0] =	vst v8  }
0x102: {  	v8 =	vor.u32 s12, v1;
	v16 =	vld.idx.msk [tilespmem:v4+s28+$0x0], $0xffff;
	[tilespmem:s8+$0x110] =	vst v9  }
0x103: {  	v4 =	vor.u32 s22, v1;
	[tilespmem:s8+$0xFFFFFF00] =	vst v5;
	v5 =	vld.idx.msk [tilespmem:v14+s28+$0x0], $0xffff  }
0x104: {  	[tilespmem:s8+$0xFFFFFF90] =	vst v11;
	v9 =	vld.idx.msk [tilespmem:v10+s28+$0x0], $0xffff;
	v10 =	vor.u32 s16, v3  }
0x105: {  	v11 =	vor.u32 s13, v2;
	[tilespmem:s8+$0xFFFFFE90] =	vst v12;
	v6 =	vld.idx.msk [tilespmem:v6+s28+$0x0], $0xffff  }
0x106: {  	s10 =	simm.s32 $0xA;
	[tilespmem:s8+$0xFFFFFE00] =	vst v7;
	v7 =	vld.idx.msk [tilespmem:v15+s28+$0x0], $0xffff  }
0x107: {  	s24 =	simm.s32 $0xD;
	[tilespmem:s8+$0x180] =	vst v13;
	v13 =	vld.idx.msk [tilespmem:v8+s28+$0x0], $0xffff;
	v15 =	vor.u32 s10, v0  }
0x108: {  	v8 =	vor.u32 s15, v3;
	v14 =	vmov s24;
	v17 =	vld.idx.msk [tilespmem:v4+s28+$0x0], $0xffff;
	[tilespmem:s8+$0x120] =	vst v5  }
0x109: {  	s29 =	simm.s32 $0x7;
	v12 =	vor.u32 s17, v3;
	v14 =	vshll.u32 v14, $0x3;
	[tilespmem:s8+$0xFFFFFF10] =	vst v9;
	v9 =	vld.idx.msk [tilespmem:v10+s28+$0x0], $0xffff  }
0x10a: {  	v4 =	vmov s29;
	v5 =	vand.u32 $0x7FFFFC00, v14;
	v14 =	vor.u32 s22, v2;
	[tilespmem:s8+$0xFFFFFFA0] =	vst v6;
	v6 =	vld.idx.msk [tilespmem:v11+s28+$0x0], $0xffff  }
0x10b: {  	[tilespmem:s8+$0xFFFFFEA0] =	vst v7;
	v7 =	vor.u32 s13, v3;
	v10 =	vshll.u32 v4, $0x3;
	v4 =	vadd.s32 s24, v5  }
0x10c: {  	s30 =	simm.s32 $0x3;
	v15 =	vld.idx.msk [tilespmem:v15+s28+$0x0], $0xffff;
	v5 =	vand.u32 $0x7FFFFC00, v10;
	v10 =	vadd.s32 v0, v4  }
0x10d: {  	s31 =	simm.s32 $0x5;
	v19 =	vor.u32 s12, v2;
	v18 =	vld.idx.msk [tilespmem:v8+s28+$0x0], $0xffff;
	v8 =	vmov s30;
	[tilespmem:s8+$0x190] =	vst v17  }
0x10e: {  	v11 =	vld.idx.msk [tilespmem:v12+s28+$0x0], $0xffff;
	v8 =	vshll.u32 v8, $0x3;
	v5 =	vadd.s32 s29, v5;
	[tilespmem:s8+$0x130] =	vst v9;
	v9 =	vmov s31  }
0x10f: {  	v17 =	vor.u32 s18, v2;
	v14 =	vld.idx.msk [tilespmem:v14+s28+$0x0], $0xffff;
	[tilespmem:s8+$0xFFFFFF20] =	vst v6;
	v6 =	vand.u32 $0x7FFFFC00, v8;
	v20 =	vshll.u32 v9, $0x3  }
0x110: {  	v12 =	vadd.s32 v0, v5;
	v8 =	vadd.s32 s30, v6;
	v6 =	vld.idx.msk [tilespmem:v7+s28+$0x0], $0xffff;
	v7 =	vand.u32 $0x7FFFFC00, v20  }
0x111: {  	[tilespmem:s8+$0xFFFFFE10] =	vst v13;
	v9 =	vld.idx.msk [tilespmem:v10+s28+$0x0], $0xffff;
	v10 =	vor.u32 s22, v3;
	v7 =	vadd.s32 s31, v7  }
0x112: {  	[tilespmem:s8+$0x10] =	vst v16;
	v20 =	vadd.s32 v0, v7  }
0x113: {  	v21 =	vor.u32 s10, v1;
	v19 =	vld.idx.msk [tilespmem:v19+s28+$0x0], $0xffff;
	[tilespmem:s8+$0x80] =	vst v15  }
0x114: {  	s11 =	simm.s32 $0xF;
	[tilespmem:s8+$0xFFFFFFB0] =	vst v11;
	v11 =	vadd.s32 v0, v8;
	v23 =	vld.idx.msk [tilespmem:v17+s28+$0x0], $0xffff  }
0x115: {  	v15 =	vmov s11;
	v17 =	vor.u32 s12, v3;
	v13 =	vld.idx.msk [tilespmem:v12+s28+$0x0], $0xffff;
	[tilespmem:s8+$0x1A0] =	vst v14  }
0x116: {  	v22 =	vadd.s32 v1, v5;
	v14 =	vshll.u32 v15, $0x3;
	[tilespmem:s8+$0xFFFFFF30] =	vst v6;
	v16 =	vld.idx.msk [tilespmem:v10+s28+$0x0], $0xffff  }
0x117: {  	v10 =	vand.u32 $0x7FFFFC00, v14;
	v15 =	vld.idx.msk [tilespmem:v20+s28+$0x0], $0xffff;
	v20 =	vor.u32 s18, v3  }
0x118: {  	[tilespmem:s8+$0xFFFFFEB0] =	vst v18;
	v12 =	vld.idx.msk [tilespmem:v21+s28+$0x0], $0xffff;
	v6 =	vadd.s32 s11, v10  }
0x119: {  	[tilespmem:s8+$0xFFFFFE20] =	vst v19;
	v14 =	vld.idx.msk [tilespmem:v11+s28+$0x0], $0xffff;
	v18 =	vadd.s32 v0, v6  }
0x11a: {  	s15 =	simm.s32 $0x1F;
	v19 =	vadd.s32 v1, v4;
	v11 =	vld.idx.msk [tilespmem:v17+s28+$0x0], $0xffff;
	[tilespmem:s8+$0xFFFFFFC0] =	vst v13  }
0x11b: {  	s17 =	simm.s32 $0x1;
	s16 =	simm.s32 $0xA600;
	s12 =	simm.s32 $0x0;
	v10 =	vadd.s32 v1, v7;
	v17 =	vadd.s32 v1, v8;
	[tilespmem:s8+$0x20] =	vst v23;
	v13 =	vld.idx.msk [tilespmem:v22+s28+$0x0], $0xffff  }
.LBB2_5:
0x11c: {  	s30 =	sadd.s32 $0xFFFFFFF1, s15;
	s29 =	sadd.s32 $0xFFFFFFF7, s15;
	s31 =	sadd.s32 $0xFFFFFFFB, s15;
	v21 =	vor.u32 s17, v0;
	v20 =	vld.idx.msk [tilespmem:v20+s28+$0x0], $0xffff;
	[tilespmem:s8+$0x140] =	vst v9  }
0x11d: {  	s13 =	sadd.s32 $0xFFFFFFF3, s15;
	s18 =	sadd.s32 $0xFFFFFFF9, s15;
	s5 =	sadd.s32 $0xFFFFFFFF, s15;
	v22 =	vor.u32 s30, v0;
	v23 =	vor.u32 s29, v0;
	v9 =	vor.u32 s31, v0;
	[tilespmem:s8+$0x1B0] =	vst v16  }
0x11e: {  	s22 =	sadd.s32 $0xFFFFFFF5, s15;
	s24 =	sadd.s32 $0xFFFFFFFD, s15;
	s12 =	sadd.s32 $0x8, s12;
	v16 =	vor.u32 s13, v0;
	v24 =	vor.u32 s18, v0;
	v25 =	vor.u32 s5, v0;
	v18 =	vld.idx.msk [tilespmem:v18+s28+$0x0], $0xffff  }
0x11f: {  	v26 =	vor.u32 s22, v0;
	v27 =	vor.u32 s24, v0;
	p2 =	slt.u32 s12, $0x38;
	[tilespmem:s8+$0xFFFFFEC0] =	vst v14;
	v14 =	vld.idx.msk [tilespmem:v19+s28+$0x0], $0xffff  }
0x120: {  	s0 =	sadd.s32 $0xFFFFFFFA, s11;
	v17 =	vld.idx.msk [tilespmem:v17+s28+$0x0], $0xffff;
	[tilespmem:s8+$0xFFFFFF40] =	vst v15;
	v15 =	vor.u32 s10, v2  }
0x121: {  	v19 =	vadd.s32 v1, v6;
	v10 =	vld.idx.msk [tilespmem:v10+s28+$0x0], $0xffff;
	[tilespmem:s8+$0xFFFFFFD0] =	vst v13;
	v13 =	vmov s0  }
0x122: {  	v22 =	vld.idx.msk [tilespmem:v22+s28+$0x0], $0xffff;
	[tilespmem:s8+$0xFFFFFE30] =	vst v11;
	v11 =	vshll.u32 v13, $0x3  }
0x123: {  	v13 =	vadd.s32 v2, v7;
	v25 =	vld.idx.msk [tilespmem:v25+s28+$0x0], $0xffff;
	v11 =	vand.u32 $0x7FFFFC00, v11;
	[tilespmem:s8+$0x90] =	vst v12  }
0x124: {  	v28 =	vor.u32 s30, v1;
	v12 =	vld.idx.msk [tilespmem:v21+s28+$0x0], $0xffff;
	v21 =	vadd.s32 s0, v11;
	[tilespmem:s8+$0x1C0] =	vst v18  }
0x125: {  	v18 =	vor.u32 s5, v1;
	v11 =	vadd.s32 v0, v21;
	v15 =	vld.idx.msk [tilespmem:v15+s28+$0x0], $0xffff;
	[tilespmem:s8+$0x150] =	vst v14  }
0x126: {  	v14 =	vor.u32 s24, v1;
	[tilespmem:s8+$0xFFFFFED0] =	vst v17;
	v17 =	vld.idx.msk [tilespmem:v19+s28+$0x0], $0xffff  }
0x127: {  	v29 =	vadd.s32 v2, v8;
	v19 =	vor.u32 s29, v1;
	v27 =	vld.idx.msk [tilespmem:v27+s28+$0x0], $0xffff;
	[tilespmem:s8+$0xFFFFFF50] =	vst v10  }
0x128: {  	v30 =	vor.u32 s10, v3;
	s10 =	smov.u32 s31;
	[tilespmem:s16+$0xFFFFFE00] =	vst v22;
	v22 =	vld.idx.msk [tilespmem:v13+s28+$0x0], $0xffff  }
0x129: {  	v31 =	vor.u32 s18, v1;
	v23 =	vld.idx.msk [tilespmem:v23+s28+$0x0], $0xffff;
	[tilespmem:s8+$0x30] =	vst v20  }
0x12a: {  	v20 =	vor.u32 s13, v1;
	[tilespmem:s8+$0xFFFFFE40] =	vst v12;
	v11 =	vld.idx.msk [tilespmem:v11+s28+$0x0], $0xffff;
	v12 =	vadd.s32 v2, v6  }
0x12b: {  	s0 =	sadd.s32 $0xFFFFFFFC, s11;
	s11 =	smov.u32 s15;
	v10 =	vor.u32 s30, v2;
	v24 =	vld.idx.msk [tilespmem:v24+s28+$0x0], $0xffff;
	[tilespmem:s8+$0xA0] =	vst v15  }
0x12c: {  	v13 =	vor.u32 s5, v2;
	v15 =	vld.idx.msk [tilespmem:v29+s28+$0x0], $0xffff;
	v29 =	vmov s0;
	[tilespmem:s8+$0x1D0] =	vst v17  }
0x12d: {  	v17 =	vor.u32 s24, v2;
	v16 =	vld.idx.msk [tilespmem:v16+s28+$0x0], $0xffff;
	[tilespmem:s16+$0x100] =	vst v27;
	v27 =	vadd.s32 v1, v21;
	v29 =	vshll.u32 v29, $0x3  }
0x12e: {  	v32 =	vor.u32 s29, v2;
	[tilespmem:s8+$0xFFFFFF60] =	vst v22;
	v22 =	vld.idx.msk [tilespmem:v30+s28+$0x0], $0xffff;
	v29 =	vand.u32 $0x7FFFFC00, v29  }
0x12f: {  	v30 =	vor.u32 s22, v1;
	[tilespmem:s16+$0xFFFFFF80] =	vst v23;
	v23 =	vadd.s32 s0, v29;
	v29 =	vld.idx.msk [tilespmem:v12+s28+$0x0], $0xffff  }
0x130: {  	v12 =	vor.u32 s18, v2;
	v19 =	vld.idx.msk [tilespmem:v19+s28+$0x0], $0xffff;
	[tilespmem:s8+$0x40] =	vst v11;
	v33 =	vadd.s32 v0, v23  }
0x131: {  	v34 =	vor.u32 s13, v2;
	v26 =	vld.idx.msk [tilespmem:v26+s28+$0x0], $0xffff;
	[tilespmem:s16+$0x0] =	vst v24  }
0x132: {  	v8 =	vadd.s32 v3, v8;
	[tilespmem:s8+$0xFFFFFEE0] =	vst v15;
	v15 =	vld.idx.msk [tilespmem:v27+s28+$0x0], $0xffff  }
0x133: {  	v7 =	vadd.s32 v3, v7;
	[tilespmem:s16+$0xFFFFFE80] =	vst v16;
	v14 =	vld.idx.msk [tilespmem:v14+s28+$0x0], $0xffff  }
0x134: {  	v11 =	vor.u32 s30, v3;
	v16 =	vld.idx.msk [tilespmem:v20+s28+$0x0], $0xffff;
	[tilespmem:s8+$0xB0] =	vst v22  }
0x135: {  	v20 =	vld.idx.msk [tilespmem:v33+s28+$0x0], $0xffff;
	[tilespmem:s8+$0x1E0] =	vst v29  }
0x136: {  	v24 =	vor.u32 s17, v1;
	v22 =	vld.idx.msk [tilespmem:v31+s28+$0x0], $0xffff;
	[tilespmem:s16+$0x180] =	vst v25  }
0x137: {  	[tilespmem:s16+$0xFFFFFF00] =	vst v26;
	v8 =	vld.idx.msk [tilespmem:v8+s28+$0x0], $0xffff  }
0x138: {  	v25 =	vor.u32 s22, v2;
	[tilespmem:s16+$0xFFFFFF90] =	vst v19;
	v7 =	vld.idx.msk [tilespmem:v7+s28+$0x0], $0xffff  }
0x139: {  	v19 =	vld.idx.msk [tilespmem:v28+s28+$0x0], $0xffff;
	[tilespmem:s16+$0x110] =	vst v14;
	v14 =	vadd.s32 v2, v21  }
0x13a: {  	v26 =	vadd.s32 v1, v23;
	[tilespmem:s16+$0xFFFFFE90] =	vst v16;
	v16 =	vld.idx.msk [tilespmem:v32+s28+$0x0], $0xffff  }
0x13b: {  	v24 =	vld.idx.msk [tilespmem:v24+s28+$0x0], $0xffff;
	[tilespmem:s8+$0x50] =	vst v15  }
0x13c: {  	v15 =	vld.idx.msk [tilespmem:v34+s28+$0x0], $0xffff;
	[tilespmem:s16+$0x10] =	vst v22  }
0x13d: {  	v22 =	vor.u32 s29, v3;
	v18 =	vld.idx.msk [tilespmem:v18+s28+$0x0], $0xffff;
	[tilespmem:s8+$0xFFFFFEF0] =	vst v8  }
0x13e: {  	v8 =	vld.idx.msk [tilespmem:v14+s28+$0x0], $0xffff;
	[tilespmem:s8+$0xC0] =	vst v20;
	v14 =	vadd.s32 v2, v4  }
0x13f: {  	v20 =	vor.u32 s17, v2;
	[tilespmem:s8+$0xFFFFFF70] =	vst v7;
	v7 =	vld.idx.msk [tilespmem:v26+s28+$0x0], $0xffff  }
0x140: {  	[tilespmem:s16+$0xFFFFFFA0] =	vst v16;
	v16 =	vld.idx.msk [tilespmem:v17+s28+$0x0], $0xffff;
	v17 =	vadd.s32 v3, v21  }
0x141: {  	v21 =	vld.idx.msk [tilespmem:v30+s28+$0x0], $0xffff;
	[tilespmem:s8+$0xFFFFFE50] =	vst v24;
	v24 =	vadd.s32 v2, v23  }
0x142: {  	[tilespmem:s16+$0xFFFFFE10] =	vst v19;
	v19 =	vld.idx.msk [tilespmem:v22+s28+$0x0], $0xffff;
	v22 =	vadd.s32 v2, v5  }
0x143: {  	v26 =	vor.u32 s24, v3;
	[tilespmem:s16+$0x190] =	vst v18;
	v14 =	vld.idx.msk [tilespmem:v14+s28+$0x0], $0xffff  }
0x144: {  	v18 =	vld.idx.msk [tilespmem:v20+s28+$0x0], $0xffff;
	[tilespmem:s8+$0x60] =	vst v8  }
0x145: {  	v6 =	vadd.s32 v3, v6;
	v8 =	vld.idx.msk [tilespmem:v17+s28+$0x0], $0xffff;
	[tilespmem:s8+$0xD0] =	vst v7  }
0x146: {  	v7 =	vor.u32 s17, v3;
	[tilespmem:s16+$0x120] =	vst v16;
	v16 =	vld.idx.msk [tilespmem:v24+s28+$0x0], $0xffff  }
0x147: {  	v20 =	vadd.s32 v3, v4;
	[tilespmem:s16+$0xFFFFFF10] =	vst v21;
	v17 =	vld.idx.msk [tilespmem:v22+s28+$0x0], $0xffff  }
0x148: {  	s0 =	sadd.s32 $0xFFFFFFFE, s15;
	v21 =	vor.u32 s13, v3;
	[tilespmem:s16+$0xFFFFFFB0] =	vst v19;
	v19 =	vld.idx.msk [tilespmem:v26+s28+$0x0], $0xffff  }
0x149: {  	v4 =	vmov s0;
	v22 =	vadd.s32 v3, v5;
	[tilespmem:s16+$0xFFFFFEA0] =	vst v15;
	v15 =	vld.idx.msk [tilespmem:v25+s28+$0x0], $0xffff  }
0x14a: {  	v4 =	vshll.u32 v4, $0x3;
	s13 =	sadd.s32 $0xFFFFFFF8, s15;
	[tilespmem:s8+$0xFFFFFE60] =	vst v18;
	v18 =	vadd.s32 v3, v23;
	v6 =	vld.idx.msk [tilespmem:v6+s28+$0x0], $0xffff  }
0x14b: {  	v4 =	vand.u32 $0x7FFFFC00, v4;
	v5 =	vmov s13;
	v7 =	vld.idx.msk [tilespmem:v7+s28+$0x0], $0xffff;
	[tilespmem:s8+$0x160] =	vst v14  }
0x14c: {  	v4 =	vadd.s32 s0, v4;
	v5 =	vshll.u32 v5, $0x3;
	[tilespmem:s8+$0x70] =	vst v8;
	v14 =	vld.idx.msk [tilespmem:v20+s28+$0x0], $0xffff  }
0x14d: {  	v5 =	vand.u32 $0x7FFFFC00, v5;
	v20 =	vadd.s32 v0, v4;
	v8 =	vld.idx.msk [tilespmem:v21+s28+$0x0], $0xffff;
	[tilespmem:s8+$0xFFFFFFE0] =	vst v17  }
0x14e: {  	v5 =	vadd.s32 s13, v5;
	v17 =	vor.u32 s22, v3;
	v21 =	vld.idx.msk [tilespmem:v22+s28+$0x0], $0xffff;
	[tilespmem:s8+$0xE0] =	vst v16  }
0x14f: {  	s0 =	sadd.s32 $0xFFFFFFF4, s15;
	[tilespmem:s16+$0xFFFFFF20] =	vst v15;
	v15 =	vadd.s32 v0, v5;
	v16 =	vld.idx.msk [tilespmem:v18+s28+$0x0], $0xffff  }
0x150: {  	s13 =	sadd.s32 $0xFFFFFFF6, s15;
	v18 =	vmov s0;
	v22 =	vld.idx.msk [tilespmem:v9+s28+$0x0], $0xffff;
	[tilespmem:s16+$0x130] =	vst v19  }
0x151: {  	v9 =	vshll.u32 v18, $0x3;
	v18 =	vmov s13;
	v13 =	vld.idx.msk [tilespmem:v13+s28+$0x0], $0xffff;
	[tilespmem:s8+$0xFFFFFE70] =	vst v7  }
0x152: {  	v19 =	vor.u32 s10, v1;
	v7 =	vand.u32 $0x7FFFFC00, v9;
	v18 =	vshll.u32 v18, $0x3;
	v9 =	vld.idx.msk [tilespmem:v20+s28+$0x0], $0xffff;
	[tilespmem:s8+$0x1F0] =	vst v6  }
0x153: {  	[tilespmem:s16+$0xFFFFFEB0] =	vst v8;
	v8 =	vadd.s32 s0, v7;
	v6 =	vld.idx.msk [tilespmem:v17+s28+$0x0], $0xffff;
	v7 =	vand.u32 $0x7FFFFC00, v18;
	v17 =	vor.u32 s5, v3  }
0x154: {  	v18 =	vadd.s32 v0, v8;
	v7 =	vadd.s32 s13, v7;
	v23 =	vld.idx.msk [tilespmem:v15+s28+$0x0], $0xffff;
	[tilespmem:s8+$0xFFFFFFF0] =	vst v21  }
0x155: {  	v21 =	vld.idx.msk [tilespmem:v10+s28+$0x0], $0xffff;
	v15 =	vadd.s32 v0, v7;
	v10 =	vadd.s32 v1, v7;
	[tilespmem:s8+$0xF0] =	vst v16  }
0x156: {  	v24 =	vadd.s32 v1, v5;
	v16 =	vmov s15;
	v25 =	vld.idx.msk [tilespmem:v12+s28+$0x0], $0xffff;
	[tilespmem:s16+$0x80] =	vst v22  }
0x157: {  	v12 =	vld.idx.msk [tilespmem:v19+s28+$0x0], $0xffff;
	[tilespmem:s16+$0x1A0] =	vst v13;
	v13 =	vshll.u32 v16, $0x3  }
.Ltmp3:
0x158: {  	v20 =	vor.u32 s18, v3;
	v16 =	vld.idx.msk [tilespmem:v17+s28+$0x0], $0xffff;
	v13 =	vand.u32 $0x7FFFFC00, v13;
	[tilespmem:s8+$0x170] =	vst v14;
	s8 =	smov.u32 s16;
	(pc) =	sbr.rel @p2 .LBB2_5-.Ltmp3, $4  }
0x159: {  	v14 =	vld.idx.msk [tilespmem:v18+s28+$0x0], $0xffff;
	[tilespmem:s16+$0xFFFFFF30] =	vst v6;
	v6 =	vadd.s32 s15, v13  }
0x15a: {  	v15 =	vld.idx.msk [tilespmem:v15+s28+$0x0], $0xffff;
	[tilespmem:s16+$0xFFFFFFC0] =	vst v23;
	v18 =	vadd.s32 v0, v6  }
0x15b: {  	v19 =	vadd.s32 v1, v4;
	[tilespmem:s16+$0xFFFFFE20] =	vst v21;
	v13 =	vld.idx.msk [tilespmem:v24+s28+$0x0], $0xffff  }
0x15c: {  	s17 =	sadd.s32 $0xFFFFFFF2, s11;
	v17 =	vadd.s32 v1, v8;
	s15 =	sadd.s32 $0x10, s15;
	s16 =	sadd.s32 $0x400, s16;
	v11 =	vld.idx.msk [tilespmem:v11+s28+$0x0], $0xffff;
	[tilespmem:s8+$0x20] =	vst v25  }
0x15d: {  	v21 =	vor.u32 s10, v2;
	_ =	sdelay $0x3  }
0x15e: {  	[tilespmem:s8+$0x90] =	vst v12  }
0x15f: {  	[tilespmem:s8+$0x140] =	vst v9;
	v21 =	vld.idx.msk [tilespmem:v21+s28+$0x0], $0xffff  }
0x160: {  	s0 =	sadd.s32 $0xFFFFFFFA, s11;
	v33 =	vor.u32 s10, v3;
	[tilespmem:s8+$0x1B0] =	vst v16  }
0x161: {  	v20 =	vld.idx.msk [tilespmem:v20+s28+$0x0], $0xffff;
	s30 =	sadd.s32 $0xFFFFFFFC, s11;
	v31 =	vmov s0;
	[tilespmem:s8+$0xFFFFFEC0] =	vst v14  }
0x162: {  	v36 =	vor.u32 s17, v0;
	v35 =	vmov s30;
	v18 =	vld.idx.msk [tilespmem:v18+s28+$0x0], $0xffff;
	v12 =	vshll.u32 v31, $0x3;
	[tilespmem:s8+$0xFFFFFF40] =	vst v15  }
0x163: {  	v54 =	vadd.s32 v2, v5;
	v19 =	vld.idx.msk [tilespmem:v19+s28+$0x0], $0xffff;
	v16 =	vshll.u32 v35, $0x3;
	v32 =	vand.u32 $0x7FFFFC00, v12;
	[tilespmem:s8+$0xFFFFFFD0] =	vst v13  }
0x164: {  	v37 =	vadd.s32 v1, v6;
	v17 =	vld.idx.msk [tilespmem:v17+s28+$0x0], $0xffff;
	v16 =	vand.u32 $0x7FFFFC00, v16;
	v9 =	vadd.s32 s0, v32;
	[tilespmem:s8+$0xA0] =	vst v21  }
0x165: {  	v16 =	vadd.s32 s30, v16;
	[tilespmem:s8+$0xFFFFFE30] =	vst v11;
	v34 =	vadd.s32 v0, v9;
	v12 =	vld.idx.msk [tilespmem:v33+s28+$0x0], $0xffff  }
0x166: {  	v10 =	vld.idx.msk [tilespmem:v10+s28+$0x0], $0xffff;
	[tilespmem:s8+$0x30] =	vst v20;
	v38 =	vadd.s32 v0, v16  }
0x167: {  	v56 =	vadd.s32 v2, v4;
	v15 =	vld.idx.msk [tilespmem:v36+s28+$0x0], $0xffff;
	[tilespmem:s8+$0x1C0] =	vst v18  }
0x168: {  	v39 =	vadd.s32 v2, v8;
	v59 =	vld.idx.msk [tilespmem:v54+s28+$0x0], $0xffff;
	[tilespmem:s8+$0x150] =	vst v19  }
0x169: {  	v42 =	vadd.s32 v2, v7;
	v13 =	vld.idx.msk [tilespmem:v37+s28+$0x0], $0xffff;
	[tilespmem:s8+$0xFFFFFED0] =	vst v17  }
0x16a: {  	v41 =	vor.u32 s17, v1;
	v14 =	vld.idx.msk [tilespmem:v34+s28+$0x0], $0xffff;
	[tilespmem:s8+$0xB0] =	vst v12  }
0x16b: {  	v40 =	vadd.s32 v1, v9;
	[tilespmem:s8+$0xFFFFFF50] =	vst v10;
	v44 =	vld.idx.msk [tilespmem:v38+s28+$0x0], $0xffff  }
0x16c: {  	v45 =	vadd.s32 v1, v16;
	v61 =	vld.idx.msk [tilespmem:v56+s28+$0x0], $0xffff;
	[tilespmem:s8+$0xFFFFFE40] =	vst v15  }
0x16d: {  	v5 =	vadd.s32 v3, v5;
	v11 =	vld.idx.msk [tilespmem:v39+s28+$0x0], $0xffff;
	[tilespmem:s8+$0xFFFFFFE0] =	vst v59  }
0x16e: {  	v4 =	vadd.s32 v3, v4;
	v50 =	vld.idx.msk [tilespmem:v42+s28+$0x0], $0xffff;
	[tilespmem:s8+$0x1D0] =	vst v13  }
0x16f: {  	v43 =	vadd.s32 v2, v6;
	v49 =	vld.idx.msk [tilespmem:v41+s28+$0x0], $0xffff;
	[tilespmem:s8+$0x40] =	vst v14  }
0x170: {  	v51 =	vor.u32 s17, v2;
	v47 =	vld.idx.msk [tilespmem:v40+s28+$0x0], $0xffff;
	[tilespmem:s8+$0xC0] =	vst v44  }
0x171: {  	v48 =	vadd.s32 v2, v9;
	[tilespmem:s8+$0x160] =	vst v61;
	v53 =	vld.idx.msk [tilespmem:v45+s28+$0x0], $0xffff  }
0x172: {  	v55 =	vadd.s32 v2, v16;
	v5 =	vld.idx.msk [tilespmem:v5+s28+$0x0], $0xffff;
	[tilespmem:s8+$0xFFFFFEE0] =	vst v11  }
0x173: {  	v46 =	vadd.s32 v3, v8;
	v4 =	vld.idx.msk [tilespmem:v4+s28+$0x0], $0xffff;
	[tilespmem:s8+$0xFFFFFF60] =	vst v50  }
0x174: {  	v52 =	vadd.s32 v3, v7;
	v12 =	vld.idx.msk [tilespmem:v43+s28+$0x0], $0xffff;
	[tilespmem:s8+$0xFFFFFE50] =	vst v49  }
0x175: {  	v58 =	vadd.s32 v3, v6;
	v13 =	vld.idx.msk [tilespmem:v51+s28+$0x0], $0xffff;
	[tilespmem:s8+$0x50] =	vst v47  }
0x176: {  	v57 =	vor.u32 s17, v3;
	v10 =	vld.idx.msk [tilespmem:v48+s28+$0x0], $0xffff;
	[tilespmem:s8+$0xD0] =	vst v53  }
0x177: {  	v9 =	vadd.s32 v3, v9;
	[tilespmem:s8+$0xFFFFFFF0] =	vst v5;
	v60 =	vld.idx.msk [tilespmem:v55+s28+$0x0], $0xffff  }
0x178: {  	v62 =	vadd.s32 v3, v16;
	v8 =	vld.idx.msk [tilespmem:v46+s28+$0x0], $0xffff;
	[tilespmem:s8+$0x170] =	vst v4  }
0x179: {  	v7 =	vld.idx.msk [tilespmem:v52+s28+$0x0], $0xffff;
	[tilespmem:s8+$0x1E0] =	vst v12  }
0x17a: {  	[tilespmem:s8+$0xFFFFFE60] =	vst v13;
	v6 =	vld.idx.msk [tilespmem:v58+s28+$0x0], $0xffff  }
0x17b: {  	v63 =	vld.idx.msk [tilespmem:v57+s28+$0x0], $0xffff;
	[tilespmem:s8+$0x60] =	vst v10  }
0x17c: {  	v9 =	vld.idx.msk [tilespmem:v9+s28+$0x0], $0xffff;
	[tilespmem:s8+$0xE0] =	vst v60  }
0x17d: {  	s25 =	sadd.s32 $0x1, s25;
	[tilespmem:s8+$0xFFFFFEF0] =	vst v8;
	v8 =	vld.idx.msk [tilespmem:v62+s28+$0x0], $0xffff  }
0x17e: {  	p2 =	sne.s32 s25, $0x7A;
	[tilespmem:s8+$0xFFFFFF70] =	vst v7  }
.Ltmp4:
0x17f: {  	[tilespmem:s8+$0x1F0] =	vst v6;
	(pc) =	sbr.rel @p2 .LBB2_2-.Ltmp4, $4  }
0x180: {  	[tilespmem:s8+$0xFFFFFE70] =	vst v63  }
0x181: {  	s31 =	sshll.u32 s6, $0xA;
	[tilespmem:s8+$0x70] =	vst v9  }
0x182: {  	s0 =	sadd.s32 s7, s31;
	[tilespmem:s8+$0xF0] =	vst v8  }
0x183: {  	[hbm4b:s0+s3] =	stream.linear.scatter [tilespmem:s21], [sflag:$0x4], $0x2000, $0x38;
	[tilespmem:$0xC000] =	vst v63  }
0x184: {  	s0 =	simm.s32 $0x3  }
0x185: {  	_ =	swait.ge [sflag:s0], $0x2000  }
.Ltmp5:
0x186: {  	[sflag:s0] =	ssyncset.done $0x0;
	(pc) =	sbr.rel @p0 .LBB2_11-.Ltmp5, $4  }
0x187: {  	[sflag:s0] =	ssyncadd.s32 $0xFFFFE000  }
0x188: {  	_ =	swait.ge [sflag:s23], $0x2000  }
0x189: {  	[sflag:s23] =	ssyncset.done $0x0  }
0x18a: {  	s10 =	rddreg [dreg:$0x10];
	[sflag:s23] =	ssyncadd.s32 $0xFFFFE000  }
0x18b: {  	s5 =	rddreg [dreg:$0xa]  }
0x18c: {  	[tilespmem:s3], [sflag:$0x1] =	stream.linear.gather [hbm4b:s5+s3], $0x400, $0x38;
	[tilespmem:$0xC000] =	vst v63  }
0x18d: {  	s6 =	simm.s32 $0x800;
	s0 =	sadd.s32 $0xF4280, s5  }
0x18e: {  	[tilespmem:s6], [sflag:$0x1] =	stream.linear.gather [hbm4b:s0+s3], $0x400, $0x38;
	[tilespmem:$0xC000] =	vst v63  }
0x18f: {  	s31 =	simm.s32 $0x1000;
	s30 =	sadd.s32 $0x1E8500, s5  }
0x190: {  	[tilespmem:s31], [sflag:$0x1] =	stream.linear.gather [hbm4b:s30+s3], $0x400, $0x38;
	[tilespmem:$0xC000] =	vst v63  }
0x191: {  	s10 =	simm.s32 $0x1800;
	s8 =	sadd.s32 $0x2DC780, s5  }
0x192: {  	[tilespmem:s10], [sflag:$0x1] =	stream.linear.gather [hbm4b:s8+s3], $0x400, $0x38;
	[tilespmem:$0xC000] =	vst v63  }
0x193: {  	s12 =	simm.s32 $0x2000;
	s11 =	sadd.s32 $0x3D0A00, s5  }
0x194: {  	[tilespmem:s12], [sflag:$0x1] =	stream.linear.gather [hbm4b:s11+s3], $0x400, $0x38;
	[tilespmem:$0xC000] =	vst v63  }
0x195: {  	s15 =	simm.s32 $0x2800;
	s13 =	sadd.s32 $0x4C4C80, s5  }
0x196: {  	[tilespmem:s15], [sflag:$0x1] =	stream.linear.gather [hbm4b:s13+s3], $0x400, $0x38;
	[tilespmem:$0xC000] =	vst v63  }
0x197: {  	s17 =	simm.s32 $0x3000;
	s16 =	sadd.s32 $0x5B8F00, s5;
	s8 =	simm.s32 $0xC  }
0x198: {  	[tilespmem:s17], [sflag:$0x1] =	stream.linear.gather [hbm4b:s16+s3], $0x400, $0x38;
	[tilespmem:$0xC000] =	vst v63  }
0x199: {  	s22 =	simm.s32 $0x3800;
	s24 =	simm.s32 $0x6;
	s18 =	sadd.s32 $0x6AD180, s5;
	v4 =	vor.u32 s8, v0  }
0x19a: {  	[tilespmem:s22], [sflag:$0x1] =	stream.linear.gather [hbm4b:s18+s3], $0x400, $0x38;
	[tilespmem:$0xC000] =	vst v63  }
0x19b: {  	v5 =	vor.u32 s24, v0;
	s13 =	simm.s32 $0x2;
	_ =	swait.ge [sflag:s26], $0x2000  }
0x19c: {  	s11 =	simm.s32 $0x0;
	v6 =	vor.u32 s13, v0;
	[sflag:s26] =	ssyncset.done $0x0  }
0x19d: {  	s25 =	simm.s32 $0x8;
	v7 =	vor.u32 s11, v0;
	[sflag:s26] =	ssyncadd.s32 $0xFFFFE000  }
0x19e: {  	v8 =	vor.u32 s25, v0;
	v4 =	vld.idx.msk [tilespmem:v4+s3+$0x0], $0xffff  }
0x19f: {  	v9 =	vor.u32 s8, v1;
	s12 =	simm.s32 $0x4  }
0x1a0: {  	v10 =	vor.u32 s12, v0;
	v5 =	vld.idx.msk [tilespmem:v5+s3+$0x0], $0xffff  }
0x1a1: {  	v11 =	vor.u32 s24, v1;
	v6 =	vld.idx.msk [tilespmem:v6+s3+$0x0], $0xffff  }
0x1a2: {  	s6 =	simm.s32 $0x8200;
	s10 =	simm.s32 $0xE;
	v12 =	vor.u32 s13, v1;
	v7 =	vld.idx.msk [tilespmem:v7+s3+$0x0], $0xffff  }
0x1a3: {  	v13 =	vor.u32 s10, v0;
	v8 =	vld.idx.msk [tilespmem:v8+s3+$0x0], $0xffff;
	[tilespmem:s6+$0x100] =	vst v4  }
0x1a4: {  	v4 =	vor.u32 s25, v1;
	v9 =	vld.idx.msk [tilespmem:v9+s3+$0x0], $0xffff  }
0x1a5: {  	v14 =	vor.u32 s8, v2;
	[tilespmem:s6+$0xFFFFFF80] =	vst v5;
	v5 =	vld.idx.msk [tilespmem:v10+s3+$0x0], $0xffff  }
0x1a6: {  	v10 =	vor.u32 s12, v1;
	[tilespmem:s6+$0xFFFFFE80] =	vst v6;
	v11 =	vld.idx.msk [tilespmem:v11+s3+$0x0], $0xffff  }
0x1a7: {  	v6 =	vor.u32 s24, v2;
	v12 =	vld.idx.msk [tilespmem:v12+s3+$0x0], $0xffff  }
0x1a8: {  	v15 =	vor.u32 s13, v2;
	v13 =	vld.idx.msk [tilespmem:v13+s3+$0x0], $0xffff;
	[tilespmem:s6+$0x0] =	vst v8  }
0x1a9: {  	v8 =	vor.u32 s11, v1;
	v16 =	vld.idx.msk [tilespmem:v4+s3+$0x0], $0xffff;
	[tilespmem:s6+$0x110] =	vst v9  }
0x1aa: {  	v4 =	vor.u32 s10, v1;
	[tilespmem:s6+$0xFFFFFF00] =	vst v5;
	v5 =	vld.idx.msk [tilespmem:v14+s3+$0x0], $0xffff  }
0x1ab: {  	[tilespmem:s6+$0xFFFFFF90] =	vst v11;
	v9 =	vld.idx.msk [tilespmem:v10+s3+$0x0], $0xffff;
	v10 =	vor.u32 s8, v3  }
0x1ac: {  	v11 =	vor.u32 s12, v2;
	[tilespmem:s6+$0xFFFFFE90] =	vst v12;
	v6 =	vld.idx.msk [tilespmem:v6+s3+$0x0], $0xffff  }
0x1ad: {  	[tilespmem:s6+$0xFFFFFE00] =	vst v7;
	s8 =	simm.s32 $0xA;
	v7 =	vld.idx.msk [tilespmem:v15+s3+$0x0], $0xffff  }
0x1ae: {  	s15 =	simm.s32 $0xD;
	[tilespmem:s6+$0x180] =	vst v13;
	v13 =	vld.idx.msk [tilespmem:v8+s3+$0x0], $0xffff;
	v15 =	vor.u32 s8, v0  }
0x1af: {  	v8 =	vor.u32 s13, v3;
	v14 =	vmov s15;
	v17 =	vld.idx.msk [tilespmem:v4+s3+$0x0], $0xffff;
	[tilespmem:s6+$0x120] =	vst v5  }
0x1b0: {  	s29 =	simm.s32 $0x7;
	v12 =	vor.u32 s24, v3;
	v14 =	vshll.u32 v14, $0x3;
	[tilespmem:s6+$0xFFFFFF10] =	vst v9;
	v9 =	vld.idx.msk [tilespmem:v10+s3+$0x0], $0xffff  }
0x1b1: {  	v4 =	vmov s29;
	v5 =	vand.u32 $0x7FFFFC00, v14;
	v14 =	vor.u32 s10, v2;
	[tilespmem:s6+$0xFFFFFFA0] =	vst v6;
	v6 =	vld.idx.msk [tilespmem:v11+s3+$0x0], $0xffff  }
0x1b2: {  	[tilespmem:s6+$0xFFFFFEA0] =	vst v7;
	v7 =	vor.u32 s12, v3;
	v10 =	vshll.u32 v4, $0x3;
	v4 =	vadd.s32 s15, v5  }
0x1b3: {  	s30 =	simm.s32 $0x3;
	v15 =	vld.idx.msk [tilespmem:v15+s3+$0x0], $0xffff;
	v5 =	vand.u32 $0x7FFFFC00, v10;
	v10 =	vadd.s32 v0, v4  }
0x1b4: {  	s31 =	simm.s32 $0x5;
	v19 =	vor.u32 s11, v2;
	v18 =	vld.idx.msk [tilespmem:v8+s3+$0x0], $0xffff;
	v8 =	vmov s30;
	[tilespmem:s6+$0x190] =	vst v17  }
0x1b5: {  	v11 =	vld.idx.msk [tilespmem:v12+s3+$0x0], $0xffff;
	v8 =	vshll.u32 v8, $0x3;
	v5 =	vadd.s32 s29, v5;
	[tilespmem:s6+$0x130] =	vst v9;
	v9 =	vmov s31  }
0x1b6: {  	v17 =	vor.u32 s25, v2;
	v14 =	vld.idx.msk [tilespmem:v14+s3+$0x0], $0xffff;
	[tilespmem:s6+$0xFFFFFF20] =	vst v6;
	v6 =	vand.u32 $0x7FFFFC00, v8;
	v20 =	vshll.u32 v9, $0x3  }
0x1b7: {  	v12 =	vadd.s32 v0, v5;
	v8 =	vadd.s32 s30, v6;
	v6 =	vld.idx.msk [tilespmem:v7+s3+$0x0], $0xffff;
	v7 =	vand.u32 $0x7FFFFC00, v20  }
0x1b8: {  	[tilespmem:s6+$0xFFFFFE10] =	vst v13;
	v9 =	vld.idx.msk [tilespmem:v10+s3+$0x0], $0xffff;
	v10 =	vor.u32 s10, v3;
	v7 =	vadd.s32 s31, v7  }
0x1b9: {  	[tilespmem:s6+$0x10] =	vst v16;
	v20 =	vadd.s32 v0, v7  }
0x1ba: {  	v21 =	vor.u32 s8, v1;
	v19 =	vld.idx.msk [tilespmem:v19+s3+$0x0], $0xffff;
	[tilespmem:s6+$0x80] =	vst v15  }
0x1bb: {  	[tilespmem:s6+$0xFFFFFFB0] =	vst v11;
	v11 =	vadd.s32 v0, v8;
	s10 =	simm.s32 $0xF;
	v23 =	vld.idx.msk [tilespmem:v17+s3+$0x0], $0xffff  }
0x1bc: {  	v17 =	vor.u32 s11, v3;
	v15 =	vmov s10;
	v13 =	vld.idx.msk [tilespmem:v12+s3+$0x0], $0xffff;
	[tilespmem:s6+$0x1A0] =	vst v14  }
0x1bd: {  	v22 =	vadd.s32 v1, v5;
	v14 =	vshll.u32 v15, $0x3;
	[tilespmem:s6+$0xFFFFFF30] =	vst v6;
	v16 =	vld.idx.msk [tilespmem:v10+s3+$0x0], $0xffff  }
0x1be: {  	v10 =	vand.u32 $0x7FFFFC00, v14;
	v15 =	vld.idx.msk [tilespmem:v20+s3+$0x0], $0xffff;
	v20 =	vor.u32 s25, v3  }
0x1bf: {  	[tilespmem:s6+$0xFFFFFEB0] =	vst v18;
	v12 =	vld.idx.msk [tilespmem:v21+s3+$0x0], $0xffff;
	v6 =	vadd.s32 s10, v10  }
0x1c0: {  	[tilespmem:s6+$0xFFFFFE20] =	vst v19;
	v14 =	vld.idx.msk [tilespmem:v11+s3+$0x0], $0xffff;
	v18 =	vadd.s32 v0, v6  }
0x1c1: {  	s16 =	simm.s32 $0x1;
	v19 =	vadd.s32 v1, v4;
	v11 =	vld.idx.msk [tilespmem:v17+s3+$0x0], $0xffff;
	[tilespmem:s6+$0xFFFFFFC0] =	vst v13  }
0x1c2: {  	s12 =	simm.s32 $0x1F;
	s15 =	simm.s32 $0x8600;
	s11 =	simm.s32 $0x0;
	v10 =	vadd.s32 v1, v7;
	v17 =	vadd.s32 v1, v8;
	[tilespmem:s6+$0x20] =	vst v23;
	v13 =	vld.idx.msk [tilespmem:v22+s3+$0x0], $0xffff  }
.LBB2_9:
0x1c3: {  	s25 =	sadd.s32 $0xFFFFFFF1, s12;
	s24 =	sadd.s32 $0xFFFFFFF7, s12;
	s29 =	sadd.s32 $0xFFFFFFFB, s12;
	v21 =	vor.u32 s16, v0;
	v20 =	vld.idx.msk [tilespmem:v20+s3+$0x0], $0xffff;
	[tilespmem:s6+$0x140] =	vst v9  }
0x1c4: {  	s13 =	sadd.s32 $0xFFFFFFF3, s12;
	s17 =	sadd.s32 $0xFFFFFFF9, s12;
	s5 =	sadd.s32 $0xFFFFFFFF, s12;
	v22 =	vor.u32 s25, v0;
	v23 =	vor.u32 s24, v0;
	v9 =	vor.u32 s29, v0;
	[tilespmem:s6+$0x1B0] =	vst v16  }
0x1c5: {  	s18 =	sadd.s32 $0xFFFFFFF5, s12;
	s22 =	sadd.s32 $0xFFFFFFFD, s12;
	s11 =	sadd.s32 $0x8, s11;
	v16 =	vor.u32 s13, v0;
	v24 =	vor.u32 s17, v0;
	v25 =	vor.u32 s5, v0;
	v18 =	vld.idx.msk [tilespmem:v18+s3+$0x0], $0xffff  }
0x1c6: {  	v26 =	vor.u32 s18, v0;
	v27 =	vor.u32 s22, v0;
	p2 =	slt.u32 s11, $0x38;
	[tilespmem:s6+$0xFFFFFEC0] =	vst v14;
	v14 =	vld.idx.msk [tilespmem:v19+s3+$0x0], $0xffff  }
0x1c7: {  	s0 =	sadd.s32 $0xFFFFFFFA, s10;
	v17 =	vld.idx.msk [tilespmem:v17+s3+$0x0], $0xffff;
	[tilespmem:s6+$0xFFFFFF40] =	vst v15;
	v15 =	vor.u32 s8, v2  }
0x1c8: {  	v19 =	vadd.s32 v1, v6;
	v10 =	vld.idx.msk [tilespmem:v10+s3+$0x0], $0xffff;
	[tilespmem:s6+$0xFFFFFFD0] =	vst v13;
	v13 =	vmov s0  }
0x1c9: {  	v22 =	vld.idx.msk [tilespmem:v22+s3+$0x0], $0xffff;
	[tilespmem:s6+$0xFFFFFE30] =	vst v11;
	v11 =	vshll.u32 v13, $0x3  }
0x1ca: {  	v13 =	vadd.s32 v2, v7;
	v25 =	vld.idx.msk [tilespmem:v25+s3+$0x0], $0xffff;
	v11 =	vand.u32 $0x7FFFFC00, v11;
	[tilespmem:s6+$0x90] =	vst v12  }
0x1cb: {  	v28 =	vor.u32 s25, v1;
	v12 =	vld.idx.msk [tilespmem:v21+s3+$0x0], $0xffff;
	v21 =	vadd.s32 s0, v11;
	[tilespmem:s6+$0x1C0] =	vst v18  }
0x1cc: {  	v18 =	vor.u32 s5, v1;
	v11 =	vadd.s32 v0, v21;
	v15 =	vld.idx.msk [tilespmem:v15+s3+$0x0], $0xffff;
	[tilespmem:s6+$0x150] =	vst v14  }
0x1cd: {  	v14 =	vor.u32 s22, v1;
	[tilespmem:s6+$0xFFFFFED0] =	vst v17;
	v17 =	vld.idx.msk [tilespmem:v19+s3+$0x0], $0xffff  }
0x1ce: {  	v29 =	vadd.s32 v2, v8;
	v19 =	vor.u32 s24, v1;
	v27 =	vld.idx.msk [tilespmem:v27+s3+$0x0], $0xffff;
	[tilespmem:s6+$0xFFFFFF50] =	vst v10  }
0x1cf: {  	v30 =	vor.u32 s8, v3;
	s8 =	smov.u32 s29;
	[tilespmem:s15+$0xFFFFFE00] =	vst v22;
	v22 =	vld.idx.msk [tilespmem:v13+s3+$0x0], $0xffff  }
0x1d0: {  	v31 =	vor.u32 s17, v1;
	v23 =	vld.idx.msk [tilespmem:v23+s3+$0x0], $0xffff;
	[tilespmem:s6+$0x30] =	vst v20  }
0x1d1: {  	v20 =	vor.u32 s13, v1;
	[tilespmem:s6+$0xFFFFFE40] =	vst v12;
	v11 =	vld.idx.msk [tilespmem:v11+s3+$0x0], $0xffff;
	v12 =	vadd.s32 v2, v6  }
0x1d2: {  	s0 =	sadd.s32 $0xFFFFFFFC, s10;
	s10 =	smov.u32 s12;
	v10 =	vor.u32 s25, v2;
	v24 =	vld.idx.msk [tilespmem:v24+s3+$0x0], $0xffff;
	[tilespmem:s6+$0xA0] =	vst v15  }
0x1d3: {  	v13 =	vor.u32 s5, v2;
	v15 =	vld.idx.msk [tilespmem:v29+s3+$0x0], $0xffff;
	v29 =	vmov s0;
	[tilespmem:s6+$0x1D0] =	vst v17  }
0x1d4: {  	v17 =	vor.u32 s22, v2;
	v16 =	vld.idx.msk [tilespmem:v16+s3+$0x0], $0xffff;
	[tilespmem:s15+$0x100] =	vst v27;
	v27 =	vadd.s32 v1, v21;
	v29 =	vshll.u32 v29, $0x3  }
0x1d5: {  	v32 =	vor.u32 s24, v2;
	[tilespmem:s6+$0xFFFFFF60] =	vst v22;
	v22 =	vld.idx.msk [tilespmem:v30+s3+$0x0], $0xffff;
	v29 =	vand.u32 $0x7FFFFC00, v29  }
0x1d6: {  	v30 =	vor.u32 s18, v1;
	[tilespmem:s15+$0xFFFFFF80] =	vst v23;
	v23 =	vadd.s32 s0, v29;
	v29 =	vld.idx.msk [tilespmem:v12+s3+$0x0], $0xffff  }
0x1d7: {  	v12 =	vor.u32 s17, v2;
	v19 =	vld.idx.msk [tilespmem:v19+s3+$0x0], $0xffff;
	[tilespmem:s6+$0x40] =	vst v11;
	v33 =	vadd.s32 v0, v23  }
0x1d8: {  	v34 =	vor.u32 s13, v2;
	v26 =	vld.idx.msk [tilespmem:v26+s3+$0x0], $0xffff;
	[tilespmem:s15+$0x0] =	vst v24  }
0x1d9: {  	v8 =	vadd.s32 v3, v8;
	[tilespmem:s6+$0xFFFFFEE0] =	vst v15;
	v15 =	vld.idx.msk [tilespmem:v27+s3+$0x0], $0xffff  }
0x1da: {  	v7 =	vadd.s32 v3, v7;
	[tilespmem:s15+$0xFFFFFE80] =	vst v16;
	v14 =	vld.idx.msk [tilespmem:v14+s3+$0x0], $0xffff  }
0x1db: {  	v11 =	vor.u32 s25, v3;
	v16 =	vld.idx.msk [tilespmem:v20+s3+$0x0], $0xffff;
	[tilespmem:s6+$0xB0] =	vst v22  }
0x1dc: {  	v20 =	vld.idx.msk [tilespmem:v33+s3+$0x0], $0xffff;
	[tilespmem:s6+$0x1E0] =	vst v29  }
0x1dd: {  	v24 =	vor.u32 s16, v1;
	v22 =	vld.idx.msk [tilespmem:v31+s3+$0x0], $0xffff;
	[tilespmem:s15+$0x180] =	vst v25  }
0x1de: {  	[tilespmem:s15+$0xFFFFFF00] =	vst v26;
	v8 =	vld.idx.msk [tilespmem:v8+s3+$0x0], $0xffff  }
0x1df: {  	v25 =	vor.u32 s18, v2;
	[tilespmem:s15+$0xFFFFFF90] =	vst v19;
	v7 =	vld.idx.msk [tilespmem:v7+s3+$0x0], $0xffff  }
0x1e0: {  	v19 =	vld.idx.msk [tilespmem:v28+s3+$0x0], $0xffff;
	[tilespmem:s15+$0x110] =	vst v14;
	v14 =	vadd.s32 v2, v21  }
0x1e1: {  	v26 =	vadd.s32 v1, v23;
	[tilespmem:s15+$0xFFFFFE90] =	vst v16;
	v16 =	vld.idx.msk [tilespmem:v32+s3+$0x0], $0xffff  }
0x1e2: {  	v24 =	vld.idx.msk [tilespmem:v24+s3+$0x0], $0xffff;
	[tilespmem:s6+$0x50] =	vst v15  }
0x1e3: {  	v15 =	vld.idx.msk [tilespmem:v34+s3+$0x0], $0xffff;
	[tilespmem:s15+$0x10] =	vst v22  }
0x1e4: {  	v22 =	vor.u32 s24, v3;
	v18 =	vld.idx.msk [tilespmem:v18+s3+$0x0], $0xffff;
	[tilespmem:s6+$0xFFFFFEF0] =	vst v8  }
0x1e5: {  	v8 =	vld.idx.msk [tilespmem:v14+s3+$0x0], $0xffff;
	[tilespmem:s6+$0xC0] =	vst v20;
	v14 =	vadd.s32 v2, v4  }
0x1e6: {  	v20 =	vor.u32 s16, v2;
	[tilespmem:s6+$0xFFFFFF70] =	vst v7;
	v7 =	vld.idx.msk [tilespmem:v26+s3+$0x0], $0xffff  }
0x1e7: {  	[tilespmem:s15+$0xFFFFFFA0] =	vst v16;
	v16 =	vld.idx.msk [tilespmem:v17+s3+$0x0], $0xffff;
	v17 =	vadd.s32 v3, v21  }
0x1e8: {  	v21 =	vld.idx.msk [tilespmem:v30+s3+$0x0], $0xffff;
	[tilespmem:s6+$0xFFFFFE50] =	vst v24;
	v24 =	vadd.s32 v2, v23  }
0x1e9: {  	[tilespmem:s15+$0xFFFFFE10] =	vst v19;
	v19 =	vld.idx.msk [tilespmem:v22+s3+$0x0], $0xffff;
	v22 =	vadd.s32 v2, v5  }
0x1ea: {  	v26 =	vor.u32 s22, v3;
	[tilespmem:s15+$0x190] =	vst v18;
	v14 =	vld.idx.msk [tilespmem:v14+s3+$0x0], $0xffff  }
0x1eb: {  	v18 =	vld.idx.msk [tilespmem:v20+s3+$0x0], $0xffff;
	[tilespmem:s6+$0x60] =	vst v8  }
0x1ec: {  	v6 =	vadd.s32 v3, v6;
	v8 =	vld.idx.msk [tilespmem:v17+s3+$0x0], $0xffff;
	[tilespmem:s6+$0xD0] =	vst v7  }
0x1ed: {  	v7 =	vor.u32 s16, v3;
	[tilespmem:s15+$0x120] =	vst v16;
	v16 =	vld.idx.msk [tilespmem:v24+s3+$0x0], $0xffff  }
0x1ee: {  	v20 =	vadd.s32 v3, v4;
	[tilespmem:s15+$0xFFFFFF10] =	vst v21;
	v17 =	vld.idx.msk [tilespmem:v22+s3+$0x0], $0xffff  }
0x1ef: {  	s0 =	sadd.s32 $0xFFFFFFFE, s12;
	v21 =	vor.u32 s13, v3;
	[tilespmem:s15+$0xFFFFFFB0] =	vst v19;
	v19 =	vld.idx.msk [tilespmem:v26+s3+$0x0], $0xffff  }
0x1f0: {  	v4 =	vmov s0;
	v22 =	vadd.s32 v3, v5;
	[tilespmem:s15+$0xFFFFFEA0] =	vst v15;
	v15 =	vld.idx.msk [tilespmem:v25+s3+$0x0], $0xffff  }
0x1f1: {  	v4 =	vshll.u32 v4, $0x3;
	s13 =	sadd.s32 $0xFFFFFFF8, s12;
	[tilespmem:s6+$0xFFFFFE60] =	vst v18;
	v18 =	vadd.s32 v3, v23;
	v6 =	vld.idx.msk [tilespmem:v6+s3+$0x0], $0xffff  }
0x1f2: {  	v4 =	vand.u32 $0x7FFFFC00, v4;
	v5 =	vmov s13;
	v7 =	vld.idx.msk [tilespmem:v7+s3+$0x0], $0xffff;
	[tilespmem:s6+$0x160] =	vst v14  }
0x1f3: {  	v4 =	vadd.s32 s0, v4;
	v5 =	vshll.u32 v5, $0x3;
	[tilespmem:s6+$0x70] =	vst v8;
	v14 =	vld.idx.msk [tilespmem:v20+s3+$0x0], $0xffff  }
0x1f4: {  	v5 =	vand.u32 $0x7FFFFC00, v5;
	v20 =	vadd.s32 v0, v4;
	v8 =	vld.idx.msk [tilespmem:v21+s3+$0x0], $0xffff;
	[tilespmem:s6+$0xFFFFFFE0] =	vst v17  }
0x1f5: {  	v5 =	vadd.s32 s13, v5;
	v17 =	vor.u32 s18, v3;
	v21 =	vld.idx.msk [tilespmem:v22+s3+$0x0], $0xffff;
	[tilespmem:s6+$0xE0] =	vst v16  }
0x1f6: {  	s0 =	sadd.s32 $0xFFFFFFF4, s12;
	[tilespmem:s15+$0xFFFFFF20] =	vst v15;
	v15 =	vadd.s32 v0, v5;
	v16 =	vld.idx.msk [tilespmem:v18+s3+$0x0], $0xffff  }
0x1f7: {  	s13 =	sadd.s32 $0xFFFFFFF6, s12;
	v18 =	vmov s0;
	v22 =	vld.idx.msk [tilespmem:v9+s3+$0x0], $0xffff;
	[tilespmem:s15+$0x130] =	vst v19  }
0x1f8: {  	v9 =	vshll.u32 v18, $0x3;
	v18 =	vmov s13;
	v13 =	vld.idx.msk [tilespmem:v13+s3+$0x0], $0xffff;
	[tilespmem:s6+$0xFFFFFE70] =	vst v7  }
0x1f9: {  	v19 =	vor.u32 s8, v1;
	v7 =	vand.u32 $0x7FFFFC00, v9;
	v18 =	vshll.u32 v18, $0x3;
	v9 =	vld.idx.msk [tilespmem:v20+s3+$0x0], $0xffff;
	[tilespmem:s6+$0x1F0] =	vst v6  }
0x1fa: {  	[tilespmem:s15+$0xFFFFFEB0] =	vst v8;
	v8 =	vadd.s32 s0, v7;
	v6 =	vld.idx.msk [tilespmem:v17+s3+$0x0], $0xffff;
	v7 =	vand.u32 $0x7FFFFC00, v18;
	v17 =	vor.u32 s5, v3  }
0x1fb: {  	v18 =	vadd.s32 v0, v8;
	v7 =	vadd.s32 s13, v7;
	v23 =	vld.idx.msk [tilespmem:v15+s3+$0x0], $0xffff;
	[tilespmem:s6+$0xFFFFFFF0] =	vst v21  }
0x1fc: {  	v21 =	vld.idx.msk [tilespmem:v10+s3+$0x0], $0xffff;
	v15 =	vadd.s32 v0, v7;
	v10 =	vadd.s32 v1, v7;
	[tilespmem:s6+$0xF0] =	vst v16  }
0x1fd: {  	v24 =	vadd.s32 v1, v5;
	v16 =	vmov s12;
	v25 =	vld.idx.msk [tilespmem:v12+s3+$0x0], $0xffff;
	[tilespmem:s15+$0x80] =	vst v22  }
0x1fe: {  	v12 =	vld.idx.msk [tilespmem:v19+s3+$0x0], $0xffff;
	[tilespmem:s15+$0x1A0] =	vst v13;
	v13 =	vshll.u32 v16, $0x3  }
.Ltmp6:
0x1ff: {  	v20 =	vor.u32 s17, v3;
	v16 =	vld.idx.msk [tilespmem:v17+s3+$0x0], $0xffff;
	v13 =	vand.u32 $0x7FFFFC00, v13;
	[tilespmem:s6+$0x170] =	vst v14;
	s6 =	smov.u32 s15;
	(pc) =	sbr.rel @p2 .LBB2_9-.Ltmp6, $4  }
0x200: {  	v14 =	vld.idx.msk [tilespmem:v18+s3+$0x0], $0xffff;
	[tilespmem:s15+$0xFFFFFF30] =	vst v6;
	v6 =	vadd.s32 s12, v13  }
0x201: {  	v15 =	vld.idx.msk [tilespmem:v15+s3+$0x0], $0xffff;
	[tilespmem:s15+$0xFFFFFFC0] =	vst v23;
	v18 =	vadd.s32 v0, v6  }
0x202: {  	v19 =	vadd.s32 v1, v4;
	[tilespmem:s15+$0xFFFFFE20] =	vst v21;
	v13 =	vld.idx.msk [tilespmem:v24+s3+$0x0], $0xffff  }
0x203: {  	s16 =	sadd.s32 $0xFFFFFFF2, s10;
	v17 =	vadd.s32 v1, v8;
	s12 =	sadd.s32 $0x10, s12;
	s15 =	sadd.s32 $0x400, s15;
	v11 =	vld.idx.msk [tilespmem:v11+s3+$0x0], $0xffff;
	[tilespmem:s6+$0x20] =	vst v25  }
0x204: {  	v21 =	vor.u32 s8, v2;
	_ =	sdelay $0x3  }
0x205: {  	[tilespmem:s6+$0x90] =	vst v12  }
0x206: {  	[tilespmem:s6+$0x140] =	vst v9;
	v21 =	vld.idx.msk [tilespmem:v21+s3+$0x0], $0xffff  }
0x207: {  	s0 =	sadd.s32 $0xFFFFFFFA, s10;
	v33 =	vor.u32 s8, v3;
	[tilespmem:s6+$0x1B0] =	vst v16  }
0x208: {  	v20 =	vld.idx.msk [tilespmem:v20+s3+$0x0], $0xffff;
	s29 =	sadd.s32 $0xFFFFFFFC, s10;
	v31 =	vmov s0;
	[tilespmem:s6+$0xFFFFFEC0] =	vst v14  }
0x209: {  	v36 =	vor.u32 s16, v0;
	v35 =	vmov s29;
	v18 =	vld.idx.msk [tilespmem:v18+s3+$0x0], $0xffff;
	v12 =	vshll.u32 v31, $0x3;
	[tilespmem:s6+$0xFFFFFF40] =	vst v15  }
0x20a: {  	v54 =	vadd.s32 v2, v5;
	v19 =	vld.idx.msk [tilespmem:v19+s3+$0x0], $0xffff;
	v16 =	vshll.u32 v35, $0x3;
	v32 =	vand.u32 $0x7FFFFC00, v12;
	[tilespmem:s6+$0xFFFFFFD0] =	vst v13  }
0x20b: {  	v37 =	vadd.s32 v1, v6;
	v17 =	vld.idx.msk [tilespmem:v17+s3+$0x0], $0xffff;
	v16 =	vand.u32 $0x7FFFFC00, v16;
	v9 =	vadd.s32 s0, v32;
	[tilespmem:s6+$0xA0] =	vst v21  }
0x20c: {  	v16 =	vadd.s32 s29, v16;
	[tilespmem:s6+$0xFFFFFE30] =	vst v11;
	v34 =	vadd.s32 v0, v9;
	v12 =	vld.idx.msk [tilespmem:v33+s3+$0x0], $0xffff  }
0x20d: {  	v10 =	vld.idx.msk [tilespmem:v10+s3+$0x0], $0xffff;
	[tilespmem:s6+$0x30] =	vst v20;
	v38 =	vadd.s32 v0, v16  }
0x20e: {  	v56 =	vadd.s32 v2, v4;
	v15 =	vld.idx.msk [tilespmem:v36+s3+$0x0], $0xffff;
	[tilespmem:s6+$0x1C0] =	vst v18  }
0x20f: {  	v39 =	vadd.s32 v2, v8;
	v59 =	vld.idx.msk [tilespmem:v54+s3+$0x0], $0xffff;
	[tilespmem:s6+$0x150] =	vst v19  }
0x210: {  	v42 =	vadd.s32 v2, v7;
	v13 =	vld.idx.msk [tilespmem:v37+s3+$0x0], $0xffff;
	[tilespmem:s6+$0xFFFFFED0] =	vst v17  }
0x211: {  	v41 =	vor.u32 s16, v1;
	v14 =	vld.idx.msk [tilespmem:v34+s3+$0x0], $0xffff;
	[tilespmem:s6+$0xB0] =	vst v12  }
0x212: {  	v40 =	vadd.s32 v1, v9;
	[tilespmem:s6+$0xFFFFFF50] =	vst v10;
	v44 =	vld.idx.msk [tilespmem:v38+s3+$0x0], $0xffff  }
0x213: {  	v45 =	vadd.s32 v1, v16;
	v61 =	vld.idx.msk [tilespmem:v56+s3+$0x0], $0xffff;
	[tilespmem:s6+$0xFFFFFE40] =	vst v15  }
0x214: {  	v5 =	vadd.s32 v3, v5;
	v11 =	vld.idx.msk [tilespmem:v39+s3+$0x0], $0xffff;
	[tilespmem:s6+$0xFFFFFFE0] =	vst v59  }
0x215: {  	v4 =	vadd.s32 v3, v4;
	v50 =	vld.idx.msk [tilespmem:v42+s3+$0x0], $0xffff;
	[tilespmem:s6+$0x1D0] =	vst v13  }
0x216: {  	v43 =	vadd.s32 v2, v6;
	v49 =	vld.idx.msk [tilespmem:v41+s3+$0x0], $0xffff;
	[tilespmem:s6+$0x40] =	vst v14  }
0x217: {  	v51 =	vor.u32 s16, v2;
	v47 =	vld.idx.msk [tilespmem:v40+s3+$0x0], $0xffff;
	[tilespmem:s6+$0xC0] =	vst v44  }
0x218: {  	v48 =	vadd.s32 v2, v9;
	[tilespmem:s6+$0x160] =	vst v61;
	v53 =	vld.idx.msk [tilespmem:v45+s3+$0x0], $0xffff  }
0x219: {  	v55 =	vadd.s32 v2, v16;
	v5 =	vld.idx.msk [tilespmem:v5+s3+$0x0], $0xffff;
	[tilespmem:s6+$0xFFFFFEE0] =	vst v11  }
0x21a: {  	v46 =	vadd.s32 v3, v8;
	v4 =	vld.idx.msk [tilespmem:v4+s3+$0x0], $0xffff;
	[tilespmem:s6+$0xFFFFFF60] =	vst v50  }
0x21b: {  	v52 =	vadd.s32 v3, v7;
	v12 =	vld.idx.msk [tilespmem:v43+s3+$0x0], $0xffff;
	[tilespmem:s6+$0xFFFFFE50] =	vst v49  }
0x21c: {  	v58 =	vadd.s32 v3, v6;
	v13 =	vld.idx.msk [tilespmem:v51+s3+$0x0], $0xffff;
	[tilespmem:s6+$0x50] =	vst v47  }
0x21d: {  	v57 =	vor.u32 s16, v3;
	v10 =	vld.idx.msk [tilespmem:v48+s3+$0x0], $0xffff;
	[tilespmem:s6+$0xD0] =	vst v53  }
0x21e: {  	v9 =	vadd.s32 v3, v9;
	[tilespmem:s6+$0xFFFFFFF0] =	vst v5;
	v60 =	vld.idx.msk [tilespmem:v55+s3+$0x0], $0xffff  }
0x21f: {  	v62 =	vadd.s32 v3, v16;
	v8 =	vld.idx.msk [tilespmem:v46+s3+$0x0], $0xffff;
	[tilespmem:s6+$0x170] =	vst v4  }
0x220: {  	v7 =	vld.idx.msk [tilespmem:v52+s3+$0x0], $0xffff;
	[tilespmem:s6+$0x1E0] =	vst v12  }
0x221: {  	[tilespmem:s6+$0xFFFFFE60] =	vst v13;
	v6 =	vld.idx.msk [tilespmem:v58+s3+$0x0], $0xffff  }
0x222: {  	v63 =	vld.idx.msk [tilespmem:v57+s3+$0x0], $0xffff;
	[tilespmem:s6+$0x60] =	vst v10  }
0x223: {  	v9 =	vld.idx.msk [tilespmem:v9+s3+$0x0], $0xffff;
	[tilespmem:s6+$0xE0] =	vst v60  }
0x224: {  	[tilespmem:s6+$0xFFFFFEF0] =	vst v8;
	v8 =	vld.idx.msk [tilespmem:v62+s3+$0x0], $0xffff  }
0x225: {  	[tilespmem:s6+$0xFFFFFF70] =	vst v7  }
0x226: {  	[tilespmem:s6+$0x1F0] =	vst v6  }
0x227: {  	[tilespmem:s6+$0xFFFFFE70] =	vst v63  }
0x228: {  	[tilespmem:s6+$0x70] =	vst v9  }
0x229: {  	[tilespmem:s6+$0xF0] =	vst v8  }
.Ltmp7:
0x22a: {  	s31 =	simm.s32 $0x3;
	s30 =	rddreg [dreg:$0xb];
	(pc) =	sbr.rel .LBB2_11-.Ltmp7, $4  }
0x22b: {  	[hbm4b:s30+s3] =	stream.linear.scatter [tilespmem:s19], [sflag:$0x3], $0x2000, $0x38;
	[tilespmem:$0xC000] =	vst v63  }
0x22c: {  	_ =	swait.ge [sflag:s31], $0x2000  }
0x22d: {  	[sflag:s31] =	ssyncset.done $0x0  }
0x22e: {  	s10 =	rddreg [dreg:$0x10];
	[sflag:s31] =	ssyncadd.s32 $0xFFFFE000  }
.LBB2_12:
0x22f: {  	_ =	sfence.sel $0x180000  }
0x230: {  	[bflag:$0x0] =	sbarrier.arrive $0xFFFF  }
0x231: {  	_ =	strace $0x90000047  }
0x232: {  	s0 =	stileid.u32;
	[bflag:$0x2] =	sbarrier.arrive $0xFFFF  }
0x233: {  	p0 =	sne.s32 s0, $0x0;
	s0 =	rddreg [dreg:$0x3]  }
0x234: {  	s0 =	sadd.s32 @!p0 $0x100000, s0  }
0x235: {  	[sflag:s0] =	ssyncadd.tile.s32 @!p0 $0x1;
	_ =	shalt  }
.Lfunc_end2:
_tile_overlayer_lowered:
.L_overlay_start_2:
0x236: {  	(tag) =	ssettag $0x2  }
0x237: {  	s0 =	rddreg [dreg:$0x0];
	s2 =	stileid.u32  }
0x238: {  	s1 =	rddreg [dreg:$0x1];
	p0 =	sne.s32 s2, $0x0  }
0x239: {  	s3 =	rddreg [dreg:$0x2];
	[bflag:$0x3] =	sbarrier.arrive $0xFFFF;
	s2 =	simm.s32 @!p0 $0x1C05  }
0x23a: {  	[timem:s3], [sflag:s2] =	dma.local @!p0 [hbm:s0], s1  }
0x23b: {  	s0 =	simm.s32 @!p0 $0x5  }
0x23c: {  	_ =	swait.ge @!p0 [sflag:s0], s1  }
0x23d: {  	s1 =	ssub.s32 @!p0 $0x0, s1;
	[sflag:s0] =	ssyncset.done @!p0 $0x0  }
0x23e: {  	[sflag:s0] =	ssyncadd.s32 @!p0 s1  }
0x23f: {  	[bflag:$0x3] =	sbarrier.arrive $0xFFFF  }
0x240: {  	_ =	shalt  }

// kernel: kernel.7.cloned.1.call-start
scs
__scs_entry_jumppad:
0x0: {  	(pc) =	sbr.rel $0x88, $3  }
0x1: {  	(tag) =	ssettag $0x0;
	lr =	simm.s32 $0x1  }
0x2: {  	[smem:$0x3F9F] =	sst lr;
	_ =	strace $0xD0000000  }
0x3: {  	_ = 	snop  }
0x4: {  	_ = 	snop  }
0x5: {  	_ = 	snop  }
0x6: {  	_ = 	snop  }
0x7: {  	_ = 	snop  }
__scs_overlays_trampoline_lowered:
0x8: {  	[smem:$0x3FAE] =	sst s0  }
0x9: {  	[smem:$0x3FAF] =	sst s1  }
0xa: {  	[smem:$0x3FB0] =	sst s2  }
0xb: {  	[smem:$0x3FB1] =	sst s3  }
0xc: {  	[smem:$0x3FB2] =	sst s4  }
0xd: {  	[smem:$0x3FB3] =	sst s5  }
0xe: {  	[smem:$0x3FB4] =	sst s6  }
0xf: {  	[smem:$0x3FB5] =	sst s7  }
0x10: {  	[smem:$0x3FB6] =	sst s8  }
0x11: {  	[smem:$0x3FB7] =	sst s9;
	s0 =	simm.s32 @!p0 $0x0  }
0x12: {  	s1 =	sld [smem:$0x3F9D];
	s0 =	simm.s32 @p0 $0x1  }
0x13: {  	[smem:$0x3FB8] =	sst s0;
	s0 =	simm.s32 @!p1 $0x0  }
0x14: {  	s2 =	sld [smem:$0x3F9C];
	s0 =	simm.s32 @p1 $0x1  }
0x15: {  	[smem:$0x3FB9] =	sst s0;
	s0 =	simm.s32 @!p2 $0x0  }
0x16: {  	s3 =	sld [smem:$0x3FDB];
	s0 =	simm.s32 @p2 $0x1  }
0x17: {  	s4 =	simm.s32 $0x1BF5;
	[smem:$0x3FBB] =	sst s0  }
0x18: {  	s0 =	sld [smem:$0x3F9E];
	_ =	swait.ge [sflag:s4], $0x0  }
0x19: {  	s7 =	sld [smem:$0x3F9F]  }
0x1a: {  	s8 =	sadd.s32 $0xFFFFE003, lr  }
0x1b: {  	s9 =	sadd.s32 $0xFFFFFEF7, lr;
	s5 =	simm.s32 $0xFFFFFFFF;
	p2 =	slt.u32 s8, $0xFFFFF086  }
0x1c: {  	p1 =	slt.u32 s9, $0xF7A;
	s5 =	simm.s32 @!p2 $0x0  }
0x1d: {  	s5 =	simm.s32 @p1 $0x1;
	p0 =	seq.s32 s7, s2  }
0x1e: {  	s7 =	smul.u32 @!p0 $0xF7A, s2;
	p2 =	seq.s32 @!p0 s5, $0x0  }
0x1f: {  	s9 =	smul.u32 $0xF7A, s1;
	s8 =	simm.s32 @!p0 $0x1BF5;
	p2 =	por !p2, p0  }
0x20: {  	[sflag:s8] =	ssyncset.s32 @!p0 $0xFFFFF086;
	s6 =	sadd.s32 @!p0 s3, s7;
	s7 =	simm.s32 @!p0 $0x108  }
0x21: {  	s3 =	sadd.s32 s3, s9;
	s6 =	sadd.s32 @!p0 $0x88, s6;
	s7 =	simm.s32 @p2 $0x1082  }
0x22: {  	[simem:s7], [sflag:s8] =	dma.local @!p0 [hbm:s6], $0xF7A  }
0x23: {  	s9 =	sor.u32 $0xD0000000, s2;
	s6 =	simm.s32 $0x108;
	_ =	swait.ge @!p0 [sflag:s8], $0x0  }
0x24: {  	s3 =	sadd.s32 $0x88, s3;
	s6 =	simm.s32 @!p1 $0x1082;
	[sflag:s4] =	ssyncset.s32 $0xFFFFF086  }
0x25: {  	[simem:s6], [sflag:s4] =	dma.local [hbm:s3], $0xF7A  }
0x26: {  	[smem:$0x3F9F] =	sst s1;
	(tag) =	ssettag s2;
	_ =	strace s9  }
0x27: {  	s1 =	sld [smem:$0x3FAF]  }
0x28: {  	s2 =	sld [smem:$0x3FB0]  }
0x29: {  	s4 =	sld [smem:$0x3FB2]  }
0x2a: {  	p0 =	seq.s32 s5, $0x0;
	s5 =	sld [smem:$0x3FB3]  }
0x2b: {  	s6 =	sld [smem:$0x3FB4]  }
0x2c: {  	s7 =	sld [smem:$0x3FB5]  }
0x2d: {  	s3 =	simm.s32 $0x108;
	s8 =	sld [smem:$0x3FB6]  }
0x2e: {  	s3 =	simm.s32 @!p0 $0x1082;
	s9 =	sld [smem:$0x3FB7]  }
0x2f: {  	lr =	sadd.s32 s0, s3;
	s0 =	sld [smem:$0x3FAE]  }
0x30: {  	s3 =	sld [smem:$0x3FB1]  }
0x31: {  	[smem:$0x3FBA] =	sst s10  }
0x32: {  	s10 =	sld [smem:$0x3FB8];
	_ =	sdelay $0x3  }
0x33: {  	p0 =	seq.s32 s10, $0x1;
	s10 =	sld [smem:$0x3FBA];
	_ =	sdelay $0x3  }
0x34: {  	[smem:$0x3FBA] =	sst s10  }
0x35: {  	s10 =	sld [smem:$0x3FB9];
	_ =	sdelay $0x3  }
0x36: {  	p1 =	seq.s32 s10, $0x1;
	s10 =	sld [smem:$0x3FBA];
	_ =	sdelay $0x3  }
0x37: {  	[smem:$0x3FBA] =	sst s10  }
0x38: {  	s10 =	sld [smem:$0x3FBB]  }
0x39: {  	_ = 	snop;
	(pc) =	sbr.ind lr, $3  }
0x3a: {  	_ = 	snop  }
0x3b: {  	_ = 	snop  }
0x3c: {  	p2 =	seq.s32 s10, $0x1;
	s10 =	sld [smem:$0x3FBA]  }
0x3d: {  	_ =	shalt  }
0x3e: {  	_ =	shalt  }
0x3f: {  	_ =	shalt  }
0x40: {  	_ =	shalt  }
0x41: {  	_ =	shalt  }
0x42: {  	_ =	shalt  }
0x43: {  	_ =	shalt  }
0x44: {  	_ =	shalt  }
0x45: {  	_ =	shalt  }
0x46: {  	_ =	shalt  }
0x47: {  	_ =	shalt  }
0x48: {  	_ =	shalt  }
0x49: {  	_ =	shalt  }
0x4a: {  	_ =	shalt  }
0x4b: {  	_ =	shalt  }
0x4c: {  	_ =	shalt  }
0x4d: {  	_ =	shalt  }
0x4e: {  	_ =	shalt  }
0x4f: {  	_ =	shalt  }
0x50: {  	_ =	shalt  }
0x51: {  	_ =	shalt  }
0x52: {  	_ =	shalt  }
0x53: {  	_ =	shalt  }
0x54: {  	_ =	shalt  }
0x55: {  	_ =	shalt  }
0x56: {  	_ =	shalt  }
0x57: {  	_ =	shalt  }
0x58: {  	_ =	shalt  }
0x59: {  	_ =	shalt  }
0x5a: {  	_ =	shalt  }
0x5b: {  	_ =	shalt  }
0x5c: {  	_ =	shalt  }
0x5d: {  	_ =	shalt  }
0x5e: {  	_ =	shalt  }
0x5f: {  	_ =	shalt  }
0x60: {  	_ =	shalt  }
0x61: {  	_ =	shalt  }
0x62: {  	_ =	shalt  }
0x63: {  	_ =	shalt  }
0x64: {  	_ =	shalt  }
0x65: {  	_ =	shalt  }
0x66: {  	_ =	shalt  }
0x67: {  	_ =	shalt  }
0x68: {  	_ =	shalt  }
0x69: {  	_ =	shalt  }
0x6a: {  	_ =	shalt  }
0x6b: {  	_ =	shalt  }
0x6c: {  	_ =	shalt  }
0x6d: {  	_ =	shalt  }
0x6e: {  	_ =	shalt  }
0x6f: {  	_ =	shalt  }
0x70: {  	_ =	shalt  }
0x71: {  	_ =	shalt  }
0x72: {  	_ =	shalt  }
0x73: {  	_ =	shalt  }
0x74: {  	_ =	shalt  }
0x75: {  	_ =	shalt  }
0x76: {  	_ =	shalt  }
0x77: {  	_ =	shalt  }
0x78: {  	_ =	shalt  }
0x79: {  	_ =	shalt  }
0x7a: {  	_ =	shalt  }
0x7b: {  	_ =	shalt  }
0x7c: {  	_ =	shalt  }
0x7d: {  	_ =	shalt  }
0x7e: {  	_ =	shalt  }
0x7f: {  	_ =	shalt  }
0x80: {  	_ =	shalt  }
0x81: {  	_ =	shalt  }
0x82: {  	_ =	shalt  }
0x83: {  	_ =	shalt  }
0x84: {  	_ =	shalt  }
0x85: {  	_ =	shalt  }
0x86: {  	_ =	shalt  }
0x87: {  	_ =	shalt  }
.Lfunc_end0:
.L_simem_size_0:
called_computation.1_lowered:
.L_overlay_start_0:
0x88: {  	s2 =	sld [smem:$0x3FD9]  }
0x89: {  	s3 =	sld [smem:$0x3FFE];
	_ =	sdelay $0x1  }
0x8a: {  	s1 =	srdreg.scid  }
0x8b: {  	s0 =	sand.u32 $0x1, s1  }
0x8c: {  	s17 =	sshll.u32 s0, $0xA;
	s2 =	sadd.s32 s3, s2  }
0x8d: {  	s2 =	sadd.s32 s2, s17  }
0x8e: {  	[smem:$0x3FC6] =	sst s2  }
0x8f: {  	_ = 	snop  }
0x90: {  	s2 =	sld [smem:$0x3FD0];
	(tm) =	ssettm $0x1  }
0x91: {  	s18 =	sld [smem:$0x3FFB];
	_ =	sdelay $0x3  }
0x92: {  	_ =	strace s18  }
0x93: {  	s3 =	sld [smem:$0x3FFC];
	_ =	sdelay $0x3  }
0x94: {  	_ =	strace s3  }
0x95: {  	s3 =	sld [smem:$0x3FFD];
	_ =	sdelay $0x3  }
0x96: {  	_ =	strace s3  }
0x97: {  	_ =	strace $0x8FFFFFFF  }
0x98: {  	s19 =	sld [smem:$0x3FDB];
	_ =	sdelay $0x1  }
0x99: {  	s4 =	simm.s32 $_scs_section_size  }
0x9a: {  	s5 =	simm.s32 $_size__tile_overlayer_lowered;
	s6 =	simm.s32 $_tile_overlayer_lowered  }
0x9b: {  	s22 =	simm.s32 $0x1BFF;
	s21 =	sshll.u32 s6, $0x1;
	s3 =	sadd.s32 s4, s19  }
0x9c: {  	s7 =	simm.s32 $0x0;
	s20 =	sshll.u32 s5, $0x1;
	s5 =	sadd.s32 s21, s3  }
0x9d: {  	[timem:s7], [sflag:s22] =	dma.local [hbm:s5], s20  }
0x9e: {  	_ =	swait.ge [sflag:s22], s20  }
0x9f: {  	s4 =	ssub.s32 $0x0, s20;
	[sflag:s22] =	ssyncset.done $0x0  }
0xa0: {  	[sflag:s22] =	ssyncadd.s32 s4;
	_ =	sdelay $0x1  }
0xa1: {  	s23 =	simm.s32 $0x1B8B  }
0xa2: {  	_ =	swait.ge [sflag:s23], $0x1  }
0xa3: {  	[sflag:s23] =	ssyncset.done $0x0  }
0xa4: {  	s25 =	simm.s32 $0x1B8E;
	s24 =	sld [smem:$0x3FFE];
	[sflag:s23] =	ssyncadd.s32 $0xFFFFFFFF  }
0xa5: {  	s26 =	simm.s32 $execute0_lowered;
	[smem:$0x3FD2] =	sst s25  }
0xa6: {  	s5 =	sshll.u32 s26, $0x1;
	_ =	strace $0x80000049;
	[dreg:$0x1] =	wrdreg $0xFFFFFFFF  }
0xa7: {  	s28 =	simm.s32 $_size_execute0_lowered;
	s3 =	sadd.s32 s3, s5;
	[dreg:$0x0] =	wrdreg $0x0  }
0xa8: {  	s5 =	sshll.u32 s28, $0x1;
	[dreg:$0x2] =	wrdreg s3  }
0xa9: {  	[dreg:$0x3] =	wrdreg s5  }
0xaa: {  	[dreg:$0x4] =	wrdreg $0xC0  }
0xab: {  	_ =	task [dreg:s7], $0x5FFFF  }
0xac: {  	[dreg:$0x1] =	wrdreg $0xFFFFFFFF  }
0xad: {  	[dreg:$0x0] =	wrdreg $0x60  }
0xae: {  	[dreg:$0x2] =	wrdreg s24  }
0xaf: {  	[dreg:$0x3] =	wrdreg s2  }
0xb0: {  	[dreg:$0x4] =	wrdreg $0x9  }
0xb1: {  	_ =	task.clear_ibuf [dreg:s7], $0x5FFFF;
	_ =	strace $0x90000049  }
0xb2: {  	s29 =	simm.s32 $0x9;
	_ =	strace $0x8000004B  }
0xb3: {  	_ =	swait.ge [sflag:s29], $0x1  }
0xb4: {  	[sflag:s29] =	ssyncadd.s32 $0xFFFFFFFF  }
0xb5: {  	_ =	strace $0x9000004B  }
0xb6: {  	_ =	sfence  }
0xb7: {  	s30 =	sld [smem:$0x0];
	_ =	sdelay $0x2  }
0xb8: {  	s31 =	sshll.u32 s1, $0xD;
	s1 =	sshrl.u32 s1, $0x2  }
0xb9: {  	s3 =	sand.u32 $0x4000, s31;
	s1 =	sadd.s32 s1, s30  }
0xba: {  	s0 =	sor.u32 s3, s0;
	s1 =	sshll.u32 s1, $0x11  }
0xbb: {  	s0 =	sor.u32 s1, s0  }
0xbc: {  	s0 =	sadd.s32 $0x8F2B, s0  }
0xbd: {  	[sflag:s0] =	ssyncadd.remote.s32 $0x1  }
0xbe: {  	_ =	sfence.sel $0xFFFF  }
0xbf: {  	[dreg:$0x0] =	wrdreg $0xFFFFFFFF;
	(pc) =	sbr.abs _section_cstart, $3  }
0xc0: {  	[dreg:$0x1] =	wrdreg $0xFFFFFFFF  }
0xc1: {  	_ =	task.clear_ibuf [dreg:s7], $0x2FFFF;
	_ =	strace $0x9FFFFFFF  }
0xc2: {  	(tm) =	ssettm $0x7FFFFFFF  }
0xc3: {  	_ =	shalt  }
tec
execute0_lowered:
.L_overlay_start_1:
0x0: {  	(tag) =	ssettag $0x1  }
0x1: {  	s0 =	srdreg.scid;
	s5 =	rddreg [dreg:$0x0]  }
0x2: {  	s1 =	stileid.u32;
	s2 =	rddreg [dreg:$0x1];
	s3 =	simm.s32 $0x0  }
0x3: {  	s17 =	simm.s32 $0x1;
	s18 =	simm.s32 $0x80;
	s20 =	simm.s32 $0x3;
	v0 =	vlaneseq.u32  }
0x4: {  	s21 =	simm.s32 $0x4100;
	s28 =	simm.s32 $0x4;
	s29 =	simm.s32 $0x6;
	v0 =	vmul.u32 $0x88, v0  }
0x5: {  	s30 =	simm.s32 $0x6300;
	v1 =	vimm.s32 $0x0;
	vm0 =	vcmask $0x300;
	s15 =	simm.s32 $0x8368;
	s19 =	simm.s32 $0x83F0  }
0x6: {  	s22 =	simm.s32 $0x8478;
	s0 =	sand.u32 $0x1, s0;
	s1 =	sshll.u32 s1, $0x1;
	v1 =	vsel vm0, $0x3, v1;
	v2 =	vadd.s32 $0x880, v0  }
0x7: {  	[smem:$0x7FF] =	sst s3;
	s9 =	sadd.s32 $0x8000, s2;
	s1 =	sor.u32 s0, s1;
	v3 =	vadd.s32 $0x1100, v0;
	v4 =	vadd.s32 $0x1980, v0;
	v5 =	vor.u32 $0x1, v0  }
0x8: {  	s10 =	sadd.s32 $0xC000, s2;
	s11 =	sadd.s32 $0x10000, s2;
	s4 =	smul.u32 $0x6400, s1;
	v6 =	vadd.s32 $0x881, v0;
	v7 =	vadd.s32 $0x1101, v0;
	v8 =	vadd.s32 $0x1981, v0  }
0x9: {  	s12 =	sadd.s32 $0x14000, s2;
	s13 =	sadd.s32 $0x18000, s2;
	s6 =	smul.u32 $0x2400, s1;
	v9 =	vor.u32 $0x2, v0;
	v10 =	vadd.s32 $0x882, v0;
	v11 =	vadd.s32 $0x1102, v0  }
0xa: {  	s14 =	sadd.s32 $0x1C000, s2;
	_ =	strace $0x8000004A;
	s0 =	ssub.s32 $0x2, s0;
	v12 =	vadd.s32 $0x1982, v0;
	v13 =	vor.u32 $0x3, v0;
	v14 =	vadd.s32 $0x883, v0  }
0xb: {  	s25 =	sshrl.u32 s0, $0x1;
	v15 =	vadd.s32 $0x1103, v0;
	v16 =	vadd.s32 $0x1983, v0;
	v17 =	vor.u32 $0x4, v0;
	s7 =	sand.u32 $0xFC000, s4;
	s6 =	sand.u32 $0x3C00, s6  }
0xc: {  	v18 =	vadd.s32 $0x884, v0;
	v19 =	vadd.s32 $0x1104, v0;
	v20 =	vadd.s32 $0x1984, v0;
	s0 =	ssub.s32 s0, s25;
	s4 =	sadd.s32 $0x7A1C00, s5;
	s6 =	sor.u32 s6, s7  }
0xd: {  	v21 =	vor.u32 $0x5, v0;
	v22 =	vadd.s32 $0x885, v0;
	v23 =	vadd.s32 $0x1105, v0;
	s0 =	smax.u32 s0, $0x1;
	s8 =	sshrl.u32 s6, $0x3;
	s6 =	smul.u32 $0xC8, s1  }
0xe: {  	v24 =	vadd.s32 $0x1985, v0;
	v25 =	vor.u32 $0x6, v0;
	v26 =	vadd.s32 $0x886, v0;
	s25 =	simm.s32 $0x2;
	[dreg:$0x5] =	wrdreg s0;
	s26 =	sadd.s32 s4, s8  }
0xf: {  	v27 =	vadd.s32 $0x1106, v0;
	v28 =	vadd.s32 $0x1986, v0;
	v29 =	vor.u32 $0x7, v0;
	s5 =	sadd.s32 $0xA00, s5;
	[dreg:$0x3] =	wrdreg s26;
	s31 =	sor.u32 $0x2, s6  }
0x10: {  	v30 =	vadd.s32 $0x887, v0;
	v31 =	vadd.s32 $0x1107, v0;
	v32 =	vadd.s32 $0x1987, v0;
	s1 =	simm.s32 $0x0;
	s8 =	sadd.s32 $0x4000, s2;
	[dreg:$0x4] =	wrdreg s31  }
.LBB2_1:
0x11: {  	[dreg:$0x6] =	wrdreg s1  }
0x12: {  	s0 =	rddreg [dreg:$0x3];
	s23 =	simm.s32 $0x0  }
0x13: {  	[tilespmem:s3], [sflag:$0x1] =	stream.linear.gather [hbm4b:s0+s3], $0x80, $0x38;
	[tilespmem:$0x8500] =	vst v63  }
.LBB2_2:
0x14: {  	_ =	swait.ge [sflag:s17], $0x80;
	s26 =	sshll.u32 s23, $0x1  }
0x15: {  	[sflag:s17] =	ssyncset.done $0x0;
	s31 =	sadd.s32 s6, s26  }
0x16: {  	s0 =	simm.s32 $0x100;
	[sflag:s17] =	ssyncadd.s32 $0xFFFFFF80;
	s24 =	sadd.s32 $0x1, s31  }
0x17: {  	[tilespmem:s0], [sflag:$0x3] =	stream.indirect.gather [hbm4b:s5+s18], $0x40, s3, s18, $0xb8;
	[tilespmem:$0x8500] =	vst v63  }
0x18: {  	s7 =	sshll.u32 s24, $0x4  }
0x19: {  	s0 =	sand.u32 $0xFFFFFF0, s7  }
0x1a: {  	s0 =	sadd.s32 s4, s0  }
0x1b: {  	[tilespmem:s18], [sflag:$0x2] =	stream.linear.gather [hbm4b:s0+s3], $0x80, $0x38;
	[tilespmem:$0x8500] =	vst v63  }
0x1c: {  	_ =	swait.ge [sflag:s20], $0x2000  }
0x1d: {  	p0 =	seq.s32 s23, $0x0;
	[sflag:s20] =	ssyncset.done $0x0  }
0x1e: {  	s0 =	simm.s32 @!p0 $0x5;
	[sflag:s20] =	ssyncadd.s32 $0xFFFFE000  }
0x1f: {  	_ =	swait.ge @!p0 [sflag:s0], $0x400  }
0x20: {  	[sflag:s0] =	ssyncset.done @!p0 $0x0  }
0x21: {  	[sflag:s0] =	ssyncadd.s32 @!p0 $0xFFFFFC00  }
0x22: {  	_ =	swait.ge @!p0 [sflag:s0], $0x400  }
0x23: {  	[sflag:s0] =	ssyncset.done @!p0 $0x0  }
0x24: {  	[sflag:s0] =	ssyncadd.s32 @!p0 $0xFFFFFC00  }
0x25: {  	_ =	swait.ge @!p0 [sflag:s0], $0x400  }
0x26: {  	[sflag:s0] =	ssyncset.done @!p0 $0x0  }
0x27: {  	[sflag:s0] =	ssyncadd.s32 @!p0 $0xFFFFFC00  }
0x28: {  	_ =	swait.ge @!p0 [sflag:s0], $0x400  }
0x29: {  	[sflag:s0] =	ssyncset.done @!p0 $0x0  }
0x2a: {  	[sflag:s0] =	ssyncadd.s32 @!p0 $0xFFFFFC00  }
0x2b: {  	_ =	swait.ge @!p0 [sflag:s0], $0x400  }
0x2c: {  	[sflag:s0] =	ssyncset.done @!p0 $0x0  }
0x2d: {  	[sflag:s0] =	ssyncadd.s32 @!p0 $0xFFFFFC00  }
0x2e: {  	s1 =	simm.s32 $0x0;
	_ =	swait.ge @!p0 [sflag:s0], $0x400  }
0x2f: {  	s16 =	simm.s32 $0x3;
	v33 =	vmov s1;
	s1 =	simm.s32 $0x1;
	[sflag:s0] =	ssyncset.done @!p0 $0x0  }
0x30: {  	v36 =	vmov s16;
	s16 =	simm.s32 $0x4;
	v34 =	vmov s1;
	s7 =	simm.s32 $0x2;
	[sflag:s0] =	ssyncadd.s32 @!p0 $0xFFFFFC00  }
0x31: {  	v33 =	vshrl.u32 v33, $0x3;
	v37 =	vmov s16;
	s16 =	simm.s32 $0x5;
	v35 =	vmov s7;
	s7 =	simm.s32 $0x7;
	_ =	swait.ge @!p0 [sflag:s0], $0x400  }
0x32: {  	v36 =	vshrl.u32 v36, $0x3;
	v39 =	vmov s16;
	v38 =	vmov s7;
	[sflag:s0] =	ssyncset.done @!p0 $0x0  }
0x33: {  	v33 =	vshll.u32 v33, v1;
	v34 =	vshrl.u32 v34, $0x3;
	v38 =	vshrl.u32 v38, $0x3;
	[sflag:s0] =	ssyncadd.s32 @!p0 $0xFFFFFC00  }
0x34: {  	s16 =	simm.s32 $0x6;
	v37 =	vshrl.u32 v37, $0x3;
	v53 =	vshll.u32 v36, v1;
	v38 =	vshll.u32 v38, v1;
	_ =	swait.ge @!p0 [sflag:s0], $0x400  }
0x35: {  	v40 =	vmov s16;
	v33 =	vbroadcast v33, $0x0;
	v38 =	vbroadcast v38, $0x0;
	[sflag:s0] =	ssyncset.done @!p0 $0x0  }
0x36: {  	s1 =	simm.s32 $0x200;
	v34 =	vshll.u32 v34, v1;
	v54 =	vshll.u32 v37, v1;
	v35 =	vshrl.u32 v35, $0x3;
	[sflag:s0] =	ssyncadd.s32 @!p0 $0xFFFFFC00  }
0x37: {  	v45 =	vbroadcast v34, $0x0;
	v52 =	vshll.u32 v35, v1;
	v42 =	vadd.s32 v29, v38;
	v41 =	vld [tilespmem:s1+$0xC0]  }
0x38: {  	v55 =	vshrl.u32 v39, $0x3;
	v44 =	vadd.s32 v0, v33;
	v52 =	vbroadcast v52, $0x0;
	v43 =	vld [tilespmem:s1+$0xFFFFFF00]  }
0x39: {  	v34 =	vbroadcast v54, $0x0;
	v47 =	vadd.s32 v5, v45;
	v35 =	vbroadcast v53, $0x0;
	v46 =	vld [tilespmem:s1+$0xFFFFFF40]  }
0x3a: {  	v36 =	vshll.u32 v55, v1;
	v40 =	vshrl.u32 v40, $0x3;
	v49 =	vadd.s32 v9, v52;
	v48 =	vld [tilespmem:s1+$0xFFFFFF80]  }
0x3b: {  	v37 =	vbroadcast v36, $0x0;
	v56 =	vshll.u32 v40, v1;
	v50 =	vadd.s32 v13, v35;
	v39 =	vld [tilespmem:s1+$0xFFFFFFC0]  }
0x3c: {  	v53 =	vadd.s32 v17, v34;
	v36 =	vbroadcast v56, $0x0;
	v51 =	vld [tilespmem:s1+$0x0];
	[tilespmem:v42+s21+$0x0] =	vst.idx.msk $0xffff, v41  }
0x3d: {  	v60 =	vadd.s32 v21, v37;
	v59 =	vld [tilespmem:s1+$0x40];
	[tilespmem:v44+s21+$0x0] =	vst.idx.msk $0xffff, v43  }
0x3e: {  	v62 =	vadd.s32 v25, v36;
	v61 =	vld [tilespmem:s1+$0x80];
	[tilespmem:v47+s21+$0x0] =	vst.idx.msk $0xffff, v46  }
0x3f: {  	v58 =	vadd.s32 v30, v38;
	[tilespmem:v49+s21+$0x0] =	vst.idx.msk $0xffff, v48;
	v57 =	vld [tilespmem:s1+$0xD0]  }
0x40: {  	v63 =	vadd.s32 v6, v45;
	[tilespmem:v50+s21+$0x0] =	vst.idx.msk $0xffff, v39;
	v47 =	vld [tilespmem:s1+$0xFFFFFF50]  }
0x41: {  	v55 =	vadd.s32 v10, v52;
	[tilespmem:v53+s21+$0x0] =	vst.idx.msk $0xffff, v51;
	v54 =	vld [tilespmem:s1+$0xFFFFFF90]  }
0x42: {  	v56 =	vadd.s32 v14, v35;
	[tilespmem:v60+s21+$0x0] =	vst.idx.msk $0xffff, v59;
	v50 =	vld [tilespmem:s1+$0xFFFFFFD0]  }
0x43: {  	[tilespmem:v62+s21+$0x0] =	vst.idx.msk $0xffff, v61;
	v46 =	vadd.s32 v22, v37;
	v44 =	vld [tilespmem:s1+$0x50]  }
0x44: {  	v59 =	vadd.s32 v18, v34;
	[tilespmem:v58+s21+$0x0] =	vst.idx.msk $0xffff, v57;
	v58 =	vld [tilespmem:s1+$0x10]  }
0x45: {  	v57 =	vadd.s32 v31, v38;
	[tilespmem:v63+s21+$0x0] =	vst.idx.msk $0xffff, v47;
	v40 =	vld [tilespmem:s1+$0xE0]  }
0x46: {  	v62 =	vadd.s32 v2, v33;
	v61 =	vld [tilespmem:s1+$0xFFFFFF10];
	[tilespmem:v55+s21+$0x0] =	vst.idx.msk $0xffff, v54  }
0x47: {  	v60 =	vadd.s32 v26, v36;
	v63 =	vld [tilespmem:s1+$0x90];
	[tilespmem:v56+s21+$0x0] =	vst.idx.msk $0xffff, v50  }
0x48: {  	v51 =	vadd.s32 v7, v45;
	[tilespmem:v46+s21+$0x0] =	vst.idx.msk $0xffff, v44;
	v50 =	vld [tilespmem:s1+$0xFFFFFF60]  }
0x49: {  	v56 =	vadd.s32 v11, v52;
	v55 =	vld [tilespmem:s1+$0xFFFFFFA0];
	[tilespmem:v59+s21+$0x0] =	vst.idx.msk $0xffff, v58  }
0x4a: {  	v58 =	vadd.s32 v15, v35;
	[tilespmem:v57+s21+$0x0] =	vst.idx.msk $0xffff, v40;
	v57 =	vld [tilespmem:s1+$0xFFFFFFE0]  }
0x4b: {  	v38 =	vadd.s32 v32, v38;
	[tilespmem:v62+s21+$0x0] =	vst.idx.msk $0xffff, v61;
	v54 =	vld [tilespmem:s1+$0xF0]  }
0x4c: {  	s16 =	simm.s32 $0x9;
	[tilespmem:v60+s21+$0x0] =	vst.idx.msk $0xffff, v63;
	v60 =	vadd.s32 v19, v34;
	v59 =	vld [tilespmem:s1+$0x20]  }
0x4d: {  	s7 =	simm.s32 $0x8;
	v41 =	vadd.s32 v23, v37;
	v53 =	vmov s16;
	[tilespmem:v51+s21+$0x0] =	vst.idx.msk $0xffff, v50;
	v40 =	vld [tilespmem:s1+$0x60]  }
0x4e: {  	s16 =	simm.s32 $0xB;
	v43 =	vadd.s32 v27, v36;
	v48 =	vadd.s32 v3, v33;
	v63 =	vmov s7;
	v42 =	vld [tilespmem:s1+$0xA0];
	[tilespmem:v56+s21+$0x0] =	vst.idx.msk $0xffff, v55  }
0x4f: {  	v44 =	vmov s16;
	s16 =	simm.s32 $0xD;
	v52 =	vadd.s32 v12, v52;
	v46 =	vld [tilespmem:s1+$0xFFFFFF20];
	s7 =	simm.s32 $0xA;
	v39 =	vshrl.u32 v63, $0x3;
	[tilespmem:v58+s21+$0x0] =	vst.idx.msk $0xffff, v57  }
0x50: {  	v51 =	vadd.s32 v8, v45;
	v49 =	vld [tilespmem:s1+$0xFFFFFF70];
	[tilespmem:v38+s21+$0x0] =	vst.idx.msk $0xffff, v54;
	v54 =	vmov s7;
	s7 =	simm.s32 $0xC;
	v38 =	vmov s16;
	s16 =	simm.s32 $0xE  }
0x51: {  	s0 =	simm.s32 $0x10;
	v45 =	vshll.u32 v39, v1;
	v50 =	vld [tilespmem:s1+$0xFFFFFFB0];
	[tilespmem:v60+s21+$0x0] =	vst.idx.msk $0xffff, v59;
	v47 =	vmov s7;
	v39 =	vmov s16;
	s7 =	simm.s32 $0xF  }
.LBB2_3:
0x52: {  	p1 =	slt.u32 s0, $0x78;
	v53 =	vshrl.u32 v53, $0x3;
	v55 =	vmov s7;
	v56 =	vld [tilespmem:s1+$0xFFFFFFF0];
	v35 =	vadd.s32 v16, v35;
	[tilespmem:v41+s21+$0x0] =	vst.idx.msk $0xffff, v40  }
0x53: {  	v40 =	vshrl.u32 v54, $0x3;
	v34 =	vadd.s32 v20, v34;
	v41 =	vshrl.u32 v55, $0x3;
	v54 =	vld [tilespmem:s1+$0x30];
	[tilespmem:v43+s21+$0x0] =	vst.idx.msk $0xffff, v42  }
0x54: {  	v37 =	vadd.s32 v24, v37;
	v42 =	vshrl.u32 v44, $0x3;
	v41 =	vshll.u32 v41, v1;
	[tilespmem:v48+s21+$0x0] =	vst.idx.msk $0xffff, v46;
	v43 =	vld [tilespmem:s1+$0x70]  }
0x55: {  	v36 =	vadd.s32 v28, v36;
	v44 =	vshrl.u32 v47, $0x3;
	v41 =	vbroadcast v41, $0x0;
	[tilespmem:v51+s21+$0x0] =	vst.idx.msk $0xffff, v49;
	v46 =	vld [tilespmem:s1+$0xB0]  }
0x56: {  	v47 =	vshll.u32 v53, v1;
	v49 =	vadd.s32 v4, v33;
	v33 =	vbroadcast v45, $0x0;
	v48 =	vld [tilespmem:s1+$0xFFFFFF30];
	[tilespmem:v52+s21+$0x0] =	vst.idx.msk $0xffff, v50;
	s1 =	sadd.s32 $0x200, s1  }
0x57: {  	v40 =	vshll.u32 v40, v1;
	v45 =	vbroadcast v47, $0x0;
	v47 =	vld [tilespmem:s1+$0xC0];
	v50 =	vadd.s32 v29, v41;
	[tilespmem:v35+s21+$0x0] =	vst.idx.msk $0xffff, v56  }
0x58: {  	v55 =	vbroadcast v40, $0x0;
	v52 =	vadd.s32 v0, v33;
	v35 =	vshll.u32 v42, v1;
	v51 =	vld [tilespmem:s1+$0xFFFFFF00];
	[tilespmem:v34+s21+$0x0] =	vst.idx.msk $0xffff, v54  }
0x59: {  	v42 =	vadd.s32 v5, v45;
	v35 =	vbroadcast v35, $0x0;
	v34 =	vshll.u32 v44, v1;
	v40 =	vld [tilespmem:s1+$0xFFFFFF40];
	[tilespmem:v37+s21+$0x0] =	vst.idx.msk $0xffff, v43  }
0x5a: {  	v44 =	vadd.s32 v9, v55;
	v34 =	vbroadcast v34, $0x0;
	v37 =	vshrl.u32 v38, $0x3;
	v43 =	vld [tilespmem:s1+$0xFFFFFF80];
	[tilespmem:v36+s21+$0x0] =	vst.idx.msk $0xffff, v46  }
0x5b: {  	v39 =	vshrl.u32 v39, $0x3;
	v46 =	vadd.s32 v13, v35;
	v36 =	vshll.u32 v37, v1;
	v38 =	vld [tilespmem:s1+$0xFFFFFFC0];
	[tilespmem:v49+s21+$0x0] =	vst.idx.msk $0xffff, v48  }
0x5c: {  	v49 =	vadd.s32 v17, v34;
	v37 =	vbroadcast v36, $0x0;
	v36 =	vshll.u32 v39, v1;
	v48 =	vld [tilespmem:s1+$0x0];
	[tilespmem:v50+s21+$0x0] =	vst.idx.msk $0xffff, v47  }
0x5d: {  	v36 =	vbroadcast v36, $0x0;
	v47 =	vadd.s32 v30, v41;
	[tilespmem:v52+s21+$0x0] =	vst.idx.msk $0xffff, v51;
	v39 =	vld [tilespmem:s1+$0xD0]  }
0x5e: {  	[tilespmem:v42+s21+$0x0] =	vst.idx.msk $0xffff, v40;
	v40 =	vld [tilespmem:s1+$0x40];
	v42 =	vadd.s32 v21, v37  }
0x5f: {  	[tilespmem:v44+s21+$0x0] =	vst.idx.msk $0xffff, v43;
	v43 =	vld [tilespmem:s1+$0x80];
	v44 =	vadd.s32 v25, v36  }
0x60: {  	v51 =	vadd.s32 v6, v45;
	v50 =	vld [tilespmem:s1+$0xFFFFFF50];
	[tilespmem:v46+s21+$0x0] =	vst.idx.msk $0xffff, v38  }
0x61: {  	v46 =	vadd.s32 v10, v55;
	v38 =	vld [tilespmem:s1+$0xFFFFFF90];
	[tilespmem:v49+s21+$0x0] =	vst.idx.msk $0xffff, v48  }
0x62: {  	v49 =	vadd.s32 v14, v35;
	v48 =	vld [tilespmem:s1+$0xFFFFFFD0];
	[tilespmem:v47+s21+$0x0] =	vst.idx.msk $0xffff, v39  }
0x63: {  	[tilespmem:v42+s21+$0x0] =	vst.idx.msk $0xffff, v40;
	v39 =	vld [tilespmem:s1+$0xE0];
	v40 =	vadd.s32 v31, v41  }
0x64: {  	v47 =	vadd.s32 v18, v34;
	v42 =	vld [tilespmem:s1+$0x10];
	[tilespmem:v44+s21+$0x0] =	vst.idx.msk $0xffff, v43  }
0x65: {  	v44 =	vadd.s32 v22, v37;
	[tilespmem:v51+s21+$0x0] =	vst.idx.msk $0xffff, v50;
	v43 =	vld [tilespmem:s1+$0x50]  }
0x66: {  	[tilespmem:v46+s21+$0x0] =	vst.idx.msk $0xffff, v38;
	v38 =	vld [tilespmem:s1+$0x90];
	v46 =	vadd.s32 v26, v36  }
0x67: {  	v51 =	vadd.s32 v2, v33;
	v50 =	vld [tilespmem:s1+$0xFFFFFF10];
	[tilespmem:v49+s21+$0x0] =	vst.idx.msk $0xffff, v48  }
0x68: {  	v49 =	vadd.s32 v7, v45;
	v48 =	vld [tilespmem:s1+$0xFFFFFF60];
	[tilespmem:v40+s21+$0x0] =	vst.idx.msk $0xffff, v39  }
0x69: {  	[tilespmem:v47+s21+$0x0] =	vst.idx.msk $0xffff, v42;
	v39 =	vld [tilespmem:s1+$0xF0];
	v47 =	vadd.s32 v32, v41  }
0x6a: {  	v56 =	vadd.s32 v11, v55;
	v52 =	vld [tilespmem:s1+$0xFFFFFFA0];
	[tilespmem:v44+s21+$0x0] =	vst.idx.msk $0xffff, v43  }
0x6b: {  	v58 =	vadd.s32 v15, v35;
	v57 =	vld [tilespmem:s1+$0xFFFFFFE0];
	[tilespmem:v46+s21+$0x0] =	vst.idx.msk $0xffff, v38  }
0x6c: {  	v60 =	vadd.s32 v19, v34;
	[tilespmem:v51+s21+$0x0] =	vst.idx.msk $0xffff, v50;
	v59 =	vld [tilespmem:s1+$0x20]  }
.Ltmp0:
0x6d: {  	s7 =	sadd.s32 $0x1, s0;
	v41 =	vadd.s32 v23, v37;
	v38 =	vmov s0;
	[tilespmem:v49+s21+$0x0] =	vst.idx.msk $0xffff, v48;
	v40 =	vld [tilespmem:s1+$0x60];
	(pc) =	sbr.rel @p1 .LBB2_3-.Ltmp0, $4  }
0x6e: {  	s16 =	sadd.s32 $0x3, s0;
	v53 =	vmov s7;
	s7 =	sadd.s32 $0x2, s0;
	v43 =	vadd.s32 v27, v36;
	v50 =	vshrl.u32 v38, $0x3;
	v42 =	vld [tilespmem:s1+$0xA0];
	[tilespmem:v47+s21+$0x0] =	vst.idx.msk $0xffff, v39  }
0x6f: {  	v54 =	vmov s7;
	s7 =	sadd.s32 $0x4, s0;
	v44 =	vmov s16;
	s16 =	sadd.s32 $0x5, s0;
	v48 =	vadd.s32 v3, v33;
	v46 =	vld [tilespmem:s1+$0xFFFFFF20];
	[tilespmem:v56+s21+$0x0] =	vst.idx.msk $0xffff, v52  }
0x70: {  	v38 =	vmov s16;
	v51 =	vadd.s32 v8, v45;
	v47 =	vmov s7;
	s7 =	sadd.s32 $0x6, s0;
	v49 =	vld [tilespmem:s1+$0xFFFFFF70];
	[tilespmem:v58+s21+$0x0] =	vst.idx.msk $0xffff, v57  }
0x71: {  	v45 =	vshll.u32 v50, v1;
	v39 =	vmov s7;
	s7 =	sadd.s32 $0x7, s0;
	s0 =	sadd.s32 $0x8, s0;
	v52 =	vadd.s32 v12, v55;
	v50 =	vld [tilespmem:s1+$0xFFFFFFB0];
	[tilespmem:v60+s21+$0x0] =	vst.idx.msk $0xffff, v59  }
0x72: {  	_ =	sdelay $0x2  }
0x73: {  	v53 =	vshrl.u32 v53, $0x3  }
0x74: {  	v55 =	vmov s7;
	v56 =	vld [tilespmem:s1+$0xFFFFFFF0];
	v35 =	vadd.s32 v16, v35;
	[tilespmem:v41+s21+$0x0] =	vst.idx.msk $0xffff, v40;
	v57 =	vshrl.u32 v54, $0x3  }
0x75: {  	v59 =	vld [tilespmem:s1+$0x30];
	v34 =	vadd.s32 v20, v34;
	v60 =	vshrl.u32 v44, $0x3;
	v58 =	vshrl.u32 v55, $0x3;
	[tilespmem:v43+s21+$0x0] =	vst.idx.msk $0xffff, v42  }
0x76: {  	v37 =	vadd.s32 v24, v37;
	v62 =	vshrl.u32 v47, $0x3;
	v61 =	vld [tilespmem:s1+$0x70];
	v41 =	vshll.u32 v58, v1;
	[tilespmem:v48+s21+$0x0] =	vst.idx.msk $0xffff, v46  }
0x77: {  	v36 =	vadd.s32 v28, v36;
	v45 =	vbroadcast v45, $0x0;
	v63 =	vld [tilespmem:s1+$0xB0];
	v41 =	vbroadcast v41, $0x0;
	[tilespmem:v51+s21+$0x0] =	vst.idx.msk $0xffff, v49  }
0x78: {  	v33 =	vadd.s32 v4, v33;
	s0 =	sadd.s32 $0x200, s1;
	v38 =	vshrl.u32 v38, $0x3;
	v55 =	vshll.u32 v53, v1;
	v48 =	vld [tilespmem:s1+$0xFFFFFF30];
	[tilespmem:v52+s21+$0x0] =	vst.idx.msk $0xffff, v50  }
0x79: {  	v40 =	vshll.u32 v57, v1;
	v47 =	vbroadcast v55, $0x0;
	v49 =	vld [tilespmem:s0+$0xC0];
	v50 =	vadd.s32 v29, v41;
	[tilespmem:v35+s21+$0x0] =	vst.idx.msk $0xffff, v56  }
0x7a: {  	v42 =	vshll.u32 v60, v1;
	v40 =	vbroadcast v40, $0x0;
	v35 =	vld [tilespmem:s0+$0xFFFFFF00];
	v56 =	vadd.s32 v0, v45;
	[tilespmem:v34+s21+$0x0] =	vst.idx.msk $0xffff, v59  }
0x7b: {  	v57 =	vld [tilespmem:s0+$0xFFFFFF40];
	v44 =	vshll.u32 v62, v1;
	v42 =	vbroadcast v42, $0x0;
	v58 =	vadd.s32 v5, v47;
	[tilespmem:v37+s21+$0x0] =	vst.idx.msk $0xffff, v61  }
0x7c: {  	v38 =	vshll.u32 v38, v1;
	v44 =	vbroadcast v44, $0x0;
	v60 =	vadd.s32 v9, v40;
	v59 =	vld [tilespmem:s0+$0xFFFFFF80];
	[tilespmem:v36+s21+$0x0] =	vst.idx.msk $0xffff, v63  }
0x7d: {  	v38 =	vbroadcast v38, $0x0;
	v62 =	vadd.s32 v13, v42;
	v61 =	vld [tilespmem:s0+$0xFFFFFFC0];
	[tilespmem:v33+s21+$0x0] =	vst.idx.msk $0xffff, v48  }
0x7e: {  	v39 =	vshrl.u32 v39, $0x3;
	v63 =	vadd.s32 v17, v44;
	v33 =	vld [tilespmem:s0+$0x0];
	[tilespmem:v50+s21+$0x0] =	vst.idx.msk $0xffff, v49  }
0x7f: {  	v39 =	vshll.u32 v39, v1;
	v34 =	vld [tilespmem:s0+$0x40];
	[tilespmem:v56+s21+$0x0] =	vst.idx.msk $0xffff, v35;
	v56 =	vadd.s32 v21, v38  }
0x80: {  	[tilespmem:v58+s21+$0x0] =	vst.idx.msk $0xffff, v57;
	v35 =	vbroadcast v39, $0x0;
	v49 =	vadd.s32 v30, v41;
	v39 =	vld [tilespmem:s0+$0xD0]  }
0x81: {  	[tilespmem:v60+s21+$0x0] =	vst.idx.msk $0xffff, v59;
	v59 =	vld [tilespmem:s0+$0xFFFFFF50];
	v60 =	vadd.s32 v6, v47  }
0x82: {  	v57 =	vld [tilespmem:s0+$0x80];
	[tilespmem:v62+s21+$0x0] =	vst.idx.msk $0xffff, v61;
	v58 =	vadd.s32 v25, v35  }
0x83: {  	v61 =	vld [tilespmem:s0+$0xFFFFFF90];
	v62 =	vadd.s32 v10, v40;
	[tilespmem:v63+s21+$0x0] =	vst.idx.msk $0xffff, v33  }
0x84: {  	v33 =	vld [tilespmem:s0+$0xFFFFFFD0];
	v63 =	vadd.s32 v14, v42;
	[tilespmem:v56+s21+$0x0] =	vst.idx.msk $0xffff, v34  }
0x85: {  	v56 =	vadd.s32 v18, v44;
	[tilespmem:v49+s21+$0x0] =	vst.idx.msk $0xffff, v39;
	v49 =	vld [tilespmem:s0+$0x10]  }
0x86: {  	[tilespmem:v60+s21+$0x0] =	vst.idx.msk $0xffff, v59;
	v39 =	vadd.s32 v31, v41;
	v34 =	vld [tilespmem:s0+$0xE0]  }
0x87: {  	[tilespmem:v58+s21+$0x0] =	vst.idx.msk $0xffff, v57;
	v57 =	vld [tilespmem:s0+$0x50];
	v58 =	vadd.s32 v22, v38  }
0x88: {  	[tilespmem:v62+s21+$0x0] =	vst.idx.msk $0xffff, v61;
	v61 =	vld [tilespmem:s0+$0xFFFFFF10];
	v62 =	vadd.s32 v2, v45  }
0x89: {  	v60 =	vadd.s32 v26, v35;
	v59 =	vld [tilespmem:s0+$0x90];
	[tilespmem:v63+s21+$0x0] =	vst.idx.msk $0xffff, v33  }
0x8a: {  	v55 =	vadd.s32 v11, v40;
	v54 =	vadd.s32 v32, v41;
	v41 =	vld [tilespmem:s0+$0xFFFFFFA0];
	[tilespmem:v56+s21+$0x0] =	vst.idx.msk $0xffff, v49  }
0x8b: {  	v53 =	vadd.s32 v7, v47;
	v63 =	vld [tilespmem:s0+$0xFFFFFF60];
	[tilespmem:v39+s21+$0x0] =	vst.idx.msk $0xffff, v34  }
0x8c: {  	v56 =	vld [tilespmem:s0+$0xFFFFFFE0];
	[tilespmem:v58+s21+$0x0] =	vst.idx.msk $0xffff, v57;
	v57 =	vadd.s32 v15, v42  }
0x8d: {  	[tilespmem:v62+s21+$0x0] =	vst.idx.msk $0xffff, v61;
	v34 =	vld [tilespmem:s0+$0xF0]  }
0x8e: {  	v58 =	vld [tilespmem:s0+$0x20];
	[tilespmem:v60+s21+$0x0] =	vst.idx.msk $0xffff, v59;
	v59 =	vadd.s32 v19, v44  }
0x8f: {  	v61 =	vadd.s32 v23, v38;
	[tilespmem:v55+s21+$0x0] =	vst.idx.msk $0xffff, v41;
	v60 =	vld [tilespmem:s0+$0x60]  }
0x90: {  	[tilespmem:v53+s21+$0x0] =	vst.idx.msk $0xffff, v63;
	v63 =	vadd.s32 v27, v35;
	v62 =	vld [tilespmem:s0+$0xA0]  }
0x91: {  	v47 =	vadd.s32 v8, v47;
	v55 =	vld [tilespmem:s0+$0xFFFFFF70];
	[tilespmem:v57+s21+$0x0] =	vst.idx.msk $0xffff, v56  }
0x92: {  	v53 =	vld [tilespmem:s0+$0xFFFFFF20];
	[tilespmem:v54+s21+$0x0] =	vst.idx.msk $0xffff, v34;
	v54 =	vadd.s32 v3, v45  }
0x93: {  	v40 =	vadd.s32 v12, v40;
	v56 =	vld [tilespmem:s0+$0xFFFFFFB0];
	[tilespmem:v59+s21+$0x0] =	vst.idx.msk $0xffff, v58  }
0x94: {  	v42 =	vadd.s32 v16, v42;
	v57 =	vld [tilespmem:s0+$0xFFFFFFF0];
	[tilespmem:v61+s21+$0x0] =	vst.idx.msk $0xffff, v60  }
0x95: {  	v59 =	vadd.s32 v20, v44;
	v58 =	vld [tilespmem:s0+$0x30];
	[tilespmem:v63+s21+$0x0] =	vst.idx.msk $0xffff, v62  }
0x96: {  	v38 =	vadd.s32 v24, v38;
	v60 =	vld [tilespmem:s0+$0x70];
	[tilespmem:v47+s21+$0x0] =	vst.idx.msk $0xffff, v55  }
0x97: {  	v35 =	vadd.s32 v28, v35;
	v61 =	vld [tilespmem:s0+$0xB0];
	[tilespmem:v54+s21+$0x0] =	vst.idx.msk $0xffff, v53  }
0x98: {  	v63 =	vadd.s32 v4, v45;
	[tilespmem:v40+s21+$0x0] =	vst.idx.msk $0xffff, v56;
	v62 =	vld [tilespmem:s0+$0xFFFFFF30]  }
0x99: {  	[tilespmem:v42+s21+$0x0] =	vst.idx.msk $0xffff, v57  }
0x9a: {  	s7 =	sshll.u32 s31, $0xA;
	s16 =	sshll.u32 s31, $0x7;
	[tilespmem:v59+s21+$0x0] =	vst.idx.msk $0xffff, v58  }
0x9b: {  	s1 =	sand.u32 $0x3F00, s16;
	[tilespmem:v38+s21+$0x0] =	vst.idx.msk $0xffff, v60;
	s0 =	sand.u32 $0xFFE0000, s7  }
0x9c: {  	[tilespmem:v35+s21+$0x0] =	vst.idx.msk $0xffff, v61;
	s0 =	sor.u32 s1, s0  }
0x9d: {  	s1 =	sadd.s32 s2, s0;
	[tilespmem:v63+s21+$0x0] =	vst.idx.msk $0xffff, v62  }
0x9e: {  	[hbm4b:s1+s3] =	stream.linear.scatter [tilespmem:s21], [sflag:$0x5], $0x80, $0x38;
	[tilespmem:$0x8500] =	vst v63  }
0x9f: {  	s16 =	simm.s32 $0x4188;
	s31 =	sadd.s32 $0x10, s1  }
0xa0: {  	[hbm4b:s31+s3] =	stream.linear.scatter [tilespmem:s16], [sflag:$0x5], $0x80, $0x38;
	[tilespmem:$0x8500] =	vst v63  }
0xa1: {  	s16 =	sadd.s32 $0x20, s1;
	s31 =	simm.s32 $0x4210  }
0xa2: {  	[hbm4b:s16+s3] =	stream.linear.scatter [tilespmem:s31], [sflag:$0x5], $0x80, $0x38;
	[tilespmem:$0x8500] =	vst v63  }
0xa3: {  	s16 =	sadd.s32 $0x30, s1;
	s31 =	simm.s32 $0x4298  }
0xa4: {  	[hbm4b:s16+s3] =	stream.linear.scatter [tilespmem:s31], [sflag:$0x5], $0x80, $0x38;
	[tilespmem:$0x8500] =	vst v63  }
0xa5: {  	s16 =	sadd.s32 $0x40, s1;
	s31 =	simm.s32 $0x4320  }
0xa6: {  	[hbm4b:s16+s3] =	stream.linear.scatter [tilespmem:s31], [sflag:$0x5], $0x80, $0x38;
	[tilespmem:$0x8500] =	vst v63  }
0xa7: {  	s16 =	sadd.s32 $0x50, s1;
	s31 =	simm.s32 $0x43A8  }
0xa8: {  	[hbm4b:s16+s3] =	stream.linear.scatter [tilespmem:s31], [sflag:$0x5], $0x80, $0x38;
	[tilespmem:$0x8500] =	vst v63  }
0xa9: {  	s16 =	sadd.s32 $0x60, s1;
	s31 =	simm.s32 $0x4430  }
0xaa: {  	[hbm4b:s16+s3] =	stream.linear.scatter [tilespmem:s31], [sflag:$0x5], $0x80, $0x38;
	[tilespmem:$0x8500] =	vst v63  }
0xab: {  	s1 =	sadd.s32 $0x70, s1;
	s16 =	simm.s32 $0x44B8  }
0xac: {  	[hbm4b:s1+s3] =	stream.linear.scatter [tilespmem:s16], [sflag:$0x5], $0x80, $0x38;
	[tilespmem:$0x8500] =	vst v63  }
0xad: {  	s31 =	simm.s32 $0x4540;
	s1 =	sadd.s32 s0, s8  }
0xae: {  	[hbm4b:s1+s3] =	stream.linear.scatter [tilespmem:s31], [sflag:$0x5], $0x80, $0x38;
	[tilespmem:$0x8500] =	vst v63  }
0xaf: {  	s16 =	sadd.s32 $0x10, s1;
	s31 =	simm.s32 $0x45C8  }
0xb0: {  	[hbm4b:s16+s3] =	stream.linear.scatter [tilespmem:s31], [sflag:$0x5], $0x80, $0x38;
	[tilespmem:$0x8500] =	vst v63  }
0xb1: {  	s16 =	sadd.s32 $0x20, s1;
	s31 =	simm.s32 $0x4650  }
0xb2: {  	[hbm4b:s16+s3] =	stream.linear.scatter [tilespmem:s31], [sflag:$0x5], $0x80, $0x38;
	[tilespmem:$0x8500] =	vst v63  }
0xb3: {  	s16 =	sadd.s32 $0x30, s1;
	s31 =	simm.s32 $0x46D8  }
0xb4: {  	[hbm4b:s16+s3] =	stream.linear.scatter [tilespmem:s31], [sflag:$0x5], $0x80, $0x38;
	[tilespmem:$0x8500] =	vst v63  }
0xb5: {  	s16 =	sadd.s32 $0x40, s1;
	s31 =	simm.s32 $0x4760  }
0xb6: {  	[hbm4b:s16+s3] =	stream.linear.scatter [tilespmem:s31], [sflag:$0x5], $0x80, $0x38;
	[tilespmem:$0x8500] =	vst v63  }
0xb7: {  	s16 =	sadd.s32 $0x50, s1;
	s31 =	simm.s32 $0x47E8  }
0xb8: {  	[hbm4b:s16+s3] =	stream.linear.scatter [tilespmem:s31], [sflag:$0x5], $0x80, $0x38;
	[tilespmem:$0x8500] =	vst v63  }
0xb9: {  	s16 =	sadd.s32 $0x60, s1;
	s31 =	simm.s32 $0x4870  }
0xba: {  	[hbm4b:s16+s3] =	stream.linear.scatter [tilespmem:s31], [sflag:$0x5], $0x80, $0x38;
	[tilespmem:$0x8500] =	vst v63  }
0xbb: {  	s1 =	sadd.s32 $0x70, s1;
	s16 =	simm.s32 $0x48F8  }
0xbc: {  	[hbm4b:s1+s3] =	stream.linear.scatter [tilespmem:s16], [sflag:$0x5], $0x80, $0x38;
	[tilespmem:$0x8500] =	vst v63  }
0xbd: {  	s31 =	simm.s32 $0x4980;
	s1 =	sadd.s32 s0, s9  }
0xbe: {  	[hbm4b:s1+s3] =	stream.linear.scatter [tilespmem:s31], [sflag:$0x5], $0x80, $0x38;
	[tilespmem:$0x8500] =	vst v63  }
0xbf: {  	s16 =	sadd.s32 $0x10, s1;
	s31 =	simm.s32 $0x4A08  }
0xc0: {  	[hbm4b:s16+s3] =	stream.linear.scatter [tilespmem:s31], [sflag:$0x5], $0x80, $0x38;
	[tilespmem:$0x8500] =	vst v63  }
0xc1: {  	s16 =	sadd.s32 $0x20, s1;
	s31 =	simm.s32 $0x4A90  }
0xc2: {  	[hbm4b:s16+s3] =	stream.linear.scatter [tilespmem:s31], [sflag:$0x5], $0x80, $0x38;
	[tilespmem:$0x8500] =	vst v63  }
0xc3: {  	s16 =	sadd.s32 $0x30, s1;
	s31 =	simm.s32 $0x4B18  }
0xc4: {  	[hbm4b:s16+s3] =	stream.linear.scatter [tilespmem:s31], [sflag:$0x5], $0x80, $0x38;
	[tilespmem:$0x8500] =	vst v63  }
0xc5: {  	s16 =	sadd.s32 $0x40, s1;
	s31 =	simm.s32 $0x4BA0  }
0xc6: {  	[hbm4b:s16+s3] =	stream.linear.scatter [tilespmem:s31], [sflag:$0x5], $0x80, $0x38;
	[tilespmem:$0x8500] =	vst v63  }
0xc7: {  	s16 =	sadd.s32 $0x50, s1;
	s31 =	simm.s32 $0x4C28  }
0xc8: {  	[hbm4b:s16+s3] =	stream.linear.scatter [tilespmem:s31], [sflag:$0x5], $0x80, $0x38;
	[tilespmem:$0x8500] =	vst v63  }
0xc9: {  	s16 =	sadd.s32 $0x60, s1;
	s31 =	simm.s32 $0x4CB0  }
0xca: {  	[hbm4b:s16+s3] =	stream.linear.scatter [tilespmem:s31], [sflag:$0x5], $0x80, $0x38;
	[tilespmem:$0x8500] =	vst v63  }
0xcb: {  	s1 =	sadd.s32 $0x70, s1;
	s16 =	simm.s32 $0x4D38  }
0xcc: {  	[hbm4b:s1+s3] =	stream.linear.scatter [tilespmem:s16], [sflag:$0x5], $0x80, $0x38;
	[tilespmem:$0x8500] =	vst v63  }
0xcd: {  	s31 =	simm.s32 $0x4DC0;
	s1 =	sadd.s32 s0, s10  }
0xce: {  	[hbm4b:s1+s3] =	stream.linear.scatter [tilespmem:s31], [sflag:$0x5], $0x80, $0x38;
	[tilespmem:$0x8500] =	vst v63  }
0xcf: {  	s16 =	sadd.s32 $0x10, s1;
	s31 =	simm.s32 $0x4E48  }
0xd0: {  	[hbm4b:s16+s3] =	stream.linear.scatter [tilespmem:s31], [sflag:$0x5], $0x80, $0x38;
	[tilespmem:$0x8500] =	vst v63  }
0xd1: {  	s16 =	sadd.s32 $0x20, s1;
	s31 =	simm.s32 $0x4ED0  }
0xd2: {  	[hbm4b:s16+s3] =	stream.linear.scatter [tilespmem:s31], [sflag:$0x5], $0x80, $0x38;
	[tilespmem:$0x8500] =	vst v63  }
0xd3: {  	s16 =	sadd.s32 $0x30, s1;
	s31 =	simm.s32 $0x4F58  }
0xd4: {  	[hbm4b:s16+s3] =	stream.linear.scatter [tilespmem:s31], [sflag:$0x5], $0x80, $0x38;
	[tilespmem:$0x8500] =	vst v63  }
0xd5: {  	s16 =	sadd.s32 $0x40, s1;
	s31 =	simm.s32 $0x4FE0  }
0xd6: {  	[hbm4b:s16+s3] =	stream.linear.scatter [tilespmem:s31], [sflag:$0x5], $0x80, $0x38;
	[tilespmem:$0x8500] =	vst v63  }
0xd7: {  	s16 =	sadd.s32 $0x50, s1;
	s31 =	simm.s32 $0x5068  }
0xd8: {  	[hbm4b:s16+s3] =	stream.linear.scatter [tilespmem:s31], [sflag:$0x5], $0x80, $0x38;
	[tilespmem:$0x8500] =	vst v63  }
0xd9: {  	s16 =	sadd.s32 $0x60, s1;
	s31 =	simm.s32 $0x50F0  }
0xda: {  	[hbm4b:s16+s3] =	stream.linear.scatter [tilespmem:s31], [sflag:$0x5], $0x80, $0x38;
	[tilespmem:$0x8500] =	vst v63  }
0xdb: {  	s1 =	sadd.s32 $0x70, s1;
	s16 =	simm.s32 $0x5178  }
0xdc: {  	[hbm4b:s1+s3] =	stream.linear.scatter [tilespmem:s16], [sflag:$0x5], $0x80, $0x38;
	[tilespmem:$0x8500] =	vst v63  }
0xdd: {  	s31 =	simm.s32 $0x5200;
	s1 =	sadd.s32 s0, s11  }
0xde: {  	[hbm4b:s1+s3] =	stream.linear.scatter [tilespmem:s31], [sflag:$0x5], $0x80, $0x38;
	[tilespmem:$0x8500] =	vst v63  }
0xdf: {  	s16 =	sadd.s32 $0x10, s1;
	s31 =	simm.s32 $0x5288  }
0xe0: {  	[hbm4b:s16+s3] =	stream.linear.scatter [tilespmem:s31], [sflag:$0x5], $0x80, $0x38;
	[tilespmem:$0x8500] =	vst v63  }
0xe1: {  	s16 =	sadd.s32 $0x20, s1;
	s31 =	simm.s32 $0x5310  }
0xe2: {  	[hbm4b:s16+s3] =	stream.linear.scatter [tilespmem:s31], [sflag:$0x5], $0x80, $0x38;
	[tilespmem:$0x8500] =	vst v63  }
0xe3: {  	s16 =	sadd.s32 $0x30, s1;
	s31 =	simm.s32 $0x5398  }
0xe4: {  	[hbm4b:s16+s3] =	stream.linear.scatter [tilespmem:s31], [sflag:$0x5], $0x80, $0x38;
	[tilespmem:$0x8500] =	vst v63  }
0xe5: {  	s16 =	sadd.s32 $0x40, s1;
	s31 =	simm.s32 $0x5420  }
0xe6: {  	[hbm4b:s16+s3] =	stream.linear.scatter [tilespmem:s31], [sflag:$0x5], $0x80, $0x38;
	[tilespmem:$0x8500] =	vst v63  }
0xe7: {  	s16 =	sadd.s32 $0x50, s1;
	s31 =	simm.s32 $0x54A8  }
0xe8: {  	[hbm4b:s16+s3] =	stream.linear.scatter [tilespmem:s31], [sflag:$0x5], $0x80, $0x38;
	[tilespmem:$0x8500] =	vst v63  }
0xe9: {  	s16 =	sadd.s32 $0x60, s1;
	s31 =	simm.s32 $0x5530  }
0xea: {  	[hbm4b:s16+s3] =	stream.linear.scatter [tilespmem:s31], [sflag:$0x5], $0x80, $0x38;
	[tilespmem:$0x8500] =	vst v63  }
0xeb: {  	s1 =	sadd.s32 $0x70, s1;
	s16 =	simm.s32 $0x55B8  }
0xec: {  	[hbm4b:s1+s3] =	stream.linear.scatter [tilespmem:s16], [sflag:$0x5], $0x80, $0x38;
	[tilespmem:$0x8500] =	vst v63  }
0xed: {  	s31 =	simm.s32 $0x5640;
	s1 =	sadd.s32 s0, s12  }
0xee: {  	[hbm4b:s1+s3] =	stream.linear.scatter [tilespmem:s31], [sflag:$0x5], $0x80, $0x38;
	[tilespmem:$0x8500] =	vst v63  }
0xef: {  	s16 =	sadd.s32 $0x10, s1;
	s31 =	simm.s32 $0x56C8  }
0xf0: {  	[hbm4b:s16+s3] =	stream.linear.scatter [tilespmem:s31], [sflag:$0x5], $0x80, $0x38;
	[tilespmem:$0x8500] =	vst v63  }
0xf1: {  	s16 =	sadd.s32 $0x20, s1;
	s31 =	simm.s32 $0x5750  }
0xf2: {  	[hbm4b:s16+s3] =	stream.linear.scatter [tilespmem:s31], [sflag:$0x5], $0x80, $0x38;
	[tilespmem:$0x8500] =	vst v63  }
0xf3: {  	s16 =	sadd.s32 $0x30, s1;
	s31 =	simm.s32 $0x57D8  }
0xf4: {  	[hbm4b:s16+s3] =	stream.linear.scatter [tilespmem:s31], [sflag:$0x5], $0x80, $0x38;
	[tilespmem:$0x8500] =	vst v63  }
0xf5: {  	s16 =	sadd.s32 $0x40, s1;
	s31 =	simm.s32 $0x5860  }
0xf6: {  	[hbm4b:s16+s3] =	stream.linear.scatter [tilespmem:s31], [sflag:$0x5], $0x80, $0x38;
	[tilespmem:$0x8500] =	vst v63  }
0xf7: {  	s16 =	sadd.s32 $0x50, s1;
	s31 =	simm.s32 $0x58E8  }
0xf8: {  	[hbm4b:s16+s3] =	stream.linear.scatter [tilespmem:s31], [sflag:$0x5], $0x80, $0x38;
	[tilespmem:$0x8500] =	vst v63  }
0xf9: {  	s16 =	sadd.s32 $0x60, s1;
	s31 =	simm.s32 $0x5970  }
0xfa: {  	[hbm4b:s16+s3] =	stream.linear.scatter [tilespmem:s31], [sflag:$0x5], $0x80, $0x38;
	[tilespmem:$0x8500] =	vst v63  }
0xfb: {  	s1 =	sadd.s32 $0x70, s1;
	s16 =	simm.s32 $0x59F8  }
0xfc: {  	[hbm4b:s1+s3] =	stream.linear.scatter [tilespmem:s16], [sflag:$0x5], $0x80, $0x38;
	[tilespmem:$0x8500] =	vst v63  }
0xfd: {  	s31 =	simm.s32 $0x5A80;
	s1 =	sadd.s32 s0, s13  }
0xfe: {  	[hbm4b:s1+s3] =	stream.linear.scatter [tilespmem:s31], [sflag:$0x5], $0x80, $0x38;
	[tilespmem:$0x8500] =	vst v63  }
0xff: {  	s16 =	sadd.s32 $0x10, s1;
	s31 =	simm.s32 $0x5B08  }
0x100: {  	[hbm4b:s16+s3] =	stream.linear.scatter [tilespmem:s31], [sflag:$0x5], $0x80, $0x38;
	[tilespmem:$0x8500] =	vst v63  }
0x101: {  	s16 =	sadd.s32 $0x20, s1;
	s31 =	simm.s32 $0x5B90  }
0x102: {  	[hbm4b:s16+s3] =	stream.linear.scatter [tilespmem:s31], [sflag:$0x5], $0x80, $0x38;
	[tilespmem:$0x8500] =	vst v63  }
0x103: {  	s16 =	sadd.s32 $0x30, s1;
	s31 =	simm.s32 $0x5C18  }
0x104: {  	[hbm4b:s16+s3] =	stream.linear.scatter [tilespmem:s31], [sflag:$0x5], $0x80, $0x38;
	[tilespmem:$0x8500] =	vst v63  }
0x105: {  	s16 =	sadd.s32 $0x40, s1;
	s31 =	simm.s32 $0x5CA0  }
0x106: {  	[hbm4b:s16+s3] =	stream.linear.scatter [tilespmem:s31], [sflag:$0x5], $0x80, $0x38;
	[tilespmem:$0x8500] =	vst v63  }
0x107: {  	s16 =	sadd.s32 $0x50, s1;
	s31 =	simm.s32 $0x5D28  }
0x108: {  	[hbm4b:s16+s3] =	stream.linear.scatter [tilespmem:s31], [sflag:$0x5], $0x80, $0x38;
	[tilespmem:$0x8500] =	vst v63  }
0x109: {  	s16 =	sadd.s32 $0x60, s1;
	s31 =	simm.s32 $0x5DB0  }
0x10a: {  	[hbm4b:s16+s3] =	stream.linear.scatter [tilespmem:s31], [sflag:$0x5], $0x80, $0x38;
	[tilespmem:$0x8500] =	vst v63  }
0x10b: {  	s1 =	sadd.s32 $0x70, s1;
	s31 =	simm.s32 $0x5E38  }
0x10c: {  	[hbm4b:s1+s3] =	stream.linear.scatter [tilespmem:s31], [sflag:$0x5], $0x80, $0x38;
	[tilespmem:$0x8500] =	vst v63  }
0x10d: {  	s7 =	simm.s32 $0x5EC0;
	s0 =	sadd.s32 s0, s14  }
0x10e: {  	[hbm4b:s0+s3] =	stream.linear.scatter [tilespmem:s7], [sflag:$0x5], $0x80, $0x38;
	[tilespmem:$0x8500] =	vst v63  }
0x10f: {  	s16 =	sadd.s32 $0x10, s0;
	s31 =	simm.s32 $0x5F48  }
0x110: {  	[hbm4b:s16+s3] =	stream.linear.scatter [tilespmem:s31], [sflag:$0x5], $0x80, $0x38;
	[tilespmem:$0x8500] =	vst v63  }
0x111: {  	s16 =	sadd.s32 $0x20, s0;
	s31 =	simm.s32 $0x5FD0  }
0x112: {  	[hbm4b:s16+s3] =	stream.linear.scatter [tilespmem:s31], [sflag:$0x5], $0x80, $0x38;
	[tilespmem:$0x8500] =	vst v63  }
0x113: {  	s16 =	sadd.s32 $0x30, s0;
	s31 =	simm.s32 $0x6058  }
0x114: {  	[hbm4b:s16+s3] =	stream.linear.scatter [tilespmem:s31], [sflag:$0x5], $0x80, $0x38;
	[tilespmem:$0x8500] =	vst v63  }
0x115: {  	s16 =	sadd.s32 $0x40, s0;
	s31 =	simm.s32 $0x60E0  }
0x116: {  	[hbm4b:s16+s3] =	stream.linear.scatter [tilespmem:s31], [sflag:$0x5], $0x80, $0x38;
	[tilespmem:$0x8500] =	vst v63  }
0x117: {  	s16 =	sadd.s32 $0x50, s0;
	s31 =	simm.s32 $0x6168  }
0x118: {  	[hbm4b:s16+s3] =	stream.linear.scatter [tilespmem:s31], [sflag:$0x5], $0x80, $0x38;
	[tilespmem:$0x8500] =	vst v63  }
0x119: {  	s16 =	sadd.s32 $0x60, s0;
	s31 =	simm.s32 $0x61F0  }
0x11a: {  	[hbm4b:s16+s3] =	stream.linear.scatter [tilespmem:s31], [sflag:$0x5], $0x80, $0x38;
	[tilespmem:$0x8500] =	vst v63  }
0x11b: {  	p1 =	sne.s32 s23, $0x63;
	s0 =	sadd.s32 $0x70, s0;
	s16 =	simm.s32 $0x6278  }
0x11c: {  	[hbm4b:s0+s3] =	stream.linear.scatter [tilespmem:s16], [sflag:$0x5], $0x80, $0x38;
	[tilespmem:$0x8500] =	vst v63  }
.Ltmp1:
0x11d: {  	_ = 	snop;
	(pc) =	sbr.rel @p1 .LBB2_6-.Ltmp1, $4  }
0x11e: {  	_ =	swait.ge [sflag:s25], $0x80  }
0x11f: {  	[sflag:s25] =	ssyncset.done $0x0  }
0x120: {  	s31 =	simm.s32 $0x2100;
	[sflag:s25] =	ssyncadd.s32 $0xFFFFFF80  }
0x121: {  	[tilespmem:s31], [sflag:$0x4] =	stream.indirect.gather [hbm4b:s5+s18], $0x40, s18, s18, $0xb8;
	[tilespmem:$0x8500] =	vst v63  }
.Ltmp2:
0x122: {  	(pc) =	sbr.rel .LBB2_7-.Ltmp2, $4  }
0x123: {  	_ = 	snop  }
0x124: {  	_ =	swait.ge [sflag:s28], $0x2000  }
0x125: {  	[sflag:s28] =	ssyncset.done $0x0  }
0x126: {  	[sflag:s28] =	ssyncadd.s32 $0xFFFFE000  }
.LBB2_6:
0x127: {  	s0 =	rddreg [dreg:$0x4]  }
0x128: {  	s0 =	sadd.s32 s26, s0  }
0x129: {  	s0 =	sshll.u32 s0, $0x4  }
0x12a: {  	s0 =	sand.u32 $0xFFFFFE0, s0  }
.Ltmp3:
0x12b: {  	s0 =	sadd.s32 s4, s0;
	(pc) =	sbr.rel @p0 .LBB2_8-.Ltmp3, $4  }
0x12c: {  	[tilespmem:s3], [sflag:$0x1] =	stream.linear.gather [hbm4b:s0+s3], $0x80, $0x38;
	[tilespmem:$0x8500] =	vst v63  }
0x12d: {  	_ =	swait.ge [sflag:s28], $0x2000  }
0x12e: {  	[sflag:s28] =	ssyncset.done $0x0  }
0x12f: {  	[sflag:s28] =	ssyncadd.s32 $0xFFFFE000  }
.LBB2_7:
0x130: {  	_ =	swait.ge [sflag:s29], $0x400  }
0x131: {  	[sflag:s29] =	ssyncset.done $0x0  }
0x132: {  	[sflag:s29] =	ssyncadd.s32 $0xFFFFFC00  }
0x133: {  	_ =	swait.ge [sflag:s29], $0x400  }
0x134: {  	[sflag:s29] =	ssyncset.done $0x0  }
0x135: {  	[sflag:s29] =	ssyncadd.s32 $0xFFFFFC00  }
0x136: {  	_ =	swait.ge [sflag:s29], $0x400  }
0x137: {  	[sflag:s29] =	ssyncset.done $0x0  }
0x138: {  	[sflag:s29] =	ssyncadd.s32 $0xFFFFFC00  }
0x139: {  	_ =	swait.ge [sflag:s29], $0x400  }
0x13a: {  	[sflag:s29] =	ssyncset.done $0x0  }
0x13b: {  	[sflag:s29] =	ssyncadd.s32 $0xFFFFFC00  }
0x13c: {  	_ =	swait.ge [sflag:s29], $0x400  }
0x13d: {  	[sflag:s29] =	ssyncset.done $0x0  }
0x13e: {  	[sflag:s29] =	ssyncadd.s32 $0xFFFFFC00  }
0x13f: {  	_ =	swait.ge [sflag:s29], $0x400  }
0x140: {  	[sflag:s29] =	ssyncset.done $0x0  }
0x141: {  	[sflag:s29] =	ssyncadd.s32 $0xFFFFFC00  }
0x142: {  	_ =	swait.ge [sflag:s29], $0x400  }
0x143: {  	[sflag:s29] =	ssyncset.done $0x0  }
0x144: {  	[sflag:s29] =	ssyncadd.s32 $0xFFFFFC00  }
0x145: {  	_ =	swait.ge [sflag:s29], $0x400  }
0x146: {  	[sflag:s29] =	ssyncset.done $0x0  }
0x147: {  	[sflag:s29] =	ssyncadd.s32 $0xFFFFFC00  }
.LBB2_8:
0x148: {  	s0 =	simm.s32 $0x0;
	s7 =	simm.s32 $0x1;
	s1 =	simm.s32 $0x2  }
0x149: {  	s16 =	simm.s32 $0x3;
	s26 =	simm.s32 $0x4;
	s31 =	simm.s32 $0x5;
	v33 =	vmov s0;
	v34 =	vmov s7;
	v35 =	vmov s1  }
0x14a: {  	s7 =	simm.s32 $0x7;
	v36 =	vmov s16;
	v37 =	vmov s26;
	v39 =	vmov s31;
	s1 =	simm.s32 $0x6  }
0x14b: {  	v33 =	vshrl.u32 v33, $0x3;
	v38 =	vmov s7;
	v40 =	vmov s1  }
0x14c: {  	v34 =	vshrl.u32 v34, $0x3;
	v35 =	vshrl.u32 v35, $0x3;
	v36 =	vshrl.u32 v36, $0x3  }
0x14d: {  	v37 =	vshrl.u32 v37, $0x3;
	v55 =	vshrl.u32 v39, $0x3;
	v33 =	vshll.u32 v33, v1  }
0x14e: {  	v38 =	vshrl.u32 v38, $0x3;
	v34 =	vshll.u32 v34, v1;
	v33 =	vbroadcast v33, $0x0  }
0x14f: {  	s1 =	simm.s32 $0x2200;
	v52 =	vshll.u32 v35, v1;
	v38 =	vshll.u32 v38, v1;
	v45 =	vbroadcast v34, $0x0  }
0x150: {  	v43 =	vld [tilespmem:s1+$0xFFFFFF00];
	v53 =	vshll.u32 v36, v1;
	v38 =	vbroadcast v38, $0x0;
	v44 =	vadd.s32 v0, v33  }
0x151: {  	v46 =	vld [tilespmem:s1+$0xFFFFFF40];
	v54 =	vshll.u32 v37, v1;
	v52 =	vbroadcast v52, $0x0;
	v47 =	vadd.s32 v5, v45  }
0x152: {  	v41 =	vld [tilespmem:s1+$0xC0];
	v36 =	vshll.u32 v55, v1;
	v35 =	vbroadcast v53, $0x0;
	v42 =	vadd.s32 v29, v38  }
0x153: {  	v48 =	vld [tilespmem:s1+$0xFFFFFF80];
	v40 =	vshrl.u32 v40, $0x3;
	v34 =	vbroadcast v54, $0x0;
	v49 =	vadd.s32 v9, v52  }
0x154: {  	v39 =	vld [tilespmem:s1+$0xFFFFFFC0];
	v37 =	vbroadcast v36, $0x0;
	v56 =	vshll.u32 v40, v1;
	v50 =	vadd.s32 v13, v35  }
0x155: {  	v51 =	vld [tilespmem:s1+$0x0];
	v36 =	vbroadcast v56, $0x0;
	v53 =	vadd.s32 v17, v34;
	[tilespmem:v44+s30+$0x0] =	vst.idx.msk $0xffff, v43  }
0x156: {  	v59 =	vld [tilespmem:s1+$0x40];
	v60 =	vadd.s32 v21, v37;
	[tilespmem:v47+s30+$0x0] =	vst.idx.msk $0xffff, v46  }
0x157: {  	v61 =	vld [tilespmem:s1+$0x80];
	v62 =	vadd.s32 v25, v36;
	[tilespmem:v42+s30+$0x0] =	vst.idx.msk $0xffff, v41  }
0x158: {  	v58 =	vadd.s32 v30, v38;
	[tilespmem:v49+s30+$0x0] =	vst.idx.msk $0xffff, v48;
	v57 =	vld [tilespmem:s1+$0xD0]  }
0x159: {  	v63 =	vadd.s32 v6, v45;
	[tilespmem:v50+s30+$0x0] =	vst.idx.msk $0xffff, v39;
	v47 =	vld [tilespmem:s1+$0xFFFFFF50]  }
0x15a: {  	v55 =	vadd.s32 v10, v52;
	[tilespmem:v53+s30+$0x0] =	vst.idx.msk $0xffff, v51;
	v54 =	vld [tilespmem:s1+$0xFFFFFF90]  }
0x15b: {  	v56 =	vadd.s32 v14, v35;
	[tilespmem:v60+s30+$0x0] =	vst.idx.msk $0xffff, v59;
	v50 =	vld [tilespmem:s1+$0xFFFFFFD0]  }
0x15c: {  	v46 =	vadd.s32 v22, v37;
	[tilespmem:v62+s30+$0x0] =	vst.idx.msk $0xffff, v61;
	v44 =	vld [tilespmem:s1+$0x50]  }
0x15d: {  	v59 =	vadd.s32 v18, v34;
	[tilespmem:v58+s30+$0x0] =	vst.idx.msk $0xffff, v57;
	v58 =	vld [tilespmem:s1+$0x10]  }
0x15e: {  	[tilespmem:v63+s30+$0x0] =	vst.idx.msk $0xffff, v47;
	v57 =	vadd.s32 v31, v38;
	v40 =	vld [tilespmem:s1+$0xE0]  }
0x15f: {  	v61 =	vld [tilespmem:s1+$0xFFFFFF10];
	v62 =	vadd.s32 v2, v33;
	[tilespmem:v55+s30+$0x0] =	vst.idx.msk $0xffff, v54  }
0x160: {  	v60 =	vadd.s32 v26, v36;
	v63 =	vld [tilespmem:s1+$0x90];
	[tilespmem:v56+s30+$0x0] =	vst.idx.msk $0xffff, v50  }
0x161: {  	v51 =	vadd.s32 v7, v45;
	[tilespmem:v46+s30+$0x0] =	vst.idx.msk $0xffff, v44;
	v50 =	vld [tilespmem:s1+$0xFFFFFF60]  }
0x162: {  	v56 =	vadd.s32 v11, v52;
	v55 =	vld [tilespmem:s1+$0xFFFFFFA0];
	[tilespmem:v59+s30+$0x0] =	vst.idx.msk $0xffff, v58  }
0x163: {  	v58 =	vadd.s32 v15, v35;
	[tilespmem:v57+s30+$0x0] =	vst.idx.msk $0xffff, v40;
	v57 =	vld [tilespmem:s1+$0xFFFFFFE0]  }
0x164: {  	[tilespmem:v62+s30+$0x0] =	vst.idx.msk $0xffff, v61;
	v38 =	vadd.s32 v32, v38;
	v54 =	vld [tilespmem:s1+$0xF0]  }
0x165: {  	s16 =	simm.s32 $0x9;
	[tilespmem:v60+s30+$0x0] =	vst.idx.msk $0xffff, v63;
	v60 =	vadd.s32 v19, v34;
	v59 =	vld [tilespmem:s1+$0x20]  }
0x166: {  	s31 =	simm.s32 $0xB;
	v53 =	vmov s16;
	v41 =	vadd.s32 v23, v37;
	[tilespmem:v51+s30+$0x0] =	vst.idx.msk $0xffff, v50;
	v40 =	vld [tilespmem:s1+$0x60]  }
0x167: {  	s7 =	simm.s32 $0x8;
	v43 =	vadd.s32 v27, v36;
	s16 =	simm.s32 $0xC;
	v48 =	vadd.s32 v3, v33;
	v44 =	vmov s31;
	v42 =	vld [tilespmem:s1+$0xA0];
	[tilespmem:v56+s30+$0x0] =	vst.idx.msk $0xffff, v55  }
0x168: {  	s26 =	simm.s32 $0xA;
	v47 =	vmov s16;
	v52 =	vadd.s32 v12, v52;
	v46 =	vld [tilespmem:s1+$0xFFFFFF20];
	v63 =	vmov s7;
	[tilespmem:v58+s30+$0x0] =	vst.idx.msk $0xffff, v57  }
0x169: {  	s31 =	simm.s32 $0xE;
	v39 =	vshrl.u32 v63, $0x3;
	v51 =	vadd.s32 v8, v45;
	v49 =	vld [tilespmem:s1+$0xFFFFFF70];
	[tilespmem:v38+s30+$0x0] =	vst.idx.msk $0xffff, v54;
	v54 =	vmov s26;
	s26 =	simm.s32 $0xD  }
0x16a: {  	s0 =	simm.s32 $0x10;
	s7 =	simm.s32 $0xF;
	v45 =	vshll.u32 v39, v1;
	v39 =	vmov s31;
	v50 =	vld [tilespmem:s1+$0xFFFFFFB0];
	[tilespmem:v60+s30+$0x0] =	vst.idx.msk $0xffff, v59;
	v38 =	vmov s26  }
.LBB2_9:
0x16b: {  	p0 =	slt.u32 s0, $0x78;
	v53 =	vshrl.u32 v53, $0x3;
	v55 =	vmov s7;
	v56 =	vld [tilespmem:s1+$0xFFFFFFF0];
	v35 =	vadd.s32 v16, v35;
	[tilespmem:v41+s30+$0x0] =	vst.idx.msk $0xffff, v40  }
0x16c: {  	v40 =	vshrl.u32 v54, $0x3;
	v34 =	vadd.s32 v20, v34;
	v41 =	vshrl.u32 v55, $0x3;
	v54 =	vld [tilespmem:s1+$0x30];
	[tilespmem:v43+s30+$0x0] =	vst.idx.msk $0xffff, v42  }
0x16d: {  	v37 =	vadd.s32 v24, v37;
	v42 =	vshrl.u32 v44, $0x3;
	v41 =	vshll.u32 v41, v1;
	[tilespmem:v48+s30+$0x0] =	vst.idx.msk $0xffff, v46;
	v43 =	vld [tilespmem:s1+$0x70]  }
0x16e: {  	v36 =	vadd.s32 v28, v36;
	v44 =	vshrl.u32 v47, $0x3;
	v41 =	vbroadcast v41, $0x0;
	[tilespmem:v51+s30+$0x0] =	vst.idx.msk $0xffff, v49;
	v46 =	vld [tilespmem:s1+$0xB0]  }
0x16f: {  	v47 =	vshll.u32 v53, v1;
	v49 =	vadd.s32 v4, v33;
	v33 =	vbroadcast v45, $0x0;
	v48 =	vld [tilespmem:s1+$0xFFFFFF30];
	[tilespmem:v52+s30+$0x0] =	vst.idx.msk $0xffff, v50;
	s1 =	sadd.s32 $0x200, s1  }
0x170: {  	v40 =	vshll.u32 v40, v1;
	v45 =	vbroadcast v47, $0x0;
	v47 =	vld [tilespmem:s1+$0xC0];
	v50 =	vadd.s32 v29, v41;
	[tilespmem:v35+s30+$0x0] =	vst.idx.msk $0xffff, v56  }
0x171: {  	v55 =	vbroadcast v40, $0x0;
	v52 =	vadd.s32 v0, v33;
	v35 =	vshll.u32 v42, v1;
	v51 =	vld [tilespmem:s1+$0xFFFFFF00];
	[tilespmem:v34+s30+$0x0] =	vst.idx.msk $0xffff, v54  }
0x172: {  	v42 =	vadd.s32 v5, v45;
	v35 =	vbroadcast v35, $0x0;
	v34 =	vshll.u32 v44, v1;
	v40 =	vld [tilespmem:s1+$0xFFFFFF40];
	[tilespmem:v37+s30+$0x0] =	vst.idx.msk $0xffff, v43  }
0x173: {  	v44 =	vadd.s32 v9, v55;
	v34 =	vbroadcast v34, $0x0;
	v37 =	vshrl.u32 v38, $0x3;
	v43 =	vld [tilespmem:s1+$0xFFFFFF80];
	[tilespmem:v36+s30+$0x0] =	vst.idx.msk $0xffff, v46  }
0x174: {  	v39 =	vshrl.u32 v39, $0x3;
	v46 =	vadd.s32 v13, v35;
	v36 =	vshll.u32 v37, v1;
	v38 =	vld [tilespmem:s1+$0xFFFFFFC0];
	[tilespmem:v49+s30+$0x0] =	vst.idx.msk $0xffff, v48  }
0x175: {  	v49 =	vadd.s32 v17, v34;
	v37 =	vbroadcast v36, $0x0;
	v36 =	vshll.u32 v39, v1;
	v48 =	vld [tilespmem:s1+$0x0];
	[tilespmem:v50+s30+$0x0] =	vst.idx.msk $0xffff, v47  }
0x176: {  	v36 =	vbroadcast v36, $0x0;
	v47 =	vadd.s32 v30, v41;
	[tilespmem:v52+s30+$0x0] =	vst.idx.msk $0xffff, v51;
	v39 =	vld [tilespmem:s1+$0xD0]  }
0x177: {  	[tilespmem:v42+s30+$0x0] =	vst.idx.msk $0xffff, v40;
	v40 =	vld [tilespmem:s1+$0x40];
	v42 =	vadd.s32 v21, v37  }
0x178: {  	[tilespmem:v44+s30+$0x0] =	vst.idx.msk $0xffff, v43;
	v43 =	vld [tilespmem:s1+$0x80];
	v44 =	vadd.s32 v25, v36  }
0x179: {  	v51 =	vadd.s32 v6, v45;
	v50 =	vld [tilespmem:s1+$0xFFFFFF50];
	[tilespmem:v46+s30+$0x0] =	vst.idx.msk $0xffff, v38  }
0x17a: {  	v46 =	vadd.s32 v10, v55;
	v38 =	vld [tilespmem:s1+$0xFFFFFF90];
	[tilespmem:v49+s30+$0x0] =	vst.idx.msk $0xffff, v48  }
0x17b: {  	v49 =	vadd.s32 v14, v35;
	v48 =	vld [tilespmem:s1+$0xFFFFFFD0];
	[tilespmem:v47+s30+$0x0] =	vst.idx.msk $0xffff, v39  }
0x17c: {  	[tilespmem:v42+s30+$0x0] =	vst.idx.msk $0xffff, v40;
	v39 =	vld [tilespmem:s1+$0xE0];
	v40 =	vadd.s32 v31, v41  }
0x17d: {  	v47 =	vadd.s32 v18, v34;
	v42 =	vld [tilespmem:s1+$0x10];
	[tilespmem:v44+s30+$0x0] =	vst.idx.msk $0xffff, v43  }
0x17e: {  	v44 =	vadd.s32 v22, v37;
	[tilespmem:v51+s30+$0x0] =	vst.idx.msk $0xffff, v50;
	v43 =	vld [tilespmem:s1+$0x50]  }
0x17f: {  	[tilespmem:v46+s30+$0x0] =	vst.idx.msk $0xffff, v38;
	v38 =	vld [tilespmem:s1+$0x90];
	v46 =	vadd.s32 v26, v36  }
0x180: {  	v51 =	vadd.s32 v2, v33;
	v50 =	vld [tilespmem:s1+$0xFFFFFF10];
	[tilespmem:v49+s30+$0x0] =	vst.idx.msk $0xffff, v48  }
0x181: {  	v49 =	vadd.s32 v7, v45;
	v48 =	vld [tilespmem:s1+$0xFFFFFF60];
	[tilespmem:v40+s30+$0x0] =	vst.idx.msk $0xffff, v39  }
0x182: {  	[tilespmem:v47+s30+$0x0] =	vst.idx.msk $0xffff, v42;
	v39 =	vld [tilespmem:s1+$0xF0];
	v47 =	vadd.s32 v32, v41  }
0x183: {  	v56 =	vadd.s32 v11, v55;
	v52 =	vld [tilespmem:s1+$0xFFFFFFA0];
	[tilespmem:v44+s30+$0x0] =	vst.idx.msk $0xffff, v43  }
0x184: {  	v58 =	vadd.s32 v15, v35;
	v57 =	vld [tilespmem:s1+$0xFFFFFFE0];
	[tilespmem:v46+s30+$0x0] =	vst.idx.msk $0xffff, v38  }
0x185: {  	v60 =	vadd.s32 v19, v34;
	[tilespmem:v51+s30+$0x0] =	vst.idx.msk $0xffff, v50;
	v59 =	vld [tilespmem:s1+$0x20]  }
.Ltmp4:
0x186: {  	s7 =	sadd.s32 $0x1, s0;
	v41 =	vadd.s32 v23, v37;
	v38 =	vmov s0;
	[tilespmem:v49+s30+$0x0] =	vst.idx.msk $0xffff, v48;
	v40 =	vld [tilespmem:s1+$0x60];
	(pc) =	sbr.rel @p0 .LBB2_9-.Ltmp4, $4  }
0x187: {  	s16 =	sadd.s32 $0x3, s0;
	v53 =	vmov s7;
	s7 =	sadd.s32 $0x2, s0;
	v43 =	vadd.s32 v27, v36;
	v50 =	vshrl.u32 v38, $0x3;
	v42 =	vld [tilespmem:s1+$0xA0];
	[tilespmem:v47+s30+$0x0] =	vst.idx.msk $0xffff, v39  }
0x188: {  	v54 =	vmov s7;
	s7 =	sadd.s32 $0x4, s0;
	v44 =	vmov s16;
	s16 =	sadd.s32 $0x5, s0;
	v48 =	vadd.s32 v3, v33;
	v46 =	vld [tilespmem:s1+$0xFFFFFF20];
	[tilespmem:v56+s30+$0x0] =	vst.idx.msk $0xffff, v52  }
0x189: {  	v38 =	vmov s16;
	v51 =	vadd.s32 v8, v45;
	v47 =	vmov s7;
	s7 =	sadd.s32 $0x6, s0;
	v49 =	vld [tilespmem:s1+$0xFFFFFF70];
	[tilespmem:v58+s30+$0x0] =	vst.idx.msk $0xffff, v57  }
0x18a: {  	v45 =	vshll.u32 v50, v1;
	v39 =	vmov s7;
	s7 =	sadd.s32 $0x7, s0;
	s0 =	sadd.s32 $0x8, s0;
	v52 =	vadd.s32 v12, v55;
	v50 =	vld [tilespmem:s1+$0xFFFFFFB0];
	[tilespmem:v60+s30+$0x0] =	vst.idx.msk $0xffff, v59  }
0x18b: {  	_ =	sdelay $0x2  }
0x18c: {  	v53 =	vshrl.u32 v53, $0x3  }
0x18d: {  	v55 =	vmov s7;
	v56 =	vld [tilespmem:s1+$0xFFFFFFF0];
	v35 =	vadd.s32 v16, v35;
	[tilespmem:v41+s30+$0x0] =	vst.idx.msk $0xffff, v40;
	v57 =	vshrl.u32 v54, $0x3  }
0x18e: {  	v59 =	vld [tilespmem:s1+$0x30];
	v34 =	vadd.s32 v20, v34;
	v60 =	vshrl.u32 v44, $0x3;
	v58 =	vshrl.u32 v55, $0x3;
	[tilespmem:v43+s30+$0x0] =	vst.idx.msk $0xffff, v42  }
0x18f: {  	v37 =	vadd.s32 v24, v37;
	v62 =	vshrl.u32 v47, $0x3;
	v61 =	vld [tilespmem:s1+$0x70];
	v41 =	vshll.u32 v58, v1;
	[tilespmem:v48+s30+$0x0] =	vst.idx.msk $0xffff, v46  }
0x190: {  	v36 =	vadd.s32 v28, v36;
	v45 =	vbroadcast v45, $0x0;
	v63 =	vld [tilespmem:s1+$0xB0];
	v41 =	vbroadcast v41, $0x0;
	[tilespmem:v51+s30+$0x0] =	vst.idx.msk $0xffff, v49  }
0x191: {  	v33 =	vadd.s32 v4, v33;
	s0 =	sadd.s32 $0x200, s1;
	v38 =	vshrl.u32 v38, $0x3;
	v55 =	vshll.u32 v53, v1;
	v48 =	vld [tilespmem:s1+$0xFFFFFF30];
	[tilespmem:v52+s30+$0x0] =	vst.idx.msk $0xffff, v50  }
0x192: {  	v40 =	vshll.u32 v57, v1;
	v47 =	vbroadcast v55, $0x0;
	v49 =	vld [tilespmem:s0+$0xC0];
	v50 =	vadd.s32 v29, v41;
	[tilespmem:v35+s30+$0x0] =	vst.idx.msk $0xffff, v56  }
0x193: {  	v42 =	vshll.u32 v60, v1;
	v40 =	vbroadcast v40, $0x0;
	v35 =	vld [tilespmem:s0+$0xFFFFFF00];
	v56 =	vadd.s32 v0, v45;
	[tilespmem:v34+s30+$0x0] =	vst.idx.msk $0xffff, v59  }
0x194: {  	v57 =	vld [tilespmem:s0+$0xFFFFFF40];
	v44 =	vshll.u32 v62, v1;
	v42 =	vbroadcast v42, $0x0;
	v58 =	vadd.s32 v5, v47;
	[tilespmem:v37+s30+$0x0] =	vst.idx.msk $0xffff, v61  }
0x195: {  	v38 =	vshll.u32 v38, v1;
	v44 =	vbroadcast v44, $0x0;
	v60 =	vadd.s32 v9, v40;
	v59 =	vld [tilespmem:s0+$0xFFFFFF80];
	[tilespmem:v36+s30+$0x0] =	vst.idx.msk $0xffff, v63  }
0x196: {  	v38 =	vbroadcast v38, $0x0;
	v62 =	vadd.s32 v13, v42;
	v61 =	vld [tilespmem:s0+$0xFFFFFFC0];
	[tilespmem:v33+s30+$0x0] =	vst.idx.msk $0xffff, v48  }
0x197: {  	v39 =	vshrl.u32 v39, $0x3;
	v63 =	vadd.s32 v17, v44;
	v33 =	vld [tilespmem:s0+$0x0];
	[tilespmem:v50+s30+$0x0] =	vst.idx.msk $0xffff, v49  }
0x198: {  	v39 =	vshll.u32 v39, v1;
	v34 =	vld [tilespmem:s0+$0x40];
	[tilespmem:v56+s30+$0x0] =	vst.idx.msk $0xffff, v35;
	v56 =	vadd.s32 v21, v38  }
0x199: {  	[tilespmem:v58+s30+$0x0] =	vst.idx.msk $0xffff, v57;
	v35 =	vbroadcast v39, $0x0;
	v49 =	vadd.s32 v30, v41;
	v39 =	vld [tilespmem:s0+$0xD0]  }
0x19a: {  	[tilespmem:v60+s30+$0x0] =	vst.idx.msk $0xffff, v59;
	v59 =	vld [tilespmem:s0+$0xFFFFFF50];
	v60 =	vadd.s32 v6, v47  }
0x19b: {  	v57 =	vld [tilespmem:s0+$0x80];
	[tilespmem:v62+s30+$0x0] =	vst.idx.msk $0xffff, v61;
	v58 =	vadd.s32 v25, v35  }
0x19c: {  	v61 =	vld [tilespmem:s0+$0xFFFFFF90];
	v62 =	vadd.s32 v10, v40;
	[tilespmem:v63+s30+$0x0] =	vst.idx.msk $0xffff, v33  }
0x19d: {  	v33 =	vld [tilespmem:s0+$0xFFFFFFD0];
	v63 =	vadd.s32 v14, v42;
	[tilespmem:v56+s30+$0x0] =	vst.idx.msk $0xffff, v34  }
0x19e: {  	v56 =	vadd.s32 v18, v44;
	[tilespmem:v49+s30+$0x0] =	vst.idx.msk $0xffff, v39;
	v49 =	vld [tilespmem:s0+$0x10]  }
0x19f: {  	[tilespmem:v60+s30+$0x0] =	vst.idx.msk $0xffff, v59;
	v39 =	vadd.s32 v31, v41;
	v34 =	vld [tilespmem:s0+$0xE0]  }
0x1a0: {  	[tilespmem:v58+s30+$0x0] =	vst.idx.msk $0xffff, v57;
	v57 =	vld [tilespmem:s0+$0x50];
	v58 =	vadd.s32 v22, v38  }
0x1a1: {  	[tilespmem:v62+s30+$0x0] =	vst.idx.msk $0xffff, v61;
	v61 =	vld [tilespmem:s0+$0xFFFFFF10];
	v62 =	vadd.s32 v2, v45  }
0x1a2: {  	v60 =	vadd.s32 v26, v35;
	v59 =	vld [tilespmem:s0+$0x90];
	[tilespmem:v63+s30+$0x0] =	vst.idx.msk $0xffff, v33  }
0x1a3: {  	v55 =	vadd.s32 v11, v40;
	v54 =	vadd.s32 v32, v41;
	v41 =	vld [tilespmem:s0+$0xFFFFFFA0];
	[tilespmem:v56+s30+$0x0] =	vst.idx.msk $0xffff, v49  }
0x1a4: {  	v53 =	vadd.s32 v7, v47;
	v63 =	vld [tilespmem:s0+$0xFFFFFF60];
	[tilespmem:v39+s30+$0x0] =	vst.idx.msk $0xffff, v34  }
0x1a5: {  	v56 =	vld [tilespmem:s0+$0xFFFFFFE0];
	[tilespmem:v58+s30+$0x0] =	vst.idx.msk $0xffff, v57;
	v57 =	vadd.s32 v15, v42  }
0x1a6: {  	[tilespmem:v62+s30+$0x0] =	vst.idx.msk $0xffff, v61;
	v34 =	vld [tilespmem:s0+$0xF0]  }
0x1a7: {  	v58 =	vld [tilespmem:s0+$0x20];
	[tilespmem:v60+s30+$0x0] =	vst.idx.msk $0xffff, v59;
	v59 =	vadd.s32 v19, v44  }
0x1a8: {  	v61 =	vadd.s32 v23, v38;
	[tilespmem:v55+s30+$0x0] =	vst.idx.msk $0xffff, v41;
	v60 =	vld [tilespmem:s0+$0x60]  }
0x1a9: {  	[tilespmem:v53+s30+$0x0] =	vst.idx.msk $0xffff, v63;
	v63 =	vadd.s32 v27, v35;
	v62 =	vld [tilespmem:s0+$0xA0]  }
0x1aa: {  	v47 =	vadd.s32 v8, v47;
	v55 =	vld [tilespmem:s0+$0xFFFFFF70];
	[tilespmem:v57+s30+$0x0] =	vst.idx.msk $0xffff, v56  }
0x1ab: {  	v53 =	vld [tilespmem:s0+$0xFFFFFF20];
	[tilespmem:v54+s30+$0x0] =	vst.idx.msk $0xffff, v34;
	v54 =	vadd.s32 v3, v45  }
0x1ac: {  	v40 =	vadd.s32 v12, v40;
	v56 =	vld [tilespmem:s0+$0xFFFFFFB0];
	[tilespmem:v59+s30+$0x0] =	vst.idx.msk $0xffff, v58  }
0x1ad: {  	v42 =	vadd.s32 v16, v42;
	v57 =	vld [tilespmem:s0+$0xFFFFFFF0];
	[tilespmem:v61+s30+$0x0] =	vst.idx.msk $0xffff, v60  }
0x1ae: {  	v59 =	vadd.s32 v20, v44;
	v58 =	vld [tilespmem:s0+$0x30];
	[tilespmem:v63+s30+$0x0] =	vst.idx.msk $0xffff, v62  }
0x1af: {  	v38 =	vadd.s32 v24, v38;
	v60 =	vld [tilespmem:s0+$0x70];
	[tilespmem:v47+s30+$0x0] =	vst.idx.msk $0xffff, v55  }
0x1b0: {  	v35 =	vadd.s32 v28, v35;
	v61 =	vld [tilespmem:s0+$0xB0];
	[tilespmem:v54+s30+$0x0] =	vst.idx.msk $0xffff, v53  }
0x1b1: {  	v63 =	vadd.s32 v4, v45;
	[tilespmem:v40+s30+$0x0] =	vst.idx.msk $0xffff, v56;
	v62 =	vld [tilespmem:s0+$0xFFFFFF30]  }
0x1b2: {  	[tilespmem:v42+s30+$0x0] =	vst.idx.msk $0xffff, v57  }
0x1b3: {  	s7 =	sshll.u32 s24, $0xA;
	s16 =	sshll.u32 s24, $0x7;
	[tilespmem:v59+s30+$0x0] =	vst.idx.msk $0xffff, v58  }
0x1b4: {  	s1 =	sand.u32 $0x3F80, s16;
	[tilespmem:v38+s30+$0x0] =	vst.idx.msk $0xffff, v60;
	s0 =	sand.u32 $0xFFE0000, s7  }
0x1b5: {  	[tilespmem:v35+s30+$0x0] =	vst.idx.msk $0xffff, v61;
	s0 =	sor.u32 s1, s0  }
0x1b6: {  	s1 =	sadd.s32 s2, s0;
	[tilespmem:v63+s30+$0x0] =	vst.idx.msk $0xffff, v62  }
0x1b7: {  	[hbm4b:s1+s3] =	stream.linear.scatter [tilespmem:s30], [sflag:$0x6], $0x80, $0x38;
	[tilespmem:$0x8500] =	vst v63  }
0x1b8: {  	s16 =	simm.s32 $0x6388;
	s24 =	sadd.s32 $0x10, s1  }
0x1b9: {  	[hbm4b:s24+s3] =	stream.linear.scatter [tilespmem:s16], [sflag:$0x6], $0x80, $0x38;
	[tilespmem:$0x8500] =	vst v63  }
0x1ba: {  	s31 =	simm.s32 $0x6410;
	s26 =	sadd.s32 $0x20, s1  }
0x1bb: {  	[hbm4b:s26+s3] =	stream.linear.scatter [tilespmem:s31], [sflag:$0x6], $0x80, $0x38;
	[tilespmem:$0x8500] =	vst v63  }
0x1bc: {  	s16 =	sadd.s32 $0x30, s1;
	s24 =	simm.s32 $0x6498  }
0x1bd: {  	[hbm4b:s16+s3] =	stream.linear.scatter [tilespmem:s24], [sflag:$0x6], $0x80, $0x38;
	[tilespmem:$0x8500] =	vst v63  }
0x1be: {  	s26 =	sadd.s32 $0x40, s1;
	s31 =	simm.s32 $0x6520  }
0x1bf: {  	[hbm4b:s26+s3] =	stream.linear.scatter [tilespmem:s31], [sflag:$0x6], $0x80, $0x38;
	[tilespmem:$0x8500] =	vst v63  }
0x1c0: {  	s16 =	sadd.s32 $0x50, s1;
	s24 =	simm.s32 $0x65A8  }
0x1c1: {  	[hbm4b:s16+s3] =	stream.linear.scatter [tilespmem:s24], [sflag:$0x6], $0x80, $0x38;
	[tilespmem:$0x8500] =	vst v63  }
0x1c2: {  	s26 =	sadd.s32 $0x60, s1;
	s31 =	simm.s32 $0x6630  }
0x1c3: {  	[hbm4b:s26+s3] =	stream.linear.scatter [tilespmem:s31], [sflag:$0x6], $0x80, $0x38;
	[tilespmem:$0x8500] =	vst v63  }
0x1c4: {  	s1 =	sadd.s32 $0x70, s1;
	s16 =	simm.s32 $0x66B8  }
0x1c5: {  	[hbm4b:s1+s3] =	stream.linear.scatter [tilespmem:s16], [sflag:$0x6], $0x80, $0x38;
	[tilespmem:$0x8500] =	vst v63  }
0x1c6: {  	s24 =	simm.s32 $0x6740;
	s1 =	sadd.s32 s0, s8  }
0x1c7: {  	[hbm4b:s1+s3] =	stream.linear.scatter [tilespmem:s24], [sflag:$0x6], $0x80, $0x38;
	[tilespmem:$0x8500] =	vst v63  }
0x1c8: {  	s31 =	simm.s32 $0x67C8;
	s26 =	sadd.s32 $0x10, s1  }
0x1c9: {  	[hbm4b:s26+s3] =	stream.linear.scatter [tilespmem:s31], [sflag:$0x6], $0x80, $0x38;
	[tilespmem:$0x8500] =	vst v63  }
0x1ca: {  	s16 =	sadd.s32 $0x20, s1;
	s24 =	simm.s32 $0x6850  }
0x1cb: {  	[hbm4b:s16+s3] =	stream.linear.scatter [tilespmem:s24], [sflag:$0x6], $0x80, $0x38;
	[tilespmem:$0x8500] =	vst v63  }
0x1cc: {  	s26 =	sadd.s32 $0x30, s1;
	s31 =	simm.s32 $0x68D8  }
0x1cd: {  	[hbm4b:s26+s3] =	stream.linear.scatter [tilespmem:s31], [sflag:$0x6], $0x80, $0x38;
	[tilespmem:$0x8500] =	vst v63  }
0x1ce: {  	s16 =	sadd.s32 $0x40, s1;
	s24 =	simm.s32 $0x6960  }
0x1cf: {  	[hbm4b:s16+s3] =	stream.linear.scatter [tilespmem:s24], [sflag:$0x6], $0x80, $0x38;
	[tilespmem:$0x8500] =	vst v63  }
0x1d0: {  	s26 =	sadd.s32 $0x50, s1;
	s31 =	simm.s32 $0x69E8  }
0x1d1: {  	[hbm4b:s26+s3] =	stream.linear.scatter [tilespmem:s31], [sflag:$0x6], $0x80, $0x38;
	[tilespmem:$0x8500] =	vst v63  }
0x1d2: {  	s16 =	sadd.s32 $0x60, s1;
	s24 =	simm.s32 $0x6A70  }
0x1d3: {  	[hbm4b:s16+s3] =	stream.linear.scatter [tilespmem:s24], [sflag:$0x6], $0x80, $0x38;
	[tilespmem:$0x8500] =	vst v63  }
0x1d4: {  	s1 =	sadd.s32 $0x70, s1;
	s26 =	simm.s32 $0x6AF8  }
0x1d5: {  	[hbm4b:s1+s3] =	stream.linear.scatter [tilespmem:s26], [sflag:$0x6], $0x80, $0x38;
	[tilespmem:$0x8500] =	vst v63  }
0x1d6: {  	s31 =	simm.s32 $0x6B80;
	s1 =	sadd.s32 s0, s9  }
0x1d7: {  	[hbm4b:s1+s3] =	stream.linear.scatter [tilespmem:s31], [sflag:$0x6], $0x80, $0x38;
	[tilespmem:$0x8500] =	vst v63  }
0x1d8: {  	s24 =	simm.s32 $0x6C08;
	s16 =	sadd.s32 $0x10, s1  }
0x1d9: {  	[hbm4b:s16+s3] =	stream.linear.scatter [tilespmem:s24], [sflag:$0x6], $0x80, $0x38;
	[tilespmem:$0x8500] =	vst v63  }
0x1da: {  	s26 =	sadd.s32 $0x20, s1;
	s31 =	simm.s32 $0x6C90  }
0x1db: {  	[hbm4b:s26+s3] =	stream.linear.scatter [tilespmem:s31], [sflag:$0x6], $0x80, $0x38;
	[tilespmem:$0x8500] =	vst v63  }
0x1dc: {  	s16 =	sadd.s32 $0x30, s1;
	s24 =	simm.s32 $0x6D18  }
0x1dd: {  	[hbm4b:s16+s3] =	stream.linear.scatter [tilespmem:s24], [sflag:$0x6], $0x80, $0x38;
	[tilespmem:$0x8500] =	vst v63  }
0x1de: {  	s26 =	sadd.s32 $0x40, s1;
	s31 =	simm.s32 $0x6DA0  }
0x1df: {  	[hbm4b:s26+s3] =	stream.linear.scatter [tilespmem:s31], [sflag:$0x6], $0x80, $0x38;
	[tilespmem:$0x8500] =	vst v63  }
0x1e0: {  	s16 =	sadd.s32 $0x50, s1;
	s24 =	simm.s32 $0x6E28  }
0x1e1: {  	[hbm4b:s16+s3] =	stream.linear.scatter [tilespmem:s24], [sflag:$0x6], $0x80, $0x38;
	[tilespmem:$0x8500] =	vst v63  }
0x1e2: {  	s26 =	sadd.s32 $0x60, s1;
	s31 =	simm.s32 $0x6EB0  }
0x1e3: {  	[hbm4b:s26+s3] =	stream.linear.scatter [tilespmem:s31], [sflag:$0x6], $0x80, $0x38;
	[tilespmem:$0x8500] =	vst v63  }
0x1e4: {  	s1 =	sadd.s32 $0x70, s1;
	s16 =	simm.s32 $0x6F38  }
0x1e5: {  	[hbm4b:s1+s3] =	stream.linear.scatter [tilespmem:s16], [sflag:$0x6], $0x80, $0x38;
	[tilespmem:$0x8500] =	vst v63  }
0x1e6: {  	s24 =	simm.s32 $0x6FC0;
	s1 =	sadd.s32 s0, s10  }
0x1e7: {  	[hbm4b:s1+s3] =	stream.linear.scatter [tilespmem:s24], [sflag:$0x6], $0x80, $0x38;
	[tilespmem:$0x8500] =	vst v63  }
0x1e8: {  	s31 =	simm.s32 $0x7048;
	s26 =	sadd.s32 $0x10, s1  }
0x1e9: {  	[hbm4b:s26+s3] =	stream.linear.scatter [tilespmem:s31], [sflag:$0x6], $0x80, $0x38;
	[tilespmem:$0x8500] =	vst v63  }
0x1ea: {  	s16 =	sadd.s32 $0x20, s1;
	s24 =	simm.s32 $0x70D0  }
0x1eb: {  	[hbm4b:s16+s3] =	stream.linear.scatter [tilespmem:s24], [sflag:$0x6], $0x80, $0x38;
	[tilespmem:$0x8500] =	vst v63  }
0x1ec: {  	s26 =	sadd.s32 $0x30, s1;
	s31 =	simm.s32 $0x7158  }
0x1ed: {  	[hbm4b:s26+s3] =	stream.linear.scatter [tilespmem:s31], [sflag:$0x6], $0x80, $0x38;
	[tilespmem:$0x8500] =	vst v63  }
0x1ee: {  	s16 =	sadd.s32 $0x40, s1;
	s24 =	simm.s32 $0x71E0  }
0x1ef: {  	[hbm4b:s16+s3] =	stream.linear.scatter [tilespmem:s24], [sflag:$0x6], $0x80, $0x38;
	[tilespmem:$0x8500] =	vst v63  }
0x1f0: {  	s26 =	sadd.s32 $0x50, s1;
	s31 =	simm.s32 $0x7268  }
0x1f1: {  	[hbm4b:s26+s3] =	stream.linear.scatter [tilespmem:s31], [sflag:$0x6], $0x80, $0x38;
	[tilespmem:$0x8500] =	vst v63  }
0x1f2: {  	s16 =	sadd.s32 $0x60, s1;
	s24 =	simm.s32 $0x72F0  }
0x1f3: {  	[hbm4b:s16+s3] =	stream.linear.scatter [tilespmem:s24], [sflag:$0x6], $0x80, $0x38;
	[tilespmem:$0x8500] =	vst v63  }
0x1f4: {  	s1 =	sadd.s32 $0x70, s1;
	s26 =	simm.s32 $0x7378  }
0x1f5: {  	[hbm4b:s1+s3] =	stream.linear.scatter [tilespmem:s26], [sflag:$0x6], $0x80, $0x38;
	[tilespmem:$0x8500] =	vst v63  }
0x1f6: {  	s31 =	simm.s32 $0x7400;
	s1 =	sadd.s32 s0, s11  }
0x1f7: {  	[hbm4b:s1+s3] =	stream.linear.scatter [tilespmem:s31], [sflag:$0x6], $0x80, $0x38;
	[tilespmem:$0x8500] =	vst v63  }
0x1f8: {  	s24 =	simm.s32 $0x7488;
	s16 =	sadd.s32 $0x10, s1  }
0x1f9: {  	[hbm4b:s16+s3] =	stream.linear.scatter [tilespmem:s24], [sflag:$0x6], $0x80, $0x38;
	[tilespmem:$0x8500] =	vst v63  }
0x1fa: {  	s26 =	sadd.s32 $0x20, s1;
	s31 =	simm.s32 $0x7510  }
0x1fb: {  	[hbm4b:s26+s3] =	stream.linear.scatter [tilespmem:s31], [sflag:$0x6], $0x80, $0x38;
	[tilespmem:$0x8500] =	vst v63  }
0x1fc: {  	s16 =	sadd.s32 $0x30, s1;
	s24 =	simm.s32 $0x7598  }
0x1fd: {  	[hbm4b:s16+s3] =	stream.linear.scatter [tilespmem:s24], [sflag:$0x6], $0x80, $0x38;
	[tilespmem:$0x8500] =	vst v63  }
0x1fe: {  	s26 =	sadd.s32 $0x40, s1;
	s31 =	simm.s32 $0x7620  }
0x1ff: {  	[hbm4b:s26+s3] =	stream.linear.scatter [tilespmem:s31], [sflag:$0x6], $0x80, $0x38;
	[tilespmem:$0x8500] =	vst v63  }
0x200: {  	s16 =	sadd.s32 $0x50, s1;
	s24 =	simm.s32 $0x76A8  }
0x201: {  	[hbm4b:s16+s3] =	stream.linear.scatter [tilespmem:s24], [sflag:$0x6], $0x80, $0x38;
	[tilespmem:$0x8500] =	vst v63  }
0x202: {  	s26 =	sadd.s32 $0x60, s1;
	s31 =	simm.s32 $0x7730  }
0x203: {  	[hbm4b:s26+s3] =	stream.linear.scatter [tilespmem:s31], [sflag:$0x6], $0x80, $0x38;
	[tilespmem:$0x8500] =	vst v63  }
0x204: {  	s1 =	sadd.s32 $0x70, s1;
	s16 =	simm.s32 $0x77B8  }
0x205: {  	[hbm4b:s1+s3] =	stream.linear.scatter [tilespmem:s16], [sflag:$0x6], $0x80, $0x38;
	[tilespmem:$0x8500] =	vst v63  }
0x206: {  	s24 =	simm.s32 $0x7840;
	s1 =	sadd.s32 s0, s12  }
0x207: {  	[hbm4b:s1+s3] =	stream.linear.scatter [tilespmem:s24], [sflag:$0x6], $0x80, $0x38;
	[tilespmem:$0x8500] =	vst v63  }
0x208: {  	s31 =	simm.s32 $0x78C8;
	s26 =	sadd.s32 $0x10, s1  }
0x209: {  	[hbm4b:s26+s3] =	stream.linear.scatter [tilespmem:s31], [sflag:$0x6], $0x80, $0x38;
	[tilespmem:$0x8500] =	vst v63  }
0x20a: {  	s16 =	sadd.s32 $0x20, s1;
	s24 =	simm.s32 $0x7950  }
0x20b: {  	[hbm4b:s16+s3] =	stream.linear.scatter [tilespmem:s24], [sflag:$0x6], $0x80, $0x38;
	[tilespmem:$0x8500] =	vst v63  }
0x20c: {  	s26 =	sadd.s32 $0x30, s1;
	s31 =	simm.s32 $0x79D8  }
0x20d: {  	[hbm4b:s26+s3] =	stream.linear.scatter [tilespmem:s31], [sflag:$0x6], $0x80, $0x38;
	[tilespmem:$0x8500] =	vst v63  }
0x20e: {  	s16 =	sadd.s32 $0x40, s1;
	s24 =	simm.s32 $0x7A60  }
0x20f: {  	[hbm4b:s16+s3] =	stream.linear.scatter [tilespmem:s24], [sflag:$0x6], $0x80, $0x38;
	[tilespmem:$0x8500] =	vst v63  }
0x210: {  	s26 =	sadd.s32 $0x50, s1;
	s31 =	simm.s32 $0x7AE8  }
0x211: {  	[hbm4b:s26+s3] =	stream.linear.scatter [tilespmem:s31], [sflag:$0x6], $0x80, $0x38;
	[tilespmem:$0x8500] =	vst v63  }
0x212: {  	s16 =	sadd.s32 $0x60, s1;
	s24 =	simm.s32 $0x7B70  }
0x213: {  	[hbm4b:s16+s3] =	stream.linear.scatter [tilespmem:s24], [sflag:$0x6], $0x80, $0x38;
	[tilespmem:$0x8500] =	vst v63  }
0x214: {  	s1 =	sadd.s32 $0x70, s1;
	s26 =	simm.s32 $0x7BF8  }
0x215: {  	[hbm4b:s1+s3] =	stream.linear.scatter [tilespmem:s26], [sflag:$0x6], $0x80, $0x38;
	[tilespmem:$0x8500] =	vst v63  }
0x216: {  	s31 =	simm.s32 $0x7C80;
	s1 =	sadd.s32 s0, s13  }
0x217: {  	[hbm4b:s1+s3] =	stream.linear.scatter [tilespmem:s31], [sflag:$0x6], $0x80, $0x38;
	[tilespmem:$0x8500] =	vst v63  }
0x218: {  	s24 =	simm.s32 $0x7D08;
	s16 =	sadd.s32 $0x10, s1  }
0x219: {  	[hbm4b:s16+s3] =	stream.linear.scatter [tilespmem:s24], [sflag:$0x6], $0x80, $0x38;
	[tilespmem:$0x8500] =	vst v63  }
0x21a: {  	s26 =	sadd.s32 $0x20, s1;
	s31 =	simm.s32 $0x7D90  }
0x21b: {  	[hbm4b:s26+s3] =	stream.linear.scatter [tilespmem:s31], [sflag:$0x6], $0x80, $0x38;
	[tilespmem:$0x8500] =	vst v63  }
0x21c: {  	s16 =	sadd.s32 $0x30, s1;
	s24 =	simm.s32 $0x7E18  }
0x21d: {  	[hbm4b:s16+s3] =	stream.linear.scatter [tilespmem:s24], [sflag:$0x6], $0x80, $0x38;
	[tilespmem:$0x8500] =	vst v63  }
0x21e: {  	s26 =	sadd.s32 $0x40, s1;
	s31 =	simm.s32 $0x7EA0  }
0x21f: {  	[hbm4b:s26+s3] =	stream.linear.scatter [tilespmem:s31], [sflag:$0x6], $0x80, $0x38;
	[tilespmem:$0x8500] =	vst v63  }
0x220: {  	s16 =	sadd.s32 $0x50, s1;
	s24 =	simm.s32 $0x7F28  }
0x221: {  	[hbm4b:s16+s3] =	stream.linear.scatter [tilespmem:s24], [sflag:$0x6], $0x80, $0x38;
	[tilespmem:$0x8500] =	vst v63  }
0x222: {  	s26 =	sadd.s32 $0x60, s1;
	s31 =	simm.s32 $0x7FB0  }
0x223: {  	[hbm4b:s26+s3] =	stream.linear.scatter [tilespmem:s31], [sflag:$0x6], $0x80, $0x38;
	[tilespmem:$0x8500] =	vst v63  }
0x224: {  	s1 =	sadd.s32 $0x70, s1;
	s16 =	simm.s32 $0x8038  }
0x225: {  	[hbm4b:s1+s3] =	stream.linear.scatter [tilespmem:s16], [sflag:$0x6], $0x80, $0x38;
	[tilespmem:$0x8500] =	vst v63  }
0x226: {  	s0 =	sadd.s32 s0, s14;
	s24 =	simm.s32 $0x80C0  }
0x227: {  	[hbm4b:s0+s3] =	stream.linear.scatter [tilespmem:s24], [sflag:$0x6], $0x80, $0x38;
	[tilespmem:$0x8500] =	vst v63  }
0x228: {  	s26 =	sadd.s32 $0x10, s0;
	s31 =	simm.s32 $0x8148  }
0x229: {  	[hbm4b:s26+s3] =	stream.linear.scatter [tilespmem:s31], [sflag:$0x6], $0x80, $0x38;
	[tilespmem:$0x8500] =	vst v63  }
0x22a: {  	s16 =	sadd.s32 $0x20, s0;
	s24 =	simm.s32 $0x81D0  }
0x22b: {  	[hbm4b:s16+s3] =	stream.linear.scatter [tilespmem:s24], [sflag:$0x6], $0x80, $0x38;
	[tilespmem:$0x8500] =	vst v63  }
0x22c: {  	s26 =	sadd.s32 $0x30, s0;
	s31 =	simm.s32 $0x8258  }
0x22d: {  	[hbm4b:s26+s3] =	stream.linear.scatter [tilespmem:s31], [sflag:$0x6], $0x80, $0x38;
	[tilespmem:$0x8500] =	vst v63  }
0x22e: {  	s23 =	sadd.s32 $0x1, s23;
	s16 =	sadd.s32 $0x40, s0;
	s24 =	simm.s32 $0x82E0  }
0x22f: {  	[hbm4b:s16+s3] =	stream.linear.scatter [tilespmem:s24], [sflag:$0x6], $0x80, $0x38;
	[tilespmem:$0x8500] =	vst v63  }
0x230: {  	p0 =	sne.s32 s23, $0x64;
	s26 =	sadd.s32 $0x50, s0  }
0x231: {  	[hbm4b:s26+s3] =	stream.linear.scatter [tilespmem:s15], [sflag:$0x6], $0x80, $0x38;
	[tilespmem:$0x8500] =	vst v63  }
.Ltmp5:
0x232: {  	_ = 	snop;
	(pc) =	sbr.rel @p0 .LBB2_2-.Ltmp5, $4  }
0x233: {  	s31 =	sadd.s32 $0x60, s0  }
0x234: {  	[hbm4b:s31+s3] =	stream.linear.scatter [tilespmem:s19], [sflag:$0x6], $0x80, $0x38;
	[tilespmem:$0x8500] =	vst v63  }
0x235: {  	s0 =	sadd.s32 $0x70, s0  }
0x236: {  	[hbm4b:s0+s3] =	stream.linear.scatter [tilespmem:s22], [sflag:$0x6], $0x80, $0x38;
	[tilespmem:$0x8500] =	vst v63  }
0x237: {  	s0 =	simm.s32 $0x5  }
0x238: {  	_ =	swait.ge [sflag:s0], $0x400  }
0x239: {  	[sflag:s0] =	ssyncset.done $0x0  }
0x23a: {  	[sflag:s0] =	ssyncadd.s32 $0xFFFFFC00  }
0x23b: {  	_ =	swait.ge [sflag:s0], $0x400  }
0x23c: {  	[sflag:s0] =	ssyncset.done $0x0  }
0x23d: {  	[sflag:s0] =	ssyncadd.s32 $0xFFFFFC00  }
0x23e: {  	_ =	swait.ge [sflag:s0], $0x400  }
0x23f: {  	[sflag:s0] =	ssyncset.done $0x0  }
0x240: {  	[sflag:s0] =	ssyncadd.s32 $0xFFFFFC00  }
0x241: {  	_ =	swait.ge [sflag:s0], $0x400  }
0x242: {  	[sflag:s0] =	ssyncset.done $0x0  }
0x243: {  	[sflag:s0] =	ssyncadd.s32 $0xFFFFFC00  }
0x244: {  	_ =	swait.ge [sflag:s0], $0x400  }
0x245: {  	[sflag:s0] =	ssyncset.done $0x0  }
0x246: {  	[sflag:s0] =	ssyncadd.s32 $0xFFFFFC00  }
0x247: {  	_ =	swait.ge [sflag:s0], $0x400  }
0x248: {  	[sflag:s0] =	ssyncset.done $0x0  }
0x249: {  	[sflag:s0] =	ssyncadd.s32 $0xFFFFFC00  }
0x24a: {  	_ =	swait.ge [sflag:s0], $0x400  }
0x24b: {  	[sflag:s0] =	ssyncset.done $0x0  }
0x24c: {  	[sflag:s0] =	ssyncadd.s32 $0xFFFFFC00  }
0x24d: {  	_ =	swait.ge [sflag:s0], $0x400  }
0x24e: {  	[sflag:s0] =	ssyncset.done $0x0  }
0x24f: {  	[sflag:s0] =	ssyncadd.s32 $0xFFFFFC00  }
0x250: {  	_ =	swait.ge [sflag:s29], $0x400  }
0x251: {  	[sflag:s29] =	ssyncset.done $0x0  }
0x252: {  	[sflag:s29] =	ssyncadd.s32 $0xFFFFFC00  }
0x253: {  	_ =	swait.ge [sflag:s29], $0x400  }
0x254: {  	[sflag:s29] =	ssyncset.done $0x0  }
0x255: {  	[sflag:s29] =	ssyncadd.s32 $0xFFFFFC00  }
0x256: {  	_ =	swait.ge [sflag:s29], $0x400  }
0x257: {  	[sflag:s29] =	ssyncset.done $0x0  }
0x258: {  	[sflag:s29] =	ssyncadd.s32 $0xFFFFFC00  }
0x259: {  	_ =	swait.ge [sflag:s29], $0x400  }
0x25a: {  	[sflag:s29] =	ssyncset.done $0x0  }
0x25b: {  	[sflag:s29] =	ssyncadd.s32 $0xFFFFFC00  }
0x25c: {  	_ =	swait.ge [sflag:s29], $0x400  }
0x25d: {  	[sflag:s29] =	ssyncset.done $0x0  }
0x25e: {  	[sflag:s29] =	ssyncadd.s32 $0xFFFFFC00  }
0x25f: {  	_ =	swait.ge [sflag:s29], $0x400  }
0x260: {  	[sflag:s29] =	ssyncset.done $0x0  }
0x261: {  	[sflag:s29] =	ssyncadd.s32 $0xFFFFFC00  }
0x262: {  	_ =	swait.ge [sflag:s29], $0x400  }
0x263: {  	[sflag:s29] =	ssyncset.done $0x0  }
0x264: {  	[sflag:s29] =	ssyncadd.s32 $0xFFFFFC00  }
0x265: {  	_ =	swait.ge [sflag:s29], $0x400  }
0x266: {  	s1 =	rddreg [dreg:$0x6]  }
0x267: {  	s31 =	rddreg [dreg:$0x5];
	s1 =	sadd.s32 $0x1, s1  }
0x268: {  	p0 =	sne.s32 s1, s31  }
.Ltmp6:
0x269: {  	_ = 	snop;
	(pc) =	sbr.rel @p0 .LBB2_1-.Ltmp6, $3  }
0x26a: {  	_ =	sdelay $0x1  }
0x26b: {  	[sflag:s29] =	ssyncset.done $0x0  }
0x26c: {  	[sflag:s29] =	ssyncadd.s32 $0xFFFFFC00  }
0x26d: {  	_ =	sfence.sel $0x180000  }
0x26e: {  	[bflag:$0x0] =	sbarrier.arrive $0xFFFF  }
0x26f: {  	_ =	strace $0x9000004A  }
0x270: {  	s0 =	stileid.u32;
	[bflag:$0x2] =	sbarrier.arrive $0xFFFF  }
0x271: {  	p0 =	sne.s32 s0, $0x0;
	s0 =	rddreg [dreg:$0x2]  }
0x272: {  	s0 =	sadd.s32 @!p0 $0x100000, s0  }
0x273: {  	[sflag:s0] =	ssyncadd.tile.s32 @!p0 $0x1;
	_ =	shalt  }
.Lfunc_end2:
_tile_overlayer_lowered:
.L_overlay_start_2:
0x274: {  	(tag) =	ssettag $0x2  }
0x275: {  	s0 =	rddreg [dreg:$0x0];
	s2 =	stileid.u32  }
0x276: {  	s1 =	rddreg [dreg:$0x1];
	p0 =	sne.s32 s2, $0x0  }
0x277: {  	s3 =	rddreg [dreg:$0x2];
	[bflag:$0x3] =	sbarrier.arrive $0xFFFF;
	s2 =	simm.s32 @!p0 $0x1C07  }
0x278: {  	[timem:s3], [sflag:s2] =	dma.local @!p0 [hbm:s0], s1  }
0x279: {  	s0 =	simm.s32 @!p0 $0x7  }
0x27a: {  	_ =	swait.ge @!p0 [sflag:s0], s1  }
0x27b: {  	s1 =	ssub.s32 @!p0 $0x0, s1;
	[sflag:s0] =	ssyncset.done @!p0 $0x0  }
0x27c: {  	[sflag:s0] =	ssyncadd.s32 @!p0 s1  }
0x27d: {  	[bflag:$0x3] =	sbarrier.arrive $0xFFFF  }
0x27e: {  	_ =	shalt  }

</sc_bundles>
